<compile_context>
chip_gen: v7x
topology: tpu7x:2x2x1
jax: 0.10.2.dev20260603
libtpu: 0.0.44.dev20260713+nightly
codegen_flags: <defaults>
</compile_context>

<pallas_src>
import functools

import jax
import jax.numpy as jnp
from jax import lax
from jax.experimental import pallas as pl
from jax.experimental.pallas import tpu as pltpu
from jax.experimental.pallas import tpu_sc as plsc

CHUNK = 2000
NUM_CORES = 2
NUM_SUBCORES = 16
NUM_TILES = NUM_CORES * NUM_SUBCORES


def _mesh():
  return plsc.VectorSubcoreMesh(core_axis_name="c", subcore_axis_name="s")


def _fill(ref, size, value):
  vec = jnp.full((16,), value, jnp.float32)

  @pl.loop(0, size // 16)
  def _(i):
    ref[pl.ds(i * 16, 16)] = vec


def _zero_my_slice(zeros_v, table, s, zch):
  pltpu.sync_copy(zeros_v, table.at[pl.ds(s * zch, zch)])


def _zero_slice_via(buf, table, s, zch):
  off = 0
  while off < zch:
    ln = min(CHUNK, zch - off)
    pltpu.sync_copy(buf.at[pl.ds(0, ln)], table.at[pl.ds(s * zch + off, ln)])
    off += ln


def _make_deg_kernel(e_pad, n_pad):
  per_tile = e_pad // NUM_TILES
  pairs = per_tile // CHUNK // 2
  zch = n_pad // NUM_SUBCORES

  @functools.partial(
      pl.kernel,
      mesh=_mesh(),
      compiler_params=pltpu.CompilerParams(needs_layout_passes=False),
      out_type=jax.ShapeDtypeStruct((NUM_CORES, n_pad), jnp.float32),
      scratch_types=[
          pltpu.VMEM((CHUNK,), jnp.int32),
          pltpu.VMEM((CHUNK,), jnp.int32),
          pltpu.VMEM((CHUNK,), jnp.float32),
          pltpu.VMEM((zch,), jnp.float32),
          pltpu.VMEM_SHARED((n_pad,), jnp.float32),
          pltpu.SemaphoreType.DMA,
          pltpu.SemaphoreType.DMA,
      ],
  )
  def deg_kernel(dst_hbm, out_hbm, dst0, dst1, ones_v, zeros_v, table,
                 sem0, sem1):
    c = lax.axis_index("c")
    s = lax.axis_index("s")
    _fill(zeros_v, zch, 0.0)
    _fill(ones_v, CHUNK, 1.0)
    _zero_my_slice(zeros_v, table, s, zch)
    plsc.subcore_barrier()

    base0 = (c * NUM_SUBCORES + s) * per_tile

    @pl.loop(0, pairs)
    def _(k):
      @pl.when(k > 0)
      def _():
        pltpu.make_async_copy(ones_v, table.at[dst0], sem0).wait()

      pltpu.sync_copy(dst_hbm.at[pl.ds(base0 + 2 * k * CHUNK, CHUNK)], dst0)
      pltpu.async_copy(ones_v, table.at[dst0], sem0, add=True)

      @pl.when(k > 0)
      def _():
        pltpu.make_async_copy(ones_v, table.at[dst1], sem1).wait()

      pltpu.sync_copy(
          dst_hbm.at[pl.ds(base0 + (2 * k + 1) * CHUNK, CHUNK)], dst1)
      pltpu.async_copy(ones_v, table.at[dst1], sem1, add=True)

    pltpu.make_async_copy(ones_v, table.at[dst0], sem0).wait()
    pltpu.make_async_copy(ones_v, table.at[dst1], sem1).wait()
    plsc.subcore_barrier()

    @pl.when(s == 0)
    def _():
      pltpu.sync_copy(table, out_hbm.at[c])

  return deg_kernel


def _agg_pipeline(src_hbm, dst_hbm, tab_v, table, base0, nchunks,
                  srcs, dsts, vals, lsems, ssems):
  assert nchunks % 4 == 0 and nchunks >= 4, nchunks
  quads = nchunks // 4

  def gather(src_v, vals_v):
    assert CHUNK % 80 == 0
    @pl.loop(0, CHUNK // 80)
    def _(j):
      b = j * 80
      idx = [src_v[pl.ds(b + 16 * u, 16)] for u in range(5)]
      got = [plsc.load_gather(tab_v, [i]) for i in idx]
      for u in range(5):
        vals_v[pl.ds(b + 16 * u, 16)] = got[u]

  def fire_loads(chunk, j):
    base = base0 + chunk * CHUNK
    pltpu.async_copy(src_hbm.at[pl.ds(base, CHUNK)], srcs[j], lsems[j])
    pltpu.async_copy(dst_hbm.at[pl.ds(base, CHUNK)], dsts[j], lsems[j])

  def wait_loads(j):
    pltpu.make_async_copy(src_hbm.at[pl.ds(0, CHUNK)], srcs[j],
                          lsems[j]).wait()
    pltpu.make_async_copy(dst_hbm.at[pl.ds(0, CHUNK)], dsts[j],
                          lsems[j]).wait()

  def wait_scat(j):
    pltpu.make_async_copy(vals[j], table.at[dsts[j]], ssems[j]).wait()

  fire_loads(0, 0)
  fire_loads(1, 1)

  @pl.loop(0, quads)
  def _(k):
    for j in range(4):
      jp = (j + 2) % 4
      wait_loads(j)
      if j < 2:
        @pl.when(k > 0)
        def _():
          wait_scat(jp)

        fire_loads(4 * k + j + 2, jp)
      else:
        wait_scat(jp)

        @pl.when(k < quads - 1)
        def _():
          fire_loads(4 * k + j + 2, jp)

      gather(srcs[j], vals[j])
      pltpu.async_copy(vals[j], table.at[dsts[j]], ssems[j], add=True)

  wait_scat(2)
  wait_scat(3)


def _make_agg1_kernel(e_pad, n_pad, tab_n):
  per_tile = e_pad // NUM_TILES
  nchunks = per_tile // CHUNK
  zch = tab_n // NUM_SUBCORES

  @functools.partial(
      pl.kernel,
      mesh=_mesh(),
      compiler_params=pltpu.CompilerParams(needs_layout_passes=False),
      out_type=jax.ShapeDtypeStruct((NUM_CORES, n_pad), jnp.float32),
      scratch_types=[
          [pltpu.VMEM((CHUNK,), jnp.int32)] * 4,
          [pltpu.VMEM((CHUNK,), jnp.int32)] * 4,
          [pltpu.VMEM((CHUNK,), jnp.float32)] * 4,
          pltpu.VMEM((tab_n,), jnp.float32),
          pltpu.VMEM_SHARED((tab_n,), jnp.float32),
          [pltpu.SemaphoreType.DMA] * 4,
          [pltpu.SemaphoreType.DMA] * 4,
      ],
  )
  def agg1_kernel(src_hbm, dst_hbm, a_hbm, out_hbm,
                  srcs, dsts, vals, a_v, table, lsems, ssems):
    c = lax.axis_index("c")
    s = lax.axis_index("s")

    pltpu.sync_copy(a_hbm.at[pl.ds(0, tab_n)], a_v)
    _fill(vals[0], CHUNK, 0.0)
    _zero_slice_via(vals[0], table, s, zch)
    plsc.subcore_barrier()

    base0 = (c * NUM_SUBCORES + s) * per_tile
    _agg_pipeline(src_hbm, dst_hbm, a_v, table, base0, nchunks,
                  srcs, dsts, vals, lsems, ssems)
    plsc.subcore_barrier()

    @pl.when(s == 0)
    def _():
      pltpu.sync_copy(table, out_hbm.at[c, pl.ds(0, tab_n)])

  return agg1_kernel


def _make_agg2_kernel(e_pad, n_pad, tab_n):
  per_tile = e_pad // NUM_TILES
  nchunks = per_tile // CHUNK
  zch = tab_n // NUM_SUBCORES

  @functools.partial(
      pl.kernel,
      mesh=_mesh(),
      compiler_params=pltpu.CompilerParams(needs_layout_passes=False),
      out_type=jax.ShapeDtypeStruct((NUM_CORES, 2, n_pad), jnp.float32),
      scratch_types=[
          [pltpu.VMEM((CHUNK,), jnp.int32)] * 4,
          [pltpu.VMEM((CHUNK,), jnp.int32)] * 4,
          [pltpu.VMEM((CHUNK,), jnp.float32)] * 4,
          pltpu.VMEM((tab_n,), jnp.float32),
          pltpu.VMEM_SHARED((tab_n,), jnp.float32),
          [pltpu.SemaphoreType.DMA] * 4,
          [pltpu.SemaphoreType.DMA] * 4,
      ],
  )
  def agg2_kernel(src_hbm, dst_hbm, g0_hbm, g1_hbm, out_hbm,
                  srcs, dsts, vals, g_v, table, lsems, ssems):
    c = lax.axis_index("c")
    s = lax.axis_index("s")

    base0 = (c * NUM_SUBCORES + s) * per_tile

    for f, g_hbm in enumerate((g0_hbm, g1_hbm)):
      pltpu.sync_copy(g_hbm.at[pl.ds(0, tab_n)], g_v)
      _fill(vals[0], CHUNK, 0.0)
      _zero_slice_via(vals[0], table, s, zch)
      plsc.subcore_barrier()

      _agg_pipeline(src_hbm, dst_hbm, g_v, table, base0, nchunks,
                    srcs, dsts, vals, lsems, ssems)
      plsc.subcore_barrier()

      @pl.when(s == 0)
      def _():
        pltpu.sync_copy(table, out_hbm.at[c, f, pl.ds(0, tab_n)])

      plsc.subcore_barrier()

  return agg2_kernel


def _tc1_body(degp_ref, x_ref, dinv_ref, a_ref):
  deg = degp_ref[0] + degp_ref[1] + 1.0
  dinv = lax.rsqrt(deg)
  dinv_ref[...] = dinv
  a_ref[...] = dinv * x_ref[...]


def _tc2_body(t1p_ref, a_ref, dinv_ref, w1_ref, b1_ref, w2_ref, b2_ref,
              g0_ref, g1_ref):
  del b2_ref
  dinv = dinv_ref[...]
  t1 = t1p_ref[0] + t1p_ref[1] + a_ref[...]
  sval = dinv * t1
  p0 = jnp.zeros_like(sval)
  p1 = jnp.zeros_like(sval)
  for j in range(32):
    hj = jnp.maximum(sval * w1_ref[0, j] + b1_ref[0, j], 0.0)
    p0 = p0 + hj * w2_ref[j, 0]
    p1 = p1 + hj * w2_ref[j, 1]
  g0_ref[...] = dinv * p0
  g1_ref[...] = dinv * p1


def _tc3_body(t2p_ref, g0_ref, g1_ref, dinv_ref, b2_ref, o0_ref, o1_ref):
  dinv = dinv_ref[...]
  z0 = dinv * (t2p_ref[0, 0] + t2p_ref[1, 0] + g0_ref[...]) + b2_ref[0, 0]
  z1 = dinv * (t2p_ref[0, 1] + t2p_ref[1, 1] + g1_ref[...]) + b2_ref[0, 1]
  m = jnp.maximum(z0, z1)
  lse = m + jnp.log(jnp.exp(z0 - m) + jnp.exp(z1 - m))
  o0_ref[...] = z0 - lse
  o1_ref[...] = z1 - lse


def kernel(x, edge_index, W1, b1, W2, b2):
  n = x.shape[0]
  e = edge_index.shape[1]

  n_pad = ((n + 1023) // 1024) * 1024
  tab_n = ((n + 127) // 128) * 128
  rows = n_pad // 128
  e_unit = NUM_TILES * CHUNK * 4
  e_pad = ((e + e_unit - 1) // e_unit) * e_unit

  src = edge_index[0]
  dst = edge_index[1]
  if e_pad != e:
    src = jnp.concatenate([src, jnp.full((e_pad - e,), n, jnp.int32)])
    dst = jnp.concatenate([dst, jnp.full((e_pad - e,), n, jnp.int32)])

  x_flat = jnp.pad(x[:, 0], (0, n_pad - n))

  deg_p = _make_deg_kernel(e_pad, n_pad)(dst)

  degp_r = deg_p.reshape(NUM_CORES, rows, 128)
  x_r = x_flat.reshape(rows, 128)
  dinv_r, a_r = pl.pallas_call(
      _tc1_body,
      out_shape=[
          jax.ShapeDtypeStruct((rows, 128), jnp.float32),
          jax.ShapeDtypeStruct((rows, 128), jnp.float32),
      ],
  )(degp_r, x_r)

  t1_p = _make_agg1_kernel(e_pad, n_pad, tab_n)(src, dst, a_r.reshape(n_pad))

  t1p_r = t1_p.reshape(NUM_CORES, rows, 128)
  g0_r, g1_r = pl.pallas_call(
      _tc2_body,
      out_shape=[
          jax.ShapeDtypeStruct((rows, 128), jnp.float32),
          jax.ShapeDtypeStruct((rows, 128), jnp.float32),
      ],
  )(t1p_r, a_r, dinv_r, W1.reshape(1, 32), b1.reshape(1, 32),
    W2.reshape(32, 2), b2.reshape(1, 2))

  t2_p = _make_agg2_kernel(e_pad, n_pad, tab_n)(
      src, dst, g0_r.reshape(n_pad), g1_r.reshape(n_pad))

  t2p_r = t2_p.reshape(NUM_CORES, 2, rows, 128)
  o0_r, o1_r = pl.pallas_call(
      _tc3_body,
      out_shape=[
          jax.ShapeDtypeStruct((rows, 128), jnp.float32),
          jax.ShapeDtypeStruct((rows, 128), jnp.float32),
      ],
  )(t2p_r, g0_r, g1_r, dinv_r, b2.reshape(1, 2))

  return jnp.stack([o0_r.reshape(n_pad)[:n], o1_r.reshape(n_pad)[:n]], axis=1)

# --- scband reference (transcript-rebuilt; emitter-appended) ---
"""Pipeline reference for scband-gcn1-31507880083906 (READ-ONLY COPY).

The authoritative reference and input builder live on the scoring server;
editing this copy changes nothing except your own understanding.
"""

import jax, jax.numpy as jnp
import numpy as np

N = 100000
E = 6400000


def _glorot(key, shape):
    fan_in, fan_out = shape[0], shape[1]
    limit = jnp.sqrt(6.0 / (fan_in + fan_out))
    return jax.random.uniform(key, shape, dtype=jnp.float32, minval=-limit, maxval=limit)


def setup_inputs(seed: int = 0) -> dict:
    key = jax.random.key(seed)
    k1, k2, k3, k4 = jax.random.split(key, 4)
    x = jax.random.normal(k1, (N, 1), dtype=jnp.float32)
    edge_index = jax.random.randint(k2, (2, E), 0, N, dtype=jnp.int32)
    W1 = _glorot(k3, (1, 32))
    b1 = jnp.zeros((32,), dtype=jnp.float32)
    W2 = _glorot(k4, (32, 2))
    b2 = jnp.zeros((2,), dtype=jnp.float32)
    return {"x": x, "edge_index": edge_index, "W1": W1, "b1": b1, "W2": W2, "b2": b2}


def _gcn_conv(x, src, dst, W, b, n_nodes):
    # linear transform
    h = x @ W
    # symmetric normalization (self-loops already appended to src/dst)
    deg = jnp.zeros((n_nodes,), dtype=h.dtype).at[dst].add(1.0)
    deg_inv_sqrt = jnp.where(deg > 0, 1.0 / jnp.sqrt(deg), 0.0)
    norm = deg_inv_sqrt[src] * deg_inv_sqrt[dst]
    # gather messages from src, scale, scatter-add to dst
    msg = h[src] * norm[:, None]
    out = jnp.zeros((n_nodes, h.shape[1]), dtype=h.dtype).at[dst].add(msg)
    return out + b


def reference(x, edge_index, W1, b1, W2, b2):
    n_nodes = x.shape[0]
    loop = jnp.arange(n_nodes, dtype=edge_index.dtype)
    src = jnp.concatenate([edge_index[0], loop])
    dst = jnp.concatenate([edge_index[1], loop])
    h = _gcn_conv(x, src, dst, W1, b1, n_nodes)
    h = jax.nn.relu(h)
    # F.dropout(training=self.training): module evaluated in eval mode -> identity
    h = _gcn_conv(h, src, dst, W2, b2, n_nodes)
    return jax.nn.log_softmax(h, axis=1)

if __name__ == "__main__":
    import jax
    _d = setup_inputs()
    print(jax.jit(kernel)(*tuple(_d.values())))

</pallas_src>

<mosaic_0001>
#map = affine_map<(d0, d1) -> (0)>
#map1 = affine_map<(d0, d1) -> (0, 0)>
module attributes {stable_mosaic.version = 14 : i64} {
  func.func @agg1_kernel(%arg0: i32, %arg1: i32, %arg2: memref<6400000xi32, #tpu.memory_space<hbm>>, %arg3: memref<6400000xi32, #tpu.memory_space<hbm>>, %arg4: memref<100352xf32, #tpu.memory_space<hbm>>, %arg5: memref<2x100352xf32, #tpu.memory_space<hbm>>, %arg6: memref<2000xi32, #tpu.memory_space<vmem>>, %arg7: memref<2000xi32, #tpu.memory_space<vmem>>, %arg8: memref<2000xi32, #tpu.memory_space<vmem>>, %arg9: memref<2000xi32, #tpu.memory_space<vmem>>, %arg10: memref<2000xi32, #tpu.memory_space<vmem>>, %arg11: memref<2000xi32, #tpu.memory_space<vmem>>, %arg12: memref<2000xi32, #tpu.memory_space<vmem>>, %arg13: memref<2000xi32, #tpu.memory_space<vmem>>, %arg14: memref<2000xf32, #tpu.memory_space<vmem>>, %arg15: memref<2000xf32, #tpu.memory_space<vmem>>, %arg16: memref<2000xf32, #tpu.memory_space<vmem>>, %arg17: memref<2000xf32, #tpu.memory_space<vmem>>, %arg18: memref<100096xf32, #tpu.memory_space<vmem>>, %arg19: memref<100096xf32, #tpu.memory_space<vmem_shared>>, %arg20: memref<!tpu.dma_semaphore, #tpu.memory_space<semaphore_mem>>, %arg21: memref<!tpu.dma_semaphore, #tpu.memory_space<semaphore_mem>>, %arg22: memref<!tpu.dma_semaphore, #tpu.memory_space<semaphore_mem>>, %arg23: memref<!tpu.dma_semaphore, #tpu.memory_space<semaphore_mem>>, %arg24: memref<!tpu.dma_semaphore, #tpu.memory_space<semaphore_mem>>, %arg25: memref<!tpu.dma_semaphore, #tpu.memory_space<semaphore_mem>>, %arg26: memref<!tpu.dma_semaphore, #tpu.memory_space<semaphore_mem>>, %arg27: memref<!tpu.dma_semaphore, #tpu.memory_space<semaphore_mem>>) attributes {dimension_semantics = [#tpu.dimension_semantics<core_parallel>, #tpu.dimension_semantics<subcore_parallel>], iteration_bounds = array<i64: 2, 16>, scalar_prefetch = 0 : i64, scratch_operands = 22 : i64, tpu.core_type = #tpu.core_type<sc_vector_subcore>, window_params = [{transform_indices = #map}, {transform_indices = #map}, {transform_indices = #map}, {transform_indices = #map1}]} {
    "tpu.region"() ({
      %run_scoped3A = tpu.sem_alloc : memref<!tpu.dma_semaphore, #tpu.memory_space<semaphore_mem>>
      %dma_start3A_46 = arith.constant 0 : i32
      %dma_start3A_47 = tpu.memref_slice %arg4[%dma_start3A_46] : memref<100352xf32, #tpu.memory_space<hbm>> -> memref<100096xf32, #tpu.memory_space<hbm>>
      %dma_start3A_48 = arith.constant 0 : i32
      %dma_start3A_49 = tpu.memref_slice %arg4[%dma_start3A_48] : memref<100352xf32, #tpu.memory_space<hbm>> -> memref<100096xf32, #tpu.memory_space<hbm>>
      tpu.enqueue_dma source(%dma_start3A_49 : memref<100096xf32, #tpu.memory_space<hbm>>) target(%arg18 : memref<100096xf32, #tpu.memory_space<vmem>>) target_semaphore(%run_scoped3A : memref<!tpu.dma_semaphore, #tpu.memory_space<semaphore_mem>>)
      %dma_wait3A_50 = arith.constant 0 : i32
      %dma_wait3A_51 = tpu.memref_slice %arg4[%dma_wait3A_50] : memref<100352xf32, #tpu.memory_space<hbm>> -> memref<100096xf32, #tpu.memory_space<hbm>>
      %dma_wait3A_52 = arith.constant 0 : i32
      %dma_wait3A_53 = tpu.memref_slice %arg4[%dma_wait3A_52] : memref<100352xf32, #tpu.memory_space<hbm>> -> memref<100096xf32, #tpu.memory_space<hbm>>
      tpu.wait_dma2 semaphore(%run_scoped3A : memref<!tpu.dma_semaphore, #tpu.memory_space<semaphore_mem>>) src(%dma_wait3A_53 : memref<100096xf32, #tpu.memory_space<hbm>>) dst(%arg18 : memref<100096xf32, #tpu.memory_space<vmem>>)
      tpu.yield
    }) : () -> ()
    %broadcast_in_dim3A = arith.constant 0.000000e+00 : f32
    %broadcast_in_dim3A_0 = vector.broadcast %broadcast_in_dim3A : f32 to vector<16xf32>
    %scan3A = arith.constant 0 : i32
    %scan3A_1 = arith.constant 125 : i32
    %scan3A_2 = arith.addi %scan3A, %scan3A_1 : i32
    %scan3A_3 = arith.constant 1 : i32
    scf.for %scan3A_46 = %scan3A to %scan3A_2 step %scan3A_3  : i32 {
      %mul3A_47 = arith.constant 1 : i32
      %mul3A_48 = arith.muli %scan3A_46, %mul3A_47 : i32
      %add3A_49 = arith.constant 0 : i32
      %add3A_50 = arith.addi %add3A_49, %mul3A_48 : i32
      %mul3A_51 = arith.constant 16 : i32
      %mul3A_52 = arith.muli %add3A_50, %mul3A_51 : i32
      %swap3A = arith.index_cast %mul3A_52 : i32 to index
      %swap3A_53 = tpu.vector_load %arg14[%swap3A] {strides = array<i32>} : memref<2000xf32, #tpu.memory_space<vmem>>, vector<16xf32>,
      tpu.vector_store %arg14[%swap3A], %broadcast_in_dim3A_0 {strides = array<i32>} : memref<2000xf32, #tpu.memory_space<vmem>>, vector<16xf32>,
    }
    %scan3A_4 = arith.constant 125 : i32
    %mul3A = arith.constant 6256 : i32
    %mul3A_5 = arith.muli %arg1, %mul3A : i32
    %add3A = arith.constant 0 : i32
    %add3A_6 = arith.addi %mul3A_5, %add3A : i32
    "tpu.region"() ({
      %run_scoped3A = tpu.sem_alloc : memref<!tpu.dma_semaphore, #tpu.memory_space<semaphore_mem>>
      %dma_start3A_46 = arith.constant 0 : i32
      %dma_start3A_47 = tpu.memref_slice %arg14[%dma_start3A_46] : memref<2000xf32, #tpu.memory_space<vmem>> -> memref<2000xf32, #tpu.memory_space<vmem>>
      %dma_start3A_48 = tpu.memref_slice %arg19[%add3A_6] : memref<100096xf32, #tpu.memory_space<vmem_shared>> -> memref<2000xf32, #tpu.memory_space<vmem_shared>>
      %dma_start3A_49 = tpu.memref_slice %arg19[%add3A_6] : memref<100096xf32, #tpu.memory_space<vmem_shared>> -> memref<2000xf32, #tpu.memory_space<vmem_shared>>
      %dma_start3A_50 = arith.constant 0 : i32
      %dma_start3A_51 = tpu.memref_slice %arg14[%dma_start3A_50] : memref<2000xf32, #tpu.memory_space<vmem>> -> memref<2000xf32, #tpu.memory_space<vmem>>
      tpu.enqueue_dma source(%dma_start3A_51 : memref<2000xf32, #tpu.memory_space<vmem>>) target(%dma_start3A_49 : memref<2000xf32, #tpu.memory_space<vmem_shared>>) target_semaphore(%run_scoped3A : memref<!tpu.dma_semaphore, #tpu.memory_space<semaphore_mem>>)
      %dma_wait3A_52 = arith.constant 0 : i32
      %dma_wait3A_53 = tpu.memref_slice %arg14[%dma_wait3A_52] : memref<2000xf32, #tpu.memory_space<vmem>> -> memref<2000xf32, #tpu.memory_space<vmem>>
      %dma_wait3A_54 = tpu.memref_slice %arg19[%add3A_6] : memref<100096xf32, #tpu.memory_space<vmem_shared>> -> memref<2000xf32, #tpu.memory_space<vmem_shared>>
      %dma_wait3A_55 = tpu.memref_slice %arg19[%add3A_6] : memref<100096xf32, #tpu.memory_space<vmem_shared>> -> memref<2000xf32, #tpu.memory_space<vmem_shared>>
      %dma_wait3A_56 = arith.constant 0 : i32
      %dma_wait3A_57 = tpu.memref_slice %arg14[%dma_wait3A_56] : memref<2000xf32, #tpu.memory_space<vmem>> -> memref<2000xf32, #tpu.memory_space<vmem>>
      tpu.wait_dma2 semaphore(%run_scoped3A : memref<!tpu.dma_semaphore, #tpu.memory_space<semaphore_mem>>) src(%dma_wait3A_57 : memref<2000xf32, #tpu.memory_space<vmem>>) dst(%dma_wait3A_55 : memref<2000xf32, #tpu.memory_space<vmem_shared>>)
      tpu.yield
    }) : () -> ()
    %mul3A_7 = arith.constant 6256 : i32
    %mul3A_8 = arith.muli %arg1, %mul3A_7 : i32
    %add3A_9 = arith.constant 2000 : i32
    %add3A_10 = arith.addi %mul3A_8, %add3A_9 : i32
    "tpu.region"() ({
      %run_scoped3A = tpu.sem_alloc : memref<!tpu.dma_semaphore, #tpu.memory_space<semaphore_mem>>
      %dma_start3A_46 = arith.constant 0 : i32
      %dma_start3A_47 = tpu.memref_slice %arg14[%dma_start3A_46] : memref<2000xf32, #tpu.memory_space<vmem>> -> memref<2000xf32, #tpu.memory_space<vmem>>
      %dma_start3A_48 = tpu.memref_slice %arg19[%add3A_10] : memref<100096xf32, #tpu.memory_space<vmem_shared>> -> memref<2000xf32, #tpu.memory_space<vmem_shared>>
      %dma_start3A_49 = tpu.memref_slice %arg19[%add3A_10] : memref<100096xf32, #tpu.memory_space<vmem_shared>> -> memref<2000xf32, #tpu.memory_space<vmem_shared>>
      %dma_start3A_50 = arith.constant 0 : i32
      %dma_start3A_51 = tpu.memref_slice %arg14[%dma_start3A_50] : memref<2000xf32, #tpu.memory_space<vmem>> -> memref<2000xf32, #tpu.memory_space<vmem>>
      tpu.enqueue_dma source(%dma_start3A_51 : memref<2000xf32, #tpu.memory_space<vmem>>) target(%dma_start3A_49 : memref<2000xf32, #tpu.memory_space<vmem_shared>>) target_semaphore(%run_scoped3A : memref<!tpu.dma_semaphore, #tpu.memory_space<semaphore_mem>>)
      %dma_wait3A_52 = arith.constant 0 : i32
      %dma_wait3A_53 = tpu.memref_slice %arg14[%dma_wait3A_52] : memref<2000xf32, #tpu.memory_space<vmem>> -> memref<2000xf32, #tpu.memory_space<vmem>>
      %dma_wait3A_54 = tpu.memref_slice %arg19[%add3A_10] : memref<100096xf32, #tpu.memory_space<vmem_shared>> -> memref<2000xf32, #tpu.memory_space<vmem_shared>>
      %dma_wait3A_55 = tpu.memref_slice %arg19[%add3A_10] : memref<100096xf32, #tpu.memory_space<vmem_shared>> -> memref<2000xf32, #tpu.memory_space<vmem_shared>>
      %dma_wait3A_56 = arith.constant 0 : i32
      %dma_wait3A_57 = tpu.memref_slice %arg14[%dma_wait3A_56] : memref<2000xf32, #tpu.memory_space<vmem>> -> memref<2000xf32, #tpu.memory_space<vmem>>
      tpu.wait_dma2 semaphore(%run_scoped3A : memref<!tpu.dma_semaphore, #tpu.memory_space<semaphore_mem>>) src(%dma_wait3A_57 : memref<2000xf32, #tpu.memory_space<vmem>>) dst(%dma_wait3A_55 : memref<2000xf32, #tpu.memory_space<vmem_shared>>)
      tpu.yield
    }) : () -> ()
    %mul3A_11 = arith.constant 6256 : i32
    %mul3A_12 = arith.muli %arg1, %mul3A_11 : i32
    %add3A_13 = arith.constant 4000 : i32
    %add3A_14 = arith.addi %mul3A_12, %add3A_13 : i32
    "tpu.region"() ({
      %run_scoped3A = tpu.sem_alloc : memref<!tpu.dma_semaphore, #tpu.memory_space<semaphore_mem>>
      %dma_start3A_46 = arith.constant 0 : i32
      %dma_start3A_47 = tpu.memref_slice %arg14[%dma_start3A_46] : memref<2000xf32, #tpu.memory_space<vmem>> -> memref<2000xf32, #tpu.memory_space<vmem>>
      %dma_start3A_48 = tpu.memref_slice %arg19[%add3A_14] : memref<100096xf32, #tpu.memory_space<vmem_shared>> -> memref<2000xf32, #tpu.memory_space<vmem_shared>>
      %dma_start3A_49 = tpu.memref_slice %arg19[%add3A_14] : memref<100096xf32, #tpu.memory_space<vmem_shared>> -> memref<2000xf32, #tpu.memory_space<vmem_shared>>
      %dma_start3A_50 = arith.constant 0 : i32
      %dma_start3A_51 = tpu.memref_slice %arg14[%dma_start3A_50] : memref<2000xf32, #tpu.memory_space<vmem>> -> memref<2000xf32, #tpu.memory_space<vmem>>
      tpu.enqueue_dma source(%dma_start3A_51 : memref<2000xf32, #tpu.memory_space<vmem>>) target(%dma_start3A_49 : memref<2000xf32, #tpu.memory_space<vmem_shared>>) target_semaphore(%run_scoped3A : memref<!tpu.dma_semaphore, #tpu.memory_space<semaphore_mem>>)
      %dma_wait3A_52 = arith.constant 0 : i32
      %dma_wait3A_53 = tpu.memref_slice %arg14[%dma_wait3A_52] : memref<2000xf32, #tpu.memory_space<vmem>> -> memref<2000xf32, #tpu.memory_space<vmem>>
      %dma_wait3A_54 = tpu.memref_slice %arg19[%add3A_14] : memref<100096xf32, #tpu.memory_space<vmem_shared>> -> memref<2000xf32, #tpu.memory_space<vmem_shared>>
      %dma_wait3A_55 = tpu.memref_slice %arg19[%add3A_14] : memref<100096xf32, #tpu.memory_space<vmem_shared>> -> memref<2000xf32, #tpu.memory_space<vmem_shared>>
      %dma_wait3A_56 = arith.constant 0 : i32
      %dma_wait3A_57 = tpu.memref_slice %arg14[%dma_wait3A_56] : memref<2000xf32, #tpu.memory_space<vmem>> -> memref<2000xf32, #tpu.memory_space<vmem>>
      tpu.wait_dma2 semaphore(%run_scoped3A : memref<!tpu.dma_semaphore, #tpu.memory_space<semaphore_mem>>) src(%dma_wait3A_57 : memref<2000xf32, #tpu.memory_space<vmem>>) dst(%dma_wait3A_55 : memref<2000xf32, #tpu.memory_space<vmem_shared>>)
      tpu.yield
    }) : () -> ()
    %mul3A_15 = arith.constant 6256 : i32
    %mul3A_16 = arith.muli %arg1, %mul3A_15 : i32
    %add3A_17 = arith.constant 6000 : i32
    %add3A_18 = arith.addi %mul3A_16, %add3A_17 : i32
    "tpu.region"() ({
      %run_scoped3A = tpu.sem_alloc : memref<!tpu.dma_semaphore, #tpu.memory_space<semaphore_mem>>
      %dma_start3A_46 = arith.constant 0 : i32
      %dma_start3A_47 = tpu.memref_slice %arg14[%dma_start3A_46] : memref<2000xf32, #tpu.memory_space<vmem>> -> memref<256xf32, #tpu.memory_space<vmem>>
      %dma_start3A_48 = tpu.memref_slice %arg19[%add3A_18] : memref<100096xf32, #tpu.memory_space<vmem_shared>> -> memref<256xf32, #tpu.memory_space<vmem_shared>>
      %dma_start3A_49 = tpu.memref_slice %arg19[%add3A_18] : memref<100096xf32, #tpu.memory_space<vmem_shared>> -> memref<256xf32, #tpu.memory_space<vmem_shared>>
      %dma_start3A_50 = arith.constant 0 : i32
      %dma_start3A_51 = tpu.memref_slice %arg14[%dma_start3A_50] : memref<2000xf32, #tpu.memory_space<vmem>> -> memref<256xf32, #tpu.memory_space<vmem>>
      tpu.enqueue_dma source(%dma_start3A_51 : memref<256xf32, #tpu.memory_space<vmem>>) target(%dma_start3A_49 : memref<256xf32, #tpu.memory_space<vmem_shared>>) target_semaphore(%run_scoped3A : memref<!tpu.dma_semaphore, #tpu.memory_space<semaphore_mem>>)
      %dma_wait3A_52 = arith.constant 0 : i32
      %dma_wait3A_53 = tpu.memref_slice %arg14[%dma_wait3A_52] : memref<2000xf32, #tpu.memory_space<vmem>> -> memref<256xf32, #tpu.memory_space<vmem>>
      %dma_wait3A_54 = tpu.memref_slice %arg19[%add3A_18] : memref<100096xf32, #tpu.memory_space<vmem_shared>> -> memref<256xf32, #tpu.memory_space<vmem_shared>>
      %dma_wait3A_55 = tpu.memref_slice %arg19[%add3A_18] : memref<100096xf32, #tpu.memory_space<vmem_shared>> -> memref<256xf32, #tpu.memory_space<vmem_shared>>
      %dma_wait3A_56 = arith.constant 0 : i32
      %dma_wait3A_57 = tpu.memref_slice %arg14[%dma_wait3A_56] : memref<2000xf32, #tpu.memory_space<vmem>> -> memref<256xf32, #tpu.memory_space<vmem>>
      tpu.wait_dma2 semaphore(%run_scoped3A : memref<!tpu.dma_semaphore, #tpu.memory_space<semaphore_mem>>) src(%dma_wait3A_57 : memref<256xf32, #tpu.memory_space<vmem>>) dst(%dma_wait3A_55 : memref<256xf32, #tpu.memory_space<vmem_shared>>)
      tpu.yield
    }) : () -> ()
    %barrier3A = arith.constant 0 : index
    tpu.barrier barrier_id(%barrier3A)
    %mul3A_19 = arith.constant 16 : i32
    %mul3A_20 = arith.muli %arg0, %mul3A_19 : i32
    %add3A_21 = arith.addi %mul3A_20, %arg1 : i32
    %mul3A_22 = arith.constant 200000 : i32
    %mul3A_23 = arith.muli %add3A_21, %mul3A_22 : i32
    %add3A_24 = arith.constant 0 : i32
    %add3A_25 = arith.addi %mul3A_23, %add3A_24 : i32
    %dma_start3A = tpu.memref_slice %arg2[%add3A_25] : memref<6400000xi32, #tpu.memory_space<hbm>> -> memref<2000xi32, #tpu.memory_space<hbm>>
    %dma_start3A_26 = tpu.memref_slice %arg2[%add3A_25] : memref<6400000xi32, #tpu.memory_space<hbm>> -> memref<2000xi32, #tpu.memory_space<hbm>>
    tpu.enqueue_dma source(%dma_start3A_26 : memref<2000xi32, #tpu.memory_space<hbm>>) target(%arg6 : memref<2000xi32, #tpu.memory_space<vmem>>) target_semaphore(%arg20 : memref<!tpu.dma_semaphore, #tpu.memory_space<semaphore_mem>>)
    %dma_start3A_27 = tpu.memref_slice %arg3[%add3A_25] : memref<6400000xi32, #tpu.memory_space<hbm>> -> memref<2000xi32, #tpu.memory_space<hbm>>
    %dma_start3A_28 = tpu.memref_slice %arg3[%add3A_25] : memref<6400000xi32, #tpu.memory_space<hbm>> -> memref<2000xi32, #tpu.memory_space<hbm>>
    tpu.enqueue_dma source(%dma_start3A_28 : memref<2000xi32, #tpu.memory_space<hbm>>) target(%arg10 : memref<2000xi32, #tpu.memory_space<vmem>>) target_semaphore(%arg20 : memref<!tpu.dma_semaphore, #tpu.memory_space<semaphore_mem>>)
    %add3A_29 = arith.constant 2000 : i32
    %add3A_30 = arith.addi %mul3A_23, %add3A_29 : i32
    %dma_start3A_31 = tpu.memref_slice %arg2[%add3A_30] : memref<6400000xi32, #tpu.memory_space<hbm>> -> memref<2000xi32, #tpu.memory_space<hbm>>
    %dma_start3A_32 = tpu.memref_slice %arg2[%add3A_30] : memref<6400000xi32, #tpu.memory_space<hbm>> -> memref<2000xi32, #tpu.memory_space<hbm>>
    tpu.enqueue_dma source(%dma_start3A_32 : memref<2000xi32, #tpu.memory_space<hbm>>) target(%arg7 : memref<2000xi32, #tpu.memory_space<vmem>>) target_semaphore(%arg21 : memref<!tpu.dma_semaphore, #tpu.memory_space<semaphore_mem>>)
    %dma_start3A_33 = tpu.memref_slice %arg3[%add3A_30] : memref<6400000xi32, #tpu.memory_space<hbm>> -> memref<2000xi32, #tpu.memory_space<hbm>>
    %dma_start3A_34 = tpu.memref_slice %arg3[%add3A_30] : memref<6400000xi32, #tpu.memory_space<hbm>> -> memref<2000xi32, #tpu.memory_space<hbm>>
    tpu.enqueue_dma source(%dma_start3A_34 : memref<2000xi32, #tpu.memory_space<hbm>>) target(%arg11 : memref<2000xi32, #tpu.memory_space<vmem>>) target_semaphore(%arg21 : memref<!tpu.dma_semaphore, #tpu.memory_space<semaphore_mem>>)
    %scan3A_35 = arith.constant 0 : i32
    %scan3A_36 = arith.constant 25 : i32
    %scan3A_37 = arith.addi %scan3A_35, %scan3A_36 : i32
    %scan3A_38 = arith.constant 1 : i32
    scf.for %scan3A_46 = %scan3A_35 to %scan3A_37 step %scan3A_38  : i32 {
      %mul3A_47 = arith.constant 1 : i32
      %mul3A_48 = arith.muli %scan3A_46, %mul3A_47 : i32
      %add3A_49 = arith.constant 0 : i32
      %add3A_50 = arith.addi %add3A_49, %mul3A_48 : i32
      %dma_wait3A_51 = arith.constant 0 : i32
      %dma_wait3A_52 = tpu.memref_slice %arg2[%dma_wait3A_51] : memref<6400000xi32, #tpu.memory_space<hbm>> -> memref<2000xi32, #tpu.memory_space<hbm>>
      %dma_wait3A_53 = arith.constant 0 : i32
      %dma_wait3A_54 = tpu.memref_slice %arg2[%dma_wait3A_53] : memref<6400000xi32, #tpu.memory_space<hbm>> -> memref<2000xi32, #tpu.memory_space<hbm>>
      tpu.wait_dma2 semaphore(%arg20 : memref<!tpu.dma_semaphore, #tpu.memory_space<semaphore_mem>>) src(%dma_wait3A_54 : memref<2000xi32, #tpu.memory_space<hbm>>) dst(%arg6 : memref<2000xi32, #tpu.memory_space<vmem>>)
      %dma_wait3A_55 = arith.constant 0 : i32
      %dma_wait3A_56 = tpu.memref_slice %arg3[%dma_wait3A_55] : memref<6400000xi32, #tpu.memory_space<hbm>> -> memref<2000xi32, #tpu.memory_space<hbm>>
      %dma_wait3A_57 = arith.constant 0 : i32
      %dma_wait3A_58 = tpu.memref_slice %arg3[%dma_wait3A_57] : memref<6400000xi32, #tpu.memory_space<hbm>> -> memref<2000xi32, #tpu.memory_space<hbm>>
      tpu.wait_dma2 semaphore(%arg20 : memref<!tpu.dma_semaphore, #tpu.memory_space<semaphore_mem>>) src(%dma_wait3A_58 : memref<2000xi32, #tpu.memory_space<hbm>>) dst(%arg10 : memref<2000xi32, #tpu.memory_space<vmem>>)
      %gt3A = arith.constant 0 : i32
      %gt3A_59 = arith.cmpi sgt, %add3A_50, %gt3A : i32
      %convert_element_type3A_60 = arith.extui %gt3A_59 : i1 to i32
      %cond3A_61 = arith.constant 0 : i32
      %cond3A_62 = arith.cmpi ne, %convert_element_type3A_60, %cond3A_61 : i32
      scf.if %cond3A_62 {
        %dma_wait3A_159 = arith.constant 0 : i32
        %dma_wait3A_160 = tpu.memref_slice %arg19[%dma_wait3A_159] : memref<100096xf32, #tpu.memory_space<vmem_shared>> -> memref<100096xf32, #tpu.memory_space<vmem_shared>>
        tpu.wait_indirect_dma semaphore(%arg26 : memref<!tpu.dma_semaphore, #tpu.memory_space<semaphore_mem>>) src(%arg16 : memref<2000xf32, #tpu.memory_space<vmem>>) dst(%dma_wait3A_160 : memref<100096xf32, #tpu.memory_space<vmem_shared>>)
      } else {
      }
      %mul3A_63 = arith.constant 4 : i32
      %mul3A_64 = arith.muli %mul3A_63, %add3A_50 : i32
      %add3A_65 = arith.constant 0 : i32
      %add3A_66 = arith.addi %mul3A_64, %add3A_65 : i32
      %add3A_67 = arith.constant 2 : i32
      %add3A_68 = arith.addi %add3A_66, %add3A_67 : i32
      %mul3A_69 = arith.constant 2000 : i32
      %mul3A_70 = arith.muli %add3A_68, %mul3A_69 : i32
      %add3A_71 = arith.addi %mul3A_23, %mul3A_70 : i32
      %dma_start3A_72 = tpu.memref_slice %arg2[%add3A_71] : memref<6400000xi32, #tpu.memory_space<hbm>> -> memref<2000xi32, #tpu.memory_space<hbm>>
      %dma_start3A_73 = tpu.memref_slice %arg2[%add3A_71] : memref<6400000xi32, #tpu.memory_space<hbm>> -> memref<2000xi32, #tpu.memory_space<hbm>>
      tpu.enqueue_dma source(%dma_start3A_73 : memref<2000xi32, #tpu.memory_space<hbm>>) target(%arg8 : memref<2000xi32, #tpu.memory_space<vmem>>) target_semaphore(%arg22 : memref<!tpu.dma_semaphore, #tpu.memory_space<semaphore_mem>>)
      %dma_start3A_74 = tpu.memref_slice %arg3[%add3A_71] : memref<6400000xi32, #tpu.memory_space<hbm>> -> memref<2000xi32, #tpu.memory_space<hbm>>
      %dma_start3A_75 = tpu.memref_slice %arg3[%add3A_71] : memref<6400000xi32, #tpu.memory_space<hbm>> -> memref<2000xi32, #tpu.memory_space<hbm>>
      tpu.enqueue_dma source(%dma_start3A_75 : memref<2000xi32, #tpu.memory_space<hbm>>) target(%arg12 : memref<2000xi32, #tpu.memory_space<vmem>>) target_semaphore(%arg22 : memref<!tpu.dma_semaphore, #tpu.memory_space<semaphore_mem>>)
      %scan3A_76 = arith.constant 0 : i32
      %scan3A_77 = arith.constant 25 : i32
      %scan3A_78 = arith.addi %scan3A_76, %scan3A_77 : i32
      %scan3A_79 = arith.constant 1 : i32
      scf.for %scan3A_159 = %scan3A_76 to %scan3A_78 step %scan3A_79  : i32 {
        %mul3A_160 = arith.constant 1 : i32
        %mul3A_161 = arith.muli %scan3A_159, %mul3A_160 : i32
        %add3A_162 = arith.constant 0 : i32
        %add3A_163 = arith.addi %add3A_162, %mul3A_161 : i32
        %mul3A_164 = arith.constant 80 : i32
        %mul3A_165 = arith.muli %add3A_163, %mul3A_164 : i32
        %add3A_166 = arith.constant 0 : i32
        %add3A_167 = arith.addi %mul3A_165, %add3A_166 : i32
        %get3A = arith.index_cast %add3A_167 : i32 to index
        %get3A_168 = tpu.vector_load %arg6[%get3A] {strides = array<i32>} : memref<2000xi32, #tpu.memory_space<vmem>>, vector<16xi32>,
        %add3A_169 = arith.constant 16 : i32
        %add3A_170 = arith.addi %mul3A_165, %add3A_169 : i32
        %get3A_171 = arith.index_cast %add3A_170 : i32 to index
        %get3A_172 = tpu.vector_load %arg6[%get3A_171] {strides = array<i32>} : memref<2000xi32, #tpu.memory_space<vmem>>, vector<16xi32>,
        %add3A_173 = arith.constant 32 : i32
        %add3A_174 = arith.addi %mul3A_165, %add3A_173 : i32
        %get3A_175 = arith.index_cast %add3A_174 : i32 to index
        %get3A_176 = tpu.vector_load %arg6[%get3A_175] {strides = array<i32>} : memref<2000xi32, #tpu.memory_space<vmem>>, vector<16xi32>,
        %add3A_177 = arith.constant 48 : i32
        %add3A_178 = arith.addi %mul3A_165, %add3A_177 : i32
        %get3A_179 = arith.index_cast %add3A_178 : i32 to index
        %get3A_180 = tpu.vector_load %arg6[%get3A_179] {strides = array<i32>} : memref<2000xi32, #tpu.memory_space<vmem>>, vector<16xi32>,
        %add3A_181 = arith.constant 64 : i32
        %add3A_182 = arith.addi %mul3A_165, %add3A_181 : i32
        %get3A_183 = arith.index_cast %add3A_182 : i32 to index
        %get3A_184 = tpu.vector_load %arg6[%get3A_183] {strides = array<i32>} : memref<2000xi32, #tpu.memory_space<vmem>>, vector<16xi32>,
        %gather3A = tpu.vector_load_idx %arg18[%get3A_168] : memref<100096xf32, #tpu.memory_space<vmem>>[vector<16xi32>], vector<16xf32>,
        %gather3A_185 = tpu.vector_load_idx %arg18[%get3A_172] : memref<100096xf32, #tpu.memory_space<vmem>>[vector<16xi32>], vector<16xf32>,
        %gather3A_186 = tpu.vector_load_idx %arg18[%get3A_176] : memref<100096xf32, #tpu.memory_space<vmem>>[vector<16xi32>], vector<16xf32>,
        %gather3A_187 = tpu.vector_load_idx %arg18[%get3A_180] : memref<100096xf32, #tpu.memory_space<vmem>>[vector<16xi32>], vector<16xf32>,
        %gather3A_188 = tpu.vector_load_idx %arg18[%get3A_184] : memref<100096xf32, #tpu.memory_space<vmem>>[vector<16xi32>], vector<16xf32>,
        %add3A_189 = arith.constant 0 : i32
        %add3A_190 = arith.addi %mul3A_165, %add3A_189 : i32
        %swap3A = arith.index_cast %add3A_190 : i32 to index
        %swap3A_191 = tpu.vector_load %arg14[%swap3A] {strides = array<i32>} : memref<2000xf32, #tpu.memory_space<vmem>>, vector<16xf32>,
        tpu.vector_store %arg14[%swap3A], %gather3A {strides = array<i32>} : memref<2000xf32, #tpu.memory_space<vmem>>, vector<16xf32>,
        %add3A_192 = arith.constant 16 : i32
        %add3A_193 = arith.addi %mul3A_165, %add3A_192 : i32
        %swap3A_194 = arith.index_cast %add3A_193 : i32 to index
        %swap3A_195 = tpu.vector_load %arg14[%swap3A_194] {strides = array<i32>} : memref<2000xf32, #tpu.memory_space<vmem>>, vector<16xf32>,
        tpu.vector_store %arg14[%swap3A_194], %gather3A_185 {strides = array<i32>} : memref<2000xf32, #tpu.memory_space<vmem>>, vector<16xf32>,
        %add3A_196 = arith.constant 32 : i32
        %add3A_197 = arith.addi %mul3A_165, %add3A_196 : i32
        %swap3A_198 = arith.index_cast %add3A_197 : i32 to index
        %swap3A_199 = tpu.vector_load %arg14[%swap3A_198] {strides = array<i32>} : memref<2000xf32, #tpu.memory_space<vmem>>, vector<16xf32>,
        tpu.vector_store %arg14[%swap3A_198], %gather3A_186 {strides = array<i32>} : memref<2000xf32, #tpu.memory_space<vmem>>, vector<16xf32>,
        %add3A_200 = arith.constant 48 : i32
        %add3A_201 = arith.addi %mul3A_165, %add3A_200 : i32
        %swap3A_202 = arith.index_cast %add3A_201 : i32 to index
        %swap3A_203 = tpu.vector_load %arg14[%swap3A_202] {strides = array<i32>} : memref<2000xf32, #tpu.memory_space<vmem>>, vector<16xf32>,
        tpu.vector_store %arg14[%swap3A_202], %gather3A_187 {strides = array<i32>} : memref<2000xf32, #tpu.memory_space<vmem>>, vector<16xf32>,
        %add3A_204 = arith.constant 64 : i32
        %add3A_205 = arith.addi %mul3A_165, %add3A_204 : i32
        %swap3A_206 = arith.index_cast %add3A_205 : i32 to index
        %swap3A_207 = tpu.vector_load %arg14[%swap3A_206] {strides = array<i32>} : memref<2000xf32, #tpu.memory_space<vmem>>, vector<16xf32>,
        tpu.vector_store %arg14[%swap3A_206], %gather3A_188 {strides = array<i32>} : memref<2000xf32, #tpu.memory_space<vmem>>, vector<16xf32>,
      }
      %scan3A_80 = arith.constant 25 : i32
      %dma_start3A_81 = arith.constant 0 : i32
      %dma_start3A_82 = tpu.memref_slice %arg19[%dma_start3A_81] : memref<100096xf32, #tpu.memory_space<vmem_shared>> -> memref<100096xf32, #tpu.memory_space<vmem_shared>>
      tpu.enqueue_indirect_dma source(%arg14 : memref<2000xf32, #tpu.memory_space<vmem>>) target(%dma_start3A_82 : memref<100096xf32, #tpu.memory_space<vmem_shared>>) offsets(%arg10 : memref<2000xi32, #tpu.memory_space<vmem>>) semaphore(%arg24 : memref<!tpu.dma_semaphore, #tpu.memory_space<semaphore_mem>>) {add = true}
      %dma_wait3A_83 = arith.constant 0 : i32
      %dma_wait3A_84 = tpu.memref_slice %arg2[%dma_wait3A_83] : memref<6400000xi32, #tpu.memory_space<hbm>> -> memref<2000xi32, #tpu.memory_space<hbm>>
      %dma_wait3A_85 = arith.constant 0 : i32
      %dma_wait3A_86 = tpu.memref_slice %arg2[%dma_wait3A_85] : memref<6400000xi32, #tpu.memory_space<hbm>> -> memref<2000xi32, #tpu.memory_space<hbm>>
      tpu.wait_dma2 semaphore(%arg21 : memref<!tpu.dma_semaphore, #tpu.memory_space<semaphore_mem>>) src(%dma_wait3A_86 : memref<2000xi32, #tpu.memory_space<hbm>>) dst(%arg7 : memref<2000xi32, #tpu.memory_space<vmem>>)
      %dma_wait3A_87 = arith.constant 0 : i32
      %dma_wait3A_88 = tpu.memref_slice %arg3[%dma_wait3A_87] : memref<6400000xi32, #tpu.memory_space<hbm>> -> memref<2000xi32, #tpu.memory_space<hbm>>
      %dma_wait3A_89 = arith.constant 0 : i32
      %dma_wait3A_90 = tpu.memref_slice %arg3[%dma_wait3A_89] : memref<6400000xi32, #tpu.memory_space<hbm>> -> memref<2000xi32, #tpu.memory_space<hbm>>
      tpu.wait_dma2 semaphore(%arg21 : memref<!tpu.dma_semaphore, #tpu.memory_space<semaphore_mem>>) src(%dma_wait3A_90 : memref<2000xi32, #tpu.memory_space<hbm>>) dst(%arg11 : memref<2000xi32, #tpu.memory_space<vmem>>)
      %gt3A_91 = arith.constant 0 : i32
      %gt3A_92 = arith.cmpi sgt, %add3A_50, %gt3A_91 : i32
      %convert_element_type3A_93 = arith.extui %gt3A_92 : i1 to i32
      %cond3A_94 = arith.constant 0 : i32
      %cond3A_95 = arith.cmpi ne, %convert_element_type3A_93, %cond3A_94 : i32
      scf.if %cond3A_95 {
        %dma_wait3A_159 = arith.constant 0 : i32
        %dma_wait3A_160 = tpu.memref_slice %arg19[%dma_wait3A_159] : memref<100096xf32, #tpu.memory_space<vmem_shared>> -> memref<100096xf32, #tpu.memory_space<vmem_shared>>
        tpu.wait_indirect_dma semaphore(%arg27 : memref<!tpu.dma_semaphore, #tpu.memory_space<semaphore_mem>>) src(%arg17 : memref<2000xf32, #tpu.memory_space<vmem>>) dst(%dma_wait3A_160 : memref<100096xf32, #tpu.memory_space<vmem_shared>>)
      } else {
      }
      %mul3A_96 = arith.constant 4 : i32
      %mul3A_97 = arith.muli %mul3A_96, %add3A_50 : i32
      %add3A_98 = arith.constant 1 : i32
      %add3A_99 = arith.addi %mul3A_97, %add3A_98 : i32
      %add3A_100 = arith.constant 2 : i32
      %add3A_101 = arith.addi %add3A_99, %add3A_100 : i32
      %mul3A_102 = arith.constant 2000 : i32
      %mul3A_103 = arith.muli %add3A_101, %mul3A_102 : i32
      %add3A_104 = arith.addi %mul3A_23, %mul3A_103 : i32
      %dma_start3A_105 = tpu.memref_slice %arg2[%add3A_104] : memref<6400000xi32, #tpu.memory_space<hbm>> -> memref<2000xi32, #tpu.memory_space<hbm>>
      %dma_start3A_106 = tpu.memref_slice %arg2[%add3A_104] : memref<6400000xi32, #tpu.memory_space<hbm>> -> memref<2000xi32, #tpu.memory_space<hbm>>
      tpu.enqueue_dma source(%dma_start3A_106 : memref<2000xi32, #tpu.memory_space<hbm>>) target(%arg9 : memref<2000xi32, #tpu.memory_space<vmem>>) target_semaphore(%arg23 : memref<!tpu.dma_semaphore, #tpu.memory_space<semaphore_mem>>)
      %dma_start3A_107 = tpu.memref_slice %arg3[%add3A_104] : memref<6400000xi32, #tpu.memory_space<hbm>> -> memref<2000xi32, #tpu.memory_space<hbm>>
      %dma_start3A_108 = tpu.memref_slice %arg3[%add3A_104] : memref<6400000xi32, #tpu.memory_space<hbm>> -> memref<2000xi32, #tpu.memory_space<hbm>>
      tpu.enqueue_dma source(%dma_start3A_108 : memref<2000xi32, #tpu.memory_space<hbm>>) target(%arg13 : memref<2000xi32, #tpu.memory_space<vmem>>) target_semaphore(%arg23 : memref<!tpu.dma_semaphore, #tpu.memory_space<semaphore_mem>>)
      %scan3A_109 = arith.constant 0 : i32
      %scan3A_110 = arith.constant 25 : i32
      %scan3A_111 = arith.addi %scan3A_109, %scan3A_110 : i32
      %scan3A_112 = arith.constant 1 : i32
      scf.for %scan3A_159 = %scan3A_109 to %scan3A_111 step %scan3A_112  : i32 {
        %mul3A_160 = arith.constant 1 : i32
        %mul3A_161 = arith.muli %scan3A_159, %mul3A_160 : i32
        %add3A_162 = arith.constant 0 : i32
        %add3A_163 = arith.addi %add3A_162, %mul3A_161 : i32
        %mul3A_164 = arith.constant 80 : i32
        %mul3A_165 = arith.muli %add3A_163, %mul3A_164 : i32
        %add3A_166 = arith.constant 0 : i32
        %add3A_167 = arith.addi %mul3A_165, %add3A_166 : i32
        %get3A = arith.index_cast %add3A_167 : i32 to index
        %get3A_168 = tpu.vector_load %arg7[%get3A] {strides = array<i32>} : memref<2000xi32, #tpu.memory_space<vmem>>, vector<16xi32>,
        %add3A_169 = arith.constant 16 : i32
        %add3A_170 = arith.addi %mul3A_165, %add3A_169 : i32
        %get3A_171 = arith.index_cast %add3A_170 : i32 to index
        %get3A_172 = tpu.vector_load %arg7[%get3A_171] {strides = array<i32>} : memref<2000xi32, #tpu.memory_space<vmem>>, vector<16xi32>,
        %add3A_173 = arith.constant 32 : i32
        %add3A_174 = arith.addi %mul3A_165, %add3A_173 : i32
        %get3A_175 = arith.index_cast %add3A_174 : i32 to index
        %get3A_176 = tpu.vector_load %arg7[%get3A_175] {strides = array<i32>} : memref<2000xi32, #tpu.memory_space<vmem>>, vector<16xi32>,
        %add3A_177 = arith.constant 48 : i32
        %add3A_178 = arith.addi %mul3A_165, %add3A_177 : i32
        %get3A_179 = arith.index_cast %add3A_178 : i32 to index
        %get3A_180 = tpu.vector_load %arg7[%get3A_179] {strides = array<i32>} : memref<2000xi32, #tpu.memory_space<vmem>>, vector<16xi32>,
        %add3A_181 = arith.constant 64 : i32
        %add3A_182 = arith.addi %mul3A_165, %add3A_181 : i32
        %get3A_183 = arith.index_cast %add3A_182 : i32 to index
        %get3A_184 = tpu.vector_load %arg7[%get3A_183] {strides = array<i32>} : memref<2000xi32, #tpu.memory_space<vmem>>, vector<16xi32>,
        %gather3A = tpu.vector_load_idx %arg18[%get3A_168] : memref<100096xf32, #tpu.memory_space<vmem>>[vector<16xi32>], vector<16xf32>,
        %gather3A_185 = tpu.vector_load_idx %arg18[%get3A_172] : memref<100096xf32, #tpu.memory_space<vmem>>[vector<16xi32>], vector<16xf32>,
        %gather3A_186 = tpu.vector_load_idx %arg18[%get3A_176] : memref<100096xf32, #tpu.memory_space<vmem>>[vector<16xi32>], vector<16xf32>,
        %gather3A_187 = tpu.vector_load_idx %arg18[%get3A_180] : memref<100096xf32, #tpu.memory_space<vmem>>[vector<16xi32>], vector<16xf32>,
        %gather3A_188 = tpu.vector_load_idx %arg18[%get3A_184] : memref<100096xf32, #tpu.memory_space<vmem>>[vector<16xi32>], vector<16xf32>,
        %add3A_189 = arith.constant 0 : i32
        %add3A_190 = arith.addi %mul3A_165, %add3A_189 : i32
        %swap3A = arith.index_cast %add3A_190 : i32 to index
        %swap3A_191 = tpu.vector_load %arg15[%swap3A] {strides = array<i32>} : memref<2000xf32, #tpu.memory_space<vmem>>, vector<16xf32>,
        tpu.vector_store %arg15[%swap3A], %gather3A {strides = array<i32>} : memref<2000xf32, #tpu.memory_space<vmem>>, vector<16xf32>,
        %add3A_192 = arith.constant 16 : i32
        %add3A_193 = arith.addi %mul3A_165, %add3A_192 : i32
        %swap3A_194 = arith.index_cast %add3A_193 : i32 to index
        %swap3A_195 = tpu.vector_load %arg15[%swap3A_194] {strides = array<i32>} : memref<2000xf32, #tpu.memory_space<vmem>>, vector<16xf32>,
        tpu.vector_store %arg15[%swap3A_194], %gather3A_185 {strides = array<i32>} : memref<2000xf32, #tpu.memory_space<vmem>>, vector<16xf32>,
        %add3A_196 = arith.constant 32 : i32
        %add3A_197 = arith.addi %mul3A_165, %add3A_196 : i32
        %swap3A_198 = arith.index_cast %add3A_197 : i32 to index
        %swap3A_199 = tpu.vector_load %arg15[%swap3A_198] {strides = array<i32>} : memref<2000xf32, #tpu.memory_space<vmem>>, vector<16xf32>,
        tpu.vector_store %arg15[%swap3A_198], %gather3A_186 {strides = array<i32>} : memref<2000xf32, #tpu.memory_space<vmem>>, vector<16xf32>,
        %add3A_200 = arith.constant 48 : i32
        %add3A_201 = arith.addi %mul3A_165, %add3A_200 : i32
        %swap3A_202 = arith.index_cast %add3A_201 : i32 to index
        %swap3A_203 = tpu.vector_load %arg15[%swap3A_202] {strides = array<i32>} : memref<2000xf32, #tpu.memory_space<vmem>>, vector<16xf32>,
        tpu.vector_store %arg15[%swap3A_202], %gather3A_187 {strides = array<i32>} : memref<2000xf32, #tpu.memory_space<vmem>>, vector<16xf32>,
        %add3A_204 = arith.constant 64 : i32
        %add3A_205 = arith.addi %mul3A_165, %add3A_204 : i32
        %swap3A_206 = arith.index_cast %add3A_205 : i32 to index
        %swap3A_207 = tpu.vector_load %arg15[%swap3A_206] {strides = array<i32>} : memref<2000xf32, #tpu.memory_space<vmem>>, vector<16xf32>,
        tpu.vector_store %arg15[%swap3A_206], %gather3A_188 {strides = array<i32>} : memref<2000xf32, #tpu.memory_space<vmem>>, vector<16xf32>,
      }
      %scan3A_113 = arith.constant 25 : i32
      %dma_start3A_114 = arith.constant 0 : i32
      %dma_start3A_115 = tpu.memref_slice %arg19[%dma_start3A_114] : memref<100096xf32, #tpu.memory_space<vmem_shared>> -> memref<100096xf32, #tpu.memory_space<vmem_shared>>
      tpu.enqueue_indirect_dma source(%arg15 : memref<2000xf32, #tpu.memory_space<vmem>>) target(%dma_start3A_115 : memref<100096xf32, #tpu.memory_space<vmem_shared>>) offsets(%arg11 : memref<2000xi32, #tpu.memory_space<vmem>>) semaphore(%arg25 : memref<!tpu.dma_semaphore, #tpu.memory_space<semaphore_mem>>) {add = true}
      %dma_wait3A_116 = arith.constant 0 : i32
      %dma_wait3A_117 = tpu.memref_slice %arg2[%dma_wait3A_116] : memref<6400000xi32, #tpu.memory_space<hbm>> -> memref<2000xi32, #tpu.memory_space<hbm>>
      %dma_wait3A_118 = arith.constant 0 : i32
      %dma_wait3A_119 = tpu.memref_slice %arg2[%dma_wait3A_118] : memref<6400000xi32, #tpu.memory_space<hbm>> -> memref<2000xi32, #tpu.memory_space<hbm>>
      tpu.wait_dma2 semaphore(%arg22 : memref<!tpu.dma_semaphore, #tpu.memory_space<semaphore_mem>>) src(%dma_wait3A_119 : memref<2000xi32, #tpu.memory_space<hbm>>) dst(%arg8 : memref<2000xi32, #tpu.memory_space<vmem>>)
      %dma_wait3A_120 = arith.constant 0 : i32
      %dma_wait3A_121 = tpu.memref_slice %arg3[%dma_wait3A_120] : memref<6400000xi32, #tpu.memory_space<hbm>> -> memref<2000xi32, #tpu.memory_space<hbm>>
      %dma_wait3A_122 = arith.constant 0 : i32
      %dma_wait3A_123 = tpu.memref_slice %arg3[%dma_wait3A_122] : memref<6400000xi32, #tpu.memory_space<hbm>> -> memref<2000xi32, #tpu.memory_space<hbm>>
      tpu.wait_dma2 semaphore(%arg22 : memref<!tpu.dma_semaphore, #tpu.memory_space<semaphore_mem>>) src(%dma_wait3A_123 : memref<2000xi32, #tpu.memory_space<hbm>>) dst(%arg12 : memref<2000xi32, #tpu.memory_space<vmem>>)
      %dma_wait3A_124 = arith.constant 0 : i32
      %dma_wait3A_125 = tpu.memref_slice %arg19[%dma_wait3A_124] : memref<100096xf32, #tpu.memory_space<vmem_shared>> -> memref<100096xf32, #tpu.memory_space<vmem_shared>>
      tpu.wait_indirect_dma semaphore(%arg24 : memref<!tpu.dma_semaphore, #tpu.memory_space<semaphore_mem>>) src(%arg14 : memref<2000xf32, #tpu.memory_space<vmem>>) dst(%dma_wait3A_125 : memref<100096xf32, #tpu.memory_space<vmem_shared>>)
      %lt3A = arith.constant 24 : i32
      %lt3A_126 = arith.cmpi slt, %add3A_50, %lt3A : i32
      %convert_element_type3A_127 = arith.extui %lt3A_126 : i1 to i32
      %cond3A_128 = arith.constant 0 : i32
      %cond3A_129 = arith.cmpi ne, %convert_element_type3A_127, %cond3A_128 : i32
      scf.if %cond3A_129 {
        %mul3A_159 = arith.constant 4 : i32
        %mul3A_160 = arith.muli %mul3A_159, %add3A_50 : i32
        %add3A_161 = arith.constant 2 : i32
        %add3A_162 = arith.addi %mul3A_160, %add3A_161 : i32
        %add3A_163 = arith.constant 2 : i32
        %add3A_164 = arith.addi %add3A_162, %add3A_163 : i32
        %mul3A_165 = arith.constant 2000 : i32
        %mul3A_166 = arith.muli %add3A_164, %mul3A_165 : i32
        %add3A_167 = arith.addi %mul3A_23, %mul3A_166 : i32
        %dma_start3A_168 = tpu.memref_slice %arg2[%add3A_167] : memref<6400000xi32, #tpu.memory_space<hbm>> -> memref<2000xi32, #tpu.memory_space<hbm>>
        %dma_start3A_169 = tpu.memref_slice %arg2[%add3A_167] : memref<6400000xi32, #tpu.memory_space<hbm>> -> memref<2000xi32, #tpu.memory_space<hbm>>
        tpu.enqueue_dma source(%dma_start3A_169 : memref<2000xi32, #tpu.memory_space<hbm>>) target(%arg6 : memref<2000xi32, #tpu.memory_space<vmem>>) target_semaphore(%arg20 : memref<!tpu.dma_semaphore, #tpu.memory_space<semaphore_mem>>)
        %dma_start3A_170 = tpu.memref_slice %arg3[%add3A_167] : memref<6400000xi32, #tpu.memory_space<hbm>> -> memref<2000xi32, #tpu.memory_space<hbm>>
        %dma_start3A_171 = tpu.memref_slice %arg3[%add3A_167] : memref<6400000xi32, #tpu.memory_space<hbm>> -> memref<2000xi32, #tpu.memory_space<hbm>>
        tpu.enqueue_dma source(%dma_start3A_171 : memref<2000xi32, #tpu.memory_space<hbm>>) target(%arg10 : memref<2000xi32, #tpu.memory_space<vmem>>) target_semaphore(%arg20 : memref<!tpu.dma_semaphore, #tpu.memory_space<semaphore_mem>>)
      } else {
      }
      %scan3A_130 = arith.constant 0 : i32
      %scan3A_131 = arith.constant 25 : i32
      %scan3A_132 = arith.addi %scan3A_130, %scan3A_131 : i32
      %scan3A_133 = arith.constant 1 : i32
      scf.for %scan3A_159 = %scan3A_130 to %scan3A_132 step %scan3A_133  : i32 {
        %mul3A_160 = arith.constant 1 : i32
        %mul3A_161 = arith.muli %scan3A_159, %mul3A_160 : i32
        %add3A_162 = arith.constant 0 : i32
        %add3A_163 = arith.addi %add3A_162, %mul3A_161 : i32
        %mul3A_164 = arith.constant 80 : i32
        %mul3A_165 = arith.muli %add3A_163, %mul3A_164 : i32
        %add3A_166 = arith.constant 0 : i32
        %add3A_167 = arith.addi %mul3A_165, %add3A_166 : i32
        %get3A = arith.index_cast %add3A_167 : i32 to index
        %get3A_168 = tpu.vector_load %arg8[%get3A] {strides = array<i32>} : memref<2000xi32, #tpu.memory_space<vmem>>, vector<16xi32>,
        %add3A_169 = arith.constant 16 : i32
        %add3A_170 = arith.addi %mul3A_165, %add3A_169 : i32
        %get3A_171 = arith.index_cast %add3A_170 : i32 to index
        %get3A_172 = tpu.vector_load %arg8[%get3A_171] {strides = array<i32>} : memref<2000xi32, #tpu.memory_space<vmem>>, vector<16xi32>,
        %add3A_173 = arith.constant 32 : i32
        %add3A_174 = arith.addi %mul3A_165, %add3A_173 : i32
        %get3A_175 = arith.index_cast %add3A_174 : i32 to index
        %get3A_176 = tpu.vector_load %arg8[%get3A_175] {strides = array<i32>} : memref<2000xi32, #tpu.memory_space<vmem>>, vector<16xi32>,
        %add3A_177 = arith.constant 48 : i32
        %add3A_178 = arith.addi %mul3A_165, %add3A_177 : i32
        %get3A_179 = arith.index_cast %add3A_178 : i32 to index
        %get3A_180 = tpu.vector_load %arg8[%get3A_179] {strides = array<i32>} : memref<2000xi32, #tpu.memory_space<vmem>>, vector<16xi32>,
        %add3A_181 = arith.constant 64 : i32
        %add3A_182 = arith.addi %mul3A_165, %add3A_181 : i32
        %get3A_183 = arith.index_cast %add3A_182 : i32 to index
        %get3A_184 = tpu.vector_load %arg8[%get3A_183] {strides = array<i32>} : memref<2000xi32, #tpu.memory_space<vmem>>, vector<16xi32>,
        %gather3A = tpu.vector_load_idx %arg18[%get3A_168] : memref<100096xf32, #tpu.memory_space<vmem>>[vector<16xi32>], vector<16xf32>,
        %gather3A_185 = tpu.vector_load_idx %arg18[%get3A_172] : memref<100096xf32, #tpu.memory_space<vmem>>[vector<16xi32>], vector<16xf32>,
        %gather3A_186 = tpu.vector_load_idx %arg18[%get3A_176] : memref<100096xf32, #tpu.memory_space<vmem>>[vector<16xi32>], vector<16xf32>,
        %gather3A_187 = tpu.vector_load_idx %arg18[%get3A_180] : memref<100096xf32, #tpu.memory_space<vmem>>[vector<16xi32>], vector<16xf32>,
        %gather3A_188 = tpu.vector_load_idx %arg18[%get3A_184] : memref<100096xf32, #tpu.memory_space<vmem>>[vector<16xi32>], vector<16xf32>,
        %add3A_189 = arith.constant 0 : i32
        %add3A_190 = arith.addi %mul3A_165, %add3A_189 : i32
        %swap3A = arith.index_cast %add3A_190 : i32 to index
        %swap3A_191 = tpu.vector_load %arg16[%swap3A] {strides = array<i32>} : memref<2000xf32, #tpu.memory_space<vmem>>, vector<16xf32>,
        tpu.vector_store %arg16[%swap3A], %gather3A {strides = array<i32>} : memref<2000xf32, #tpu.memory_space<vmem>>, vector<16xf32>,
        %add3A_192 = arith.constant 16 : i32
        %add3A_193 = arith.addi %mul3A_165, %add3A_192 : i32
        %swap3A_194 = arith.index_cast %add3A_193 : i32 to index
        %swap3A_195 = tpu.vector_load %arg16[%swap3A_194] {strides = array<i32>} : memref<2000xf32, #tpu.memory_space<vmem>>, vector<16xf32>,
        tpu.vector_store %arg16[%swap3A_194], %gather3A_185 {strides = array<i32>} : memref<2000xf32, #tpu.memory_space<vmem>>, vector<16xf32>,
        %add3A_196 = arith.constant 32 : i32
        %add3A_197 = arith.addi %mul3A_165, %add3A_196 : i32
        %swap3A_198 = arith.index_cast %add3A_197 : i32 to index
        %swap3A_199 = tpu.vector_load %arg16[%swap3A_198] {strides = array<i32>} : memref<2000xf32, #tpu.memory_space<vmem>>, vector<16xf32>,
        tpu.vector_store %arg16[%swap3A_198], %gather3A_186 {strides = array<i32>} : memref<2000xf32, #tpu.memory_space<vmem>>, vector<16xf32>,
        %add3A_200 = arith.constant 48 : i32
        %add3A_201 = arith.addi %mul3A_165, %add3A_200 : i32
        %swap3A_202 = arith.index_cast %add3A_201 : i32 to index
        %swap3A_203 = tpu.vector_load %arg16[%swap3A_202] {strides = array<i32>} : memref<2000xf32, #tpu.memory_space<vmem>>, vector<16xf32>,
        tpu.vector_store %arg16[%swap3A_202], %gather3A_187 {strides = array<i32>} : memref<2000xf32, #tpu.memory_space<vmem>>, vector<16xf32>,
        %add3A_204 = arith.constant 64 : i32
        %add3A_205 = arith.addi %mul3A_165, %add3A_204 : i32
        %swap3A_206 = arith.index_cast %add3A_205 : i32 to index
        %swap3A_207 = tpu.vector_load %arg16[%swap3A_206] {strides = array<i32>} : memref<2000xf32, #tpu.memory_space<vmem>>, vector<16xf32>,
        tpu.vector_store %arg16[%swap3A_206], %gather3A_188 {strides = array<i32>} : memref<2000xf32, #tpu.memory_space<vmem>>, vector<16xf32>,
      }
      %scan3A_134 = arith.constant 25 : i32
      %dma_start3A_135 = arith.constant 0 : i32
      %dma_start3A_136 = tpu.memref_slice %arg19[%dma_start3A_135] : memref<100096xf32, #tpu.memory_space<vmem_shared>> -> memref<100096xf32, #tpu.memory_space<vmem_shared>>
      tpu.enqueue_indirect_dma source(%arg16 : memref<2000xf32, #tpu.memory_space<vmem>>) target(%dma_start3A_136 : memref<100096xf32, #tpu.memory_space<vmem_shared>>) offsets(%arg12 : memref<2000xi32, #tpu.memory_space<vmem>>) semaphore(%arg26 : memref<!tpu.dma_semaphore, #tpu.memory_space<semaphore_mem>>) {add = true}
      %dma_wait3A_137 = arith.constant 0 : i32
      %dma_wait3A_138 = tpu.memref_slice %arg2[%dma_wait3A_137] : memref<6400000xi32, #tpu.memory_space<hbm>> -> memref<2000xi32, #tpu.memory_space<hbm>>
      %dma_wait3A_139 = arith.constant 0 : i32
      %dma_wait3A_140 = tpu.memref_slice %arg2[%dma_wait3A_139] : memref<6400000xi32, #tpu.memory_space<hbm>> -> memref<2000xi32, #tpu.memory_space<hbm>>
      tpu.wait_dma2 semaphore(%arg23 : memref<!tpu.dma_semaphore, #tpu.memory_space<semaphore_mem>>) src(%dma_wait3A_140 : memref<2000xi32, #tpu.memory_space<hbm>>) dst(%arg9 : memref<2000xi32, #tpu.memory_space<vmem>>)
      %dma_wait3A_141 = arith.constant 0 : i32
      %dma_wait3A_142 = tpu.memref_slice %arg3[%dma_wait3A_141] : memref<6400000xi32, #tpu.memory_space<hbm>> -> memref<2000xi32, #tpu.memory_space<hbm>>
      %dma_wait3A_143 = arith.constant 0 : i32
      %dma_wait3A_144 = tpu.memref_slice %arg3[%dma_wait3A_143] : memref<6400000xi32, #tpu.memory_space<hbm>> -> memref<2000xi32, #tpu.memory_space<hbm>>
      tpu.wait_dma2 semaphore(%arg23 : memref<!tpu.dma_semaphore, #tpu.memory_space<semaphore_mem>>) src(%dma_wait3A_144 : memref<2000xi32, #tpu.memory_space<hbm>>) dst(%arg13 : memref<2000xi32, #tpu.memory_space<vmem>>)
      %dma_wait3A_145 = arith.constant 0 : i32
      %dma_wait3A_146 = tpu.memref_slice %arg19[%dma_wait3A_145] : memref<100096xf32, #tpu.memory_space<vmem_shared>> -> memref<100096xf32, #tpu.memory_space<vmem_shared>>
      tpu.wait_indirect_dma semaphore(%arg25 : memref<!tpu.dma_semaphore, #tpu.memory_space<semaphore_mem>>) src(%arg15 : memref<2000xf32, #tpu.memory_space<vmem>>) dst(%dma_wait3A_146 : memref<100096xf32, #tpu.memory_space<vmem_shared>>)
      %lt3A_147 = arith.constant 24 : i32
      %lt3A_148 = arith.cmpi slt, %add3A_50, %lt3A_147 : i32
      %convert_element_type3A_149 = arith.extui %lt3A_148 : i1 to i32
      %cond3A_150 = arith.constant 0 : i32
      %cond3A_151 = arith.cmpi ne, %convert_element_type3A_149, %cond3A_150 : i32
      scf.if %cond3A_151 {
        %mul3A_159 = arith.constant 4 : i32
        %mul3A_160 = arith.muli %mul3A_159, %add3A_50 : i32
        %add3A_161 = arith.constant 3 : i32
        %add3A_162 = arith.addi %mul3A_160, %add3A_161 : i32
        %add3A_163 = arith.constant 2 : i32
        %add3A_164 = arith.addi %add3A_162, %add3A_163 : i32
        %mul3A_165 = arith.constant 2000 : i32
        %mul3A_166 = arith.muli %add3A_164, %mul3A_165 : i32
        %add3A_167 = arith.addi %mul3A_23, %mul3A_166 : i32
        %dma_start3A_168 = tpu.memref_slice %arg2[%add3A_167] : memref<6400000xi32, #tpu.memory_space<hbm>> -> memref<2000xi32, #tpu.memory_space<hbm>>
        %dma_start3A_169 = tpu.memref_slice %arg2[%add3A_167] : memref<6400000xi32, #tpu.memory_space<hbm>> -> memref<2000xi32, #tpu.memory_space<hbm>>
        tpu.enqueue_dma source(%dma_start3A_169 : memref<2000xi32, #tpu.memory_space<hbm>>) target(%arg7 : memref<2000xi32, #tpu.memory_space<vmem>>) target_semaphore(%arg21 : memref<!tpu.dma_semaphore, #tpu.memory_space<semaphore_mem>>)
        %dma_start3A_170 = tpu.memref_slice %arg3[%add3A_167] : memref<6400000xi32, #tpu.memory_space<hbm>> -> memref<2000xi32, #tpu.memory_space<hbm>>
        %dma_start3A_171 = tpu.memref_slice %arg3[%add3A_167] : memref<6400000xi32, #tpu.memory_space<hbm>> -> memref<2000xi32, #tpu.memory_space<hbm>>
        tpu.enqueue_dma source(%dma_start3A_171 : memref<2000xi32, #tpu.memory_space<hbm>>) target(%arg11 : memref<2000xi32, #tpu.memory_space<vmem>>) target_semaphore(%arg21 : memref<!tpu.dma_semaphore, #tpu.memory_space<semaphore_mem>>)
      } else {
      }
      %scan3A_152 = arith.constant 0 : i32
      %scan3A_153 = arith.constant 25 : i32
      %scan3A_154 = arith.addi %scan3A_152, %scan3A_153 : i32
      %scan3A_155 = arith.constant 1 : i32
      scf.for %scan3A_159 = %scan3A_152 to %scan3A_154 step %scan3A_155  : i32 {
        %mul3A_160 = arith.constant 1 : i32
        %mul3A_161 = arith.muli %scan3A_159, %mul3A_160 : i32
        %add3A_162 = arith.constant 0 : i32
        %add3A_163 = arith.addi %add3A_162, %mul3A_161 : i32
        %mul3A_164 = arith.constant 80 : i32
        %mul3A_165 = arith.muli %add3A_163, %mul3A_164 : i32
        %add3A_166 = arith.constant 0 : i32
        %add3A_167 = arith.addi %mul3A_165, %add3A_166 : i32
        %get3A = arith.index_cast %add3A_167 : i32 to index
        %get3A_168 = tpu.vector_load %arg9[%get3A] {strides = array<i32>} : memref<2000xi32, #tpu.memory_space<vmem>>, vector<16xi32>,
        %add3A_169 = arith.constant 16 : i32
        %add3A_170 = arith.addi %mul3A_165, %add3A_169 : i32
        %get3A_171 = arith.index_cast %add3A_170 : i32 to index
        %get3A_172 = tpu.vector_load %arg9[%get3A_171] {strides = array<i32>} : memref<2000xi32, #tpu.memory_space<vmem>>, vector<16xi32>,
        %add3A_173 = arith.constant 32 : i32
        %add3A_174 = arith.addi %mul3A_165, %add3A_173 : i32
        %get3A_175 = arith.index_cast %add3A_174 : i32 to index
        %get3A_176 = tpu.vector_load %arg9[%get3A_175] {strides = array<i32>} : memref<2000xi32, #tpu.memory_space<vmem>>, vector<16xi32>,
        %add3A_177 = arith.constant 48 : i32
        %add3A_178 = arith.addi %mul3A_165, %add3A_177 : i32
        %get3A_179 = arith.index_cast %add3A_178 : i32 to index
        %get3A_180 = tpu.vector_load %arg9[%get3A_179] {strides = array<i32>} : memref<2000xi32, #tpu.memory_space<vmem>>, vector<16xi32>,
        %add3A_181 = arith.constant 64 : i32
        %add3A_182 = arith.addi %mul3A_165, %add3A_181 : i32
        %get3A_183 = arith.index_cast %add3A_182 : i32 to index
        %get3A_184 = tpu.vector_load %arg9[%get3A_183] {strides = array<i32>} : memref<2000xi32, #tpu.memory_space<vmem>>, vector<16xi32>,
        %gather3A = tpu.vector_load_idx %arg18[%get3A_168] : memref<100096xf32, #tpu.memory_space<vmem>>[vector<16xi32>], vector<16xf32>,
        %gather3A_185 = tpu.vector_load_idx %arg18[%get3A_172] : memref<100096xf32, #tpu.memory_space<vmem>>[vector<16xi32>], vector<16xf32>,
        %gather3A_186 = tpu.vector_load_idx %arg18[%get3A_176] : memref<100096xf32, #tpu.memory_space<vmem>>[vector<16xi32>], vector<16xf32>,
        %gather3A_187 = tpu.vector_load_idx %arg18[%get3A_180] : memref<100096xf32, #tpu.memory_space<vmem>>[vector<16xi32>], vector<16xf32>,
        %gather3A_188 = tpu.vector_load_idx %arg18[%get3A_184] : memref<100096xf32, #tpu.memory_space<vmem>>[vector<16xi32>], vector<16xf32>,
        %add3A_189 = arith.constant 0 : i32
        %add3A_190 = arith.addi %mul3A_165, %add3A_189 : i32
        %swap3A = arith.index_cast %add3A_190 : i32 to index
        %swap3A_191 = tpu.vector_load %arg17[%swap3A] {strides = array<i32>} : memref<2000xf32, #tpu.memory_space<vmem>>, vector<16xf32>,
        tpu.vector_store %arg17[%swap3A], %gather3A {strides = array<i32>} : memref<2000xf32, #tpu.memory_space<vmem>>, vector<16xf32>,
        %add3A_192 = arith.constant 16 : i32
        %add3A_193 = arith.addi %mul3A_165, %add3A_192 : i32
        %swap3A_194 = arith.index_cast %add3A_193 : i32 to index
        %swap3A_195 = tpu.vector_load %arg17[%swap3A_194] {strides = array<i32>} : memref<2000xf32, #tpu.memory_space<vmem>>, vector<16xf32>,
        tpu.vector_store %arg17[%swap3A_194], %gather3A_185 {strides = array<i32>} : memref<2000xf32, #tpu.memory_space<vmem>>, vector<16xf32>,
        %add3A_196 = arith.constant 32 : i32
        %add3A_197 = arith.addi %mul3A_165, %add3A_196 : i32
        %swap3A_198 = arith.index_cast %add3A_197 : i32 to index
        %swap3A_199 = tpu.vector_load %arg17[%swap3A_198] {strides = array<i32>} : memref<2000xf32, #tpu.memory_space<vmem>>, vector<16xf32>,
        tpu.vector_store %arg17[%swap3A_198], %gather3A_186 {strides = array<i32>} : memref<2000xf32, #tpu.memory_space<vmem>>, vector<16xf32>,
        %add3A_200 = arith.constant 48 : i32
        %add3A_201 = arith.addi %mul3A_165, %add3A_200 : i32
        %swap3A_202 = arith.index_cast %add3A_201 : i32 to index
        %swap3A_203 = tpu.vector_load %arg17[%swap3A_202] {strides = array<i32>} : memref<2000xf32, #tpu.memory_space<vmem>>, vector<16xf32>,
        tpu.vector_store %arg17[%swap3A_202], %gather3A_187 {strides = array<i32>} : memref<2000xf32, #tpu.memory_space<vmem>>, vector<16xf32>,
        %add3A_204 = arith.constant 64 : i32
        %add3A_205 = arith.addi %mul3A_165, %add3A_204 : i32
        %swap3A_206 = arith.index_cast %add3A_205 : i32 to index
        %swap3A_207 = tpu.vector_load %arg17[%swap3A_206] {strides = array<i32>} : memref<2000xf32, #tpu.memory_space<vmem>>, vector<16xf32>,
        tpu.vector_store %arg17[%swap3A_206], %gather3A_188 {strides = array<i32>} : memref<2000xf32, #tpu.memory_space<vmem>>, vector<16xf32>,
      }
      %scan3A_156 = arith.constant 25 : i32
      %dma_start3A_157 = arith.constant 0 : i32
      %dma_start3A_158 = tpu.memref_slice %arg19[%dma_start3A_157] : memref<100096xf32, #tpu.memory_space<vmem_shared>> -> memref<100096xf32, #tpu.memory_space<vmem_shared>>
      tpu.enqueue_indirect_dma source(%arg17 : memref<2000xf32, #tpu.memory_space<vmem>>) target(%dma_start3A_158 : memref<100096xf32, #tpu.memory_space<vmem_shared>>) offsets(%arg13 : memref<2000xi32, #tpu.memory_space<vmem>>) semaphore(%arg27 : memref<!tpu.dma_semaphore, #tpu.memory_space<semaphore_mem>>) {add = true}
    }
    %scan3A_39 = arith.constant 25 : i32
    %dma_wait3A = arith.constant 0 : i32
    %dma_wait3A_40 = tpu.memref_slice %arg19[%dma_wait3A] : memref<100096xf32, #tpu.memory_space<vmem_shared>> -> memref<100096xf32, #tpu.memory_space<vmem_shared>>
    tpu.wait_indirect_dma semaphore(%arg26 : memref<!tpu.dma_semaphore, #tpu.memory_space<semaphore_mem>>) src(%arg16 : memref<2000xf32, #tpu.memory_space<vmem>>) dst(%dma_wait3A_40 : memref<100096xf32, #tpu.memory_space<vmem_shared>>)
    %dma_wait3A_41 = arith.constant 0 : i32
    %dma_wait3A_42 = tpu.memref_slice %arg19[%dma_wait3A_41] : memref<100096xf32, #tpu.memory_space<vmem_shared>> -> memref<100096xf32, #tpu.memory_space<vmem_shared>>
    tpu.wait_indirect_dma semaphore(%arg27 : memref<!tpu.dma_semaphore, #tpu.memory_space<semaphore_mem>>) src(%arg17 : memref<2000xf32, #tpu.memory_space<vmem>>) dst(%dma_wait3A_42 : memref<100096xf32, #tpu.memory_space<vmem_shared>>)
    %barrier3A_43 = arith.constant 0 : index
    tpu.barrier barrier_id(%barrier3A_43)
    %eq3A = arith.constant 0 : i32
    %eq3A_44 = arith.cmpi eq, %arg1, %eq3A : i32
    %convert_element_type3A = arith.extui %eq3A_44 : i1 to i32
    %cond3A = arith.constant 0 : i32
    %cond3A_45 = arith.cmpi ne, %convert_element_type3A, %cond3A : i32
    scf.if %cond3A_45 {
      "tpu.region"() ({
        %run_scoped3A = tpu.sem_alloc : memref<!tpu.dma_semaphore, #tpu.memory_space<semaphore_mem>>
        %dma_start3A_46 = arith.constant 0 : i32
        %dma_start3A_47 = tpu.memref_slice %arg5[%arg0, %dma_start3A_46] : memref<2x100352xf32, #tpu.memory_space<hbm>> -> memref<1x100096xf32, #tpu.memory_space<hbm>>
        %dma_start3A_48 = tpu.memref_squeeze %dma_start3A_47 : memref<1x100096xf32, #tpu.memory_space<hbm>> -> memref<100096xf32, #tpu.memory_space<hbm>>
        tpu.enqueue_dma source(%arg19 : memref<100096xf32, #tpu.memory_space<vmem_shared>>) target(%dma_start3A_48 : memref<100096xf32, #tpu.memory_space<hbm>>) target_semaphore(%run_scoped3A : memref<!tpu.dma_semaphore, #tpu.memory_space<semaphore_mem>>)
        %dma_wait3A_49 = arith.constant 0 : i32
        %dma_wait3A_50 = tpu.memref_slice %arg5[%arg0, %dma_wait3A_49] : memref<2x100352xf32, #tpu.memory_space<hbm>> -> memref<1x100096xf32, #tpu.memory_space<hbm>>
        %dma_wait3A_51 = tpu.memref_squeeze %dma_wait3A_50 : memref<1x100096xf32, #tpu.memory_space<hbm>> -> memref<100096xf32, #tpu.memory_space<hbm>>
        tpu.wait_dma2 semaphore(%run_scoped3A : memref<!tpu.dma_semaphore, #tpu.memory_space<semaphore_mem>>) src(%arg19 : memref<100096xf32, #tpu.memory_space<vmem_shared>>) dst(%dma_wait3A_51 : memref<100096xf32, #tpu.memory_space<hbm>>)
        tpu.yield
      }) : () -> ()
    } else {
    }
    return
  }
}

#map = affine_map<(d0, d1) -> (0)>
#map1 = affine_map<(d0, d1) -> (0, 0)>
module attributes {stable_mosaic.version = 14 : i64} {
  func.func @deg_kernel(%arg0: i32, %arg1: i32, %arg2: memref<6400000xi32, #tpu.memory_space<hbm>>, %arg3: memref<2x100352xf32, #tpu.memory_space<hbm>>, %arg4: memref<2000xi32, #tpu.memory_space<vmem>>, %arg5: memref<2000xi32, #tpu.memory_space<vmem>>, %arg6: memref<2000xf32, #tpu.memory_space<vmem>>, %arg7: memref<6272xf32, #tpu.memory_space<vmem>>, %arg8: memref<100352xf32, #tpu.memory_space<vmem_shared>>, %arg9: memref<!tpu.dma_semaphore, #tpu.memory_space<semaphore_mem>>, %arg10: memref<!tpu.dma_semaphore, #tpu.memory_space<semaphore_mem>>) attributes {dimension_semantics = [#tpu.dimension_semantics<core_parallel>, #tpu.dimension_semantics<subcore_parallel>], iteration_bounds = array<i64: 2, 16>, scalar_prefetch = 0 : i64, scratch_operands = 7 : i64, tpu.core_type = #tpu.core_type<sc_vector_subcore>, window_params = [{transform_indices = #map}, {transform_indices = #map1}]} {
    %broadcast_in_dim3A = arith.constant 0.000000e+00 : f32
    %broadcast_in_dim3A_0 = vector.broadcast %broadcast_in_dim3A : f32 to vector<16xf32>
    %scan3A = arith.constant 0 : i32
    %scan3A_1 = arith.constant 392 : i32
    %scan3A_2 = arith.addi %scan3A, %scan3A_1 : i32
    %scan3A_3 = arith.constant 1 : i32
    scf.for %scan3A_28 = %scan3A to %scan3A_2 step %scan3A_3  : i32 {
      %mul3A_29 = arith.constant 1 : i32
      %mul3A_30 = arith.muli %scan3A_28, %mul3A_29 : i32
      %add3A_31 = arith.constant 0 : i32
      %add3A_32 = arith.addi %add3A_31, %mul3A_30 : i32
      %mul3A_33 = arith.constant 16 : i32
      %mul3A_34 = arith.muli %add3A_32, %mul3A_33 : i32
      %swap3A = arith.index_cast %mul3A_34 : i32 to index
      %swap3A_35 = tpu.vector_load %arg7[%swap3A] {strides = array<i32>} : memref<6272xf32, #tpu.memory_space<vmem>>, vector<16xf32>,
      tpu.vector_store %arg7[%swap3A], %broadcast_in_dim3A_0 {strides = array<i32>} : memref<6272xf32, #tpu.memory_space<vmem>>, vector<16xf32>,
    }
    %scan3A_4 = arith.constant 392 : i32
    %broadcast_in_dim3A_5 = arith.constant 1.000000e+00 : f32
    %broadcast_in_dim3A_6 = vector.broadcast %broadcast_in_dim3A_5 : f32 to vector<16xf32>
    %scan3A_7 = arith.constant 0 : i32
    %scan3A_8 = arith.constant 125 : i32
    %scan3A_9 = arith.addi %scan3A_7, %scan3A_8 : i32
    %scan3A_10 = arith.constant 1 : i32
    scf.for %scan3A_28 = %scan3A_7 to %scan3A_9 step %scan3A_10  : i32 {
      %mul3A_29 = arith.constant 1 : i32
      %mul3A_30 = arith.muli %scan3A_28, %mul3A_29 : i32
      %add3A_31 = arith.constant 0 : i32
      %add3A_32 = arith.addi %add3A_31, %mul3A_30 : i32
      %mul3A_33 = arith.constant 16 : i32
      %mul3A_34 = arith.muli %add3A_32, %mul3A_33 : i32
      %swap3A = arith.index_cast %mul3A_34 : i32 to index
      %swap3A_35 = tpu.vector_load %arg6[%swap3A] {strides = array<i32>} : memref<2000xf32, #tpu.memory_space<vmem>>, vector<16xf32>,
      tpu.vector_store %arg6[%swap3A], %broadcast_in_dim3A_6 {strides = array<i32>} : memref<2000xf32, #tpu.memory_space<vmem>>, vector<16xf32>,
    }
    %scan3A_11 = arith.constant 125 : i32
    %mul3A = arith.constant 6272 : i32
    %mul3A_12 = arith.muli %arg1, %mul3A : i32
    "tpu.region"() ({
      %run_scoped3A = tpu.sem_alloc : memref<!tpu.dma_semaphore, #tpu.memory_space<semaphore_mem>>
      %dma_start3A = tpu.memref_slice %arg8[%mul3A_12] : memref<100352xf32, #tpu.memory_space<vmem_shared>> -> memref<6272xf32, #tpu.memory_space<vmem_shared>>
      %dma_start3A_28 = tpu.memref_slice %arg8[%mul3A_12] : memref<100352xf32, #tpu.memory_space<vmem_shared>> -> memref<6272xf32, #tpu.memory_space<vmem_shared>>
      tpu.enqueue_dma source(%arg7 : memref<6272xf32, #tpu.memory_space<vmem>>) target(%dma_start3A_28 : memref<6272xf32, #tpu.memory_space<vmem_shared>>) target_semaphore(%run_scoped3A : memref<!tpu.dma_semaphore, #tpu.memory_space<semaphore_mem>>)
      %dma_wait3A_29 = tpu.memref_slice %arg8[%mul3A_12] : memref<100352xf32, #tpu.memory_space<vmem_shared>> -> memref<6272xf32, #tpu.memory_space<vmem_shared>>
      %dma_wait3A_30 = tpu.memref_slice %arg8[%mul3A_12] : memref<100352xf32, #tpu.memory_space<vmem_shared>> -> memref<6272xf32, #tpu.memory_space<vmem_shared>>
      tpu.wait_dma2 semaphore(%run_scoped3A : memref<!tpu.dma_semaphore, #tpu.memory_space<semaphore_mem>>) src(%arg7 : memref<6272xf32, #tpu.memory_space<vmem>>) dst(%dma_wait3A_30 : memref<6272xf32, #tpu.memory_space<vmem_shared>>)
      tpu.yield
    }) : () -> ()
    %barrier3A = arith.constant 0 : index
    tpu.barrier barrier_id(%barrier3A)
    %mul3A_13 = arith.constant 16 : i32
    %mul3A_14 = arith.muli %arg0, %mul3A_13 : i32
    %add3A = arith.addi %mul3A_14, %arg1 : i32
    %mul3A_15 = arith.constant 200000 : i32
    %mul3A_16 = arith.muli %add3A, %mul3A_15 : i32
    %scan3A_17 = arith.constant 0 : i32
    %scan3A_18 = arith.constant 50 : i32
    %scan3A_19 = arith.addi %scan3A_17, %scan3A_18 : i32
    %scan3A_20 = arith.constant 1 : i32
    scf.for %scan3A_28 = %scan3A_17 to %scan3A_19 step %scan3A_20  : i32 {
      %mul3A_29 = arith.constant 1 : i32
      %mul3A_30 = arith.muli %scan3A_28, %mul3A_29 : i32
      %add3A_31 = arith.constant 0 : i32
      %add3A_32 = arith.addi %add3A_31, %mul3A_30 : i32
      %gt3A = arith.constant 0 : i32
      %gt3A_33 = arith.cmpi sgt, %add3A_32, %gt3A : i32
      %convert_element_type3A_34 = arith.extui %gt3A_33 : i1 to i32
      %cond3A_35 = arith.constant 0 : i32
      %cond3A_36 = arith.cmpi ne, %convert_element_type3A_34, %cond3A_35 : i32
      scf.if %cond3A_36 {
        %dma_wait3A_57 = arith.constant 0 : i32
        %dma_wait3A_58 = tpu.memref_slice %arg8[%dma_wait3A_57] : memref<100352xf32, #tpu.memory_space<vmem_shared>> -> memref<100352xf32, #tpu.memory_space<vmem_shared>>
        tpu.wait_indirect_dma semaphore(%arg9 : memref<!tpu.dma_semaphore, #tpu.memory_space<semaphore_mem>>) src(%arg6 : memref<2000xf32, #tpu.memory_space<vmem>>) dst(%dma_wait3A_58 : memref<100352xf32, #tpu.memory_space<vmem_shared>>)
      } else {
      }
      %mul3A_37 = arith.constant 2 : i32
      %mul3A_38 = arith.muli %mul3A_37, %add3A_32 : i32
      %mul3A_39 = arith.constant 2000 : i32
      %mul3A_40 = arith.muli %mul3A_38, %mul3A_39 : i32
      %add3A_41 = arith.addi %mul3A_16, %mul3A_40 : i32
      "tpu.region"() ({
        %run_scoped3A = tpu.sem_alloc : memref<!tpu.dma_semaphore, #tpu.memory_space<semaphore_mem>>
        %dma_start3A_57 = tpu.memref_slice %arg2[%add3A_41] : memref<6400000xi32, #tpu.memory_space<hbm>> -> memref<2000xi32, #tpu.memory_space<hbm>>
        %dma_start3A_58 = tpu.memref_slice %arg2[%add3A_41] : memref<6400000xi32, #tpu.memory_space<hbm>> -> memref<2000xi32, #tpu.memory_space<hbm>>
        tpu.enqueue_dma source(%dma_start3A_58 : memref<2000xi32, #tpu.memory_space<hbm>>) target(%arg4 : memref<2000xi32, #tpu.memory_space<vmem>>) target_semaphore(%run_scoped3A : memref<!tpu.dma_semaphore, #tpu.memory_space<semaphore_mem>>)
        %dma_wait3A_59 = tpu.memref_slice %arg2[%add3A_41] : memref<6400000xi32, #tpu.memory_space<hbm>> -> memref<2000xi32, #tpu.memory_space<hbm>>
        %dma_wait3A_60 = tpu.memref_slice %arg2[%add3A_41] : memref<6400000xi32, #tpu.memory_space<hbm>> -> memref<2000xi32, #tpu.memory_space<hbm>>
        tpu.wait_dma2 semaphore(%run_scoped3A : memref<!tpu.dma_semaphore, #tpu.memory_space<semaphore_mem>>) src(%dma_wait3A_60 : memref<2000xi32, #tpu.memory_space<hbm>>) dst(%arg4 : memref<2000xi32, #tpu.memory_space<vmem>>)
        tpu.yield
      }) : () -> ()
      %dma_start3A = arith.constant 0 : i32
      %dma_start3A_42 = tpu.memref_slice %arg8[%dma_start3A] : memref<100352xf32, #tpu.memory_space<vmem_shared>> -> memref<100352xf32, #tpu.memory_space<vmem_shared>>
      tpu.enqueue_indirect_dma source(%arg6 : memref<2000xf32, #tpu.memory_space<vmem>>) target(%dma_start3A_42 : memref<100352xf32, #tpu.memory_space<vmem_shared>>) offsets(%arg4 : memref<2000xi32, #tpu.memory_space<vmem>>) semaphore(%arg9 : memref<!tpu.dma_semaphore, #tpu.memory_space<semaphore_mem>>) {add = true}
      %gt3A_43 = arith.constant 0 : i32
      %gt3A_44 = arith.cmpi sgt, %add3A_32, %gt3A_43 : i32
      %convert_element_type3A_45 = arith.extui %gt3A_44 : i1 to i32
      %cond3A_46 = arith.constant 0 : i32
      %cond3A_47 = arith.cmpi ne, %convert_element_type3A_45, %cond3A_46 : i32
      scf.if %cond3A_47 {
        %dma_wait3A_57 = arith.constant 0 : i32
        %dma_wait3A_58 = tpu.memref_slice %arg8[%dma_wait3A_57] : memref<100352xf32, #tpu.memory_space<vmem_shared>> -> memref<100352xf32, #tpu.memory_space<vmem_shared>>
        tpu.wait_indirect_dma semaphore(%arg10 : memref<!tpu.dma_semaphore, #tpu.memory_space<semaphore_mem>>) src(%arg6 : memref<2000xf32, #tpu.memory_space<vmem>>) dst(%dma_wait3A_58 : memref<100352xf32, #tpu.memory_space<vmem_shared>>)
      } else {
      }
      %mul3A_48 = arith.constant 2 : i32
      %mul3A_49 = arith.muli %mul3A_48, %add3A_32 : i32
      %add3A_50 = arith.constant 1 : i32
      %add3A_51 = arith.addi %mul3A_49, %add3A_50 : i32
      %mul3A_52 = arith.constant 2000 : i32
      %mul3A_53 = arith.muli %add3A_51, %mul3A_52 : i32
      %add3A_54 = arith.addi %mul3A_16, %mul3A_53 : i32
      "tpu.region"() ({
        %run_scoped3A = tpu.sem_alloc : memref<!tpu.dma_semaphore, #tpu.memory_space<semaphore_mem>>
        %dma_start3A_57 = tpu.memref_slice %arg2[%add3A_54] : memref<6400000xi32, #tpu.memory_space<hbm>> -> memref<2000xi32, #tpu.memory_space<hbm>>
        %dma_start3A_58 = tpu.memref_slice %arg2[%add3A_54] : memref<6400000xi32, #tpu.memory_space<hbm>> -> memref<2000xi32, #tpu.memory_space<hbm>>
        tpu.enqueue_dma source(%dma_start3A_58 : memref<2000xi32, #tpu.memory_space<hbm>>) target(%arg5 : memref<2000xi32, #tpu.memory_space<vmem>>) target_semaphore(%run_scoped3A : memref<!tpu.dma_semaphore, #tpu.memory_space<semaphore_mem>>)
        %dma_wait3A_59 = tpu.memref_slice %arg2[%add3A_54] : memref<6400000xi32, #tpu.memory_space<hbm>> -> memref<2000xi32, #tpu.memory_space<hbm>>
        %dma_wait3A_60 = tpu.memref_slice %arg2[%add3A_54] : memref<6400000xi32, #tpu.memory_space<hbm>> -> memref<2000xi32, #tpu.memory_space<hbm>>
        tpu.wait_dma2 semaphore(%run_scoped3A : memref<!tpu.dma_semaphore, #tpu.memory_space<semaphore_mem>>) src(%dma_wait3A_60 : memref<2000xi32, #tpu.memory_space<hbm>>) dst(%arg5 : memref<2000xi32, #tpu.memory_space<vmem>>)
        tpu.yield
      }) : () -> ()
      %dma_start3A_55 = arith.constant 0 : i32
      %dma_start3A_56 = tpu.memref_slice %arg8[%dma_start3A_55] : memref<100352xf32, #tpu.memory_space<vmem_shared>> -> memref<100352xf32, #tpu.memory_space<vmem_shared>>
      tpu.enqueue_indirect_dma source(%arg6 : memref<2000xf32, #tpu.memory_space<vmem>>) target(%dma_start3A_56 : memref<100352xf32, #tpu.memory_space<vmem_shared>>) offsets(%arg5 : memref<2000xi32, #tpu.memory_space<vmem>>) semaphore(%arg10 : memref<!tpu.dma_semaphore, #tpu.memory_space<semaphore_mem>>) {add = true}
    }
    %scan3A_21 = arith.constant 50 : i32
    %dma_wait3A = arith.constant 0 : i32
    %dma_wait3A_22 = tpu.memref_slice %arg8[%dma_wait3A] : memref<100352xf32, #tpu.memory_space<vmem_shared>> -> memref<100352xf32, #tpu.memory_space<vmem_shared>>
    tpu.wait_indirect_dma semaphore(%arg9 : memref<!tpu.dma_semaphore, #tpu.memory_space<semaphore_mem>>) src(%arg6 : memref<2000xf32, #tpu.memory_space<vmem>>) dst(%dma_wait3A_22 : memref<100352xf32, #tpu.memory_space<vmem_shared>>)
    %dma_wait3A_23 = arith.constant 0 : i32
    %dma_wait3A_24 = tpu.memref_slice %arg8[%dma_wait3A_23] : memref<100352xf32, #tpu.memory_space<vmem_shared>> -> memref<100352xf32, #tpu.memory_space<vmem_shared>>
    tpu.wait_indirect_dma semaphore(%arg10 : memref<!tpu.dma_semaphore, #tpu.memory_space<semaphore_mem>>) src(%arg6 : memref<2000xf32, #tpu.memory_space<vmem>>) dst(%dma_wait3A_24 : memref<100352xf32, #tpu.memory_space<vmem_shared>>)
    %barrier3A_25 = arith.constant 0 : index
    tpu.barrier barrier_id(%barrier3A_25)
    %eq3A = arith.constant 0 : i32
    %eq3A_26 = arith.cmpi eq, %arg1, %eq3A : i32
    %convert_element_type3A = arith.extui %eq3A_26 : i1 to i32
    %cond3A = arith.constant 0 : i32
    %cond3A_27 = arith.cmpi ne, %convert_element_type3A, %cond3A : i32
    scf.if %cond3A_27 {
      "tpu.region"() ({
        %run_scoped3A = tpu.sem_alloc : memref<!tpu.dma_semaphore, #tpu.memory_space<semaphore_mem>>
        %dma_start3A = arith.constant 0 : i32
        %dma_start3A_28 = tpu.memref_slice %arg3[%arg0, %dma_start3A] : memref<2x100352xf32, #tpu.memory_space<hbm>> -> memref<1x100352xf32, #tpu.memory_space<hbm>>
        %dma_start3A_29 = tpu.memref_squeeze %dma_start3A_28 : memref<1x100352xf32, #tpu.memory_space<hbm>> -> memref<100352xf32, #tpu.memory_space<hbm>>
        tpu.enqueue_dma source(%arg8 : memref<100352xf32, #tpu.memory_space<vmem_shared>>) target(%dma_start3A_29 : memref<100352xf32, #tpu.memory_space<hbm>>) target_semaphore(%run_scoped3A : memref<!tpu.dma_semaphore, #tpu.memory_space<semaphore_mem>>)
        %dma_wait3A_30 = arith.constant 0 : i32
        %dma_wait3A_31 = tpu.memref_slice %arg3[%arg0, %dma_wait3A_30] : memref<2x100352xf32, #tpu.memory_space<hbm>> -> memref<1x100352xf32, #tpu.memory_space<hbm>>
        %dma_wait3A_32 = tpu.memref_squeeze %dma_wait3A_31 : memref<1x100352xf32, #tpu.memory_space<hbm>> -> memref<100352xf32, #tpu.memory_space<hbm>>
        tpu.wait_dma2 semaphore(%run_scoped3A : memref<!tpu.dma_semaphore, #tpu.memory_space<semaphore_mem>>) src(%arg8 : memref<100352xf32, #tpu.memory_space<vmem_shared>>) dst(%dma_wait3A_32 : memref<100352xf32, #tpu.memory_space<hbm>>)
        tpu.yield
      }) : () -> ()
    } else {
    }
    return
  }
}

#map = affine_map<(d0, d1) -> (0)>
#map1 = affine_map<(d0, d1) -> (0, 0, 0)>
module attributes {stable_mosaic.version = 14 : i64} {
  func.func @agg2_kernel(%arg0: i32, %arg1: i32, %arg2: memref<6400000xi32, #tpu.memory_space<hbm>>, %arg3: memref<6400000xi32, #tpu.memory_space<hbm>>, %arg4: memref<100352xf32, #tpu.memory_space<hbm>>, %arg5: memref<100352xf32, #tpu.memory_space<hbm>>, %arg6: memref<2x2x100352xf32, #tpu.memory_space<hbm>>, %arg7: memref<2000xi32, #tpu.memory_space<vmem>>, %arg8: memref<2000xi32, #tpu.memory_space<vmem>>, %arg9: memref<2000xi32, #tpu.memory_space<vmem>>, %arg10: memref<2000xi32, #tpu.memory_space<vmem>>, %arg11: memref<2000xi32, #tpu.memory_space<vmem>>, %arg12: memref<2000xi32, #tpu.memory_space<vmem>>, %arg13: memref<2000xi32, #tpu.memory_space<vmem>>, %arg14: memref<2000xi32, #tpu.memory_space<vmem>>, %arg15: memref<2000xf32, #tpu.memory_space<vmem>>, %arg16: memref<2000xf32, #tpu.memory_space<vmem>>, %arg17: memref<2000xf32, #tpu.memory_space<vmem>>, %arg18: memref<2000xf32, #tpu.memory_space<vmem>>, %arg19: memref<100096xf32, #tpu.memory_space<vmem>>, %arg20: memref<100096xf32, #tpu.memory_space<vmem_shared>>, %arg21: memref<!tpu.dma_semaphore, #tpu.memory_space<semaphore_mem>>, %arg22: memref<!tpu.dma_semaphore, #tpu.memory_space<semaphore_mem>>, %arg23: memref<!tpu.dma_semaphore, #tpu.memory_space<semaphore_mem>>, %arg24: memref<!tpu.dma_semaphore, #tpu.memory_space<semaphore_mem>>, %arg25: memref<!tpu.dma_semaphore, #tpu.memory_space<semaphore_mem>>, %arg26: memref<!tpu.dma_semaphore, #tpu.memory_space<semaphore_mem>>, %arg27: memref<!tpu.dma_semaphore, #tpu.memory_space<semaphore_mem>>, %arg28: memref<!tpu.dma_semaphore, #tpu.memory_space<semaphore_mem>>) attributes {dimension_semantics = [#tpu.dimension_semantics<core_parallel>, #tpu.dimension_semantics<subcore_parallel>], iteration_bounds = array<i64: 2, 16>, scalar_prefetch = 0 : i64, scratch_operands = 22 : i64, tpu.core_type = #tpu.core_type<sc_vector_subcore>, window_params = [{transform_indices = #map}, {transform_indices = #map}, {transform_indices = #map}, {transform_indices = #map}, {transform_indices = #map1}]} {
    %mul3A = arith.constant 16 : i32
    %mul3A_0 = arith.muli %arg0, %mul3A : i32
    %add3A = arith.addi %mul3A_0, %arg1 : i32
    %mul3A_1 = arith.constant 200000 : i32
    %mul3A_2 = arith.muli %add3A, %mul3A_1 : i32
    "tpu.region"() ({
      %run_scoped3A = tpu.sem_alloc : memref<!tpu.dma_semaphore, #tpu.memory_space<semaphore_mem>>
      %dma_start3A_99 = arith.constant 0 : i32
      %dma_start3A_100 = tpu.memref_slice %arg4[%dma_start3A_99] : memref<100352xf32, #tpu.memory_space<hbm>> -> memref<100096xf32, #tpu.memory_space<hbm>>
      %dma_start3A_101 = arith.constant 0 : i32
      %dma_start3A_102 = tpu.memref_slice %arg4[%dma_start3A_101] : memref<100352xf32, #tpu.memory_space<hbm>> -> memref<100096xf32, #tpu.memory_space<hbm>>
      tpu.enqueue_dma source(%dma_start3A_102 : memref<100096xf32, #tpu.memory_space<hbm>>) target(%arg19 : memref<100096xf32, #tpu.memory_space<vmem>>) target_semaphore(%run_scoped3A : memref<!tpu.dma_semaphore, #tpu.memory_space<semaphore_mem>>)
      %dma_wait3A_103 = arith.constant 0 : i32
      %dma_wait3A_104 = tpu.memref_slice %arg4[%dma_wait3A_103] : memref<100352xf32, #tpu.memory_space<hbm>> -> memref<100096xf32, #tpu.memory_space<hbm>>
      %dma_wait3A_105 = arith.constant 0 : i32
      %dma_wait3A_106 = tpu.memref_slice %arg4[%dma_wait3A_105] : memref<100352xf32, #tpu.memory_space<hbm>> -> memref<100096xf32, #tpu.memory_space<hbm>>
      tpu.wait_dma2 semaphore(%run_scoped3A : memref<!tpu.dma_semaphore, #tpu.memory_space<semaphore_mem>>) src(%dma_wait3A_106 : memref<100096xf32, #tpu.memory_space<hbm>>) dst(%arg19 : memref<100096xf32, #tpu.memory_space<vmem>>)
      tpu.yield
    }) : () -> ()
    %broadcast_in_dim3A = arith.constant 0.000000e+00 : f32
    %broadcast_in_dim3A_3 = vector.broadcast %broadcast_in_dim3A : f32 to vector<16xf32>
    %scan3A = arith.constant 0 : i32
    %scan3A_4 = arith.constant 125 : i32
    %scan3A_5 = arith.addi %scan3A, %scan3A_4 : i32
    %scan3A_6 = arith.constant 1 : i32
    scf.for %scan3A_99 = %scan3A to %scan3A_5 step %scan3A_6  : i32 {
      %mul3A_100 = arith.constant 1 : i32
      %mul3A_101 = arith.muli %scan3A_99, %mul3A_100 : i32
      %add3A_102 = arith.constant 0 : i32
      %add3A_103 = arith.addi %add3A_102, %mul3A_101 : i32
      %mul3A_104 = arith.constant 16 : i32
      %mul3A_105 = arith.muli %add3A_103, %mul3A_104 : i32
      %swap3A = arith.index_cast %mul3A_105 : i32 to index
      %swap3A_106 = tpu.vector_load %arg15[%swap3A] {strides = array<i32>} : memref<2000xf32, #tpu.memory_space<vmem>>, vector<16xf32>,
      tpu.vector_store %arg15[%swap3A], %broadcast_in_dim3A_3 {strides = array<i32>} : memref<2000xf32, #tpu.memory_space<vmem>>, vector<16xf32>,
    }
    %scan3A_7 = arith.constant 125 : i32
    %mul3A_8 = arith.constant 6256 : i32
    %mul3A_9 = arith.muli %arg1, %mul3A_8 : i32
    %add3A_10 = arith.constant 0 : i32
    %add3A_11 = arith.addi %mul3A_9, %add3A_10 : i32
    "tpu.region"() ({
      %run_scoped3A = tpu.sem_alloc : memref<!tpu.dma_semaphore, #tpu.memory_space<semaphore_mem>>
      %dma_start3A_99 = arith.constant 0 : i32
      %dma_start3A_100 = tpu.memref_slice %arg15[%dma_start3A_99] : memref<2000xf32, #tpu.memory_space<vmem>> -> memref<2000xf32, #tpu.memory_space<vmem>>
      %dma_start3A_101 = tpu.memref_slice %arg20[%add3A_11] : memref<100096xf32, #tpu.memory_space<vmem_shared>> -> memref<2000xf32, #tpu.memory_space<vmem_shared>>
      %dma_start3A_102 = tpu.memref_slice %arg20[%add3A_11] : memref<100096xf32, #tpu.memory_space<vmem_shared>> -> memref<2000xf32, #tpu.memory_space<vmem_shared>>
      %dma_start3A_103 = arith.constant 0 : i32
      %dma_start3A_104 = tpu.memref_slice %arg15[%dma_start3A_103] : memref<2000xf32, #tpu.memory_space<vmem>> -> memref<2000xf32, #tpu.memory_space<vmem>>
      tpu.enqueue_dma source(%dma_start3A_104 : memref<2000xf32, #tpu.memory_space<vmem>>) target(%dma_start3A_102 : memref<2000xf32, #tpu.memory_space<vmem_shared>>) target_semaphore(%run_scoped3A : memref<!tpu.dma_semaphore, #tpu.memory_space<semaphore_mem>>)
      %dma_wait3A_105 = arith.constant 0 : i32
      %dma_wait3A_106 = tpu.memref_slice %arg15[%dma_wait3A_105] : memref<2000xf32, #tpu.memory_space<vmem>> -> memref<2000xf32, #tpu.memory_space<vmem>>
      %dma_wait3A_107 = tpu.memref_slice %arg20[%add3A_11] : memref<100096xf32, #tpu.memory_space<vmem_shared>> -> memref<2000xf32, #tpu.memory_space<vmem_shared>>
      %dma_wait3A_108 = tpu.memref_slice %arg20[%add3A_11] : memref<100096xf32, #tpu.memory_space<vmem_shared>> -> memref<2000xf32, #tpu.memory_space<vmem_shared>>
      %dma_wait3A_109 = arith.constant 0 : i32
      %dma_wait3A_110 = tpu.memref_slice %arg15[%dma_wait3A_109] : memref<2000xf32, #tpu.memory_space<vmem>> -> memref<2000xf32, #tpu.memory_space<vmem>>
      tpu.wait_dma2 semaphore(%run_scoped3A : memref<!tpu.dma_semaphore, #tpu.memory_space<semaphore_mem>>) src(%dma_wait3A_110 : memref<2000xf32, #tpu.memory_space<vmem>>) dst(%dma_wait3A_108 : memref<2000xf32, #tpu.memory_space<vmem_shared>>)
      tpu.yield
    }) : () -> ()
    %mul3A_12 = arith.constant 6256 : i32
    %mul3A_13 = arith.muli %arg1, %mul3A_12 : i32
    %add3A_14 = arith.constant 2000 : i32
    %add3A_15 = arith.addi %mul3A_13, %add3A_14 : i32
    "tpu.region"() ({
      %run_scoped3A = tpu.sem_alloc : memref<!tpu.dma_semaphore, #tpu.memory_space<semaphore_mem>>
      %dma_start3A_99 = arith.constant 0 : i32
      %dma_start3A_100 = tpu.memref_slice %arg15[%dma_start3A_99] : memref<2000xf32, #tpu.memory_space<vmem>> -> memref<2000xf32, #tpu.memory_space<vmem>>
      %dma_start3A_101 = tpu.memref_slice %arg20[%add3A_15] : memref<100096xf32, #tpu.memory_space<vmem_shared>> -> memref<2000xf32, #tpu.memory_space<vmem_shared>>
      %dma_start3A_102 = tpu.memref_slice %arg20[%add3A_15] : memref<100096xf32, #tpu.memory_space<vmem_shared>> -> memref<2000xf32, #tpu.memory_space<vmem_shared>>
      %dma_start3A_103 = arith.constant 0 : i32
      %dma_start3A_104 = tpu.memref_slice %arg15[%dma_start3A_103] : memref<2000xf32, #tpu.memory_space<vmem>> -> memref<2000xf32, #tpu.memory_space<vmem>>
      tpu.enqueue_dma source(%dma_start3A_104 : memref<2000xf32, #tpu.memory_space<vmem>>) target(%dma_start3A_102 : memref<2000xf32, #tpu.memory_space<vmem_shared>>) target_semaphore(%run_scoped3A : memref<!tpu.dma_semaphore, #tpu.memory_space<semaphore_mem>>)
      %dma_wait3A_105 = arith.constant 0 : i32
      %dma_wait3A_106 = tpu.memref_slice %arg15[%dma_wait3A_105] : memref<2000xf32, #tpu.memory_space<vmem>> -> memref<2000xf32, #tpu.memory_space<vmem>>
      %dma_wait3A_107 = tpu.memref_slice %arg20[%add3A_15] : memref<100096xf32, #tpu.memory_space<vmem_shared>> -> memref<2000xf32, #tpu.memory_space<vmem_shared>>
      %dma_wait3A_108 = tpu.memref_slice %arg20[%add3A_15] : memref<100096xf32, #tpu.memory_space<vmem_shared>> -> memref<2000xf32, #tpu.memory_space<vmem_shared>>
      %dma_wait3A_109 = arith.constant 0 : i32
      %dma_wait3A_110 = tpu.memref_slice %arg15[%dma_wait3A_109] : memref<2000xf32, #tpu.memory_space<vmem>> -> memref<2000xf32, #tpu.memory_space<vmem>>
      tpu.wait_dma2 semaphore(%run_scoped3A : memref<!tpu.dma_semaphore, #tpu.memory_space<semaphore_mem>>) src(%dma_wait3A_110 : memref<2000xf32, #tpu.memory_space<vmem>>) dst(%dma_wait3A_108 : memref<2000xf32, #tpu.memory_space<vmem_shared>>)
      tpu.yield
    }) : () -> ()
    %mul3A_16 = arith.constant 6256 : i32
    %mul3A_17 = arith.muli %arg1, %mul3A_16 : i32
    %add3A_18 = arith.constant 4000 : i32
    %add3A_19 = arith.addi %mul3A_17, %add3A_18 : i32
    "tpu.region"() ({
      %run_scoped3A = tpu.sem_alloc : memref<!tpu.dma_semaphore, #tpu.memory_space<semaphore_mem>>
      %dma_start3A_99 = arith.constant 0 : i32
      %dma_start3A_100 = tpu.memref_slice %arg15[%dma_start3A_99] : memref<2000xf32, #tpu.memory_space<vmem>> -> memref<2000xf32, #tpu.memory_space<vmem>>
      %dma_start3A_101 = tpu.memref_slice %arg20[%add3A_19] : memref<100096xf32, #tpu.memory_space<vmem_shared>> -> memref<2000xf32, #tpu.memory_space<vmem_shared>>
      %dma_start3A_102 = tpu.memref_slice %arg20[%add3A_19] : memref<100096xf32, #tpu.memory_space<vmem_shared>> -> memref<2000xf32, #tpu.memory_space<vmem_shared>>
      %dma_start3A_103 = arith.constant 0 : i32
      %dma_start3A_104 = tpu.memref_slice %arg15[%dma_start3A_103] : memref<2000xf32, #tpu.memory_space<vmem>> -> memref<2000xf32, #tpu.memory_space<vmem>>
      tpu.enqueue_dma source(%dma_start3A_104 : memref<2000xf32, #tpu.memory_space<vmem>>) target(%dma_start3A_102 : memref<2000xf32, #tpu.memory_space<vmem_shared>>) target_semaphore(%run_scoped3A : memref<!tpu.dma_semaphore, #tpu.memory_space<semaphore_mem>>)
      %dma_wait3A_105 = arith.constant 0 : i32
      %dma_wait3A_106 = tpu.memref_slice %arg15[%dma_wait3A_105] : memref<2000xf32, #tpu.memory_space<vmem>> -> memref<2000xf32, #tpu.memory_space<vmem>>
      %dma_wait3A_107 = tpu.memref_slice %arg20[%add3A_19] : memref<100096xf32, #tpu.memory_space<vmem_shared>> -> memref<2000xf32, #tpu.memory_space<vmem_shared>>
      %dma_wait3A_108 = tpu.memref_slice %arg20[%add3A_19] : memref<100096xf32, #tpu.memory_space<vmem_shared>> -> memref<2000xf32, #tpu.memory_space<vmem_shared>>
      %dma_wait3A_109 = arith.constant 0 : i32
      %dma_wait3A_110 = tpu.memref_slice %arg15[%dma_wait3A_109] : memref<2000xf32, #tpu.memory_space<vmem>> -> memref<2000xf32, #tpu.memory_space<vmem>>
      tpu.wait_dma2 semaphore(%run_scoped3A : memref<!tpu.dma_semaphore, #tpu.memory_space<semaphore_mem>>) src(%dma_wait3A_110 : memref<2000xf32, #tpu.memory_space<vmem>>) dst(%dma_wait3A_108 : memref<2000xf32, #tpu.memory_space<vmem_shared>>)
      tpu.yield
    }) : () -> ()
    %mul3A_20 = arith.constant 6256 : i32
    %mul3A_21 = arith.muli %arg1, %mul3A_20 : i32
    %add3A_22 = arith.constant 6000 : i32
    %add3A_23 = arith.addi %mul3A_21, %add3A_22 : i32
    "tpu.region"() ({
      %run_scoped3A = tpu.sem_alloc : memref<!tpu.dma_semaphore, #tpu.memory_space<semaphore_mem>>
      %dma_start3A_99 = arith.constant 0 : i32
      %dma_start3A_100 = tpu.memref_slice %arg15[%dma_start3A_99] : memref<2000xf32, #tpu.memory_space<vmem>> -> memref<256xf32, #tpu.memory_space<vmem>>
      %dma_start3A_101 = tpu.memref_slice %arg20[%add3A_23] : memref<100096xf32, #tpu.memory_space<vmem_shared>> -> memref<256xf32, #tpu.memory_space<vmem_shared>>
      %dma_start3A_102 = tpu.memref_slice %arg20[%add3A_23] : memref<100096xf32, #tpu.memory_space<vmem_shared>> -> memref<256xf32, #tpu.memory_space<vmem_shared>>
      %dma_start3A_103 = arith.constant 0 : i32
      %dma_start3A_104 = tpu.memref_slice %arg15[%dma_start3A_103] : memref<2000xf32, #tpu.memory_space<vmem>> -> memref<256xf32, #tpu.memory_space<vmem>>
      tpu.enqueue_dma source(%dma_start3A_104 : memref<256xf32, #tpu.memory_space<vmem>>) target(%dma_start3A_102 : memref<256xf32, #tpu.memory_space<vmem_shared>>) target_semaphore(%run_scoped3A : memref<!tpu.dma_semaphore, #tpu.memory_space<semaphore_mem>>)
      %dma_wait3A_105 = arith.constant 0 : i32
      %dma_wait3A_106 = tpu.memref_slice %arg15[%dma_wait3A_105] : memref<2000xf32, #tpu.memory_space<vmem>> -> memref<256xf32, #tpu.memory_space<vmem>>
      %dma_wait3A_107 = tpu.memref_slice %arg20[%add3A_23] : memref<100096xf32, #tpu.memory_space<vmem_shared>> -> memref<256xf32, #tpu.memory_space<vmem_shared>>
      %dma_wait3A_108 = tpu.memref_slice %arg20[%add3A_23] : memref<100096xf32, #tpu.memory_space<vmem_shared>> -> memref<256xf32, #tpu.memory_space<vmem_shared>>
      %dma_wait3A_109 = arith.constant 0 : i32
      %dma_wait3A_110 = tpu.memref_slice %arg15[%dma_wait3A_109] : memref<2000xf32, #tpu.memory_space<vmem>> -> memref<256xf32, #tpu.memory_space<vmem>>
      tpu.wait_dma2 semaphore(%run_scoped3A : memref<!tpu.dma_semaphore, #tpu.memory_space<semaphore_mem>>) src(%dma_wait3A_110 : memref<256xf32, #tpu.memory_space<vmem>>) dst(%dma_wait3A_108 : memref<256xf32, #tpu.memory_space<vmem_shared>>)
      tpu.yield
    }) : () -> ()
    %barrier3A = arith.constant 0 : index
    tpu.barrier barrier_id(%barrier3A)
    %add3A_24 = arith.constant 0 : i32
    %add3A_25 = arith.addi %mul3A_2, %add3A_24 : i32
    %dma_start3A = tpu.memref_slice %arg2[%add3A_25] : memref<6400000xi32, #tpu.memory_space<hbm>> -> memref<2000xi32, #tpu.memory_space<hbm>>
    %dma_start3A_26 = tpu.memref_slice %arg2[%add3A_25] : memref<6400000xi32, #tpu.memory_space<hbm>> -> memref<2000xi32, #tpu.memory_space<hbm>>
    tpu.enqueue_dma source(%dma_start3A_26 : memref<2000xi32, #tpu.memory_space<hbm>>) target(%arg7 : memref<2000xi32, #tpu.memory_space<vmem>>) target_semaphore(%arg21 : memref<!tpu.dma_semaphore, #tpu.memory_space<semaphore_mem>>)
    %dma_start3A_27 = tpu.memref_slice %arg3[%add3A_25] : memref<6400000xi32, #tpu.memory_space<hbm>> -> memref<2000xi32, #tpu.memory_space<hbm>>
    %dma_start3A_28 = tpu.memref_slice %arg3[%add3A_25] : memref<6400000xi32, #tpu.memory_space<hbm>> -> memref<2000xi32, #tpu.memory_space<hbm>>
    tpu.enqueue_dma source(%dma_start3A_28 : memref<2000xi32, #tpu.memory_space<hbm>>) target(%arg11 : memref<2000xi32, #tpu.memory_space<vmem>>) target_semaphore(%arg21 : memref<!tpu.dma_semaphore, #tpu.memory_space<semaphore_mem>>)
    %add3A_29 = arith.constant 2000 : i32
    %add3A_30 = arith.addi %mul3A_2, %add3A_29 : i32
    %dma_start3A_31 = tpu.memref_slice %arg2[%add3A_30] : memref<6400000xi32, #tpu.memory_space<hbm>> -> memref<2000xi32, #tpu.memory_space<hbm>>
    %dma_start3A_32 = tpu.memref_slice %arg2[%add3A_30] : memref<6400000xi32, #tpu.memory_space<hbm>> -> memref<2000xi32, #tpu.memory_space<hbm>>
    tpu.enqueue_dma source(%dma_start3A_32 : memref<2000xi32, #tpu.memory_space<hbm>>) target(%arg8 : memref<2000xi32, #tpu.memory_space<vmem>>) target_semaphore(%arg22 : memref<!tpu.dma_semaphore, #tpu.memory_space<semaphore_mem>>)
    %dma_start3A_33 = tpu.memref_slice %arg3[%add3A_30] : memref<6400000xi32, #tpu.memory_space<hbm>> -> memref<2000xi32, #tpu.memory_space<hbm>>
    %dma_start3A_34 = tpu.memref_slice %arg3[%add3A_30] : memref<6400000xi32, #tpu.memory_space<hbm>> -> memref<2000xi32, #tpu.memory_space<hbm>>
    tpu.enqueue_dma source(%dma_start3A_34 : memref<2000xi32, #tpu.memory_space<hbm>>) target(%arg12 : memref<2000xi32, #tpu.memory_space<vmem>>) target_semaphore(%arg22 : memref<!tpu.dma_semaphore, #tpu.memory_space<semaphore_mem>>)
    %scan3A_35 = arith.constant 0 : i32
    %scan3A_36 = arith.constant 25 : i32
    %scan3A_37 = arith.addi %scan3A_35, %scan3A_36 : i32
    %scan3A_38 = arith.constant 1 : i32
    scf.for %scan3A_99 = %scan3A_35 to %scan3A_37 step %scan3A_38  : i32 {
      %mul3A_100 = arith.constant 1 : i32
      %mul3A_101 = arith.muli %scan3A_99, %mul3A_100 : i32
      %add3A_102 = arith.constant 0 : i32
      %add3A_103 = arith.addi %add3A_102, %mul3A_101 : i32
      %dma_wait3A_104 = arith.constant 0 : i32
      %dma_wait3A_105 = tpu.memref_slice %arg2[%dma_wait3A_104] : memref<6400000xi32, #tpu.memory_space<hbm>> -> memref<2000xi32, #tpu.memory_space<hbm>>
      %dma_wait3A_106 = arith.constant 0 : i32
      %dma_wait3A_107 = tpu.memref_slice %arg2[%dma_wait3A_106] : memref<6400000xi32, #tpu.memory_space<hbm>> -> memref<2000xi32, #tpu.memory_space<hbm>>
      tpu.wait_dma2 semaphore(%arg21 : memref<!tpu.dma_semaphore, #tpu.memory_space<semaphore_mem>>) src(%dma_wait3A_107 : memref<2000xi32, #tpu.memory_space<hbm>>) dst(%arg7 : memref<2000xi32, #tpu.memory_space<vmem>>)
      %dma_wait3A_108 = arith.constant 0 : i32
      %dma_wait3A_109 = tpu.memref_slice %arg3[%dma_wait3A_108] : memref<6400000xi32, #tpu.memory_space<hbm>> -> memref<2000xi32, #tpu.memory_space<hbm>>
      %dma_wait3A_110 = arith.constant 0 : i32
      %dma_wait3A_111 = tpu.memref_slice %arg3[%dma_wait3A_110] : memref<6400000xi32, #tpu.memory_space<hbm>> -> memref<2000xi32, #tpu.memory_space<hbm>>
      tpu.wait_dma2 semaphore(%arg21 : memref<!tpu.dma_semaphore, #tpu.memory_space<semaphore_mem>>) src(%dma_wait3A_111 : memref<2000xi32, #tpu.memory_space<hbm>>) dst(%arg11 : memref<2000xi32, #tpu.memory_space<vmem>>)
      %gt3A = arith.constant 0 : i32
      %gt3A_112 = arith.cmpi sgt, %add3A_103, %gt3A : i32
      %convert_element_type3A_113 = arith.extui %gt3A_112 : i1 to i32
      %cond3A_114 = arith.constant 0 : i32
      %cond3A_115 = arith.cmpi ne, %convert_element_type3A_113, %cond3A_114 : i32
      scf.if %cond3A_115 {
        %dma_wait3A_212 = arith.constant 0 : i32
        %dma_wait3A_213 = tpu.memref_slice %arg20[%dma_wait3A_212] : memref<100096xf32, #tpu.memory_space<vmem_shared>> -> memref<100096xf32, #tpu.memory_space<vmem_shared>>
        tpu.wait_indirect_dma semaphore(%arg27 : memref<!tpu.dma_semaphore, #tpu.memory_space<semaphore_mem>>) src(%arg17 : memref<2000xf32, #tpu.memory_space<vmem>>) dst(%dma_wait3A_213 : memref<100096xf32, #tpu.memory_space<vmem_shared>>)
      } else {
      }
      %mul3A_116 = arith.constant 4 : i32
      %mul3A_117 = arith.muli %mul3A_116, %add3A_103 : i32
      %add3A_118 = arith.constant 0 : i32
      %add3A_119 = arith.addi %mul3A_117, %add3A_118 : i32
      %add3A_120 = arith.constant 2 : i32
      %add3A_121 = arith.addi %add3A_119, %add3A_120 : i32
      %mul3A_122 = arith.constant 2000 : i32
      %mul3A_123 = arith.muli %add3A_121, %mul3A_122 : i32
      %add3A_124 = arith.addi %mul3A_2, %mul3A_123 : i32
      %dma_start3A_125 = tpu.memref_slice %arg2[%add3A_124] : memref<6400000xi32, #tpu.memory_space<hbm>> -> memref<2000xi32, #tpu.memory_space<hbm>>
      %dma_start3A_126 = tpu.memref_slice %arg2[%add3A_124] : memref<6400000xi32, #tpu.memory_space<hbm>> -> memref<2000xi32, #tpu.memory_space<hbm>>
      tpu.enqueue_dma source(%dma_start3A_126 : memref<2000xi32, #tpu.memory_space<hbm>>) target(%arg9 : memref<2000xi32, #tpu.memory_space<vmem>>) target_semaphore(%arg23 : memref<!tpu.dma_semaphore, #tpu.memory_space<semaphore_mem>>)
      %dma_start3A_127 = tpu.memref_slice %arg3[%add3A_124] : memref<6400000xi32, #tpu.memory_space<hbm>> -> memref<2000xi32, #tpu.memory_space<hbm>>
      %dma_start3A_128 = tpu.memref_slice %arg3[%add3A_124] : memref<6400000xi32, #tpu.memory_space<hbm>> -> memref<2000xi32, #tpu.memory_space<hbm>>
      tpu.enqueue_dma source(%dma_start3A_128 : memref<2000xi32, #tpu.memory_space<hbm>>) target(%arg13 : memref<2000xi32, #tpu.memory_space<vmem>>) target_semaphore(%arg23 : memref<!tpu.dma_semaphore, #tpu.memory_space<semaphore_mem>>)
      %scan3A_129 = arith.constant 0 : i32
      %scan3A_130 = arith.constant 25 : i32
      %scan3A_131 = arith.addi %scan3A_129, %scan3A_130 : i32
      %scan3A_132 = arith.constant 1 : i32
      scf.for %scan3A_212 = %scan3A_129 to %scan3A_131 step %scan3A_132  : i32 {
        %mul3A_213 = arith.constant 1 : i32
        %mul3A_214 = arith.muli %scan3A_212, %mul3A_213 : i32
        %add3A_215 = arith.constant 0 : i32
        %add3A_216 = arith.addi %add3A_215, %mul3A_214 : i32
        %mul3A_217 = arith.constant 80 : i32
        %mul3A_218 = arith.muli %add3A_216, %mul3A_217 : i32
        %add3A_219 = arith.constant 0 : i32
        %add3A_220 = arith.addi %mul3A_218, %add3A_219 : i32
        %get3A = arith.index_cast %add3A_220 : i32 to index
        %get3A_221 = tpu.vector_load %arg7[%get3A] {strides = array<i32>} : memref<2000xi32, #tpu.memory_space<vmem>>, vector<16xi32>,
        %add3A_222 = arith.constant 16 : i32
        %add3A_223 = arith.addi %mul3A_218, %add3A_222 : i32
        %get3A_224 = arith.index_cast %add3A_223 : i32 to index
        %get3A_225 = tpu.vector_load %arg7[%get3A_224] {strides = array<i32>} : memref<2000xi32, #tpu.memory_space<vmem>>, vector<16xi32>,
        %add3A_226 = arith.constant 32 : i32
        %add3A_227 = arith.addi %mul3A_218, %add3A_226 : i32
        %get3A_228 = arith.index_cast %add3A_227 : i32 to index
        %get3A_229 = tpu.vector_load %arg7[%get3A_228] {strides = array<i32>} : memref<2000xi32, #tpu.memory_space<vmem>>, vector<16xi32>,
        %add3A_230 = arith.constant 48 : i32
        %add3A_231 = arith.addi %mul3A_218, %add3A_230 : i32
        %get3A_232 = arith.index_cast %add3A_231 : i32 to index
        %get3A_233 = tpu.vector_load %arg7[%get3A_232] {strides = array<i32>} : memref<2000xi32, #tpu.memory_space<vmem>>, vector<16xi32>,
        %add3A_234 = arith.constant 64 : i32
        %add3A_235 = arith.addi %mul3A_218, %add3A_234 : i32
        %get3A_236 = arith.index_cast %add3A_235 : i32 to index
        %get3A_237 = tpu.vector_load %arg7[%get3A_236] {strides = array<i32>} : memref<2000xi32, #tpu.memory_space<vmem>>, vector<16xi32>,
        %gather3A = tpu.vector_load_idx %arg19[%get3A_221] : memref<100096xf32, #tpu.memory_space<vmem>>[vector<16xi32>], vector<16xf32>,
        %gather3A_238 = tpu.vector_load_idx %arg19[%get3A_225] : memref<100096xf32, #tpu.memory_space<vmem>>[vector<16xi32>], vector<16xf32>,
        %gather3A_239 = tpu.vector_load_idx %arg19[%get3A_229] : memref<100096xf32, #tpu.memory_space<vmem>>[vector<16xi32>], vector<16xf32>,
        %gather3A_240 = tpu.vector_load_idx %arg19[%get3A_233] : memref<100096xf32, #tpu.memory_space<vmem>>[vector<16xi32>], vector<16xf32>,
        %gather3A_241 = tpu.vector_load_idx %arg19[%get3A_237] : memref<100096xf32, #tpu.memory_space<vmem>>[vector<16xi32>], vector<16xf32>,
        %add3A_242 = arith.constant 0 : i32
        %add3A_243 = arith.addi %mul3A_218, %add3A_242 : i32
        %swap3A = arith.index_cast %add3A_243 : i32 to index
        %swap3A_244 = tpu.vector_load %arg15[%swap3A] {strides = array<i32>} : memref<2000xf32, #tpu.memory_space<vmem>>, vector<16xf32>,
        tpu.vector_store %arg15[%swap3A], %gather3A {strides = array<i32>} : memref<2000xf32, #tpu.memory_space<vmem>>, vector<16xf32>,
        %add3A_245 = arith.constant 16 : i32
        %add3A_246 = arith.addi %mul3A_218, %add3A_245 : i32
        %swap3A_247 = arith.index_cast %add3A_246 : i32 to index
        %swap3A_248 = tpu.vector_load %arg15[%swap3A_247] {strides = array<i32>} : memref<2000xf32, #tpu.memory_space<vmem>>, vector<16xf32>,
        tpu.vector_store %arg15[%swap3A_247], %gather3A_238 {strides = array<i32>} : memref<2000xf32, #tpu.memory_space<vmem>>, vector<16xf32>,
        %add3A_249 = arith.constant 32 : i32
        %add3A_250 = arith.addi %mul3A_218, %add3A_249 : i32
        %swap3A_251 = arith.index_cast %add3A_250 : i32 to index
        %swap3A_252 = tpu.vector_load %arg15[%swap3A_251] {strides = array<i32>} : memref<2000xf32, #tpu.memory_space<vmem>>, vector<16xf32>,
        tpu.vector_store %arg15[%swap3A_251], %gather3A_239 {strides = array<i32>} : memref<2000xf32, #tpu.memory_space<vmem>>, vector<16xf32>,
        %add3A_253 = arith.constant 48 : i32
        %add3A_254 = arith.addi %mul3A_218, %add3A_253 : i32
        %swap3A_255 = arith.index_cast %add3A_254 : i32 to index
        %swap3A_256 = tpu.vector_load %arg15[%swap3A_255] {strides = array<i32>} : memref<2000xf32, #tpu.memory_space<vmem>>, vector<16xf32>,
        tpu.vector_store %arg15[%swap3A_255], %gather3A_240 {strides = array<i32>} : memref<2000xf32, #tpu.memory_space<vmem>>, vector<16xf32>,
        %add3A_257 = arith.constant 64 : i32
        %add3A_258 = arith.addi %mul3A_218, %add3A_257 : i32
        %swap3A_259 = arith.index_cast %add3A_258 : i32 to index
        %swap3A_260 = tpu.vector_load %arg15[%swap3A_259] {strides = array<i32>} : memref<2000xf32, #tpu.memory_space<vmem>>, vector<16xf32>,
        tpu.vector_store %arg15[%swap3A_259], %gather3A_241 {strides = array<i32>} : memref<2000xf32, #tpu.memory_space<vmem>>, vector<16xf32>,
      }
      %scan3A_133 = arith.constant 25 : i32
      %dma_start3A_134 = arith.constant 0 : i32
      %dma_start3A_135 = tpu.memref_slice %arg20[%dma_start3A_134] : memref<100096xf32, #tpu.memory_space<vmem_shared>> -> memref<100096xf32, #tpu.memory_space<vmem_shared>>
      tpu.enqueue_indirect_dma source(%arg15 : memref<2000xf32, #tpu.memory_space<vmem>>) target(%dma_start3A_135 : memref<100096xf32, #tpu.memory_space<vmem_shared>>) offsets(%arg11 : memref<2000xi32, #tpu.memory_space<vmem>>) semaphore(%arg25 : memref<!tpu.dma_semaphore, #tpu.memory_space<semaphore_mem>>) {add = true}
      %dma_wait3A_136 = arith.constant 0 : i32
      %dma_wait3A_137 = tpu.memref_slice %arg2[%dma_wait3A_136] : memref<6400000xi32, #tpu.memory_space<hbm>> -> memref<2000xi32, #tpu.memory_space<hbm>>
      %dma_wait3A_138 = arith.constant 0 : i32
      %dma_wait3A_139 = tpu.memref_slice %arg2[%dma_wait3A_138] : memref<6400000xi32, #tpu.memory_space<hbm>> -> memref<2000xi32, #tpu.memory_space<hbm>>
      tpu.wait_dma2 semaphore(%arg22 : memref<!tpu.dma_semaphore, #tpu.memory_space<semaphore_mem>>) src(%dma_wait3A_139 : memref<2000xi32, #tpu.memory_space<hbm>>) dst(%arg8 : memref<2000xi32, #tpu.memory_space<vmem>>)
      %dma_wait3A_140 = arith.constant 0 : i32
      %dma_wait3A_141 = tpu.memref_slice %arg3[%dma_wait3A_140] : memref<6400000xi32, #tpu.memory_space<hbm>> -> memref<2000xi32, #tpu.memory_space<hbm>>
      %dma_wait3A_142 = arith.constant 0 : i32
      %dma_wait3A_143 = tpu.memref_slice %arg3[%dma_wait3A_142] : memref<6400000xi32, #tpu.memory_space<hbm>> -> memref<2000xi32, #tpu.memory_space<hbm>>
      tpu.wait_dma2 semaphore(%arg22 : memref<!tpu.dma_semaphore, #tpu.memory_space<semaphore_mem>>) src(%dma_wait3A_143 : memref<2000xi32, #tpu.memory_space<hbm>>) dst(%arg12 : memref<2000xi32, #tpu.memory_space<vmem>>)
      %gt3A_144 = arith.constant 0 : i32
      %gt3A_145 = arith.cmpi sgt, %add3A_103, %gt3A_144 : i32
      %convert_element_type3A_146 = arith.extui %gt3A_145 : i1 to i32
      %cond3A_147 = arith.constant 0 : i32
      %cond3A_148 = arith.cmpi ne, %convert_element_type3A_146, %cond3A_147 : i32
      scf.if %cond3A_148 {
        %dma_wait3A_212 = arith.constant 0 : i32
        %dma_wait3A_213 = tpu.memref_slice %arg20[%dma_wait3A_212] : memref<100096xf32, #tpu.memory_space<vmem_shared>> -> memref<100096xf32, #tpu.memory_space<vmem_shared>>
        tpu.wait_indirect_dma semaphore(%arg28 : memref<!tpu.dma_semaphore, #tpu.memory_space<semaphore_mem>>) src(%arg18 : memref<2000xf32, #tpu.memory_space<vmem>>) dst(%dma_wait3A_213 : memref<100096xf32, #tpu.memory_space<vmem_shared>>)
      } else {
      }
      %mul3A_149 = arith.constant 4 : i32
      %mul3A_150 = arith.muli %mul3A_149, %add3A_103 : i32
      %add3A_151 = arith.constant 1 : i32
      %add3A_152 = arith.addi %mul3A_150, %add3A_151 : i32
      %add3A_153 = arith.constant 2 : i32
      %add3A_154 = arith.addi %add3A_152, %add3A_153 : i32
      %mul3A_155 = arith.constant 2000 : i32
      %mul3A_156 = arith.muli %add3A_154, %mul3A_155 : i32
      %add3A_157 = arith.addi %mul3A_2, %mul3A_156 : i32
      %dma_start3A_158 = tpu.memref_slice %arg2[%add3A_157] : memref<6400000xi32, #tpu.memory_space<hbm>> -> memref<2000xi32, #tpu.memory_space<hbm>>
      %dma_start3A_159 = tpu.memref_slice %arg2[%add3A_157] : memref<6400000xi32, #tpu.memory_space<hbm>> -> memref<2000xi32, #tpu.memory_space<hbm>>
      tpu.enqueue_dma source(%dma_start3A_159 : memref<2000xi32, #tpu.memory_space<hbm>>) target(%arg10 : memref<2000xi32, #tpu.memory_space<vmem>>) target_semaphore(%arg24 : memref<!tpu.dma_semaphore, #tpu.memory_space<semaphore_mem>>)
      %dma_start3A_160 = tpu.memref_slice %arg3[%add3A_157] : memref<6400000xi32, #tpu.memory_space<hbm>> -> memref<2000xi32, #tpu.memory_space<hbm>>
      %dma_start3A_161 = tpu.memref_slice %arg3[%add3A_157] : memref<6400000xi32, #tpu.memory_space<hbm>> -> memref<2000xi32, #tpu.memory_space<hbm>>
      tpu.enqueue_dma source(%dma_start3A_161 : memref<2000xi32, #tpu.memory_space<hbm>>) target(%arg14 : memref<2000xi32, #tpu.memory_space<vmem>>) target_semaphore(%arg24 : memref<!tpu.dma_semaphore, #tpu.memory_space<semaphore_mem>>)
      %scan3A_162 = arith.constant 0 : i32
      %scan3A_163 = arith.constant 25 : i32
      %scan3A_164 = arith.addi %scan3A_162, %scan3A_163 : i32
      %scan3A_165 = arith.constant 1 : i32
      scf.for %scan3A_212 = %scan3A_162 to %scan3A_164 step %scan3A_165  : i32 {
        %mul3A_213 = arith.constant 1 : i32
        %mul3A_214 = arith.muli %scan3A_212, %mul3A_213 : i32
        %add3A_215 = arith.constant 0 : i32
        %add3A_216 = arith.addi %add3A_215, %mul3A_214 : i32
        %mul3A_217 = arith.constant 80 : i32
        %mul3A_218 = arith.muli %add3A_216, %mul3A_217 : i32
        %add3A_219 = arith.constant 0 : i32
        %add3A_220 = arith.addi %mul3A_218, %add3A_219 : i32
        %get3A = arith.index_cast %add3A_220 : i32 to index
        %get3A_221 = tpu.vector_load %arg8[%get3A] {strides = array<i32>} : memref<2000xi32, #tpu.memory_space<vmem>>, vector<16xi32>,
        %add3A_222 = arith.constant 16 : i32
        %add3A_223 = arith.addi %mul3A_218, %add3A_222 : i32
        %get3A_224 = arith.index_cast %add3A_223 : i32 to index
        %get3A_225 = tpu.vector_load %arg8[%get3A_224] {strides = array<i32>} : memref<2000xi32, #tpu.memory_space<vmem>>, vector<16xi32>,
        %add3A_226 = arith.constant 32 : i32
        %add3A_227 = arith.addi %mul3A_218, %add3A_226 : i32
        %get3A_228 = arith.index_cast %add3A_227 : i32 to index
        %get3A_229 = tpu.vector_load %arg8[%get3A_228] {strides = array<i32>} : memref<2000xi32, #tpu.memory_space<vmem>>, vector<16xi32>,
        %add3A_230 = arith.constant 48 : i32
        %add3A_231 = arith.addi %mul3A_218, %add3A_230 : i32
        %get3A_232 = arith.index_cast %add3A_231 : i32 to index
        %get3A_233 = tpu.vector_load %arg8[%get3A_232] {strides = array<i32>} : memref<2000xi32, #tpu.memory_space<vmem>>, vector<16xi32>,
        %add3A_234 = arith.constant 64 : i32
        %add3A_235 = arith.addi %mul3A_218, %add3A_234 : i32
        %get3A_236 = arith.index_cast %add3A_235 : i32 to index
        %get3A_237 = tpu.vector_load %arg8[%get3A_236] {strides = array<i32>} : memref<2000xi32, #tpu.memory_space<vmem>>, vector<16xi32>,
        %gather3A = tpu.vector_load_idx %arg19[%get3A_221] : memref<100096xf32, #tpu.memory_space<vmem>>[vector<16xi32>], vector<16xf32>,
        %gather3A_238 = tpu.vector_load_idx %arg19[%get3A_225] : memref<100096xf32, #tpu.memory_space<vmem>>[vector<16xi32>], vector<16xf32>,
        %gather3A_239 = tpu.vector_load_idx %arg19[%get3A_229] : memref<100096xf32, #tpu.memory_space<vmem>>[vector<16xi32>], vector<16xf32>,
        %gather3A_240 = tpu.vector_load_idx %arg19[%get3A_233] : memref<100096xf32, #tpu.memory_space<vmem>>[vector<16xi32>], vector<16xf32>,
        %gather3A_241 = tpu.vector_load_idx %arg19[%get3A_237] : memref<100096xf32, #tpu.memory_space<vmem>>[vector<16xi32>], vector<16xf32>,
        %add3A_242 = arith.constant 0 : i32
        %add3A_243 = arith.addi %mul3A_218, %add3A_242 : i32
        %swap3A = arith.index_cast %add3A_243 : i32 to index
        %swap3A_244 = tpu.vector_load %arg16[%swap3A] {strides = array<i32>} : memref<2000xf32, #tpu.memory_space<vmem>>, vector<16xf32>,
        tpu.vector_store %arg16[%swap3A], %gather3A {strides = array<i32>} : memref<2000xf32, #tpu.memory_space<vmem>>, vector<16xf32>,
        %add3A_245 = arith.constant 16 : i32
        %add3A_246 = arith.addi %mul3A_218, %add3A_245 : i32
        %swap3A_247 = arith.index_cast %add3A_246 : i32 to index
        %swap3A_248 = tpu.vector_load %arg16[%swap3A_247] {strides = array<i32>} : memref<2000xf32, #tpu.memory_space<vmem>>, vector<16xf32>,
        tpu.vector_store %arg16[%swap3A_247], %gather3A_238 {strides = array<i32>} : memref<2000xf32, #tpu.memory_space<vmem>>, vector<16xf32>,
        %add3A_249 = arith.constant 32 : i32
        %add3A_250 = arith.addi %mul3A_218, %add3A_249 : i32
        %swap3A_251 = arith.index_cast %add3A_250 : i32 to index
        %swap3A_252 = tpu.vector_load %arg16[%swap3A_251] {strides = array<i32>} : memref<2000xf32, #tpu.memory_space<vmem>>, vector<16xf32>,
        tpu.vector_store %arg16[%swap3A_251], %gather3A_239 {strides = array<i32>} : memref<2000xf32, #tpu.memory_space<vmem>>, vector<16xf32>,
        %add3A_253 = arith.constant 48 : i32
        %add3A_254 = arith.addi %mul3A_218, %add3A_253 : i32
        %swap3A_255 = arith.index_cast %add3A_254 : i32 to index
        %swap3A_256 = tpu.vector_load %arg16[%swap3A_255] {strides = array<i32>} : memref<2000xf32, #tpu.memory_space<vmem>>, vector<16xf32>,
        tpu.vector_store %arg16[%swap3A_255], %gather3A_240 {strides = array<i32>} : memref<2000xf32, #tpu.memory_space<vmem>>, vector<16xf32>,
        %add3A_257 = arith.constant 64 : i32
        %add3A_258 = arith.addi %mul3A_218, %add3A_257 : i32
        %swap3A_259 = arith.index_cast %add3A_258 : i32 to index
        %swap3A_260 = tpu.vector_load %arg16[%swap3A_259] {strides = array<i32>} : memref<2000xf32, #tpu.memory_space<vmem>>, vector<16xf32>,
        tpu.vector_store %arg16[%swap3A_259], %gather3A_241 {strides = array<i32>} : memref<2000xf32, #tpu.memory_space<vmem>>, vector<16xf32>,
      }
      %scan3A_166 = arith.constant 25 : i32
      %dma_start3A_167 = arith.constant 0 : i32
      %dma_start3A_168 = tpu.memref_slice %arg20[%dma_start3A_167] : memref<100096xf32, #tpu.memory_space<vmem_shared>> -> memref<100096xf32, #tpu.memory_space<vmem_shared>>
      tpu.enqueue_indirect_dma source(%arg16 : memref<2000xf32, #tpu.memory_space<vmem>>) target(%dma_start3A_168 : memref<100096xf32, #tpu.memory_space<vmem_shared>>) offsets(%arg12 : memref<2000xi32, #tpu.memory_space<vmem>>) semaphore(%arg26 : memref<!tpu.dma_semaphore, #tpu.memory_space<semaphore_mem>>) {add = true}
      %dma_wait3A_169 = arith.constant 0 : i32
      %dma_wait3A_170 = tpu.memref_slice %arg2[%dma_wait3A_169] : memref<6400000xi32, #tpu.memory_space<hbm>> -> memref<2000xi32, #tpu.memory_space<hbm>>
      %dma_wait3A_171 = arith.constant 0 : i32
      %dma_wait3A_172 = tpu.memref_slice %arg2[%dma_wait3A_171] : memref<6400000xi32, #tpu.memory_space<hbm>> -> memref<2000xi32, #tpu.memory_space<hbm>>
      tpu.wait_dma2 semaphore(%arg23 : memref<!tpu.dma_semaphore, #tpu.memory_space<semaphore_mem>>) src(%dma_wait3A_172 : memref<2000xi32, #tpu.memory_space<hbm>>) dst(%arg9 : memref<2000xi32, #tpu.memory_space<vmem>>)
      %dma_wait3A_173 = arith.constant 0 : i32
      %dma_wait3A_174 = tpu.memref_slice %arg3[%dma_wait3A_173] : memref<6400000xi32, #tpu.memory_space<hbm>> -> memref<2000xi32, #tpu.memory_space<hbm>>
      %dma_wait3A_175 = arith.constant 0 : i32
      %dma_wait3A_176 = tpu.memref_slice %arg3[%dma_wait3A_175] : memref<6400000xi32, #tpu.memory_space<hbm>> -> memref<2000xi32, #tpu.memory_space<hbm>>
      tpu.wait_dma2 semaphore(%arg23 : memref<!tpu.dma_semaphore, #tpu.memory_space<semaphore_mem>>) src(%dma_wait3A_176 : memref<2000xi32, #tpu.memory_space<hbm>>) dst(%arg13 : memref<2000xi32, #tpu.memory_space<vmem>>)
      %dma_wait3A_177 = arith.constant 0 : i32
      %dma_wait3A_178 = tpu.memref_slice %arg20[%dma_wait3A_177] : memref<100096xf32, #tpu.memory_space<vmem_shared>> -> memref<100096xf32, #tpu.memory_space<vmem_shared>>
      tpu.wait_indirect_dma semaphore(%arg25 : memref<!tpu.dma_semaphore, #tpu.memory_space<semaphore_mem>>) src(%arg15 : memref<2000xf32, #tpu.memory_space<vmem>>) dst(%dma_wait3A_178 : memref<100096xf32, #tpu.memory_space<vmem_shared>>)
      %lt3A = arith.constant 24 : i32
      %lt3A_179 = arith.cmpi slt, %add3A_103, %lt3A : i32
      %convert_element_type3A_180 = arith.extui %lt3A_179 : i1 to i32
      %cond3A_181 = arith.constant 0 : i32
      %cond3A_182 = arith.cmpi ne, %convert_element_type3A_180, %cond3A_181 : i32
      scf.if %cond3A_182 {
        %mul3A_212 = arith.constant 4 : i32
        %mul3A_213 = arith.muli %mul3A_212, %add3A_103 : i32
        %add3A_214 = arith.constant 2 : i32
        %add3A_215 = arith.addi %mul3A_213, %add3A_214 : i32
        %add3A_216 = arith.constant 2 : i32
        %add3A_217 = arith.addi %add3A_215, %add3A_216 : i32
        %mul3A_218 = arith.constant 2000 : i32
        %mul3A_219 = arith.muli %add3A_217, %mul3A_218 : i32
        %add3A_220 = arith.addi %mul3A_2, %mul3A_219 : i32
        %dma_start3A_221 = tpu.memref_slice %arg2[%add3A_220] : memref<6400000xi32, #tpu.memory_space<hbm>> -> memref<2000xi32, #tpu.memory_space<hbm>>
        %dma_start3A_222 = tpu.memref_slice %arg2[%add3A_220] : memref<6400000xi32, #tpu.memory_space<hbm>> -> memref<2000xi32, #tpu.memory_space<hbm>>
        tpu.enqueue_dma source(%dma_start3A_222 : memref<2000xi32, #tpu.memory_space<hbm>>) target(%arg7 : memref<2000xi32, #tpu.memory_space<vmem>>) target_semaphore(%arg21 : memref<!tpu.dma_semaphore, #tpu.memory_space<semaphore_mem>>)
        %dma_start3A_223 = tpu.memref_slice %arg3[%add3A_220] : memref<6400000xi32, #tpu.memory_space<hbm>> -> memref<2000xi32, #tpu.memory_space<hbm>>
        %dma_start3A_224 = tpu.memref_slice %arg3[%add3A_220] : memref<6400000xi32, #tpu.memory_space<hbm>> -> memref<2000xi32, #tpu.memory_space<hbm>>
        tpu.enqueue_dma source(%dma_start3A_224 : memref<2000xi32, #tpu.memory_space<hbm>>) target(%arg11 : memref<2000xi32, #tpu.memory_space<vmem>>) target_semaphore(%arg21 : memref<!tpu.dma_semaphore, #tpu.memory_space<semaphore_mem>>)
      } else {
      }
      %scan3A_183 = arith.constant 0 : i32
      %scan3A_184 = arith.constant 25 : i32
      %scan3A_185 = arith.addi %scan3A_183, %scan3A_184 : i32
      %scan3A_186 = arith.constant 1 : i32
      scf.for %scan3A_212 = %scan3A_183 to %scan3A_185 step %scan3A_186  : i32 {
        %mul3A_213 = arith.constant 1 : i32
        %mul3A_214 = arith.muli %scan3A_212, %mul3A_213 : i32
        %add3A_215 = arith.constant 0 : i32
        %add3A_216 = arith.addi %add3A_215, %mul3A_214 : i32
        %mul3A_217 = arith.constant 80 : i32
        %mul3A_218 = arith.muli %add3A_216, %mul3A_217 : i32
        %add3A_219 = arith.constant 0 : i32
        %add3A_220 = arith.addi %mul3A_218, %add3A_219 : i32
        %get3A = arith.index_cast %add3A_220 : i32 to index
        %get3A_221 = tpu.vector_load %arg9[%get3A] {strides = array<i32>} : memref<2000xi32, #tpu.memory_space<vmem>>, vector<16xi32>,
        %add3A_222 = arith.constant 16 : i32
        %add3A_223 = arith.addi %mul3A_218, %add3A_222 : i32
        %get3A_224 = arith.index_cast %add3A_223 : i32 to index
        %get3A_225 = tpu.vector_load %arg9[%get3A_224] {strides = array<i32>} : memref<2000xi32, #tpu.memory_space<vmem>>, vector<16xi32>,
        %add3A_226 = arith.constant 32 : i32
        %add3A_227 = arith.addi %mul3A_218, %add3A_226 : i32
        %get3A_228 = arith.index_cast %add3A_227 : i32 to index
        %get3A_229 = tpu.vector_load %arg9[%get3A_228] {strides = array<i32>} : memref<2000xi32, #tpu.memory_space<vmem>>, vector<16xi32>,
        %add3A_230 = arith.constant 48 : i32
        %add3A_231 = arith.addi %mul3A_218, %add3A_230 : i32
        %get3A_232 = arith.index_cast %add3A_231 : i32 to index
        %get3A_233 = tpu.vector_load %arg9[%get3A_232] {strides = array<i32>} : memref<2000xi32, #tpu.memory_space<vmem>>, vector<16xi32>,
        %add3A_234 = arith.constant 64 : i32
        %add3A_235 = arith.addi %mul3A_218, %add3A_234 : i32
        %get3A_236 = arith.index_cast %add3A_235 : i32 to index
        %get3A_237 = tpu.vector_load %arg9[%get3A_236] {strides = array<i32>} : memref<2000xi32, #tpu.memory_space<vmem>>, vector<16xi32>,
        %gather3A = tpu.vector_load_idx %arg19[%get3A_221] : memref<100096xf32, #tpu.memory_space<vmem>>[vector<16xi32>], vector<16xf32>,
        %gather3A_238 = tpu.vector_load_idx %arg19[%get3A_225] : memref<100096xf32, #tpu.memory_space<vmem>>[vector<16xi32>], vector<16xf32>,
        %gather3A_239 = tpu.vector_load_idx %arg19[%get3A_229] : memref<100096xf32, #tpu.memory_space<vmem>>[vector<16xi32>], vector<16xf32>,
        %gather3A_240 = tpu.vector_load_idx %arg19[%get3A_233] : memref<100096xf32, #tpu.memory_space<vmem>>[vector<16xi32>], vector<16xf32>,
        %gather3A_241 = tpu.vector_load_idx %arg19[%get3A_237] : memref<100096xf32, #tpu.memory_space<vmem>>[vector<16xi32>], vector<16xf32>,
        %add3A_242 = arith.constant 0 : i32
        %add3A_243 = arith.addi %mul3A_218, %add3A_242 : i32
        %swap3A = arith.index_cast %add3A_243 : i32 to index
        %swap3A_244 = tpu.vector_load %arg17[%swap3A] {strides = array<i32>} : memref<2000xf32, #tpu.memory_space<vmem>>, vector<16xf32>,
        tpu.vector_store %arg17[%swap3A], %gather3A {strides = array<i32>} : memref<2000xf32, #tpu.memory_space<vmem>>, vector<16xf32>,
        %add3A_245 = arith.constant 16 : i32
        %add3A_246 = arith.addi %mul3A_218, %add3A_245 : i32
        %swap3A_247 = arith.index_cast %add3A_246 : i32 to index
        %swap3A_248 = tpu.vector_load %arg17[%swap3A_247] {strides = array<i32>} : memref<2000xf32, #tpu.memory_space<vmem>>, vector<16xf32>,
        tpu.vector_store %arg17[%swap3A_247], %gather3A_238 {strides = array<i32>} : memref<2000xf32, #tpu.memory_space<vmem>>, vector<16xf32>,
        %add3A_249 = arith.constant 32 : i32
        %add3A_250 = arith.addi %mul3A_218, %add3A_249 : i32
        %swap3A_251 = arith.index_cast %add3A_250 : i32 to index
        %swap3A_252 = tpu.vector_load %arg17[%swap3A_251] {strides = array<i32>} : memref<2000xf32, #tpu.memory_space<vmem>>, vector<16xf32>,
        tpu.vector_store %arg17[%swap3A_251], %gather3A_239 {strides = array<i32>} : memref<2000xf32, #tpu.memory_space<vmem>>, vector<16xf32>,
        %add3A_253 = arith.constant 48 : i32
        %add3A_254 = arith.addi %mul3A_218, %add3A_253 : i32
        %swap3A_255 = arith.index_cast %add3A_254 : i32 to index
        %swap3A_256 = tpu.vector_load %arg17[%swap3A_255] {strides = array<i32>} : memref<2000xf32, #tpu.memory_space<vmem>>, vector<16xf32>,
        tpu.vector_store %arg17[%swap3A_255], %gather3A_240 {strides = array<i32>} : memref<2000xf32, #tpu.memory_space<vmem>>, vector<16xf32>,
        %add3A_257 = arith.constant 64 : i32
        %add3A_258 = arith.addi %mul3A_218, %add3A_257 : i32
        %swap3A_259 = arith.index_cast %add3A_258 : i32 to index
        %swap3A_260 = tpu.vector_load %arg17[%swap3A_259] {strides = array<i32>} : memref<2000xf32, #tpu.memory_space<vmem>>, vector<16xf32>,
        tpu.vector_store %arg17[%swap3A_259], %gather3A_241 {strides = array<i32>} : memref<2000xf32, #tpu.memory_space<vmem>>, vector<16xf32>,
      }
      %scan3A_187 = arith.constant 25 : i32
      %dma_start3A_188 = arith.constant 0 : i32
      %dma_start3A_189 = tpu.memref_slice %arg20[%dma_start3A_188] : memref<100096xf32, #tpu.memory_space<vmem_shared>> -> memref<100096xf32, #tpu.memory_space<vmem_shared>>
      tpu.enqueue_indirect_dma source(%arg17 : memref<2000xf32, #tpu.memory_space<vmem>>) target(%dma_start3A_189 : memref<100096xf32, #tpu.memory_space<vmem_shared>>) offsets(%arg13 : memref<2000xi32, #tpu.memory_space<vmem>>) semaphore(%arg27 : memref<!tpu.dma_semaphore, #tpu.memory_space<semaphore_mem>>) {add = true}
      %dma_wait3A_190 = arith.constant 0 : i32
      %dma_wait3A_191 = tpu.memref_slice %arg2[%dma_wait3A_190] : memref<6400000xi32, #tpu.memory_space<hbm>> -> memref<2000xi32, #tpu.memory_space<hbm>>
      %dma_wait3A_192 = arith.constant 0 : i32
      %dma_wait3A_193 = tpu.memref_slice %arg2[%dma_wait3A_192] : memref<6400000xi32, #tpu.memory_space<hbm>> -> memref<2000xi32, #tpu.memory_space<hbm>>
      tpu.wait_dma2 semaphore(%arg24 : memref<!tpu.dma_semaphore, #tpu.memory_space<semaphore_mem>>) src(%dma_wait3A_193 : memref<2000xi32, #tpu.memory_space<hbm>>) dst(%arg10 : memref<2000xi32, #tpu.memory_space<vmem>>)
      %dma_wait3A_194 = arith.constant 0 : i32
      %dma_wait3A_195 = tpu.memref_slice %arg3[%dma_wait3A_194] : memref<6400000xi32, #tpu.memory_space<hbm>> -> memref<2000xi32, #tpu.memory_space<hbm>>
      %dma_wait3A_196 = arith.constant 0 : i32
      %dma_wait3A_197 = tpu.memref_slice %arg3[%dma_wait3A_196] : memref<6400000xi32, #tpu.memory_space<hbm>> -> memref<2000xi32, #tpu.memory_space<hbm>>
      tpu.wait_dma2 semaphore(%arg24 : memref<!tpu.dma_semaphore, #tpu.memory_space<semaphore_mem>>) src(%dma_wait3A_197 : memref<2000xi32, #tpu.memory_space<hbm>>) dst(%arg14 : memref<2000xi32, #tpu.memory_space<vmem>>)
      %dma_wait3A_198 = arith.constant 0 : i32
      %dma_wait3A_199 = tpu.memref_slice %arg20[%dma_wait3A_198] : memref<100096xf32, #tpu.memory_space<vmem_shared>> -> memref<100096xf32, #tpu.memory_space<vmem_shared>>
      tpu.wait_indirect_dma semaphore(%arg26 : memref<!tpu.dma_semaphore, #tpu.memory_space<semaphore_mem>>) src(%arg16 : memref<2000xf32, #tpu.memory_space<vmem>>) dst(%dma_wait3A_199 : memref<100096xf32, #tpu.memory_space<vmem_shared>>)
      %lt3A_200 = arith.constant 24 : i32
      %lt3A_201 = arith.cmpi slt, %add3A_103, %lt3A_200 : i32
      %convert_element_type3A_202 = arith.extui %lt3A_201 : i1 to i32
      %cond3A_203 = arith.constant 0 : i32
      %cond3A_204 = arith.cmpi ne, %convert_element_type3A_202, %cond3A_203 : i32
      scf.if %cond3A_204 {
        %mul3A_212 = arith.constant 4 : i32
        %mul3A_213 = arith.muli %mul3A_212, %add3A_103 : i32
        %add3A_214 = arith.constant 3 : i32
        %add3A_215 = arith.addi %mul3A_213, %add3A_214 : i32
        %add3A_216 = arith.constant 2 : i32
        %add3A_217 = arith.addi %add3A_215, %add3A_216 : i32
        %mul3A_218 = arith.constant 2000 : i32
        %mul3A_219 = arith.muli %add3A_217, %mul3A_218 : i32
        %add3A_220 = arith.addi %mul3A_2, %mul3A_219 : i32
        %dma_start3A_221 = tpu.memref_slice %arg2[%add3A_220] : memref<6400000xi32, #tpu.memory_space<hbm>> -> memref<2000xi32, #tpu.memory_space<hbm>>
        %dma_start3A_222 = tpu.memref_slice %arg2[%add3A_220] : memref<6400000xi32, #tpu.memory_space<hbm>> -> memref<2000xi32, #tpu.memory_space<hbm>>
        tpu.enqueue_dma source(%dma_start3A_222 : memref<2000xi32, #tpu.memory_space<hbm>>) target(%arg8 : memref<2000xi32, #tpu.memory_space<vmem>>) target_semaphore(%arg22 : memref<!tpu.dma_semaphore, #tpu.memory_space<semaphore_mem>>)
        %dma_start3A_223 = tpu.memref_slice %arg3[%add3A_220] : memref<6400000xi32, #tpu.memory_space<hbm>> -> memref<2000xi32, #tpu.memory_space<hbm>>
        %dma_start3A_224 = tpu.memref_slice %arg3[%add3A_220] : memref<6400000xi32, #tpu.memory_space<hbm>> -> memref<2000xi32, #tpu.memory_space<hbm>>
        tpu.enqueue_dma source(%dma_start3A_224 : memref<2000xi32, #tpu.memory_space<hbm>>) target(%arg12 : memref<2000xi32, #tpu.memory_space<vmem>>) target_semaphore(%arg22 : memref<!tpu.dma_semaphore, #tpu.memory_space<semaphore_mem>>)
      } else {
      }
      %scan3A_205 = arith.constant 0 : i32
      %scan3A_206 = arith.constant 25 : i32
      %scan3A_207 = arith.addi %scan3A_205, %scan3A_206 : i32
      %scan3A_208 = arith.constant 1 : i32
      scf.for %scan3A_212 = %scan3A_205 to %scan3A_207 step %scan3A_208  : i32 {
        %mul3A_213 = arith.constant 1 : i32
        %mul3A_214 = arith.muli %scan3A_212, %mul3A_213 : i32
        %add3A_215 = arith.constant 0 : i32
        %add3A_216 = arith.addi %add3A_215, %mul3A_214 : i32
        %mul3A_217 = arith.constant 80 : i32
        %mul3A_218 = arith.muli %add3A_216, %mul3A_217 : i32
        %add3A_219 = arith.constant 0 : i32
        %add3A_220 = arith.addi %mul3A_218, %add3A_219 : i32
        %get3A = arith.index_cast %add3A_220 : i32 to index
        %get3A_221 = tpu.vector_load %arg10[%get3A] {strides = array<i32>} : memref<2000xi32, #tpu.memory_space<vmem>>, vector<16xi32>,
        %add3A_222 = arith.constant 16 : i32
        %add3A_223 = arith.addi %mul3A_218, %add3A_222 : i32
        %get3A_224 = arith.index_cast %add3A_223 : i32 to index
        %get3A_225 = tpu.vector_load %arg10[%get3A_224] {strides = array<i32>} : memref<2000xi32, #tpu.memory_space<vmem>>, vector<16xi32>,
        %add3A_226 = arith.constant 32 : i32
        %add3A_227 = arith.addi %mul3A_218, %add3A_226 : i32
        %get3A_228 = arith.index_cast %add3A_227 : i32 to index
        %get3A_229 = tpu.vector_load %arg10[%get3A_228] {strides = array<i32>} : memref<2000xi32, #tpu.memory_space<vmem>>, vector<16xi32>,
        %add3A_230 = arith.constant 48 : i32
        %add3A_231 = arith.addi %mul3A_218, %add3A_230 : i32
        %get3A_232 = arith.index_cast %add3A_231 : i32 to index
        %get3A_233 = tpu.vector_load %arg10[%get3A_232] {strides = array<i32>} : memref<2000xi32, #tpu.memory_space<vmem>>, vector<16xi32>,
        %add3A_234 = arith.constant 64 : i32
        %add3A_235 = arith.addi %mul3A_218, %add3A_234 : i32
        %get3A_236 = arith.index_cast %add3A_235 : i32 to index
        %get3A_237 = tpu.vector_load %arg10[%get3A_236] {strides = array<i32>} : memref<2000xi32, #tpu.memory_space<vmem>>, vector<16xi32>,
        %gather3A = tpu.vector_load_idx %arg19[%get3A_221] : memref<100096xf32, #tpu.memory_space<vmem>>[vector<16xi32>], vector<16xf32>,
        %gather3A_238 = tpu.vector_load_idx %arg19[%get3A_225] : memref<100096xf32, #tpu.memory_space<vmem>>[vector<16xi32>], vector<16xf32>,
        %gather3A_239 = tpu.vector_load_idx %arg19[%get3A_229] : memref<100096xf32, #tpu.memory_space<vmem>>[vector<16xi32>], vector<16xf32>,
        %gather3A_240 = tpu.vector_load_idx %arg19[%get3A_233] : memref<100096xf32, #tpu.memory_space<vmem>>[vector<16xi32>], vector<16xf32>,
        %gather3A_241 = tpu.vector_load_idx %arg19[%get3A_237] : memref<100096xf32, #tpu.memory_space<vmem>>[vector<16xi32>], vector<16xf32>,
        %add3A_242 = arith.constant 0 : i32
        %add3A_243 = arith.addi %mul3A_218, %add3A_242 : i32
        %swap3A = arith.index_cast %add3A_243 : i32 to index
        %swap3A_244 = tpu.vector_load %arg18[%swap3A] {strides = array<i32>} : memref<2000xf32, #tpu.memory_space<vmem>>, vector<16xf32>,
        tpu.vector_store %arg18[%swap3A], %gather3A {strides = array<i32>} : memref<2000xf32, #tpu.memory_space<vmem>>, vector<16xf32>,
        %add3A_245 = arith.constant 16 : i32
        %add3A_246 = arith.addi %mul3A_218, %add3A_245 : i32
        %swap3A_247 = arith.index_cast %add3A_246 : i32 to index
        %swap3A_248 = tpu.vector_load %arg18[%swap3A_247] {strides = array<i32>} : memref<2000xf32, #tpu.memory_space<vmem>>, vector<16xf32>,
        tpu.vector_store %arg18[%swap3A_247], %gather3A_238 {strides = array<i32>} : memref<2000xf32, #tpu.memory_space<vmem>>, vector<16xf32>,
        %add3A_249 = arith.constant 32 : i32
        %add3A_250 = arith.addi %mul3A_218, %add3A_249 : i32
        %swap3A_251 = arith.index_cast %add3A_250 : i32 to index
        %swap3A_252 = tpu.vector_load %arg18[%swap3A_251] {strides = array<i32>} : memref<2000xf32, #tpu.memory_space<vmem>>, vector<16xf32>,
        tpu.vector_store %arg18[%swap3A_251], %gather3A_239 {strides = array<i32>} : memref<2000xf32, #tpu.memory_space<vmem>>, vector<16xf32>,
        %add3A_253 = arith.constant 48 : i32
        %add3A_254 = arith.addi %mul3A_218, %add3A_253 : i32
        %swap3A_255 = arith.index_cast %add3A_254 : i32 to index
        %swap3A_256 = tpu.vector_load %arg18[%swap3A_255] {strides = array<i32>} : memref<2000xf32, #tpu.memory_space<vmem>>, vector<16xf32>,
        tpu.vector_store %arg18[%swap3A_255], %gather3A_240 {strides = array<i32>} : memref<2000xf32, #tpu.memory_space<vmem>>, vector<16xf32>,
        %add3A_257 = arith.constant 64 : i32
        %add3A_258 = arith.addi %mul3A_218, %add3A_257 : i32
        %swap3A_259 = arith.index_cast %add3A_258 : i32 to index
        %swap3A_260 = tpu.vector_load %arg18[%swap3A_259] {strides = array<i32>} : memref<2000xf32, #tpu.memory_space<vmem>>, vector<16xf32>,
        tpu.vector_store %arg18[%swap3A_259], %gather3A_241 {strides = array<i32>} : memref<2000xf32, #tpu.memory_space<vmem>>, vector<16xf32>,
      }
      %scan3A_209 = arith.constant 25 : i32
      %dma_start3A_210 = arith.constant 0 : i32
      %dma_start3A_211 = tpu.memref_slice %arg20[%dma_start3A_210] : memref<100096xf32, #tpu.memory_space<vmem_shared>> -> memref<100096xf32, #tpu.memory_space<vmem_shared>>
      tpu.enqueue_indirect_dma source(%arg18 : memref<2000xf32, #tpu.memory_space<vmem>>) target(%dma_start3A_211 : memref<100096xf32, #tpu.memory_space<vmem_shared>>) offsets(%arg14 : memref<2000xi32, #tpu.memory_space<vmem>>) semaphore(%arg28 : memref<!tpu.dma_semaphore, #tpu.memory_space<semaphore_mem>>) {add = true}
    }
    %scan3A_39 = arith.constant 25 : i32
    %dma_wait3A = arith.constant 0 : i32
    %dma_wait3A_40 = tpu.memref_slice %arg20[%dma_wait3A] : memref<100096xf32, #tpu.memory_space<vmem_shared>> -> memref<100096xf32, #tpu.memory_space<vmem_shared>>
    tpu.wait_indirect_dma semaphore(%arg27 : memref<!tpu.dma_semaphore, #tpu.memory_space<semaphore_mem>>) src(%arg17 : memref<2000xf32, #tpu.memory_space<vmem>>) dst(%dma_wait3A_40 : memref<100096xf32, #tpu.memory_space<vmem_shared>>)
    %dma_wait3A_41 = arith.constant 0 : i32
    %dma_wait3A_42 = tpu.memref_slice %arg20[%dma_wait3A_41] : memref<100096xf32, #tpu.memory_space<vmem_shared>> -> memref<100096xf32, #tpu.memory_space<vmem_shared>>
    tpu.wait_indirect_dma semaphore(%arg28 : memref<!tpu.dma_semaphore, #tpu.memory_space<semaphore_mem>>) src(%arg18 : memref<2000xf32, #tpu.memory_space<vmem>>) dst(%dma_wait3A_42 : memref<100096xf32, #tpu.memory_space<vmem_shared>>)
    %barrier3A_43 = arith.constant 0 : index
    tpu.barrier barrier_id(%barrier3A_43)
    %eq3A = arith.constant 0 : i32
    %eq3A_44 = arith.cmpi eq, %arg1, %eq3A : i32
    %convert_element_type3A = arith.extui %eq3A_44 : i1 to i32
    %cond3A = arith.constant 0 : i32
    %cond3A_45 = arith.cmpi ne, %convert_element_type3A, %cond3A : i32
    scf.if %cond3A_45 {
      %run_scoped3A = arith.constant 0 : i32
      "tpu.region"() ({
        %run_scoped3A_99 = tpu.sem_alloc : memref<!tpu.dma_semaphore, #tpu.memory_space<semaphore_mem>>
        %dma_start3A_100 = arith.constant 0 : i32
        %dma_start3A_101 = tpu.memref_slice %arg6[%arg0, %run_scoped3A, %dma_start3A_100] : memref<2x2x100352xf32, #tpu.memory_space<hbm>> -> memref<1x1x100096xf32, #tpu.memory_space<hbm>>
        %dma_start3A_102 = tpu.memref_squeeze %dma_start3A_101 : memref<1x1x100096xf32, #tpu.memory_space<hbm>> -> memref<100096xf32, #tpu.memory_space<hbm>>
        tpu.enqueue_dma source(%arg20 : memref<100096xf32, #tpu.memory_space<vmem_shared>>) target(%dma_start3A_102 : memref<100096xf32, #tpu.memory_space<hbm>>) target_semaphore(%run_scoped3A_99 : memref<!tpu.dma_semaphore, #tpu.memory_space<semaphore_mem>>)
        %dma_wait3A_103 = arith.constant 0 : i32
        %dma_wait3A_104 = tpu.memref_slice %arg6[%arg0, %run_scoped3A, %dma_wait3A_103] : memref<2x2x100352xf32, #tpu.memory_space<hbm>> -> memref<1x1x100096xf32, #tpu.memory_space<hbm>>
        %dma_wait3A_105 = tpu.memref_squeeze %dma_wait3A_104 : memref<1x1x100096xf32, #tpu.memory_space<hbm>> -> memref<100096xf32, #tpu.memory_space<hbm>>
        tpu.wait_dma2 semaphore(%run_scoped3A_99 : memref<!tpu.dma_semaphore, #tpu.memory_space<semaphore_mem>>) src(%arg20 : memref<100096xf32, #tpu.memory_space<vmem_shared>>) dst(%dma_wait3A_105 : memref<100096xf32, #tpu.memory_space<hbm>>)
        tpu.yield
      }) : () -> ()
    } else {
    }
    %barrier3A_46 = arith.constant 0 : index
    tpu.barrier barrier_id(%barrier3A_46)
    "tpu.region"() ({
      %run_scoped3A = tpu.sem_alloc : memref<!tpu.dma_semaphore, #tpu.memory_space<semaphore_mem>>
      %dma_start3A_99 = arith.constant 0 : i32
      %dma_start3A_100 = tpu.memref_slice %arg5[%dma_start3A_99] : memref<100352xf32, #tpu.memory_space<hbm>> -> memref<100096xf32, #tpu.memory_space<hbm>>
      %dma_start3A_101 = arith.constant 0 : i32
      %dma_start3A_102 = tpu.memref_slice %arg5[%dma_start3A_101] : memref<100352xf32, #tpu.memory_space<hbm>> -> memref<100096xf32, #tpu.memory_space<hbm>>
      tpu.enqueue_dma source(%dma_start3A_102 : memref<100096xf32, #tpu.memory_space<hbm>>) target(%arg19 : memref<100096xf32, #tpu.memory_space<vmem>>) target_semaphore(%run_scoped3A : memref<!tpu.dma_semaphore, #tpu.memory_space<semaphore_mem>>)
      %dma_wait3A_103 = arith.constant 0 : i32
      %dma_wait3A_104 = tpu.memref_slice %arg5[%dma_wait3A_103] : memref<100352xf32, #tpu.memory_space<hbm>> -> memref<100096xf32, #tpu.memory_space<hbm>>
      %dma_wait3A_105 = arith.constant 0 : i32
      %dma_wait3A_106 = tpu.memref_slice %arg5[%dma_wait3A_105] : memref<100352xf32, #tpu.memory_space<hbm>> -> memref<100096xf32, #tpu.memory_space<hbm>>
      tpu.wait_dma2 semaphore(%run_scoped3A : memref<!tpu.dma_semaphore, #tpu.memory_space<semaphore_mem>>) src(%dma_wait3A_106 : memref<100096xf32, #tpu.memory_space<hbm>>) dst(%arg19 : memref<100096xf32, #tpu.memory_space<vmem>>)
      tpu.yield
    }) : () -> ()
    %broadcast_in_dim3A_47 = arith.constant 0.000000e+00 : f32
    %broadcast_in_dim3A_48 = vector.broadcast %broadcast_in_dim3A_47 : f32 to vector<16xf32>
    %scan3A_49 = arith.constant 0 : i32
    %scan3A_50 = arith.constant 125 : i32
    %scan3A_51 = arith.addi %scan3A_49, %scan3A_50 : i32
    %scan3A_52 = arith.constant 1 : i32
    scf.for %scan3A_99 = %scan3A_49 to %scan3A_51 step %scan3A_52  : i32 {
      %mul3A_100 = arith.constant 1 : i32
      %mul3A_101 = arith.muli %scan3A_99, %mul3A_100 : i32
      %add3A_102 = arith.constant 0 : i32
      %add3A_103 = arith.addi %add3A_102, %mul3A_101 : i32
      %mul3A_104 = arith.constant 16 : i32
      %mul3A_105 = arith.muli %add3A_103, %mul3A_104 : i32
      %swap3A = arith.index_cast %mul3A_105 : i32 to index
      %swap3A_106 = tpu.vector_load %arg15[%swap3A] {strides = array<i32>} : memref<2000xf32, #tpu.memory_space<vmem>>, vector<16xf32>,
      tpu.vector_store %arg15[%swap3A], %broadcast_in_dim3A_48 {strides = array<i32>} : memref<2000xf32, #tpu.memory_space<vmem>>, vector<16xf32>,
    }
    %scan3A_53 = arith.constant 125 : i32
    %mul3A_54 = arith.constant 6256 : i32
    %mul3A_55 = arith.muli %arg1, %mul3A_54 : i32
    %add3A_56 = arith.constant 0 : i32
    %add3A_57 = arith.addi %mul3A_55, %add3A_56 : i32
    "tpu.region"() ({
      %run_scoped3A = tpu.sem_alloc : memref<!tpu.dma_semaphore, #tpu.memory_space<semaphore_mem>>
      %dma_start3A_99 = arith.constant 0 : i32
      %dma_start3A_100 = tpu.memref_slice %arg15[%dma_start3A_99] : memref<2000xf32, #tpu.memory_space<vmem>> -> memref<2000xf32, #tpu.memory_space<vmem>>
      %dma_start3A_101 = tpu.memref_slice %arg20[%add3A_57] : memref<100096xf32, #tpu.memory_space<vmem_shared>> -> memref<2000xf32, #tpu.memory_space<vmem_shared>>
      %dma_start3A_102 = tpu.memref_slice %arg20[%add3A_57] : memref<100096xf32, #tpu.memory_space<vmem_shared>> -> memref<2000xf32, #tpu.memory_space<vmem_shared>>
      %dma_start3A_103 = arith.constant 0 : i32
      %dma_start3A_104 = tpu.memref_slice %arg15[%dma_start3A_103] : memref<2000xf32, #tpu.memory_space<vmem>> -> memref<2000xf32, #tpu.memory_space<vmem>>
      tpu.enqueue_dma source(%dma_start3A_104 : memref<2000xf32, #tpu.memory_space<vmem>>) target(%dma_start3A_102 : memref<2000xf32, #tpu.memory_space<vmem_shared>>) target_semaphore(%run_scoped3A : memref<!tpu.dma_semaphore, #tpu.memory_space<semaphore_mem>>)
      %dma_wait3A_105 = arith.constant 0 : i32
      %dma_wait3A_106 = tpu.memref_slice %arg15[%dma_wait3A_105] : memref<2000xf32, #tpu.memory_space<vmem>> -> memref<2000xf32, #tpu.memory_space<vmem>>
      %dma_wait3A_107 = tpu.memref_slice %arg20[%add3A_57] : memref<100096xf32, #tpu.memory_space<vmem_shared>> -> memref<2000xf32, #tpu.memory_space<vmem_shared>>
      %dma_wait3A_108 = tpu.memref_slice %arg20[%add3A_57] : memref<100096xf32, #tpu.memory_space<vmem_shared>> -> memref<2000xf32, #tpu.memory_space<vmem_shared>>
      %dma_wait3A_109 = arith.constant 0 : i32
      %dma_wait3A_110 = tpu.memref_slice %arg15[%dma_wait3A_109] : memref<2000xf32, #tpu.memory_space<vmem>> -> memref<2000xf32, #tpu.memory_space<vmem>>
      tpu.wait_dma2 semaphore(%run_scoped3A : memref<!tpu.dma_semaphore, #tpu.memory_space<semaphore_mem>>) src(%dma_wait3A_110 : memref<2000xf32, #tpu.memory_space<vmem>>) dst(%dma_wait3A_108 : memref<2000xf32, #tpu.memory_space<vmem_shared>>)
      tpu.yield
    }) : () -> ()
    %mul3A_58 = arith.constant 6256 : i32
    %mul3A_59 = arith.muli %arg1, %mul3A_58 : i32
    %add3A_60 = arith.constant 2000 : i32
    %add3A_61 = arith.addi %mul3A_59, %add3A_60 : i32
    "tpu.region"() ({
      %run_scoped3A = tpu.sem_alloc : memref<!tpu.dma_semaphore, #tpu.memory_space<semaphore_mem>>
      %dma_start3A_99 = arith.constant 0 : i32
      %dma_start3A_100 = tpu.memref_slice %arg15[%dma_start3A_99] : memref<2000xf32, #tpu.memory_space<vmem>> -> memref<2000xf32, #tpu.memory_space<vmem>>
      %dma_start3A_101 = tpu.memref_slice %arg20[%add3A_61] : memref<100096xf32, #tpu.memory_space<vmem_shared>> -> memref<2000xf32, #tpu.memory_space<vmem_shared>>
      %dma_start3A_102 = tpu.memref_slice %arg20[%add3A_61] : memref<100096xf32, #tpu.memory_space<vmem_shared>> -> memref<2000xf32, #tpu.memory_space<vmem_shared>>
      %dma_start3A_103 = arith.constant 0 : i32
      %dma_start3A_104 = tpu.memref_slice %arg15[%dma_start3A_103] : memref<2000xf32, #tpu.memory_space<vmem>> -> memref<2000xf32, #tpu.memory_space<vmem>>
      tpu.enqueue_dma source(%dma_start3A_104 : memref<2000xf32, #tpu.memory_space<vmem>>) target(%dma_start3A_102 : memref<2000xf32, #tpu.memory_space<vmem_shared>>) target_semaphore(%run_scoped3A : memref<!tpu.dma_semaphore, #tpu.memory_space<semaphore_mem>>)
      %dma_wait3A_105 = arith.constant 0 : i32
      %dma_wait3A_106 = tpu.memref_slice %arg15[%dma_wait3A_105] : memref<2000xf32, #tpu.memory_space<vmem>> -> memref<2000xf32, #tpu.memory_space<vmem>>
      %dma_wait3A_107 = tpu.memref_slice %arg20[%add3A_61] : memref<100096xf32, #tpu.memory_space<vmem_shared>> -> memref<2000xf32, #tpu.memory_space<vmem_shared>>
      %dma_wait3A_108 = tpu.memref_slice %arg20[%add3A_61] : memref<100096xf32, #tpu.memory_space<vmem_shared>> -> memref<2000xf32, #tpu.memory_space<vmem_shared>>
      %dma_wait3A_109 = arith.constant 0 : i32
      %dma_wait3A_110 = tpu.memref_slice %arg15[%dma_wait3A_109] : memref<2000xf32, #tpu.memory_space<vmem>> -> memref<2000xf32, #tpu.memory_space<vmem>>
      tpu.wait_dma2 semaphore(%run_scoped3A : memref<!tpu.dma_semaphore, #tpu.memory_space<semaphore_mem>>) src(%dma_wait3A_110 : memref<2000xf32, #tpu.memory_space<vmem>>) dst(%dma_wait3A_108 : memref<2000xf32, #tpu.memory_space<vmem_shared>>)
      tpu.yield
    }) : () -> ()
    %mul3A_62 = arith.constant 6256 : i32
    %mul3A_63 = arith.muli %arg1, %mul3A_62 : i32
    %add3A_64 = arith.constant 4000 : i32
    %add3A_65 = arith.addi %mul3A_63, %add3A_64 : i32
    "tpu.region"() ({
      %run_scoped3A = tpu.sem_alloc : memref<!tpu.dma_semaphore, #tpu.memory_space<semaphore_mem>>
      %dma_start3A_99 = arith.constant 0 : i32
      %dma_start3A_100 = tpu.memref_slice %arg15[%dma_start3A_99] : memref<2000xf32, #tpu.memory_space<vmem>> -> memref<2000xf32, #tpu.memory_space<vmem>>
      %dma_start3A_101 = tpu.memref_slice %arg20[%add3A_65] : memref<100096xf32, #tpu.memory_space<vmem_shared>> -> memref<2000xf32, #tpu.memory_space<vmem_shared>>
      %dma_start3A_102 = tpu.memref_slice %arg20[%add3A_65] : memref<100096xf32, #tpu.memory_space<vmem_shared>> -> memref<2000xf32, #tpu.memory_space<vmem_shared>>
      %dma_start3A_103 = arith.constant 0 : i32
      %dma_start3A_104 = tpu.memref_slice %arg15[%dma_start3A_103] : memref<2000xf32, #tpu.memory_space<vmem>> -> memref<2000xf32, #tpu.memory_space<vmem>>
      tpu.enqueue_dma source(%dma_start3A_104 : memref<2000xf32, #tpu.memory_space<vmem>>) target(%dma_start3A_102 : memref<2000xf32, #tpu.memory_space<vmem_shared>>) target_semaphore(%run_scoped3A : memref<!tpu.dma_semaphore, #tpu.memory_space<semaphore_mem>>)
      %dma_wait3A_105 = arith.constant 0 : i32
      %dma_wait3A_106 = tpu.memref_slice %arg15[%dma_wait3A_105] : memref<2000xf32, #tpu.memory_space<vmem>> -> memref<2000xf32, #tpu.memory_space<vmem>>
      %dma_wait3A_107 = tpu.memref_slice %arg20[%add3A_65] : memref<100096xf32, #tpu.memory_space<vmem_shared>> -> memref<2000xf32, #tpu.memory_space<vmem_shared>>
      %dma_wait3A_108 = tpu.memref_slice %arg20[%add3A_65] : memref<100096xf32, #tpu.memory_space<vmem_shared>> -> memref<2000xf32, #tpu.memory_space<vmem_shared>>
      %dma_wait3A_109 = arith.constant 0 : i32
      %dma_wait3A_110 = tpu.memref_slice %arg15[%dma_wait3A_109] : memref<2000xf32, #tpu.memory_space<vmem>> -> memref<2000xf32, #tpu.memory_space<vmem>>
      tpu.wait_dma2 semaphore(%run_scoped3A : memref<!tpu.dma_semaphore, #tpu.memory_space<semaphore_mem>>) src(%dma_wait3A_110 : memref<2000xf32, #tpu.memory_space<vmem>>) dst(%dma_wait3A_108 : memref<2000xf32, #tpu.memory_space<vmem_shared>>)
      tpu.yield
    }) : () -> ()
    %mul3A_66 = arith.constant 6256 : i32
    %mul3A_67 = arith.muli %arg1, %mul3A_66 : i32
    %add3A_68 = arith.constant 6000 : i32
    %add3A_69 = arith.addi %mul3A_67, %add3A_68 : i32
    "tpu.region"() ({
      %run_scoped3A = tpu.sem_alloc : memref<!tpu.dma_semaphore, #tpu.memory_space<semaphore_mem>>
      %dma_start3A_99 = arith.constant 0 : i32
      %dma_start3A_100 = tpu.memref_slice %arg15[%dma_start3A_99] : memref<2000xf32, #tpu.memory_space<vmem>> -> memref<256xf32, #tpu.memory_space<vmem>>
      %dma_start3A_101 = tpu.memref_slice %arg20[%add3A_69] : memref<100096xf32, #tpu.memory_space<vmem_shared>> -> memref<256xf32, #tpu.memory_space<vmem_shared>>
      %dma_start3A_102 = tpu.memref_slice %arg20[%add3A_69] : memref<100096xf32, #tpu.memory_space<vmem_shared>> -> memref<256xf32, #tpu.memory_space<vmem_shared>>
      %dma_start3A_103 = arith.constant 0 : i32
      %dma_start3A_104 = tpu.memref_slice %arg15[%dma_start3A_103] : memref<2000xf32, #tpu.memory_space<vmem>> -> memref<256xf32, #tpu.memory_space<vmem>>
      tpu.enqueue_dma source(%dma_start3A_104 : memref<256xf32, #tpu.memory_space<vmem>>) target(%dma_start3A_102 : memref<256xf32, #tpu.memory_space<vmem_shared>>) target_semaphore(%run_scoped3A : memref<!tpu.dma_semaphore, #tpu.memory_space<semaphore_mem>>)
      %dma_wait3A_105 = arith.constant 0 : i32
      %dma_wait3A_106 = tpu.memref_slice %arg15[%dma_wait3A_105] : memref<2000xf32, #tpu.memory_space<vmem>> -> memref<256xf32, #tpu.memory_space<vmem>>
      %dma_wait3A_107 = tpu.memref_slice %arg20[%add3A_69] : memref<100096xf32, #tpu.memory_space<vmem_shared>> -> memref<256xf32, #tpu.memory_space<vmem_shared>>
      %dma_wait3A_108 = tpu.memref_slice %arg20[%add3A_69] : memref<100096xf32, #tpu.memory_space<vmem_shared>> -> memref<256xf32, #tpu.memory_space<vmem_shared>>
      %dma_wait3A_109 = arith.constant 0 : i32
      %dma_wait3A_110 = tpu.memref_slice %arg15[%dma_wait3A_109] : memref<2000xf32, #tpu.memory_space<vmem>> -> memref<256xf32, #tpu.memory_space<vmem>>
      tpu.wait_dma2 semaphore(%run_scoped3A : memref<!tpu.dma_semaphore, #tpu.memory_space<semaphore_mem>>) src(%dma_wait3A_110 : memref<256xf32, #tpu.memory_space<vmem>>) dst(%dma_wait3A_108 : memref<256xf32, #tpu.memory_space<vmem_shared>>)
      tpu.yield
    }) : () -> ()
    %barrier3A_70 = arith.constant 0 : index
    tpu.barrier barrier_id(%barrier3A_70)
    %add3A_71 = arith.constant 0 : i32
    %add3A_72 = arith.addi %mul3A_2, %add3A_71 : i32
    %dma_start3A_73 = tpu.memref_slice %arg2[%add3A_72] : memref<6400000xi32, #tpu.memory_space<hbm>> -> memref<2000xi32, #tpu.memory_space<hbm>>
    %dma_start3A_74 = tpu.memref_slice %arg2[%add3A_72] : memref<6400000xi32, #tpu.memory_space<hbm>> -> memref<2000xi32, #tpu.memory_space<hbm>>
    tpu.enqueue_dma source(%dma_start3A_74 : memref<2000xi32, #tpu.memory_space<hbm>>) target(%arg7 : memref<2000xi32, #tpu.memory_space<vmem>>) target_semaphore(%arg21 : memref<!tpu.dma_semaphore, #tpu.memory_space<semaphore_mem>>)
    %dma_start3A_75 = tpu.memref_slice %arg3[%add3A_72] : memref<6400000xi32, #tpu.memory_space<hbm>> -> memref<2000xi32, #tpu.memory_space<hbm>>
    %dma_start3A_76 = tpu.memref_slice %arg3[%add3A_72] : memref<6400000xi32, #tpu.memory_space<hbm>> -> memref<2000xi32, #tpu.memory_space<hbm>>
    tpu.enqueue_dma source(%dma_start3A_76 : memref<2000xi32, #tpu.memory_space<hbm>>) target(%arg11 : memref<2000xi32, #tpu.memory_space<vmem>>) target_semaphore(%arg21 : memref<!tpu.dma_semaphore, #tpu.memory_space<semaphore_mem>>)
    %add3A_77 = arith.constant 2000 : i32
    %add3A_78 = arith.addi %mul3A_2, %add3A_77 : i32
    %dma_start3A_79 = tpu.memref_slice %arg2[%add3A_78] : memref<6400000xi32, #tpu.memory_space<hbm>> -> memref<2000xi32, #tpu.memory_space<hbm>>
    %dma_start3A_80 = tpu.memref_slice %arg2[%add3A_78] : memref<6400000xi32, #tpu.memory_space<hbm>> -> memref<2000xi32, #tpu.memory_space<hbm>>
    tpu.enqueue_dma source(%dma_start3A_80 : memref<2000xi32, #tpu.memory_space<hbm>>) target(%arg8 : memref<2000xi32, #tpu.memory_space<vmem>>) target_semaphore(%arg22 : memref<!tpu.dma_semaphore, #tpu.memory_space<semaphore_mem>>)
    %dma_start3A_81 = tpu.memref_slice %arg3[%add3A_78] : memref<6400000xi32, #tpu.memory_space<hbm>> -> memref<2000xi32, #tpu.memory_space<hbm>>
    %dma_start3A_82 = tpu.memref_slice %arg3[%add3A_78] : memref<6400000xi32, #tpu.memory_space<hbm>> -> memref<2000xi32, #tpu.memory_space<hbm>>
    tpu.enqueue_dma source(%dma_start3A_82 : memref<2000xi32, #tpu.memory_space<hbm>>) target(%arg12 : memref<2000xi32, #tpu.memory_space<vmem>>) target_semaphore(%arg22 : memref<!tpu.dma_semaphore, #tpu.memory_space<semaphore_mem>>)
    %scan3A_83 = arith.constant 0 : i32
    %scan3A_84 = arith.constant 25 : i32
    %scan3A_85 = arith.addi %scan3A_83, %scan3A_84 : i32
    %scan3A_86 = arith.constant 1 : i32
    scf.for %scan3A_99 = %scan3A_83 to %scan3A_85 step %scan3A_86  : i32 {
      %mul3A_100 = arith.constant 1 : i32
      %mul3A_101 = arith.muli %scan3A_99, %mul3A_100 : i32
      %add3A_102 = arith.constant 0 : i32
      %add3A_103 = arith.addi %add3A_102, %mul3A_101 : i32
      %dma_wait3A_104 = arith.constant 0 : i32
      %dma_wait3A_105 = tpu.memref_slice %arg2[%dma_wait3A_104] : memref<6400000xi32, #tpu.memory_space<hbm>> -> memref<2000xi32, #tpu.memory_space<hbm>>
      %dma_wait3A_106 = arith.constant 0 : i32
      %dma_wait3A_107 = tpu.memref_slice %arg2[%dma_wait3A_106] : memref<6400000xi32, #tpu.memory_space<hbm>> -> memref<2000xi32, #tpu.memory_space<hbm>>
      tpu.wait_dma2 semaphore(%arg21 : memref<!tpu.dma_semaphore, #tpu.memory_space<semaphore_mem>>) src(%dma_wait3A_107 : memref<2000xi32, #tpu.memory_space<hbm>>) dst(%arg7 : memref<2000xi32, #tpu.memory_space<vmem>>)
      %dma_wait3A_108 = arith.constant 0 : i32
      %dma_wait3A_109 = tpu.memref_slice %arg3[%dma_wait3A_108] : memref<6400000xi32, #tpu.memory_space<hbm>> -> memref<2000xi32, #tpu.memory_space<hbm>>
      %dma_wait3A_110 = arith.constant 0 : i32
      %dma_wait3A_111 = tpu.memref_slice %arg3[%dma_wait3A_110] : memref<6400000xi32, #tpu.memory_space<hbm>> -> memref<2000xi32, #tpu.memory_space<hbm>>
      tpu.wait_dma2 semaphore(%arg21 : memref<!tpu.dma_semaphore, #tpu.memory_space<semaphore_mem>>) src(%dma_wait3A_111 : memref<2000xi32, #tpu.memory_space<hbm>>) dst(%arg11 : memref<2000xi32, #tpu.memory_space<vmem>>)
      %gt3A = arith.constant 0 : i32
      %gt3A_112 = arith.cmpi sgt, %add3A_103, %gt3A : i32
      %convert_element_type3A_113 = arith.extui %gt3A_112 : i1 to i32
      %cond3A_114 = arith.constant 0 : i32
      %cond3A_115 = arith.cmpi ne, %convert_element_type3A_113, %cond3A_114 : i32
      scf.if %cond3A_115 {
        %dma_wait3A_212 = arith.constant 0 : i32
        %dma_wait3A_213 = tpu.memref_slice %arg20[%dma_wait3A_212] : memref<100096xf32, #tpu.memory_space<vmem_shared>> -> memref<100096xf32, #tpu.memory_space<vmem_shared>>
        tpu.wait_indirect_dma semaphore(%arg27 : memref<!tpu.dma_semaphore, #tpu.memory_space<semaphore_mem>>) src(%arg17 : memref<2000xf32, #tpu.memory_space<vmem>>) dst(%dma_wait3A_213 : memref<100096xf32, #tpu.memory_space<vmem_shared>>)
      } else {
      }
      %mul3A_116 = arith.constant 4 : i32
      %mul3A_117 = arith.muli %mul3A_116, %add3A_103 : i32
      %add3A_118 = arith.constant 0 : i32
      %add3A_119 = arith.addi %mul3A_117, %add3A_118 : i32
      %add3A_120 = arith.constant 2 : i32
      %add3A_121 = arith.addi %add3A_119, %add3A_120 : i32
      %mul3A_122 = arith.constant 2000 : i32
      %mul3A_123 = arith.muli %add3A_121, %mul3A_122 : i32
      %add3A_124 = arith.addi %mul3A_2, %mul3A_123 : i32
      %dma_start3A_125 = tpu.memref_slice %arg2[%add3A_124] : memref<6400000xi32, #tpu.memory_space<hbm>> -> memref<2000xi32, #tpu.memory_space<hbm>>
      %dma_start3A_126 = tpu.memref_slice %arg2[%add3A_124] : memref<6400000xi32, #tpu.memory_space<hbm>> -> memref<2000xi32, #tpu.memory_space<hbm>>
      tpu.enqueue_dma source(%dma_start3A_126 : memref<2000xi32, #tpu.memory_space<hbm>>) target(%arg9 : memref<2000xi32, #tpu.memory_space<vmem>>) target_semaphore(%arg23 : memref<!tpu.dma_semaphore, #tpu.memory_space<semaphore_mem>>)
      %dma_start3A_127 = tpu.memref_slice %arg3[%add3A_124] : memref<6400000xi32, #tpu.memory_space<hbm>> -> memref<2000xi32, #tpu.memory_space<hbm>>
      %dma_start3A_128 = tpu.memref_slice %arg3[%add3A_124] : memref<6400000xi32, #tpu.memory_space<hbm>> -> memref<2000xi32, #tpu.memory_space<hbm>>
      tpu.enqueue_dma source(%dma_start3A_128 : memref<2000xi32, #tpu.memory_space<hbm>>) target(%arg13 : memref<2000xi32, #tpu.memory_space<vmem>>) target_semaphore(%arg23 : memref<!tpu.dma_semaphore, #tpu.memory_space<semaphore_mem>>)
      %scan3A_129 = arith.constant 0 : i32
      %scan3A_130 = arith.constant 25 : i32
      %scan3A_131 = arith.addi %scan3A_129, %scan3A_130 : i32
      %scan3A_132 = arith.constant 1 : i32
      scf.for %scan3A_212 = %scan3A_129 to %scan3A_131 step %scan3A_132  : i32 {
        %mul3A_213 = arith.constant 1 : i32
        %mul3A_214 = arith.muli %scan3A_212, %mul3A_213 : i32
        %add3A_215 = arith.constant 0 : i32
        %add3A_216 = arith.addi %add3A_215, %mul3A_214 : i32
        %mul3A_217 = arith.constant 80 : i32
        %mul3A_218 = arith.muli %add3A_216, %mul3A_217 : i32
        %add3A_219 = arith.constant 0 : i32
        %add3A_220 = arith.addi %mul3A_218, %add3A_219 : i32
        %get3A = arith.index_cast %add3A_220 : i32 to index
        %get3A_221 = tpu.vector_load %arg7[%get3A] {strides = array<i32>} : memref<2000xi32, #tpu.memory_space<vmem>>, vector<16xi32>,
        %add3A_222 = arith.constant 16 : i32
        %add3A_223 = arith.addi %mul3A_218, %add3A_222 : i32
        %get3A_224 = arith.index_cast %add3A_223 : i32 to index
        %get3A_225 = tpu.vector_load %arg7[%get3A_224] {strides = array<i32>} : memref<2000xi32, #tpu.memory_space<vmem>>, vector<16xi32>,
        %add3A_226 = arith.constant 32 : i32
        %add3A_227 = arith.addi %mul3A_218, %add3A_226 : i32
        %get3A_228 = arith.index_cast %add3A_227 : i32 to index
        %get3A_229 = tpu.vector_load %arg7[%get3A_228] {strides = array<i32>} : memref<2000xi32, #tpu.memory_space<vmem>>, vector<16xi32>,
        %add3A_230 = arith.constant 48 : i32
        %add3A_231 = arith.addi %mul3A_218, %add3A_230 : i32
        %get3A_232 = arith.index_cast %add3A_231 : i32 to index
        %get3A_233 = tpu.vector_load %arg7[%get3A_232] {strides = array<i32>} : memref<2000xi32, #tpu.memory_space<vmem>>, vector<16xi32>,
        %add3A_234 = arith.constant 64 : i32
        %add3A_235 = arith.addi %mul3A_218, %add3A_234 : i32
        %get3A_236 = arith.index_cast %add3A_235 : i32 to index
        %get3A_237 = tpu.vector_load %arg7[%get3A_236] {strides = array<i32>} : memref<2000xi32, #tpu.memory_space<vmem>>, vector<16xi32>,
        %gather3A = tpu.vector_load_idx %arg19[%get3A_221] : memref<100096xf32, #tpu.memory_space<vmem>>[vector<16xi32>], vector<16xf32>,
        %gather3A_238 = tpu.vector_load_idx %arg19[%get3A_225] : memref<100096xf32, #tpu.memory_space<vmem>>[vector<16xi32>], vector<16xf32>,
        %gather3A_239 = tpu.vector_load_idx %arg19[%get3A_229] : memref<100096xf32, #tpu.memory_space<vmem>>[vector<16xi32>], vector<16xf32>,
        %gather3A_240 = tpu.vector_load_idx %arg19[%get3A_233] : memref<100096xf32, #tpu.memory_space<vmem>>[vector<16xi32>], vector<16xf32>,
        %gather3A_241 = tpu.vector_load_idx %arg19[%get3A_237] : memref<100096xf32, #tpu.memory_space<vmem>>[vector<16xi32>], vector<16xf32>,
        %add3A_242 = arith.constant 0 : i32
        %add3A_243 = arith.addi %mul3A_218, %add3A_242 : i32
        %swap3A = arith.index_cast %add3A_243 : i32 to index
        %swap3A_244 = tpu.vector_load %arg15[%swap3A] {strides = array<i32>} : memref<2000xf32, #tpu.memory_space<vmem>>, vector<16xf32>,
        tpu.vector_store %arg15[%swap3A], %gather3A {strides = array<i32>} : memref<2000xf32, #tpu.memory_space<vmem>>, vector<16xf32>,
        %add3A_245 = arith.constant 16 : i32
        %add3A_246 = arith.addi %mul3A_218, %add3A_245 : i32
        %swap3A_247 = arith.index_cast %add3A_246 : i32 to index
        %swap3A_248 = tpu.vector_load %arg15[%swap3A_247] {strides = array<i32>} : memref<2000xf32, #tpu.memory_space<vmem>>, vector<16xf32>,
        tpu.vector_store %arg15[%swap3A_247], %gather3A_238 {strides = array<i32>} : memref<2000xf32, #tpu.memory_space<vmem>>, vector<16xf32>,
        %add3A_249 = arith.constant 32 : i32
        %add3A_250 = arith.addi %mul3A_218, %add3A_249 : i32
        %swap3A_251 = arith.index_cast %add3A_250 : i32 to index
        %swap3A_252 = tpu.vector_load %arg15[%swap3A_251] {strides = array<i32>} : memref<2000xf32, #tpu.memory_space<vmem>>, vector<16xf32>,
        tpu.vector_store %arg15[%swap3A_251], %gather3A_239 {strides = array<i32>} : memref<2000xf32, #tpu.memory_space<vmem>>, vector<16xf32>,
        %add3A_253 = arith.constant 48 : i32
        %add3A_254 = arith.addi %mul3A_218, %add3A_253 : i32
        %swap3A_255 = arith.index_cast %add3A_254 : i32 to index
        %swap3A_256 = tpu.vector_load %arg15[%swap3A_255] {strides = array<i32>} : memref<2000xf32, #tpu.memory_space<vmem>>, vector<16xf32>,
        tpu.vector_store %arg15[%swap3A_255], %gather3A_240 {strides = array<i32>} : memref<2000xf32, #tpu.memory_space<vmem>>, vector<16xf32>,
        %add3A_257 = arith.constant 64 : i32
        %add3A_258 = arith.addi %mul3A_218, %add3A_257 : i32
        %swap3A_259 = arith.index_cast %add3A_258 : i32 to index
        %swap3A_260 = tpu.vector_load %arg15[%swap3A_259] {strides = array<i32>} : memref<2000xf32, #tpu.memory_space<vmem>>, vector<16xf32>,
        tpu.vector_store %arg15[%swap3A_259], %gather3A_241 {strides = array<i32>} : memref<2000xf32, #tpu.memory_space<vmem>>, vector<16xf32>,
      }
      %scan3A_133 = arith.constant 25 : i32
      %dma_start3A_134 = arith.constant 0 : i32
      %dma_start3A_135 = tpu.memref_slice %arg20[%dma_start3A_134] : memref<100096xf32, #tpu.memory_space<vmem_shared>> -> memref<100096xf32, #tpu.memory_space<vmem_shared>>
      tpu.enqueue_indirect_dma source(%arg15 : memref<2000xf32, #tpu.memory_space<vmem>>) target(%dma_start3A_135 : memref<100096xf32, #tpu.memory_space<vmem_shared>>) offsets(%arg11 : memref<2000xi32, #tpu.memory_space<vmem>>) semaphore(%arg25 : memref<!tpu.dma_semaphore, #tpu.memory_space<semaphore_mem>>) {add = true}
      %dma_wait3A_136 = arith.constant 0 : i32
      %dma_wait3A_137 = tpu.memref_slice %arg2[%dma_wait3A_136] : memref<6400000xi32, #tpu.memory_space<hbm>> -> memref<2000xi32, #tpu.memory_space<hbm>>
      %dma_wait3A_138 = arith.constant 0 : i32
      %dma_wait3A_139 = tpu.memref_slice %arg2[%dma_wait3A_138] : memref<6400000xi32, #tpu.memory_space<hbm>> -> memref<2000xi32, #tpu.memory_space<hbm>>
      tpu.wait_dma2 semaphore(%arg22 : memref<!tpu.dma_semaphore, #tpu.memory_space<semaphore_mem>>) src(%dma_wait3A_139 : memref<2000xi32, #tpu.memory_space<hbm>>) dst(%arg8 : memref<2000xi32, #tpu.memory_space<vmem>>)
      %dma_wait3A_140 = arith.constant 0 : i32
      %dma_wait3A_141 = tpu.memref_slice %arg3[%dma_wait3A_140] : memref<6400000xi32, #tpu.memory_space<hbm>> -> memref<2000xi32, #tpu.memory_space<hbm>>
      %dma_wait3A_142 = arith.constant 0 : i32
      %dma_wait3A_143 = tpu.memref_slice %arg3[%dma_wait3A_142] : memref<6400000xi32, #tpu.memory_space<hbm>> -> memref<2000xi32, #tpu.memory_space<hbm>>
      tpu.wait_dma2 semaphore(%arg22 : memref<!tpu.dma_semaphore, #tpu.memory_space<semaphore_mem>>) src(%dma_wait3A_143 : memref<2000xi32, #tpu.memory_space<hbm>>) dst(%arg12 : memref<2000xi32, #tpu.memory_space<vmem>>)
      %gt3A_144 = arith.constant 0 : i32
      %gt3A_145 = arith.cmpi sgt, %add3A_103, %gt3A_144 : i32
      %convert_element_type3A_146 = arith.extui %gt3A_145 : i1 to i32
      %cond3A_147 = arith.constant 0 : i32
      %cond3A_148 = arith.cmpi ne, %convert_element_type3A_146, %cond3A_147 : i32
      scf.if %cond3A_148 {
        %dma_wait3A_212 = arith.constant 0 : i32
        %dma_wait3A_213 = tpu.memref_slice %arg20[%dma_wait3A_212] : memref<100096xf32, #tpu.memory_space<vmem_shared>> -> memref<100096xf32, #tpu.memory_space<vmem_shared>>
        tpu.wait_indirect_dma semaphore(%arg28 : memref<!tpu.dma_semaphore, #tpu.memory_space<semaphore_mem>>) src(%arg18 : memref<2000xf32, #tpu.memory_space<vmem>>) dst(%dma_wait3A_213 : memref<100096xf32, #tpu.memory_space<vmem_shared>>)
      } else {
      }
      %mul3A_149 = arith.constant 4 : i32
      %mul3A_150 = arith.muli %mul3A_149, %add3A_103 : i32
      %add3A_151 = arith.constant 1 : i32
      %add3A_152 = arith.addi %mul3A_150, %add3A_151 : i32
      %add3A_153 = arith.constant 2 : i32
      %add3A_154 = arith.addi %add3A_152, %add3A_153 : i32
      %mul3A_155 = arith.constant 2000 : i32
      %mul3A_156 = arith.muli %add3A_154, %mul3A_155 : i32
      %add3A_157 = arith.addi %mul3A_2, %mul3A_156 : i32
      %dma_start3A_158 = tpu.memref_slice %arg2[%add3A_157] : memref<6400000xi32, #tpu.memory_space<hbm>> -> memref<2000xi32, #tpu.memory_space<hbm>>
      %dma_start3A_159 = tpu.memref_slice %arg2[%add3A_157] : memref<6400000xi32, #tpu.memory_space<hbm>> -> memref<2000xi32, #tpu.memory_space<hbm>>
      tpu.enqueue_dma source(%dma_start3A_159 : memref<2000xi32, #tpu.memory_space<hbm>>) target(%arg10 : memref<2000xi32, #tpu.memory_space<vmem>>) target_semaphore(%arg24 : memref<!tpu.dma_semaphore, #tpu.memory_space<semaphore_mem>>)
      %dma_start3A_160 = tpu.memref_slice %arg3[%add3A_157] : memref<6400000xi32, #tpu.memory_space<hbm>> -> memref<2000xi32, #tpu.memory_space<hbm>>
      %dma_start3A_161 = tpu.memref_slice %arg3[%add3A_157] : memref<6400000xi32, #tpu.memory_space<hbm>> -> memref<2000xi32, #tpu.memory_space<hbm>>
      tpu.enqueue_dma source(%dma_start3A_161 : memref<2000xi32, #tpu.memory_space<hbm>>) target(%arg14 : memref<2000xi32, #tpu.memory_space<vmem>>) target_semaphore(%arg24 : memref<!tpu.dma_semaphore, #tpu.memory_space<semaphore_mem>>)
      %scan3A_162 = arith.constant 0 : i32
      %scan3A_163 = arith.constant 25 : i32
      %scan3A_164 = arith.addi %scan3A_162, %scan3A_163 : i32
      %scan3A_165 = arith.constant 1 : i32
      scf.for %scan3A_212 = %scan3A_162 to %scan3A_164 step %scan3A_165  : i32 {
        %mul3A_213 = arith.constant 1 : i32
        %mul3A_214 = arith.muli %scan3A_212, %mul3A_213 : i32
        %add3A_215 = arith.constant 0 : i32
        %add3A_216 = arith.addi %add3A_215, %mul3A_214 : i32
        %mul3A_217 = arith.constant 80 : i32
        %mul3A_218 = arith.muli %add3A_216, %mul3A_217 : i32
        %add3A_219 = arith.constant 0 : i32
        %add3A_220 = arith.addi %mul3A_218, %add3A_219 : i32
        %get3A = arith.index_cast %add3A_220 : i32 to index
        %get3A_221 = tpu.vector_load %arg8[%get3A] {strides = array<i32>} : memref<2000xi32, #tpu.memory_space<vmem>>, vector<16xi32>,
        %add3A_222 = arith.constant 16 : i32
        %add3A_223 = arith.addi %mul3A_218, %add3A_222 : i32
        %get3A_224 = arith.index_cast %add3A_223 : i32 to index
        %get3A_225 = tpu.vector_load %arg8[%get3A_224] {strides = array<i32>} : memref<2000xi32, #tpu.memory_space<vmem>>, vector<16xi32>,
        %add3A_226 = arith.constant 32 : i32
        %add3A_227 = arith.addi %mul3A_218, %add3A_226 : i32
        %get3A_228 = arith.index_cast %add3A_227 : i32 to index
        %get3A_229 = tpu.vector_load %arg8[%get3A_228] {strides = array<i32>} : memref<2000xi32, #tpu.memory_space<vmem>>, vector<16xi32>,
        %add3A_230 = arith.constant 48 : i32
        %add3A_231 = arith.addi %mul3A_218, %add3A_230 : i32
        %get3A_232 = arith.index_cast %add3A_231 : i32 to index
        %get3A_233 = tpu.vector_load %arg8[%get3A_232] {strides = array<i32>} : memref<2000xi32, #tpu.memory_space<vmem>>, vector<16xi32>,
        %add3A_234 = arith.constant 64 : i32
        %add3A_235 = arith.addi %mul3A_218, %add3A_234 : i32
        %get3A_236 = arith.index_cast %add3A_235 : i32 to index
        %get3A_237 = tpu.vector_load %arg8[%get3A_236] {strides = array<i32>} : memref<2000xi32, #tpu.memory_space<vmem>>, vector<16xi32>,
        %gather3A = tpu.vector_load_idx %arg19[%get3A_221] : memref<100096xf32, #tpu.memory_space<vmem>>[vector<16xi32>], vector<16xf32>,
        %gather3A_238 = tpu.vector_load_idx %arg19[%get3A_225] : memref<100096xf32, #tpu.memory_space<vmem>>[vector<16xi32>], vector<16xf32>,
        %gather3A_239 = tpu.vector_load_idx %arg19[%get3A_229] : memref<100096xf32, #tpu.memory_space<vmem>>[vector<16xi32>], vector<16xf32>,
        %gather3A_240 = tpu.vector_load_idx %arg19[%get3A_233] : memref<100096xf32, #tpu.memory_space<vmem>>[vector<16xi32>], vector<16xf32>,
        %gather3A_241 = tpu.vector_load_idx %arg19[%get3A_237] : memref<100096xf32, #tpu.memory_space<vmem>>[vector<16xi32>], vector<16xf32>,
        %add3A_242 = arith.constant 0 : i32
        %add3A_243 = arith.addi %mul3A_218, %add3A_242 : i32
        %swap3A = arith.index_cast %add3A_243 : i32 to index
        %swap3A_244 = tpu.vector_load %arg16[%swap3A] {strides = array<i32>} : memref<2000xf32, #tpu.memory_space<vmem>>, vector<16xf32>,
        tpu.vector_store %arg16[%swap3A], %gather3A {strides = array<i32>} : memref<2000xf32, #tpu.memory_space<vmem>>, vector<16xf32>,
        %add3A_245 = arith.constant 16 : i32
        %add3A_246 = arith.addi %mul3A_218, %add3A_245 : i32
        %swap3A_247 = arith.index_cast %add3A_246 : i32 to index
        %swap3A_248 = tpu.vector_load %arg16[%swap3A_247] {strides = array<i32>} : memref<2000xf32, #tpu.memory_space<vmem>>, vector<16xf32>,
        tpu.vector_store %arg16[%swap3A_247], %gather3A_238 {strides = array<i32>} : memref<2000xf32, #tpu.memory_space<vmem>>, vector<16xf32>,
        %add3A_249 = arith.constant 32 : i32
        %add3A_250 = arith.addi %mul3A_218, %add3A_249 : i32
        %swap3A_251 = arith.index_cast %add3A_250 : i32 to index
        %swap3A_252 = tpu.vector_load %arg16[%swap3A_251] {strides = array<i32>} : memref<2000xf32, #tpu.memory_space<vmem>>, vector<16xf32>,
        tpu.vector_store %arg16[%swap3A_251], %gather3A_239 {strides = array<i32>} : memref<2000xf32, #tpu.memory_space<vmem>>, vector<16xf32>,
        %add3A_253 = arith.constant 48 : i32
        %add3A_254 = arith.addi %mul3A_218, %add3A_253 : i32
        %swap3A_255 = arith.index_cast %add3A_254 : i32 to index
        %swap3A_256 = tpu.vector_load %arg16[%swap3A_255] {strides = array<i32>} : memref<2000xf32, #tpu.memory_space<vmem>>, vector<16xf32>,
        tpu.vector_store %arg16[%swap3A_255], %gather3A_240 {strides = array<i32>} : memref<2000xf32, #tpu.memory_space<vmem>>, vector<16xf32>,
        %add3A_257 = arith.constant 64 : i32
        %add3A_258 = arith.addi %mul3A_218, %add3A_257 : i32
        %swap3A_259 = arith.index_cast %add3A_258 : i32 to index
        %swap3A_260 = tpu.vector_load %arg16[%swap3A_259] {strides = array<i32>} : memref<2000xf32, #tpu.memory_space<vmem>>, vector<16xf32>,
        tpu.vector_store %arg16[%swap3A_259], %gather3A_241 {strides = array<i32>} : memref<2000xf32, #tpu.memory_space<vmem>>, vector<16xf32>,
      }
      %scan3A_166 = arith.constant 25 : i32
      %dma_start3A_167 = arith.constant 0 : i32
      %dma_start3A_168 = tpu.memref_slice %arg20[%dma_start3A_167] : memref<100096xf32, #tpu.memory_space<vmem_shared>> -> memref<100096xf32, #tpu.memory_space<vmem_shared>>
      tpu.enqueue_indirect_dma source(%arg16 : memref<2000xf32, #tpu.memory_space<vmem>>) target(%dma_start3A_168 : memref<100096xf32, #tpu.memory_space<vmem_shared>>) offsets(%arg12 : memref<2000xi32, #tpu.memory_space<vmem>>) semaphore(%arg26 : memref<!tpu.dma_semaphore, #tpu.memory_space<semaphore_mem>>) {add = true}
      %dma_wait3A_169 = arith.constant 0 : i32
      %dma_wait3A_170 = tpu.memref_slice %arg2[%dma_wait3A_169] : memref<6400000xi32, #tpu.memory_space<hbm>> -> memref<2000xi32, #tpu.memory_space<hbm>>
      %dma_wait3A_171 = arith.constant 0 : i32
      %dma_wait3A_172 = tpu.memref_slice %arg2[%dma_wait3A_171] : memref<6400000xi32, #tpu.memory_space<hbm>> -> memref<2000xi32, #tpu.memory_space<hbm>>
      tpu.wait_dma2 semaphore(%arg23 : memref<!tpu.dma_semaphore, #tpu.memory_space<semaphore_mem>>) src(%dma_wait3A_172 : memref<2000xi32, #tpu.memory_space<hbm>>) dst(%arg9 : memref<2000xi32, #tpu.memory_space<vmem>>)
      %dma_wait3A_173 = arith.constant 0 : i32
      %dma_wait3A_174 = tpu.memref_slice %arg3[%dma_wait3A_173] : memref<6400000xi32, #tpu.memory_space<hbm>> -> memref<2000xi32, #tpu.memory_space<hbm>>
      %dma_wait3A_175 = arith.constant 0 : i32
      %dma_wait3A_176 = tpu.memref_slice %arg3[%dma_wait3A_175] : memref<6400000xi32, #tpu.memory_space<hbm>> -> memref<2000xi32, #tpu.memory_space<hbm>>
      tpu.wait_dma2 semaphore(%arg23 : memref<!tpu.dma_semaphore, #tpu.memory_space<semaphore_mem>>) src(%dma_wait3A_176 : memref<2000xi32, #tpu.memory_space<hbm>>) dst(%arg13 : memref<2000xi32, #tpu.memory_space<vmem>>)
      %dma_wait3A_177 = arith.constant 0 : i32
      %dma_wait3A_178 = tpu.memref_slice %arg20[%dma_wait3A_177] : memref<100096xf32, #tpu.memory_space<vmem_shared>> -> memref<100096xf32, #tpu.memory_space<vmem_shared>>
      tpu.wait_indirect_dma semaphore(%arg25 : memref<!tpu.dma_semaphore, #tpu.memory_space<semaphore_mem>>) src(%arg15 : memref<2000xf32, #tpu.memory_space<vmem>>) dst(%dma_wait3A_178 : memref<100096xf32, #tpu.memory_space<vmem_shared>>)
      %lt3A = arith.constant 24 : i32
      %lt3A_179 = arith.cmpi slt, %add3A_103, %lt3A : i32
      %convert_element_type3A_180 = arith.extui %lt3A_179 : i1 to i32
      %cond3A_181 = arith.constant 0 : i32
      %cond3A_182 = arith.cmpi ne, %convert_element_type3A_180, %cond3A_181 : i32
      scf.if %cond3A_182 {
        %mul3A_212 = arith.constant 4 : i32
        %mul3A_213 = arith.muli %mul3A_212, %add3A_103 : i32
        %add3A_214 = arith.constant 2 : i32
        %add3A_215 = arith.addi %mul3A_213, %add3A_214 : i32
        %add3A_216 = arith.constant 2 : i32
        %add3A_217 = arith.addi %add3A_215, %add3A_216 : i32
        %mul3A_218 = arith.constant 2000 : i32
        %mul3A_219 = arith.muli %add3A_217, %mul3A_218 : i32
        %add3A_220 = arith.addi %mul3A_2, %mul3A_219 : i32
        %dma_start3A_221 = tpu.memref_slice %arg2[%add3A_220] : memref<6400000xi32, #tpu.memory_space<hbm>> -> memref<2000xi32, #tpu.memory_space<hbm>>
        %dma_start3A_222 = tpu.memref_slice %arg2[%add3A_220] : memref<6400000xi32, #tpu.memory_space<hbm>> -> memref<2000xi32, #tpu.memory_space<hbm>>
        tpu.enqueue_dma source(%dma_start3A_222 : memref<2000xi32, #tpu.memory_space<hbm>>) target(%arg7 : memref<2000xi32, #tpu.memory_space<vmem>>) target_semaphore(%arg21 : memref<!tpu.dma_semaphore, #tpu.memory_space<semaphore_mem>>)
        %dma_start3A_223 = tpu.memref_slice %arg3[%add3A_220] : memref<6400000xi32, #tpu.memory_space<hbm>> -> memref<2000xi32, #tpu.memory_space<hbm>>
        %dma_start3A_224 = tpu.memref_slice %arg3[%add3A_220] : memref<6400000xi32, #tpu.memory_space<hbm>> -> memref<2000xi32, #tpu.memory_space<hbm>>
        tpu.enqueue_dma source(%dma_start3A_224 : memref<2000xi32, #tpu.memory_space<hbm>>) target(%arg11 : memref<2000xi32, #tpu.memory_space<vmem>>) target_semaphore(%arg21 : memref<!tpu.dma_semaphore, #tpu.memory_space<semaphore_mem>>)
      } else {
      }
      %scan3A_183 = arith.constant 0 : i32
      %scan3A_184 = arith.constant 25 : i32
      %scan3A_185 = arith.addi %scan3A_183, %scan3A_184 : i32
      %scan3A_186 = arith.constant 1 : i32
      scf.for %scan3A_212 = %scan3A_183 to %scan3A_185 step %scan3A_186  : i32 {
        %mul3A_213 = arith.constant 1 : i32
        %mul3A_214 = arith.muli %scan3A_212, %mul3A_213 : i32
        %add3A_215 = arith.constant 0 : i32
        %add3A_216 = arith.addi %add3A_215, %mul3A_214 : i32
        %mul3A_217 = arith.constant 80 : i32
        %mul3A_218 = arith.muli %add3A_216, %mul3A_217 : i32
        %add3A_219 = arith.constant 0 : i32
        %add3A_220 = arith.addi %mul3A_218, %add3A_219 : i32
        %get3A = arith.index_cast %add3A_220 : i32 to index
        %get3A_221 = tpu.vector_load %arg9[%get3A] {strides = array<i32>} : memref<2000xi32, #tpu.memory_space<vmem>>, vector<16xi32>,
        %add3A_222 = arith.constant 16 : i32
        %add3A_223 = arith.addi %mul3A_218, %add3A_222 : i32
        %get3A_224 = arith.index_cast %add3A_223 : i32 to index
        %get3A_225 = tpu.vector_load %arg9[%get3A_224] {strides = array<i32>} : memref<2000xi32, #tpu.memory_space<vmem>>, vector<16xi32>,
        %add3A_226 = arith.constant 32 : i32
        %add3A_227 = arith.addi %mul3A_218, %add3A_226 : i32
        %get3A_228 = arith.index_cast %add3A_227 : i32 to index
        %get3A_229 = tpu.vector_load %arg9[%get3A_228] {strides = array<i32>} : memref<2000xi32, #tpu.memory_space<vmem>>, vector<16xi32>,
        %add3A_230 = arith.constant 48 : i32
        %add3A_231 = arith.addi %mul3A_218, %add3A_230 : i32
        %get3A_232 = arith.index_cast %add3A_231 : i32 to index
        %get3A_233 = tpu.vector_load %arg9[%get3A_232] {strides = array<i32>} : memref<2000xi32, #tpu.memory_space<vmem>>, vector<16xi32>,
        %add3A_234 = arith.constant 64 : i32
        %add3A_235 = arith.addi %mul3A_218, %add3A_234 : i32
        %get3A_236 = arith.index_cast %add3A_235 : i32 to index
        %get3A_237 = tpu.vector_load %arg9[%get3A_236] {strides = array<i32>} : memref<2000xi32, #tpu.memory_space<vmem>>, vector<16xi32>,
        %gather3A = tpu.vector_load_idx %arg19[%get3A_221] : memref<100096xf32, #tpu.memory_space<vmem>>[vector<16xi32>], vector<16xf32>,
        %gather3A_238 = tpu.vector_load_idx %arg19[%get3A_225] : memref<100096xf32, #tpu.memory_space<vmem>>[vector<16xi32>], vector<16xf32>,
        %gather3A_239 = tpu.vector_load_idx %arg19[%get3A_229] : memref<100096xf32, #tpu.memory_space<vmem>>[vector<16xi32>], vector<16xf32>,
        %gather3A_240 = tpu.vector_load_idx %arg19[%get3A_233] : memref<100096xf32, #tpu.memory_space<vmem>>[vector<16xi32>], vector<16xf32>,
        %gather3A_241 = tpu.vector_load_idx %arg19[%get3A_237] : memref<100096xf32, #tpu.memory_space<vmem>>[vector<16xi32>], vector<16xf32>,
        %add3A_242 = arith.constant 0 : i32
        %add3A_243 = arith.addi %mul3A_218, %add3A_242 : i32
        %swap3A = arith.index_cast %add3A_243 : i32 to index
        %swap3A_244 = tpu.vector_load %arg17[%swap3A] {strides = array<i32>} : memref<2000xf32, #tpu.memory_space<vmem>>, vector<16xf32>,
        tpu.vector_store %arg17[%swap3A], %gather3A {strides = array<i32>} : memref<2000xf32, #tpu.memory_space<vmem>>, vector<16xf32>,
        %add3A_245 = arith.constant 16 : i32
        %add3A_246 = arith.addi %mul3A_218, %add3A_245 : i32
        %swap3A_247 = arith.index_cast %add3A_246 : i32 to index
        %swap3A_248 = tpu.vector_load %arg17[%swap3A_247] {strides = array<i32>} : memref<2000xf32, #tpu.memory_space<vmem>>, vector<16xf32>,
        tpu.vector_store %arg17[%swap3A_247], %gather3A_238 {strides = array<i32>} : memref<2000xf32, #tpu.memory_space<vmem>>, vector<16xf32>,
        %add3A_249 = arith.constant 32 : i32
        %add3A_250 = arith.addi %mul3A_218, %add3A_249 : i32
        %swap3A_251 = arith.index_cast %add3A_250 : i32 to index
        %swap3A_252 = tpu.vector_load %arg17[%swap3A_251] {strides = array<i32>} : memref<2000xf32, #tpu.memory_space<vmem>>, vector<16xf32>,
        tpu.vector_store %arg17[%swap3A_251], %gather3A_239 {strides = array<i32>} : memref<2000xf32, #tpu.memory_space<vmem>>, vector<16xf32>,
        %add3A_253 = arith.constant 48 : i32
        %add3A_254 = arith.addi %mul3A_218, %add3A_253 : i32
        %swap3A_255 = arith.index_cast %add3A_254 : i32 to index
        %swap3A_256 = tpu.vector_load %arg17[%swap3A_255] {strides = array<i32>} : memref<2000xf32, #tpu.memory_space<vmem>>, vector<16xf32>,
        tpu.vector_store %arg17[%swap3A_255], %gather3A_240 {strides = array<i32>} : memref<2000xf32, #tpu.memory_space<vmem>>, vector<16xf32>,
        %add3A_257 = arith.constant 64 : i32
        %add3A_258 = arith.addi %mul3A_218, %add3A_257 : i32
        %swap3A_259 = arith.index_cast %add3A_258 : i32 to index
        %swap3A_260 = tpu.vector_load %arg17[%swap3A_259] {strides = array<i32>} : memref<2000xf32, #tpu.memory_space<vmem>>, vector<16xf32>,
        tpu.vector_store %arg17[%swap3A_259], %gather3A_241 {strides = array<i32>} : memref<2000xf32, #tpu.memory_space<vmem>>, vector<16xf32>,
      }
      %scan3A_187 = arith.constant 25 : i32
      %dma_start3A_188 = arith.constant 0 : i32
      %dma_start3A_189 = tpu.memref_slice %arg20[%dma_start3A_188] : memref<100096xf32, #tpu.memory_space<vmem_shared>> -> memref<100096xf32, #tpu.memory_space<vmem_shared>>
      tpu.enqueue_indirect_dma source(%arg17 : memref<2000xf32, #tpu.memory_space<vmem>>) target(%dma_start3A_189 : memref<100096xf32, #tpu.memory_space<vmem_shared>>) offsets(%arg13 : memref<2000xi32, #tpu.memory_space<vmem>>) semaphore(%arg27 : memref<!tpu.dma_semaphore, #tpu.memory_space<semaphore_mem>>) {add = true}
      %dma_wait3A_190 = arith.constant 0 : i32
      %dma_wait3A_191 = tpu.memref_slice %arg2[%dma_wait3A_190] : memref<6400000xi32, #tpu.memory_space<hbm>> -> memref<2000xi32, #tpu.memory_space<hbm>>
      %dma_wait3A_192 = arith.constant 0 : i32
      %dma_wait3A_193 = tpu.memref_slice %arg2[%dma_wait3A_192] : memref<6400000xi32, #tpu.memory_space<hbm>> -> memref<2000xi32, #tpu.memory_space<hbm>>
      tpu.wait_dma2 semaphore(%arg24 : memref<!tpu.dma_semaphore, #tpu.memory_space<semaphore_mem>>) src(%dma_wait3A_193 : memref<2000xi32, #tpu.memory_space<hbm>>) dst(%arg10 : memref<2000xi32, #tpu.memory_space<vmem>>)
      %dma_wait3A_194 = arith.constant 0 : i32
      %dma_wait3A_195 = tpu.memref_slice %arg3[%dma_wait3A_194] : memref<6400000xi32, #tpu.memory_space<hbm>> -> memref<2000xi32, #tpu.memory_space<hbm>>
      %dma_wait3A_196 = arith.constant 0 : i32
      %dma_wait3A_197 = tpu.memref_slice %arg3[%dma_wait3A_196] : memref<6400000xi32, #tpu.memory_space<hbm>> -> memref<2000xi32, #tpu.memory_space<hbm>>
      tpu.wait_dma2 semaphore(%arg24 : memref<!tpu.dma_semaphore, #tpu.memory_space<semaphore_mem>>) src(%dma_wait3A_197 : memref<2000xi32, #tpu.memory_space<hbm>>) dst(%arg14 : memref<2000xi32, #tpu.memory_space<vmem>>)
      %dma_wait3A_198 = arith.constant 0 : i32
      %dma_wait3A_199 = tpu.memref_slice %arg20[%dma_wait3A_198] : memref<100096xf32, #tpu.memory_space<vmem_shared>> -> memref<100096xf32, #tpu.memory_space<vmem_shared>>
      tpu.wait_indirect_dma semaphore(%arg26 : memref<!tpu.dma_semaphore, #tpu.memory_space<semaphore_mem>>) src(%arg16 : memref<2000xf32, #tpu.memory_space<vmem>>) dst(%dma_wait3A_199 : memref<100096xf32, #tpu.memory_space<vmem_shared>>)
      %lt3A_200 = arith.constant 24 : i32
      %lt3A_201 = arith.cmpi slt, %add3A_103, %lt3A_200 : i32
      %convert_element_type3A_202 = arith.extui %lt3A_201 : i1 to i32
      %cond3A_203 = arith.constant 0 : i32
      %cond3A_204 = arith.cmpi ne, %convert_element_type3A_202, %cond3A_203 : i32
      scf.if %cond3A_204 {
        %mul3A_212 = arith.constant 4 : i32
        %mul3A_213 = arith.muli %mul3A_212, %add3A_103 : i32
        %add3A_214 = arith.constant 3 : i32
        %add3A_215 = arith.addi %mul3A_213, %add3A_214 : i32
        %add3A_216 = arith.constant 2 : i32
        %add3A_217 = arith.addi %add3A_215, %add3A_216 : i32
        %mul3A_218 = arith.constant 2000 : i32
        %mul3A_219 = arith.muli %add3A_217, %mul3A_218 : i32
        %add3A_220 = arith.addi %mul3A_2, %mul3A_219 : i32
        %dma_start3A_221 = tpu.memref_slice %arg2[%add3A_220] : memref<6400000xi32, #tpu.memory_space<hbm>> -> memref<2000xi32, #tpu.memory_space<hbm>>
        %dma_start3A_222 = tpu.memref_slice %arg2[%add3A_220] : memref<6400000xi32, #tpu.memory_space<hbm>> -> memref<2000xi32, #tpu.memory_space<hbm>>
        tpu.enqueue_dma source(%dma_start3A_222 : memref<2000xi32, #tpu.memory_space<hbm>>) target(%arg8 : memref<2000xi32, #tpu.memory_space<vmem>>) target_semaphore(%arg22 : memref<!tpu.dma_semaphore, #tpu.memory_space<semaphore_mem>>)
        %dma_start3A_223 = tpu.memref_slice %arg3[%add3A_220] : memref<6400000xi32, #tpu.memory_space<hbm>> -> memref<2000xi32, #tpu.memory_space<hbm>>
        %dma_start3A_224 = tpu.memref_slice %arg3[%add3A_220] : memref<6400000xi32, #tpu.memory_space<hbm>> -> memref<2000xi32, #tpu.memory_space<hbm>>
        tpu.enqueue_dma source(%dma_start3A_224 : memref<2000xi32, #tpu.memory_space<hbm>>) target(%arg12 : memref<2000xi32, #tpu.memory_space<vmem>>) target_semaphore(%arg22 : memref<!tpu.dma_semaphore, #tpu.memory_space<semaphore_mem>>)
      } else {
      }
      %scan3A_205 = arith.constant 0 : i32
      %scan3A_206 = arith.constant 25 : i32
      %scan3A_207 = arith.addi %scan3A_205, %scan3A_206 : i32
      %scan3A_208 = arith.constant 1 : i32
      scf.for %scan3A_212 = %scan3A_205 to %scan3A_207 step %scan3A_208  : i32 {
        %mul3A_213 = arith.constant 1 : i32
        %mul3A_214 = arith.muli %scan3A_212, %mul3A_213 : i32
        %add3A_215 = arith.constant 0 : i32
        %add3A_216 = arith.addi %add3A_215, %mul3A_214 : i32
        %mul3A_217 = arith.constant 80 : i32
        %mul3A_218 = arith.muli %add3A_216, %mul3A_217 : i32
        %add3A_219 = arith.constant 0 : i32
        %add3A_220 = arith.addi %mul3A_218, %add3A_219 : i32
        %get3A = arith.index_cast %add3A_220 : i32 to index
        %get3A_221 = tpu.vector_load %arg10[%get3A] {strides = array<i32>} : memref<2000xi32, #tpu.memory_space<vmem>>, vector<16xi32>,
        %add3A_222 = arith.constant 16 : i32
        %add3A_223 = arith.addi %mul3A_218, %add3A_222 : i32
        %get3A_224 = arith.index_cast %add3A_223 : i32 to index
        %get3A_225 = tpu.vector_load %arg10[%get3A_224] {strides = array<i32>} : memref<2000xi32, #tpu.memory_space<vmem>>, vector<16xi32>,
        %add3A_226 = arith.constant 32 : i32
        %add3A_227 = arith.addi %mul3A_218, %add3A_226 : i32
        %get3A_228 = arith.index_cast %add3A_227 : i32 to index
        %get3A_229 = tpu.vector_load %arg10[%get3A_228] {strides = array<i32>} : memref<2000xi32, #tpu.memory_space<vmem>>, vector<16xi32>,
        %add3A_230 = arith.constant 48 : i32
        %add3A_231 = arith.addi %mul3A_218, %add3A_230 : i32
        %get3A_232 = arith.index_cast %add3A_231 : i32 to index
        %get3A_233 = tpu.vector_load %arg10[%get3A_232] {strides = array<i32>} : memref<2000xi32, #tpu.memory_space<vmem>>, vector<16xi32>,
        %add3A_234 = arith.constant 64 : i32
        %add3A_235 = arith.addi %mul3A_218, %add3A_234 : i32
        %get3A_236 = arith.index_cast %add3A_235 : i32 to index
        %get3A_237 = tpu.vector_load %arg10[%get3A_236] {strides = array<i32>} : memref<2000xi32, #tpu.memory_space<vmem>>, vector<16xi32>,
        %gather3A = tpu.vector_load_idx %arg19[%get3A_221] : memref<100096xf32, #tpu.memory_space<vmem>>[vector<16xi32>], vector<16xf32>,
        %gather3A_238 = tpu.vector_load_idx %arg19[%get3A_225] : memref<100096xf32, #tpu.memory_space<vmem>>[vector<16xi32>], vector<16xf32>,
        %gather3A_239 = tpu.vector_load_idx %arg19[%get3A_229] : memref<100096xf32, #tpu.memory_space<vmem>>[vector<16xi32>], vector<16xf32>,
        %gather3A_240 = tpu.vector_load_idx %arg19[%get3A_233] : memref<100096xf32, #tpu.memory_space<vmem>>[vector<16xi32>], vector<16xf32>,
        %gather3A_241 = tpu.vector_load_idx %arg19[%get3A_237] : memref<100096xf32, #tpu.memory_space<vmem>>[vector<16xi32>], vector<16xf32>,
        %add3A_242 = arith.constant 0 : i32
        %add3A_243 = arith.addi %mul3A_218, %add3A_242 : i32
        %swap3A = arith.index_cast %add3A_243 : i32 to index
        %swap3A_244 = tpu.vector_load %arg18[%swap3A] {strides = array<i32>} : memref<2000xf32, #tpu.memory_space<vmem>>, vector<16xf32>,
        tpu.vector_store %arg18[%swap3A], %gather3A {strides = array<i32>} : memref<2000xf32, #tpu.memory_space<vmem>>, vector<16xf32>,
        %add3A_245 = arith.constant 16 : i32
        %add3A_246 = arith.addi %mul3A_218, %add3A_245 : i32
        %swap3A_247 = arith.index_cast %add3A_246 : i32 to index
        %swap3A_248 = tpu.vector_load %arg18[%swap3A_247] {strides = array<i32>} : memref<2000xf32, #tpu.memory_space<vmem>>, vector<16xf32>,
        tpu.vector_store %arg18[%swap3A_247], %gather3A_238 {strides = array<i32>} : memref<2000xf32, #tpu.memory_space<vmem>>, vector<16xf32>,
        %add3A_249 = arith.constant 32 : i32
        %add3A_250 = arith.addi %mul3A_218, %add3A_249 : i32
        %swap3A_251 = arith.index_cast %add3A_250 : i32 to index
        %swap3A_252 = tpu.vector_load %arg18[%swap3A_251] {strides = array<i32>} : memref<2000xf32, #tpu.memory_space<vmem>>, vector<16xf32>,
        tpu.vector_store %arg18[%swap3A_251], %gather3A_239 {strides = array<i32>} : memref<2000xf32, #tpu.memory_space<vmem>>, vector<16xf32>,
        %add3A_253 = arith.constant 48 : i32
        %add3A_254 = arith.addi %mul3A_218, %add3A_253 : i32
        %swap3A_255 = arith.index_cast %add3A_254 : i32 to index
        %swap3A_256 = tpu.vector_load %arg18[%swap3A_255] {strides = array<i32>} : memref<2000xf32, #tpu.memory_space<vmem>>, vector<16xf32>,
        tpu.vector_store %arg18[%swap3A_255], %gather3A_240 {strides = array<i32>} : memref<2000xf32, #tpu.memory_space<vmem>>, vector<16xf32>,
        %add3A_257 = arith.constant 64 : i32
        %add3A_258 = arith.addi %mul3A_218, %add3A_257 : i32
        %swap3A_259 = arith.index_cast %add3A_258 : i32 to index
        %swap3A_260 = tpu.vector_load %arg18[%swap3A_259] {strides = array<i32>} : memref<2000xf32, #tpu.memory_space<vmem>>, vector<16xf32>,
        tpu.vector_store %arg18[%swap3A_259], %gather3A_241 {strides = array<i32>} : memref<2000xf32, #tpu.memory_space<vmem>>, vector<16xf32>,
      }
      %scan3A_209 = arith.constant 25 : i32
      %dma_start3A_210 = arith.constant 0 : i32
      %dma_start3A_211 = tpu.memref_slice %arg20[%dma_start3A_210] : memref<100096xf32, #tpu.memory_space<vmem_shared>> -> memref<100096xf32, #tpu.memory_space<vmem_shared>>
      tpu.enqueue_indirect_dma source(%arg18 : memref<2000xf32, #tpu.memory_space<vmem>>) target(%dma_start3A_211 : memref<100096xf32, #tpu.memory_space<vmem_shared>>) offsets(%arg14 : memref<2000xi32, #tpu.memory_space<vmem>>) semaphore(%arg28 : memref<!tpu.dma_semaphore, #tpu.memory_space<semaphore_mem>>) {add = true}
    }
    %scan3A_87 = arith.constant 25 : i32
    %dma_wait3A_88 = arith.constant 0 : i32
    %dma_wait3A_89 = tpu.memref_slice %arg20[%dma_wait3A_88] : memref<100096xf32, #tpu.memory_space<vmem_shared>> -> memref<100096xf32, #tpu.memory_space<vmem_shared>>
    tpu.wait_indirect_dma semaphore(%arg27 : memref<!tpu.dma_semaphore, #tpu.memory_space<semaphore_mem>>) src(%arg17 : memref<2000xf32, #tpu.memory_space<vmem>>) dst(%dma_wait3A_89 : memref<100096xf32, #tpu.memory_space<vmem_shared>>)
    %dma_wait3A_90 = arith.constant 0 : i32
    %dma_wait3A_91 = tpu.memref_slice %arg20[%dma_wait3A_90] : memref<100096xf32, #tpu.memory_space<vmem_shared>> -> memref<100096xf32, #tpu.memory_space<vmem_shared>>
    tpu.wait_indirect_dma semaphore(%arg28 : memref<!tpu.dma_semaphore, #tpu.memory_space<semaphore_mem>>) src(%arg18 : memref<2000xf32, #tpu.memory_space<vmem>>) dst(%dma_wait3A_91 : memref<100096xf32, #tpu.memory_space<vmem_shared>>)
    %barrier3A_92 = arith.constant 0 : index
    tpu.barrier barrier_id(%barrier3A_92)
    %eq3A_93 = arith.constant 0 : i32
    %eq3A_94 = arith.cmpi eq, %arg1, %eq3A_93 : i32
    %convert_element_type3A_95 = arith.extui %eq3A_94 : i1 to i32
    %cond3A_96 = arith.constant 0 : i32
    %cond3A_97 = arith.cmpi ne, %convert_element_type3A_95, %cond3A_96 : i32
    scf.if %cond3A_97 {
      %run_scoped3A = arith.constant 1 : i32
      "tpu.region"() ({
        %run_scoped3A_99 = tpu.sem_alloc : memref<!tpu.dma_semaphore, #tpu.memory_space<semaphore_mem>>
        %dma_start3A_100 = arith.constant 0 : i32
        %dma_start3A_101 = tpu.memref_slice %arg6[%arg0, %run_scoped3A, %dma_start3A_100] : memref<2x2x100352xf32, #tpu.memory_space<hbm>> -> memref<1x1x100096xf32, #tpu.memory_space<hbm>>
        %dma_start3A_102 = tpu.memref_squeeze %dma_start3A_101 : memref<1x1x100096xf32, #tpu.memory_space<hbm>> -> memref<100096xf32, #tpu.memory_space<hbm>>
        tpu.enqueue_dma source(%arg20 : memref<100096xf32, #tpu.memory_space<vmem_shared>>) target(%dma_start3A_102 : memref<100096xf32, #tpu.memory_space<hbm>>) target_semaphore(%run_scoped3A_99 : memref<!tpu.dma_semaphore, #tpu.memory_space<semaphore_mem>>)
        %dma_wait3A_103 = arith.constant 0 : i32
        %dma_wait3A_104 = tpu.memref_slice %arg6[%arg0, %run_scoped3A, %dma_wait3A_103] : memref<2x2x100352xf32, #tpu.memory_space<hbm>> -> memref<1x1x100096xf32, #tpu.memory_space<hbm>>
        %dma_wait3A_105 = tpu.memref_squeeze %dma_wait3A_104 : memref<1x1x100096xf32, #tpu.memory_space<hbm>> -> memref<100096xf32, #tpu.memory_space<hbm>>
        tpu.wait_dma2 semaphore(%run_scoped3A_99 : memref<!tpu.dma_semaphore, #tpu.memory_space<semaphore_mem>>) src(%arg20 : memref<100096xf32, #tpu.memory_space<vmem_shared>>) dst(%dma_wait3A_105 : memref<100096xf32, #tpu.memory_space<hbm>>)
        tpu.yield
      }) : () -> ()
    } else {
    }
    %barrier3A_98 = arith.constant 0 : index
    tpu.barrier barrier_id(%barrier3A_98)
    return
  }
}

module attributes {stable_mosaic.version = 14 : i64} {
  func.func @_tc1_body(%arg0: memref<2x784x128xf32, #tpu.memory_space<vmem>>, %arg1: memref<784x128xf32, #tpu.memory_space<vmem>>, %arg2: memref<784x128xf32, #tpu.memory_space<vmem>>, %arg3: memref<784x128xf32, #tpu.memory_space<vmem>>) attributes {dimension_semantics = [], scalar_prefetch = 0 : i64, scratch_operands = 0 : i64, tpu.core_type = #tpu.core_type<tc>} {
    %get3A = arith.constant 0 : index
    %get3A_0 = arith.constant 0 : index
    %get3A_1 = arith.constant 0 : index
    %get3A_2 = vector.load %arg0[%get3A, %get3A_0, %get3A_1] : memref<2x784x128xf32, #tpu.memory_space<vmem>>, vector<1x784x128xf32>
    %get3A_3 = vector.shape_cast %get3A_2 : vector<1x784x128xf32> to vector<784x128xf32>
    %get3A_4 = arith.constant 1 : index
    %get3A_5 = arith.constant 0 : index
    %get3A_6 = arith.constant 0 : index
    %get3A_7 = vector.load %arg0[%get3A_4, %get3A_5, %get3A_6] : memref<2x784x128xf32, #tpu.memory_space<vmem>>, vector<1x784x128xf32>
    %get3A_8 = vector.shape_cast %get3A_7 : vector<1x784x128xf32> to vector<784x128xf32>
    %add3A = arith.addf %get3A_3, %get3A_8 : vector<784x128xf32>
    %add3A_9 = arith.constant 1.000000e+00 : f32
    %add3A_10 = vector.broadcast %add3A_9 : f32 to vector<784x128xf32>
    %add3A_11 = arith.addf %add3A, %add3A_10 : vector<784x128xf32>
    %rsqrt3A = math.rsqrt %add3A_11 : vector<784x128xf32>
    %swap3A = arith.constant 0 : index
    %swap3A_12 = arith.constant 0 : index
    %swap3A_13 = vector.load %arg2[%swap3A, %swap3A_12] : memref<784x128xf32, #tpu.memory_space<vmem>>, vector<784x128xf32>
    tpu.vector_store %arg2[%swap3A, %swap3A_12], %rsqrt3A {strides = array<i32>} : memref<784x128xf32, #tpu.memory_space<vmem>>, vector<784x128xf32>,
    %get3A_14 = arith.constant 0 : index
    %get3A_15 = arith.constant 0 : index
    %get3A_16 = vector.load %arg1[%get3A_14, %get3A_15] : memref<784x128xf32, #tpu.memory_space<vmem>>, vector<784x128xf32>
    %mul3A = arith.mulf %rsqrt3A, %get3A_16 : vector<784x128xf32>
    %swap3A_17 = arith.constant 0 : index
    %swap3A_18 = arith.constant 0 : index
    %swap3A_19 = vector.load %arg3[%swap3A_17, %swap3A_18] : memref<784x128xf32, #tpu.memory_space<vmem>>, vector<784x128xf32>
    tpu.vector_store %arg3[%swap3A_17, %swap3A_18], %mul3A {strides = array<i32>} : memref<784x128xf32, #tpu.memory_space<vmem>>, vector<784x128xf32>,
    return
  }
}

module attributes {stable_mosaic.version = 14 : i64} {
  func.func @_tc2_body(%arg0: memref<2x784x128xf32, #tpu.memory_space<vmem>>, %arg1: memref<784x128xf32, #tpu.memory_space<vmem>>, %arg2: memref<784x128xf32, #tpu.memory_space<vmem>>, %arg3: memref<1x32xf32, #tpu.memory_space<vmem>>, %arg4: memref<1x32xf32, #tpu.memory_space<vmem>>, %arg5: memref<32x2xf32, #tpu.memory_space<vmem>>, %arg6: memref<1x2xf32, #tpu.memory_space<vmem>>, %arg7: memref<784x128xf32, #tpu.memory_space<vmem>>, %arg8: memref<784x128xf32, #tpu.memory_space<vmem>>) attributes {dimension_semantics = [], scalar_prefetch = 0 : i64, scratch_operands = 0 : i64, tpu.core_type = #tpu.core_type<tc>} {
    %get3A = arith.constant 0 : index
    %get3A_0 = arith.constant 0 : index
    %get3A_1 = vector.load %arg2[%get3A, %get3A_0] : memref<784x128xf32, #tpu.memory_space<vmem>>, vector<784x128xf32>
    %get3A_2 = arith.constant 0 : index
    %get3A_3 = arith.constant 0 : index
    %get3A_4 = arith.constant 0 : index
    %get3A_5 = vector.load %arg0[%get3A_2, %get3A_3, %get3A_4] : memref<2x784x128xf32, #tpu.memory_space<vmem>>, vector<1x784x128xf32>
    %get3A_6 = vector.shape_cast %get3A_5 : vector<1x784x128xf32> to vector<784x128xf32>
    %get3A_7 = arith.constant 1 : index
    %get3A_8 = arith.constant 0 : index
    %get3A_9 = arith.constant 0 : index
    %get3A_10 = vector.load %arg0[%get3A_7, %get3A_8, %get3A_9] : memref<2x784x128xf32, #tpu.memory_space<vmem>>, vector<1x784x128xf32>
    %get3A_11 = vector.shape_cast %get3A_10 : vector<1x784x128xf32> to vector<784x128xf32>
    %add3A = arith.addf %get3A_6, %get3A_11 : vector<784x128xf32>
    %get3A_12 = arith.constant 0 : index
    %get3A_13 = arith.constant 0 : index
    %get3A_14 = vector.load %arg1[%get3A_12, %get3A_13] : memref<784x128xf32, #tpu.memory_space<vmem>>, vector<784x128xf32>
    %add3A_15 = arith.addf %add3A, %get3A_14 : vector<784x128xf32>
    %mul3A = arith.mulf %get3A_1, %add3A_15 : vector<784x128xf32>
    %broadcast_in_dim3A = arith.constant 0.000000e+00 : f32
    %broadcast_in_dim3A_16 = vector.broadcast %broadcast_in_dim3A : f32 to vector<784x128xf32>
    %broadcast_in_dim3A_17 = arith.constant 0.000000e+00 : f32
    %broadcast_in_dim3A_18 = vector.broadcast %broadcast_in_dim3A_17 : f32 to vector<784x128xf32>
    %get3A_19 = arith.constant 0 : index
    %get3A_20 = arith.constant 0 : index
    %get3A_21 = vector.load %arg3[%get3A_19, %get3A_20] : memref<1x32xf32, #tpu.memory_space<vmem>>, vector<1x1xf32>
    %get3A_22 = vector.extract %get3A_21[0, 0] : f32 from vector<1x1xf32>
    %mul3A_23 = vector.broadcast %get3A_22 : f32 to vector<784x128xf32>
    %mul3A_24 = arith.mulf %mul3A, %mul3A_23 : vector<784x128xf32>
    %get3A_25 = arith.constant 0 : index
    %get3A_26 = arith.constant 0 : index
    %get3A_27 = vector.load %arg4[%get3A_25, %get3A_26] : memref<1x32xf32, #tpu.memory_space<vmem>>, vector<1x1xf32>
    %get3A_28 = vector.extract %get3A_27[0, 0] : f32 from vector<1x1xf32>
    %add3A_29 = vector.broadcast %get3A_28 : f32 to vector<784x128xf32>
    %add3A_30 = arith.addf %mul3A_24, %add3A_29 : vector<784x128xf32>
    %max3A = arith.constant 0.000000e+00 : f32
    %max3A_31 = vector.broadcast %max3A : f32 to vector<784x128xf32>
    %max3A_32 = arith.maximumf %add3A_30, %max3A_31 : vector<784x128xf32>
    %get3A_33 = arith.constant 0 : index
    %get3A_34 = arith.constant 0 : index
    %get3A_35 = vector.load %arg5[%get3A_33, %get3A_34] : memref<32x2xf32, #tpu.memory_space<vmem>>, vector<1x1xf32>
    %get3A_36 = vector.extract %get3A_35[0, 0] : f32 from vector<1x1xf32>
    %mul3A_37 = vector.broadcast %get3A_36 : f32 to vector<784x128xf32>
    %mul3A_38 = arith.mulf %max3A_32, %mul3A_37 : vector<784x128xf32>
    %add3A_39 = arith.addf %broadcast_in_dim3A_16, %mul3A_38 : vector<784x128xf32>
    %get3A_40 = arith.constant 0 : index
    %get3A_41 = arith.constant 1 : index
    %get3A_42 = vector.load %arg5[%get3A_40, %get3A_41] : memref<32x2xf32, #tpu.memory_space<vmem>>, vector<1x1xf32>
    %get3A_43 = vector.extract %get3A_42[0, 0] : f32 from vector<1x1xf32>
    %mul3A_44 = vector.broadcast %get3A_43 : f32 to vector<784x128xf32>
    %mul3A_45 = arith.mulf %max3A_32, %mul3A_44 : vector<784x128xf32>
    %add3A_46 = arith.addf %broadcast_in_dim3A_18, %mul3A_45 : vector<784x128xf32>
    %get3A_47 = arith.constant 0 : index
    %get3A_48 = arith.constant 1 : index
    %get3A_49 = vector.load %arg3[%get3A_47, %get3A_48] : memref<1x32xf32, #tpu.memory_space<vmem>>, vector<1x1xf32>
    %get3A_50 = vector.extract %get3A_49[0, 0] : f32 from vector<1x1xf32>
    %mul3A_51 = vector.broadcast %get3A_50 : f32 to vector<784x128xf32>
    %mul3A_52 = arith.mulf %mul3A, %mul3A_51 : vector<784x128xf32>
    %get3A_53 = arith.constant 0 : index
    %get3A_54 = arith.constant 1 : index
    %get3A_55 = vector.load %arg4[%get3A_53, %get3A_54] : memref<1x32xf32, #tpu.memory_space<vmem>>, vector<1x1xf32>
    %get3A_56 = vector.extract %get3A_55[0, 0] : f32 from vector<1x1xf32>
    %add3A_57 = vector.broadcast %get3A_56 : f32 to vector<784x128xf32>
    %add3A_58 = arith.addf %mul3A_52, %add3A_57 : vector<784x128xf32>
    %max3A_59 = arith.constant 0.000000e+00 : f32
    %max3A_60 = vector.broadcast %max3A_59 : f32 to vector<784x128xf32>
    %max3A_61 = arith.maximumf %add3A_58, %max3A_60 : vector<784x128xf32>
    %get3A_62 = arith.constant 1 : index
    %get3A_63 = arith.constant 0 : index
    %get3A_64 = vector.load %arg5[%get3A_62, %get3A_63] : memref<32x2xf32, #tpu.memory_space<vmem>>, vector<1x1xf32>
    %get3A_65 = vector.extract %get3A_64[0, 0] : f32 from vector<1x1xf32>
    %mul3A_66 = vector.broadcast %get3A_65 : f32 to vector<784x128xf32>
    %mul3A_67 = arith.mulf %max3A_61, %mul3A_66 : vector<784x128xf32>
    %add3A_68 = arith.addf %add3A_39, %mul3A_67 : vector<784x128xf32>
    %get3A_69 = arith.constant 1 : index
    %get3A_70 = arith.constant 1 : index
    %get3A_71 = vector.load %arg5[%get3A_69, %get3A_70] : memref<32x2xf32, #tpu.memory_space<vmem>>, vector<1x1xf32>
    %get3A_72 = vector.extract %get3A_71[0, 0] : f32 from vector<1x1xf32>
    %mul3A_73 = vector.broadcast %get3A_72 : f32 to vector<784x128xf32>
    %mul3A_74 = arith.mulf %max3A_61, %mul3A_73 : vector<784x128xf32>
    %add3A_75 = arith.addf %add3A_46, %mul3A_74 : vector<784x128xf32>
    %get3A_76 = arith.constant 0 : index
    %get3A_77 = arith.constant 2 : index
    %get3A_78 = vector.load %arg3[%get3A_76, %get3A_77] : memref<1x32xf32, #tpu.memory_space<vmem>>, vector<1x1xf32>
    %get3A_79 = vector.extract %get3A_78[0, 0] : f32 from vector<1x1xf32>
    %mul3A_80 = vector.broadcast %get3A_79 : f32 to vector<784x128xf32>
    %mul3A_81 = arith.mulf %mul3A, %mul3A_80 : vector<784x128xf32>
    %get3A_82 = arith.constant 0 : index
    %get3A_83 = arith.constant 2 : index
    %get3A_84 = vector.load %arg4[%get3A_82, %get3A_83] : memref<1x32xf32, #tpu.memory_space<vmem>>, vector<1x1xf32>
    %get3A_85 = vector.extract %get3A_84[0, 0] : f32 from vector<1x1xf32>
    %add3A_86 = vector.broadcast %get3A_85 : f32 to vector<784x128xf32>
    %add3A_87 = arith.addf %mul3A_81, %add3A_86 : vector<784x128xf32>
    %max3A_88 = arith.constant 0.000000e+00 : f32
    %max3A_89 = vector.broadcast %max3A_88 : f32 to vector<784x128xf32>
    %max3A_90 = arith.maximumf %add3A_87, %max3A_89 : vector<784x128xf32>
    %get3A_91 = arith.constant 2 : index
    %get3A_92 = arith.constant 0 : index
    %get3A_93 = vector.load %arg5[%get3A_91, %get3A_92] : memref<32x2xf32, #tpu.memory_space<vmem>>, vector<1x1xf32>
    %get3A_94 = vector.extract %get3A_93[0, 0] : f32 from vector<1x1xf32>
    %mul3A_95 = vector.broadcast %get3A_94 : f32 to vector<784x128xf32>
    %mul3A_96 = arith.mulf %max3A_90, %mul3A_95 : vector<784x128xf32>
    %add3A_97 = arith.addf %add3A_68, %mul3A_96 : vector<784x128xf32>
    %get3A_98 = arith.constant 2 : index
    %get3A_99 = arith.constant 1 : index
    %get3A_100 = vector.load %arg5[%get3A_98, %get3A_99] : memref<32x2xf32, #tpu.memory_space<vmem>>, vector<1x1xf32>
    %get3A_101 = vector.extract %get3A_100[0, 0] : f32 from vector<1x1xf32>
    %mul3A_102 = vector.broadcast %get3A_101 : f32 to vector<784x128xf32>
    %mul3A_103 = arith.mulf %max3A_90, %mul3A_102 : vector<784x128xf32>
    %add3A_104 = arith.addf %add3A_75, %mul3A_103 : vector<784x128xf32>
    %get3A_105 = arith.constant 0 : index
    %get3A_106 = arith.constant 3 : index
    %get3A_107 = vector.load %arg3[%get3A_105, %get3A_106] : memref<1x32xf32, #tpu.memory_space<vmem>>, vector<1x1xf32>
    %get3A_108 = vector.extract %get3A_107[0, 0] : f32 from vector<1x1xf32>
    %mul3A_109 = vector.broadcast %get3A_108 : f32 to vector<784x128xf32>
    %mul3A_110 = arith.mulf %mul3A, %mul3A_109 : vector<784x128xf32>
    %get3A_111 = arith.constant 0 : index
    %get3A_112 = arith.constant 3 : index
    %get3A_113 = vector.load %arg4[%get3A_111, %get3A_112] : memref<1x32xf32, #tpu.memory_space<vmem>>, vector<1x1xf32>
    %get3A_114 = vector.extract %get3A_113[0, 0] : f32 from vector<1x1xf32>
    %add3A_115 = vector.broadcast %get3A_114 : f32 to vector<784x128xf32>
    %add3A_116 = arith.addf %mul3A_110, %add3A_115 : vector<784x128xf32>
    %max3A_117 = arith.constant 0.000000e+00 : f32
    %max3A_118 = vector.broadcast %max3A_117 : f32 to vector<784x128xf32>
    %max3A_119 = arith.maximumf %add3A_116, %max3A_118 : vector<784x128xf32>
    %get3A_120 = arith.constant 3 : index
    %get3A_121 = arith.constant 0 : index
    %get3A_122 = vector.load %arg5[%get3A_120, %get3A_121] : memref<32x2xf32, #tpu.memory_space<vmem>>, vector<1x1xf32>
    %get3A_123 = vector.extract %get3A_122[0, 0] : f32 from vector<1x1xf32>
    %mul3A_124 = vector.broadcast %get3A_123 : f32 to vector<784x128xf32>
    %mul3A_125 = arith.mulf %max3A_119, %mul3A_124 : vector<784x128xf32>
    %add3A_126 = arith.addf %add3A_97, %mul3A_125 : vector<784x128xf32>
    %get3A_127 = arith.constant 3 : index
    %get3A_128 = arith.constant 1 : index
    %get3A_129 = vector.load %arg5[%get3A_127, %get3A_128] : memref<32x2xf32, #tpu.memory_space<vmem>>, vector<1x1xf32>
    %get3A_130 = vector.extract %get3A_129[0, 0] : f32 from vector<1x1xf32>
    %mul3A_131 = vector.broadcast %get3A_130 : f32 to vector<784x128xf32>
    %mul3A_132 = arith.mulf %max3A_119, %mul3A_131 : vector<784x128xf32>
    %add3A_133 = arith.addf %add3A_104, %mul3A_132 : vector<784x128xf32>
    %get3A_134 = arith.constant 0 : index
    %get3A_135 = arith.constant 4 : index
    %get3A_136 = vector.load %arg3[%get3A_134, %get3A_135] : memref<1x32xf32, #tpu.memory_space<vmem>>, vector<1x1xf32>
    %get3A_137 = vector.extract %get3A_136[0, 0] : f32 from vector<1x1xf32>
    %mul3A_138 = vector.broadcast %get3A_137 : f32 to vector<784x128xf32>
    %mul3A_139 = arith.mulf %mul3A, %mul3A_138 : vector<784x128xf32>
    %get3A_140 = arith.constant 0 : index
    %get3A_141 = arith.constant 4 : index
    %get3A_142 = vector.load %arg4[%get3A_140, %get3A_141] : memref<1x32xf32, #tpu.memory_space<vmem>>, vector<1x1xf32>
    %get3A_143 = vector.extract %get3A_142[0, 0] : f32 from vector<1x1xf32>
    %add3A_144 = vector.broadcast %get3A_143 : f32 to vector<784x128xf32>
    %add3A_145 = arith.addf %mul3A_139, %add3A_144 : vector<784x128xf32>
    %max3A_146 = arith.constant 0.000000e+00 : f32
    %max3A_147 = vector.broadcast %max3A_146 : f32 to vector<784x128xf32>
    %max3A_148 = arith.maximumf %add3A_145, %max3A_147 : vector<784x128xf32>
    %get3A_149 = arith.constant 4 : index
    %get3A_150 = arith.constant 0 : index
    %get3A_151 = vector.load %arg5[%get3A_149, %get3A_150] : memref<32x2xf32, #tpu.memory_space<vmem>>, vector<1x1xf32>
    %get3A_152 = vector.extract %get3A_151[0, 0] : f32 from vector<1x1xf32>
    %mul3A_153 = vector.broadcast %get3A_152 : f32 to vector<784x128xf32>
    %mul3A_154 = arith.mulf %max3A_148, %mul3A_153 : vector<784x128xf32>
    %add3A_155 = arith.addf %add3A_126, %mul3A_154 : vector<784x128xf32>
    %get3A_156 = arith.constant 4 : index
    %get3A_157 = arith.constant 1 : index
    %get3A_158 = vector.load %arg5[%get3A_156, %get3A_157] : memref<32x2xf32, #tpu.memory_space<vmem>>, vector<1x1xf32>
    %get3A_159 = vector.extract %get3A_158[0, 0] : f32 from vector<1x1xf32>
    %mul3A_160 = vector.broadcast %get3A_159 : f32 to vector<784x128xf32>
    %mul3A_161 = arith.mulf %max3A_148, %mul3A_160 : vector<784x128xf32>
    %add3A_162 = arith.addf %add3A_133, %mul3A_161 : vector<784x128xf32>
    %get3A_163 = arith.constant 0 : index
    %get3A_164 = arith.constant 5 : index
    %get3A_165 = vector.load %arg3[%get3A_163, %get3A_164] : memref<1x32xf32, #tpu.memory_space<vmem>>, vector<1x1xf32>
    %get3A_166 = vector.extract %get3A_165[0, 0] : f32 from vector<1x1xf32>
    %mul3A_167 = vector.broadcast %get3A_166 : f32 to vector<784x128xf32>
    %mul3A_168 = arith.mulf %mul3A, %mul3A_167 : vector<784x128xf32>
    %get3A_169 = arith.constant 0 : index
    %get3A_170 = arith.constant 5 : index
    %get3A_171 = vector.load %arg4[%get3A_169, %get3A_170] : memref<1x32xf32, #tpu.memory_space<vmem>>, vector<1x1xf32>
    %get3A_172 = vector.extract %get3A_171[0, 0] : f32 from vector<1x1xf32>
    %add3A_173 = vector.broadcast %get3A_172 : f32 to vector<784x128xf32>
    %add3A_174 = arith.addf %mul3A_168, %add3A_173 : vector<784x128xf32>
    %max3A_175 = arith.constant 0.000000e+00 : f32
    %max3A_176 = vector.broadcast %max3A_175 : f32 to vector<784x128xf32>
    %max3A_177 = arith.maximumf %add3A_174, %max3A_176 : vector<784x128xf32>
    %get3A_178 = arith.constant 5 : index
    %get3A_179 = arith.constant 0 : index
    %get3A_180 = vector.load %arg5[%get3A_178, %get3A_179] : memref<32x2xf32, #tpu.memory_space<vmem>>, vector<1x1xf32>
    %get3A_181 = vector.extract %get3A_180[0, 0] : f32 from vector<1x1xf32>
    %mul3A_182 = vector.broadcast %get3A_181 : f32 to vector<784x128xf32>
    %mul3A_183 = arith.mulf %max3A_177, %mul3A_182 : vector<784x128xf32>
    %add3A_184 = arith.addf %add3A_155, %mul3A_183 : vector<784x128xf32>
    %get3A_185 = arith.constant 5 : index
    %get3A_186 = arith.constant 1 : index
    %get3A_187 = vector.load %arg5[%get3A_185, %get3A_186] : memref<32x2xf32, #tpu.memory_space<vmem>>, vector<1x1xf32>
    %get3A_188 = vector.extract %get3A_187[0, 0] : f32 from vector<1x1xf32>
    %mul3A_189 = vector.broadcast %get3A_188 : f32 to vector<784x128xf32>
    %mul3A_190 = arith.mulf %max3A_177, %mul3A_189 : vector<784x128xf32>
    %add3A_191 = arith.addf %add3A_162, %mul3A_190 : vector<784x128xf32>
    %get3A_192 = arith.constant 0 : index
    %get3A_193 = arith.constant 6 : index
    %get3A_194 = vector.load %arg3[%get3A_192, %get3A_193] : memref<1x32xf32, #tpu.memory_space<vmem>>, vector<1x1xf32>
    %get3A_195 = vector.extract %get3A_194[0, 0] : f32 from vector<1x1xf32>
    %mul3A_196 = vector.broadcast %get3A_195 : f32 to vector<784x128xf32>
    %mul3A_197 = arith.mulf %mul3A, %mul3A_196 : vector<784x128xf32>
    %get3A_198 = arith.constant 0 : index
    %get3A_199 = arith.constant 6 : index
    %get3A_200 = vector.load %arg4[%get3A_198, %get3A_199] : memref<1x32xf32, #tpu.memory_space<vmem>>, vector<1x1xf32>
    %get3A_201 = vector.extract %get3A_200[0, 0] : f32 from vector<1x1xf32>
    %add3A_202 = vector.broadcast %get3A_201 : f32 to vector<784x128xf32>
    %add3A_203 = arith.addf %mul3A_197, %add3A_202 : vector<784x128xf32>
    %max3A_204 = arith.constant 0.000000e+00 : f32
    %max3A_205 = vector.broadcast %max3A_204 : f32 to vector<784x128xf32>
    %max3A_206 = arith.maximumf %add3A_203, %max3A_205 : vector<784x128xf32>
    %get3A_207 = arith.constant 6 : index
    %get3A_208 = arith.constant 0 : index
    %get3A_209 = vector.load %arg5[%get3A_207, %get3A_208] : memref<32x2xf32, #tpu.memory_space<vmem>>, vector<1x1xf32>
    %get3A_210 = vector.extract %get3A_209[0, 0] : f32 from vector<1x1xf32>
    %mul3A_211 = vector.broadcast %get3A_210 : f32 to vector<784x128xf32>
    %mul3A_212 = arith.mulf %max3A_206, %mul3A_211 : vector<784x128xf32>
    %add3A_213 = arith.addf %add3A_184, %mul3A_212 : vector<784x128xf32>
    %get3A_214 = arith.constant 6 : index
    %get3A_215 = arith.constant 1 : index
    %get3A_216 = vector.load %arg5[%get3A_214, %get3A_215] : memref<32x2xf32, #tpu.memory_space<vmem>>, vector<1x1xf32>
    %get3A_217 = vector.extract %get3A_216[0, 0] : f32 from vector<1x1xf32>
    %mul3A_218 = vector.broadcast %get3A_217 : f32 to vector<784x128xf32>
    %mul3A_219 = arith.mulf %max3A_206, %mul3A_218 : vector<784x128xf32>
    %add3A_220 = arith.addf %add3A_191, %mul3A_219 : vector<784x128xf32>
    %get3A_221 = arith.constant 0 : index
    %get3A_222 = arith.constant 7 : index
    %get3A_223 = vector.load %arg3[%get3A_221, %get3A_222] : memref<1x32xf32, #tpu.memory_space<vmem>>, vector<1x1xf32>
    %get3A_224 = vector.extract %get3A_223[0, 0] : f32 from vector<1x1xf32>
    %mul3A_225 = vector.broadcast %get3A_224 : f32 to vector<784x128xf32>
    %mul3A_226 = arith.mulf %mul3A, %mul3A_225 : vector<784x128xf32>
    %get3A_227 = arith.constant 0 : index
    %get3A_228 = arith.constant 7 : index
    %get3A_229 = vector.load %arg4[%get3A_227, %get3A_228] : memref<1x32xf32, #tpu.memory_space<vmem>>, vector<1x1xf32>
    %get3A_230 = vector.extract %get3A_229[0, 0] : f32 from vector<1x1xf32>
    %add3A_231 = vector.broadcast %get3A_230 : f32 to vector<784x128xf32>
    %add3A_232 = arith.addf %mul3A_226, %add3A_231 : vector<784x128xf32>
    %max3A_233 = arith.constant 0.000000e+00 : f32
    %max3A_234 = vector.broadcast %max3A_233 : f32 to vector<784x128xf32>
    %max3A_235 = arith.maximumf %add3A_232, %max3A_234 : vector<784x128xf32>
    %get3A_236 = arith.constant 7 : index
    %get3A_237 = arith.constant 0 : index
    %get3A_238 = vector.load %arg5[%get3A_236, %get3A_237] : memref<32x2xf32, #tpu.memory_space<vmem>>, vector<1x1xf32>
    %get3A_239 = vector.extract %get3A_238[0, 0] : f32 from vector<1x1xf32>
    %mul3A_240 = vector.broadcast %get3A_239 : f32 to vector<784x128xf32>
    %mul3A_241 = arith.mulf %max3A_235, %mul3A_240 : vector<784x128xf32>
    %add3A_242 = arith.addf %add3A_213, %mul3A_241 : vector<784x128xf32>
    %get3A_243 = arith.constant 7 : index
    %get3A_244 = arith.constant 1 : index
    %get3A_245 = vector.load %arg5[%get3A_243, %get3A_244] : memref<32x2xf32, #tpu.memory_space<vmem>>, vector<1x1xf32>
    %get3A_246 = vector.extract %get3A_245[0, 0] : f32 from vector<1x1xf32>
    %mul3A_247 = vector.broadcast %get3A_246 : f32 to vector<784x128xf32>
    %mul3A_248 = arith.mulf %max3A_235, %mul3A_247 : vector<784x128xf32>
    %add3A_249 = arith.addf %add3A_220, %mul3A_248 : vector<784x128xf32>
    %get3A_250 = arith.constant 0 : index
    %get3A_251 = arith.constant 8 : index
    %get3A_252 = vector.load %arg3[%get3A_250, %get3A_251] : memref<1x32xf32, #tpu.memory_space<vmem>>, vector<1x1xf32>
    %get3A_253 = vector.extract %get3A_252[0, 0] : f32 from vector<1x1xf32>
    %mul3A_254 = vector.broadcast %get3A_253 : f32 to vector<784x128xf32>
    %mul3A_255 = arith.mulf %mul3A, %mul3A_254 : vector<784x128xf32>
    %get3A_256 = arith.constant 0 : index
    %get3A_257 = arith.constant 8 : index
    %get3A_258 = vector.load %arg4[%get3A_256, %get3A_257] : memref<1x32xf32, #tpu.memory_space<vmem>>, vector<1x1xf32>
    %get3A_259 = vector.extract %get3A_258[0, 0] : f32 from vector<1x1xf32>
    %add3A_260 = vector.broadcast %get3A_259 : f32 to vector<784x128xf32>
    %add3A_261 = arith.addf %mul3A_255, %add3A_260 : vector<784x128xf32>
    %max3A_262 = arith.constant 0.000000e+00 : f32
    %max3A_263 = vector.broadcast %max3A_262 : f32 to vector<784x128xf32>
    %max3A_264 = arith.maximumf %add3A_261, %max3A_263 : vector<784x128xf32>
    %get3A_265 = arith.constant 8 : index
    %get3A_266 = arith.constant 0 : index
    %get3A_267 = vector.load %arg5[%get3A_265, %get3A_266] : memref<32x2xf32, #tpu.memory_space<vmem>>, vector<1x1xf32>
    %get3A_268 = vector.extract %get3A_267[0, 0] : f32 from vector<1x1xf32>
    %mul3A_269 = vector.broadcast %get3A_268 : f32 to vector<784x128xf32>
    %mul3A_270 = arith.mulf %max3A_264, %mul3A_269 : vector<784x128xf32>
    %add3A_271 = arith.addf %add3A_242, %mul3A_270 : vector<784x128xf32>
    %get3A_272 = arith.constant 8 : index
    %get3A_273 = arith.constant 1 : index
    %get3A_274 = vector.load %arg5[%get3A_272, %get3A_273] : memref<32x2xf32, #tpu.memory_space<vmem>>, vector<1x1xf32>
    %get3A_275 = vector.extract %get3A_274[0, 0] : f32 from vector<1x1xf32>
    %mul3A_276 = vector.broadcast %get3A_275 : f32 to vector<784x128xf32>
    %mul3A_277 = arith.mulf %max3A_264, %mul3A_276 : vector<784x128xf32>
    %add3A_278 = arith.addf %add3A_249, %mul3A_277 : vector<784x128xf32>
    %get3A_279 = arith.constant 0 : index
    %get3A_280 = arith.constant 9 : index
    %get3A_281 = vector.load %arg3[%get3A_279, %get3A_280] : memref<1x32xf32, #tpu.memory_space<vmem>>, vector<1x1xf32>
    %get3A_282 = vector.extract %get3A_281[0, 0] : f32 from vector<1x1xf32>
    %mul3A_283 = vector.broadcast %get3A_282 : f32 to vector<784x128xf32>
    %mul3A_284 = arith.mulf %mul3A, %mul3A_283 : vector<784x128xf32>
    %get3A_285 = arith.constant 0 : index
    %get3A_286 = arith.constant 9 : index
    %get3A_287 = vector.load %arg4[%get3A_285, %get3A_286] : memref<1x32xf32, #tpu.memory_space<vmem>>, vector<1x1xf32>
    %get3A_288 = vector.extract %get3A_287[0, 0] : f32 from vector<1x1xf32>
    %add3A_289 = vector.broadcast %get3A_288 : f32 to vector<784x128xf32>
    %add3A_290 = arith.addf %mul3A_284, %add3A_289 : vector<784x128xf32>
    %max3A_291 = arith.constant 0.000000e+00 : f32
    %max3A_292 = vector.broadcast %max3A_291 : f32 to vector<784x128xf32>
    %max3A_293 = arith.maximumf %add3A_290, %max3A_292 : vector<784x128xf32>
    %get3A_294 = arith.constant 9 : index
    %get3A_295 = arith.constant 0 : index
    %get3A_296 = vector.load %arg5[%get3A_294, %get3A_295] : memref<32x2xf32, #tpu.memory_space<vmem>>, vector<1x1xf32>
    %get3A_297 = vector.extract %get3A_296[0, 0] : f32 from vector<1x1xf32>
    %mul3A_298 = vector.broadcast %get3A_297 : f32 to vector<784x128xf32>
    %mul3A_299 = arith.mulf %max3A_293, %mul3A_298 : vector<784x128xf32>
    %add3A_300 = arith.addf %add3A_271, %mul3A_299 : vector<784x128xf32>
    %get3A_301 = arith.constant 9 : index
    %get3A_302 = arith.constant 1 : index
    %get3A_303 = vector.load %arg5[%get3A_301, %get3A_302] : memref<32x2xf32, #tpu.memory_space<vmem>>, vector<1x1xf32>
    %get3A_304 = vector.extract %get3A_303[0, 0] : f32 from vector<1x1xf32>
    %mul3A_305 = vector.broadcast %get3A_304 : f32 to vector<784x128xf32>
    %mul3A_306 = arith.mulf %max3A_293, %mul3A_305 : vector<784x128xf32>
    %add3A_307 = arith.addf %add3A_278, %mul3A_306 : vector<784x128xf32>
    %get3A_308 = arith.constant 0 : index
    %get3A_309 = arith.constant 10 : index
    %get3A_310 = vector.load %arg3[%get3A_308, %get3A_309] : memref<1x32xf32, #tpu.memory_space<vmem>>, vector<1x1xf32>
    %get3A_311 = vector.extract %get3A_310[0, 0] : f32 from vector<1x1xf32>
    %mul3A_312 = vector.broadcast %get3A_311 : f32 to vector<784x128xf32>
    %mul3A_313 = arith.mulf %mul3A, %mul3A_312 : vector<784x128xf32>
    %get3A_314 = arith.constant 0 : index
    %get3A_315 = arith.constant 10 : index
    %get3A_316 = vector.load %arg4[%get3A_314, %get3A_315] : memref<1x32xf32, #tpu.memory_space<vmem>>, vector<1x1xf32>
    %get3A_317 = vector.extract %get3A_316[0, 0] : f32 from vector<1x1xf32>
    %add3A_318 = vector.broadcast %get3A_317 : f32 to vector<784x128xf32>
    %add3A_319 = arith.addf %mul3A_313, %add3A_318 : vector<784x128xf32>
    %max3A_320 = arith.constant 0.000000e+00 : f32
    %max3A_321 = vector.broadcast %max3A_320 : f32 to vector<784x128xf32>
    %max3A_322 = arith.maximumf %add3A_319, %max3A_321 : vector<784x128xf32>
    %get3A_323 = arith.constant 10 : index
    %get3A_324 = arith.constant 0 : index
    %get3A_325 = vector.load %arg5[%get3A_323, %get3A_324] : memref<32x2xf32, #tpu.memory_space<vmem>>, vector<1x1xf32>
    %get3A_326 = vector.extract %get3A_325[0, 0] : f32 from vector<1x1xf32>
    %mul3A_327 = vector.broadcast %get3A_326 : f32 to vector<784x128xf32>
    %mul3A_328 = arith.mulf %max3A_322, %mul3A_327 : vector<784x128xf32>
    %add3A_329 = arith.addf %add3A_300, %mul3A_328 : vector<784x128xf32>
    %get3A_330 = arith.constant 10 : index
    %get3A_331 = arith.constant 1 : index
    %get3A_332 = vector.load %arg5[%get3A_330, %get3A_331] : memref<32x2xf32, #tpu.memory_space<vmem>>, vector<1x1xf32>
    %get3A_333 = vector.extract %get3A_332[0, 0] : f32 from vector<1x1xf32>
    %mul3A_334 = vector.broadcast %get3A_333 : f32 to vector<784x128xf32>
    %mul3A_335 = arith.mulf %max3A_322, %mul3A_334 : vector<784x128xf32>
    %add3A_336 = arith.addf %add3A_307, %mul3A_335 : vector<784x128xf32>
    %get3A_337 = arith.constant 0 : index
    %get3A_338 = arith.constant 11 : index
    %get3A_339 = vector.load %arg3[%get3A_337, %get3A_338] : memref<1x32xf32, #tpu.memory_space<vmem>>, vector<1x1xf32>
    %get3A_340 = vector.extract %get3A_339[0, 0] : f32 from vector<1x1xf32>
    %mul3A_341 = vector.broadcast %get3A_340 : f32 to vector<784x128xf32>
    %mul3A_342 = arith.mulf %mul3A, %mul3A_341 : vector<784x128xf32>
    %get3A_343 = arith.constant 0 : index
    %get3A_344 = arith.constant 11 : index
    %get3A_345 = vector.load %arg4[%get3A_343, %get3A_344] : memref<1x32xf32, #tpu.memory_space<vmem>>, vector<1x1xf32>
    %get3A_346 = vector.extract %get3A_345[0, 0] : f32 from vector<1x1xf32>
    %add3A_347 = vector.broadcast %get3A_346 : f32 to vector<784x128xf32>
    %add3A_348 = arith.addf %mul3A_342, %add3A_347 : vector<784x128xf32>
    %max3A_349 = arith.constant 0.000000e+00 : f32
    %max3A_350 = vector.broadcast %max3A_349 : f32 to vector<784x128xf32>
    %max3A_351 = arith.maximumf %add3A_348, %max3A_350 : vector<784x128xf32>
    %get3A_352 = arith.constant 11 : index
    %get3A_353 = arith.constant 0 : index
    %get3A_354 = vector.load %arg5[%get3A_352, %get3A_353] : memref<32x2xf32, #tpu.memory_space<vmem>>, vector<1x1xf32>
    %get3A_355 = vector.extract %get3A_354[0, 0] : f32 from vector<1x1xf32>
    %mul3A_356 = vector.broadcast %get3A_355 : f32 to vector<784x128xf32>
    %mul3A_357 = arith.mulf %max3A_351, %mul3A_356 : vector<784x128xf32>
    %add3A_358 = arith.addf %add3A_329, %mul3A_357 : vector<784x128xf32>
    %get3A_359 = arith.constant 11 : index
    %get3A_360 = arith.constant 1 : index
    %get3A_361 = vector.load %arg5[%get3A_359, %get3A_360] : memref<32x2xf32, #tpu.memory_space<vmem>>, vector<1x1xf32>
    %get3A_362 = vector.extract %get3A_361[0, 0] : f32 from vector<1x1xf32>
    %mul3A_363 = vector.broadcast %get3A_362 : f32 to vector<784x128xf32>
    %mul3A_364 = arith.mulf %max3A_351, %mul3A_363 : vector<784x128xf32>
    %add3A_365 = arith.addf %add3A_336, %mul3A_364 : vector<784x128xf32>
    %get3A_366 = arith.constant 0 : index
    %get3A_367 = arith.constant 12 : index
    %get3A_368 = vector.load %arg3[%get3A_366, %get3A_367] : memref<1x32xf32, #tpu.memory_space<vmem>>, vector<1x1xf32>
    %get3A_369 = vector.extract %get3A_368[0, 0] : f32 from vector<1x1xf32>
    %mul3A_370 = vector.broadcast %get3A_369 : f32 to vector<784x128xf32>
    %mul3A_371 = arith.mulf %mul3A, %mul3A_370 : vector<784x128xf32>
    %get3A_372 = arith.constant 0 : index
    %get3A_373 = arith.constant 12 : index
    %get3A_374 = vector.load %arg4[%get3A_372, %get3A_373] : memref<1x32xf32, #tpu.memory_space<vmem>>, vector<1x1xf32>
    %get3A_375 = vector.extract %get3A_374[0, 0] : f32 from vector<1x1xf32>
    %add3A_376 = vector.broadcast %get3A_375 : f32 to vector<784x128xf32>
    %add3A_377 = arith.addf %mul3A_371, %add3A_376 : vector<784x128xf32>
    %max3A_378 = arith.constant 0.000000e+00 : f32
    %max3A_379 = vector.broadcast %max3A_378 : f32 to vector<784x128xf32>
    %max3A_380 = arith.maximumf %add3A_377, %max3A_379 : vector<784x128xf32>
    %get3A_381 = arith.constant 12 : index
    %get3A_382 = arith.constant 0 : index
    %get3A_383 = vector.load %arg5[%get3A_381, %get3A_382] : memref<32x2xf32, #tpu.memory_space<vmem>>, vector<1x1xf32>
    %get3A_384 = vector.extract %get3A_383[0, 0] : f32 from vector<1x1xf32>
    %mul3A_385 = vector.broadcast %get3A_384 : f32 to vector<784x128xf32>
    %mul3A_386 = arith.mulf %max3A_380, %mul3A_385 : vector<784x128xf32>
    %add3A_387 = arith.addf %add3A_358, %mul3A_386 : vector<784x128xf32>
    %get3A_388 = arith.constant 12 : index
    %get3A_389 = arith.constant 1 : index
    %get3A_390 = vector.load %arg5[%get3A_388, %get3A_389] : memref<32x2xf32, #tpu.memory_space<vmem>>, vector<1x1xf32>
    %get3A_391 = vector.extract %get3A_390[0, 0] : f32 from vector<1x1xf32>
    %mul3A_392 = vector.broadcast %get3A_391 : f32 to vector<784x128xf32>
    %mul3A_393 = arith.mulf %max3A_380, %mul3A_392 : vector<784x128xf32>
    %add3A_394 = arith.addf %add3A_365, %mul3A_393 : vector<784x128xf32>
    %get3A_395 = arith.constant 0 : index
    %get3A_396 = arith.constant 13 : index
    %get3A_397 = vector.load %arg3[%get3A_395, %get3A_396] : memref<1x32xf32, #tpu.memory_space<vmem>>, vector<1x1xf32>
    %get3A_398 = vector.extract %get3A_397[0, 0] : f32 from vector<1x1xf32>
    %mul3A_399 = vector.broadcast %get3A_398 : f32 to vector<784x128xf32>
    %mul3A_400 = arith.mulf %mul3A, %mul3A_399 : vector<784x128xf32>
    %get3A_401 = arith.constant 0 : index
    %get3A_402 = arith.constant 13 : index
    %get3A_403 = vector.load %arg4[%get3A_401, %get3A_402] : memref<1x32xf32, #tpu.memory_space<vmem>>, vector<1x1xf32>
    %get3A_404 = vector.extract %get3A_403[0, 0] : f32 from vector<1x1xf32>
    %add3A_405 = vector.broadcast %get3A_404 : f32 to vector<784x128xf32>
    %add3A_406 = arith.addf %mul3A_400, %add3A_405 : vector<784x128xf32>
    %max3A_407 = arith.constant 0.000000e+00 : f32
    %max3A_408 = vector.broadcast %max3A_407 : f32 to vector<784x128xf32>
    %max3A_409 = arith.maximumf %add3A_406, %max3A_408 : vector<784x128xf32>
    %get3A_410 = arith.constant 13 : index
    %get3A_411 = arith.constant 0 : index
    %get3A_412 = vector.load %arg5[%get3A_410, %get3A_411] : memref<32x2xf32, #tpu.memory_space<vmem>>, vector<1x1xf32>
    %get3A_413 = vector.extract %get3A_412[0, 0] : f32 from vector<1x1xf32>
    %mul3A_414 = vector.broadcast %get3A_413 : f32 to vector<784x128xf32>
    %mul3A_415 = arith.mulf %max3A_409, %mul3A_414 : vector<784x128xf32>
    %add3A_416 = arith.addf %add3A_387, %mul3A_415 : vector<784x128xf32>
    %get3A_417 = arith.constant 13 : index
    %get3A_418 = arith.constant 1 : index
    %get3A_419 = vector.load %arg5[%get3A_417, %get3A_418] : memref<32x2xf32, #tpu.memory_space<vmem>>, vector<1x1xf32>
    %get3A_420 = vector.extract %get3A_419[0, 0] : f32 from vector<1x1xf32>
    %mul3A_421 = vector.broadcast %get3A_420 : f32 to vector<784x128xf32>
    %mul3A_422 = arith.mulf %max3A_409, %mul3A_421 : vector<784x128xf32>
    %add3A_423 = arith.addf %add3A_394, %mul3A_422 : vector<784x128xf32>
    %get3A_424 = arith.constant 0 : index
    %get3A_425 = arith.constant 14 : index
    %get3A_426 = vector.load %arg3[%get3A_424, %get3A_425] : memref<1x32xf32, #tpu.memory_space<vmem>>, vector<1x1xf32>
    %get3A_427 = vector.extract %get3A_426[0, 0] : f32 from vector<1x1xf32>
    %mul3A_428 = vector.broadcast %get3A_427 : f32 to vector<784x128xf32>
    %mul3A_429 = arith.mulf %mul3A, %mul3A_428 : vector<784x128xf32>
    %get3A_430 = arith.constant 0 : index
    %get3A_431 = arith.constant 14 : index
    %get3A_432 = vector.load %arg4[%get3A_430, %get3A_431] : memref<1x32xf32, #tpu.memory_space<vmem>>, vector<1x1xf32>
    %get3A_433 = vector.extract %get3A_432[0, 0] : f32 from vector<1x1xf32>
    %add3A_434 = vector.broadcast %get3A_433 : f32 to vector<784x128xf32>
    %add3A_435 = arith.addf %mul3A_429, %add3A_434 : vector<784x128xf32>
    %max3A_436 = arith.constant 0.000000e+00 : f32
    %max3A_437 = vector.broadcast %max3A_436 : f32 to vector<784x128xf32>
    %max3A_438 = arith.maximumf %add3A_435, %max3A_437 : vector<784x128xf32>
    %get3A_439 = arith.constant 14 : index
    %get3A_440 = arith.constant 0 : index
    %get3A_441 = vector.load %arg5[%get3A_439, %get3A_440] : memref<32x2xf32, #tpu.memory_space<vmem>>, vector<1x1xf32>
    %get3A_442 = vector.extract %get3A_441[0, 0] : f32 from vector<1x1xf32>
    %mul3A_443 = vector.broadcast %get3A_442 : f32 to vector<784x128xf32>
    %mul3A_444 = arith.mulf %max3A_438, %mul3A_443 : vector<784x128xf32>
    %add3A_445 = arith.addf %add3A_416, %mul3A_444 : vector<784x128xf32>
    %get3A_446 = arith.constant 14 : index
    %get3A_447 = arith.constant 1 : index
    %get3A_448 = vector.load %arg5[%get3A_446, %get3A_447] : memref<32x2xf32, #tpu.memory_space<vmem>>, vector<1x1xf32>
    %get3A_449 = vector.extract %get3A_448[0, 0] : f32 from vector<1x1xf32>
    %mul3A_450 = vector.broadcast %get3A_449 : f32 to vector<784x128xf32>
    %mul3A_451 = arith.mulf %max3A_438, %mul3A_450 : vector<784x128xf32>
    %add3A_452 = arith.addf %add3A_423, %mul3A_451 : vector<784x128xf32>
    %get3A_453 = arith.constant 0 : index
    %get3A_454 = arith.constant 15 : index
    %get3A_455 = vector.load %arg3[%get3A_453, %get3A_454] : memref<1x32xf32, #tpu.memory_space<vmem>>, vector<1x1xf32>
    %get3A_456 = vector.extract %get3A_455[0, 0] : f32 from vector<1x1xf32>
    %mul3A_457 = vector.broadcast %get3A_456 : f32 to vector<784x128xf32>
    %mul3A_458 = arith.mulf %mul3A, %mul3A_457 : vector<784x128xf32>
    %get3A_459 = arith.constant 0 : index
    %get3A_460 = arith.constant 15 : index
    %get3A_461 = vector.load %arg4[%get3A_459, %get3A_460] : memref<1x32xf32, #tpu.memory_space<vmem>>, vector<1x1xf32>
    %get3A_462 = vector.extract %get3A_461[0, 0] : f32 from vector<1x1xf32>
    %add3A_463 = vector.broadcast %get3A_462 : f32 to vector<784x128xf32>
    %add3A_464 = arith.addf %mul3A_458, %add3A_463 : vector<784x128xf32>
    %max3A_465 = arith.constant 0.000000e+00 : f32
    %max3A_466 = vector.broadcast %max3A_465 : f32 to vector<784x128xf32>
    %max3A_467 = arith.maximumf %add3A_464, %max3A_466 : vector<784x128xf32>
    %get3A_468 = arith.constant 15 : index
    %get3A_469 = arith.constant 0 : index
    %get3A_470 = vector.load %arg5[%get3A_468, %get3A_469] : memref<32x2xf32, #tpu.memory_space<vmem>>, vector<1x1xf32>
    %get3A_471 = vector.extract %get3A_470[0, 0] : f32 from vector<1x1xf32>
    %mul3A_472 = vector.broadcast %get3A_471 : f32 to vector<784x128xf32>
    %mul3A_473 = arith.mulf %max3A_467, %mul3A_472 : vector<784x128xf32>
    %add3A_474 = arith.addf %add3A_445, %mul3A_473 : vector<784x128xf32>
    %get3A_475 = arith.constant 15 : index
    %get3A_476 = arith.constant 1 : index
    %get3A_477 = vector.load %arg5[%get3A_475, %get3A_476] : memref<32x2xf32, #tpu.memory_space<vmem>>, vector<1x1xf32>
    %get3A_478 = vector.extract %get3A_477[0, 0] : f32 from vector<1x1xf32>
    %mul3A_479 = vector.broadcast %get3A_478 : f32 to vector<784x128xf32>
    %mul3A_480 = arith.mulf %max3A_467, %mul3A_479 : vector<784x128xf32>
    %add3A_481 = arith.addf %add3A_452, %mul3A_480 : vector<784x128xf32>
    %get3A_482 = arith.constant 0 : index
    %get3A_483 = arith.constant 16 : index
    %get3A_484 = vector.load %arg3[%get3A_482, %get3A_483] : memref<1x32xf32, #tpu.memory_space<vmem>>, vector<1x1xf32>
    %get3A_485 = vector.extract %get3A_484[0, 0] : f32 from vector<1x1xf32>
    %mul3A_486 = vector.broadcast %get3A_485 : f32 to vector<784x128xf32>
    %mul3A_487 = arith.mulf %mul3A, %mul3A_486 : vector<784x128xf32>
    %get3A_488 = arith.constant 0 : index
    %get3A_489 = arith.constant 16 : index
    %get3A_490 = vector.load %arg4[%get3A_488, %get3A_489] : memref<1x32xf32, #tpu.memory_space<vmem>>, vector<1x1xf32>
    %get3A_491 = vector.extract %get3A_490[0, 0] : f32 from vector<1x1xf32>
    %add3A_492 = vector.broadcast %get3A_491 : f32 to vector<784x128xf32>
    %add3A_493 = arith.addf %mul3A_487, %add3A_492 : vector<784x128xf32>
    %max3A_494 = arith.constant 0.000000e+00 : f32
    %max3A_495 = vector.broadcast %max3A_494 : f32 to vector<784x128xf32>
    %max3A_496 = arith.maximumf %add3A_493, %max3A_495 : vector<784x128xf32>
    %get3A_497 = arith.constant 16 : index
    %get3A_498 = arith.constant 0 : index
    %get3A_499 = vector.load %arg5[%get3A_497, %get3A_498] : memref<32x2xf32, #tpu.memory_space<vmem>>, vector<1x1xf32>
    %get3A_500 = vector.extract %get3A_499[0, 0] : f32 from vector<1x1xf32>
    %mul3A_501 = vector.broadcast %get3A_500 : f32 to vector<784x128xf32>
    %mul3A_502 = arith.mulf %max3A_496, %mul3A_501 : vector<784x128xf32>
    %add3A_503 = arith.addf %add3A_474, %mul3A_502 : vector<784x128xf32>
    %get3A_504 = arith.constant 16 : index
    %get3A_505 = arith.constant 1 : index
    %get3A_506 = vector.load %arg5[%get3A_504, %get3A_505] : memref<32x2xf32, #tpu.memory_space<vmem>>, vector<1x1xf32>
    %get3A_507 = vector.extract %get3A_506[0, 0] : f32 from vector<1x1xf32>
    %mul3A_508 = vector.broadcast %get3A_507 : f32 to vector<784x128xf32>
    %mul3A_509 = arith.mulf %max3A_496, %mul3A_508 : vector<784x128xf32>
    %add3A_510 = arith.addf %add3A_481, %mul3A_509 : vector<784x128xf32>
    %get3A_511 = arith.constant 0 : index
    %get3A_512 = arith.constant 17 : index
    %get3A_513 = vector.load %arg3[%get3A_511, %get3A_512] : memref<1x32xf32, #tpu.memory_space<vmem>>, vector<1x1xf32>
    %get3A_514 = vector.extract %get3A_513[0, 0] : f32 from vector<1x1xf32>
    %mul3A_515 = vector.broadcast %get3A_514 : f32 to vector<784x128xf32>
    %mul3A_516 = arith.mulf %mul3A, %mul3A_515 : vector<784x128xf32>
    %get3A_517 = arith.constant 0 : index
    %get3A_518 = arith.constant 17 : index
    %get3A_519 = vector.load %arg4[%get3A_517, %get3A_518] : memref<1x32xf32, #tpu.memory_space<vmem>>, vector<1x1xf32>
    %get3A_520 = vector.extract %get3A_519[0, 0] : f32 from vector<1x1xf32>
    %add3A_521 = vector.broadcast %get3A_520 : f32 to vector<784x128xf32>
    %add3A_522 = arith.addf %mul3A_516, %add3A_521 : vector<784x128xf32>
    %max3A_523 = arith.constant 0.000000e+00 : f32
    %max3A_524 = vector.broadcast %max3A_523 : f32 to vector<784x128xf32>
    %max3A_525 = arith.maximumf %add3A_522, %max3A_524 : vector<784x128xf32>
    %get3A_526 = arith.constant 17 : index
    %get3A_527 = arith.constant 0 : index
    %get3A_528 = vector.load %arg5[%get3A_526, %get3A_527] : memref<32x2xf32, #tpu.memory_space<vmem>>, vector<1x1xf32>
    %get3A_529 = vector.extract %get3A_528[0, 0] : f32 from vector<1x1xf32>
    %mul3A_530 = vector.broadcast %get3A_529 : f32 to vector<784x128xf32>
    %mul3A_531 = arith.mulf %max3A_525, %mul3A_530 : vector<784x128xf32>
    %add3A_532 = arith.addf %add3A_503, %mul3A_531 : vector<784x128xf32>
    %get3A_533 = arith.constant 17 : index
    %get3A_534 = arith.constant 1 : index
    %get3A_535 = vector.load %arg5[%get3A_533, %get3A_534] : memref<32x2xf32, #tpu.memory_space<vmem>>, vector<1x1xf32>
    %get3A_536 = vector.extract %get3A_535[0, 0] : f32 from vector<1x1xf32>
    %mul3A_537 = vector.broadcast %get3A_536 : f32 to vector<784x128xf32>
    %mul3A_538 = arith.mulf %max3A_525, %mul3A_537 : vector<784x128xf32>
    %add3A_539 = arith.addf %add3A_510, %mul3A_538 : vector<784x128xf32>
    %get3A_540 = arith.constant 0 : index
    %get3A_541 = arith.constant 18 : index
    %get3A_542 = vector.load %arg3[%get3A_540, %get3A_541] : memref<1x32xf32, #tpu.memory_space<vmem>>, vector<1x1xf32>
    %get3A_543 = vector.extract %get3A_542[0, 0] : f32 from vector<1x1xf32>
    %mul3A_544 = vector.broadcast %get3A_543 : f32 to vector<784x128xf32>
    %mul3A_545 = arith.mulf %mul3A, %mul3A_544 : vector<784x128xf32>
    %get3A_546 = arith.constant 0 : index
    %get3A_547 = arith.constant 18 : index
    %get3A_548 = vector.load %arg4[%get3A_546, %get3A_547] : memref<1x32xf32, #tpu.memory_space<vmem>>, vector<1x1xf32>
    %get3A_549 = vector.extract %get3A_548[0, 0] : f32 from vector<1x1xf32>
    %add3A_550 = vector.broadcast %get3A_549 : f32 to vector<784x128xf32>
    %add3A_551 = arith.addf %mul3A_545, %add3A_550 : vector<784x128xf32>
    %max3A_552 = arith.constant 0.000000e+00 : f32
    %max3A_553 = vector.broadcast %max3A_552 : f32 to vector<784x128xf32>
    %max3A_554 = arith.maximumf %add3A_551, %max3A_553 : vector<784x128xf32>
    %get3A_555 = arith.constant 18 : index
    %get3A_556 = arith.constant 0 : index
    %get3A_557 = vector.load %arg5[%get3A_555, %get3A_556] : memref<32x2xf32, #tpu.memory_space<vmem>>, vector<1x1xf32>
    %get3A_558 = vector.extract %get3A_557[0, 0] : f32 from vector<1x1xf32>
    %mul3A_559 = vector.broadcast %get3A_558 : f32 to vector<784x128xf32>
    %mul3A_560 = arith.mulf %max3A_554, %mul3A_559 : vector<784x128xf32>
    %add3A_561 = arith.addf %add3A_532, %mul3A_560 : vector<784x128xf32>
    %get3A_562 = arith.constant 18 : index
    %get3A_563 = arith.constant 1 : index
    %get3A_564 = vector.load %arg5[%get3A_562, %get3A_563] : memref<32x2xf32, #tpu.memory_space<vmem>>, vector<1x1xf32>
    %get3A_565 = vector.extract %get3A_564[0, 0] : f32 from vector<1x1xf32>
    %mul3A_566 = vector.broadcast %get3A_565 : f32 to vector<784x128xf32>
    %mul3A_567 = arith.mulf %max3A_554, %mul3A_566 : vector<784x128xf32>
    %add3A_568 = arith.addf %add3A_539, %mul3A_567 : vector<784x128xf32>
    %get3A_569 = arith.constant 0 : index
    %get3A_570 = arith.constant 19 : index
    %get3A_571 = vector.load %arg3[%get3A_569, %get3A_570] : memref<1x32xf32, #tpu.memory_space<vmem>>, vector<1x1xf32>
    %get3A_572 = vector.extract %get3A_571[0, 0] : f32 from vector<1x1xf32>
    %mul3A_573 = vector.broadcast %get3A_572 : f32 to vector<784x128xf32>
    %mul3A_574 = arith.mulf %mul3A, %mul3A_573 : vector<784x128xf32>
    %get3A_575 = arith.constant 0 : index
    %get3A_576 = arith.constant 19 : index
    %get3A_577 = vector.load %arg4[%get3A_575, %get3A_576] : memref<1x32xf32, #tpu.memory_space<vmem>>, vector<1x1xf32>
    %get3A_578 = vector.extract %get3A_577[0, 0] : f32 from vector<1x1xf32>
    %add3A_579 = vector.broadcast %get3A_578 : f32 to vector<784x128xf32>
    %add3A_580 = arith.addf %mul3A_574, %add3A_579 : vector<784x128xf32>
    %max3A_581 = arith.constant 0.000000e+00 : f32
    %max3A_582 = vector.broadcast %max3A_581 : f32 to vector<784x128xf32>
    %max3A_583 = arith.maximumf %add3A_580, %max3A_582 : vector<784x128xf32>
    %get3A_584 = arith.constant 19 : index
    %get3A_585 = arith.constant 0 : index
    %get3A_586 = vector.load %arg5[%get3A_584, %get3A_585] : memref<32x2xf32, #tpu.memory_space<vmem>>, vector<1x1xf32>
    %get3A_587 = vector.extract %get3A_586[0, 0] : f32 from vector<1x1xf32>
    %mul3A_588 = vector.broadcast %get3A_587 : f32 to vector<784x128xf32>
    %mul3A_589 = arith.mulf %max3A_583, %mul3A_588 : vector<784x128xf32>
    %add3A_590 = arith.addf %add3A_561, %mul3A_589 : vector<784x128xf32>
    %get3A_591 = arith.constant 19 : index
    %get3A_592 = arith.constant 1 : index
    %get3A_593 = vector.load %arg5[%get3A_591, %get3A_592] : memref<32x2xf32, #tpu.memory_space<vmem>>, vector<1x1xf32>
    %get3A_594 = vector.extract %get3A_593[0, 0] : f32 from vector<1x1xf32>
    %mul3A_595 = vector.broadcast %get3A_594 : f32 to vector<784x128xf32>
    %mul3A_596 = arith.mulf %max3A_583, %mul3A_595 : vector<784x128xf32>
    %add3A_597 = arith.addf %add3A_568, %mul3A_596 : vector<784x128xf32>
    %get3A_598 = arith.constant 0 : index
    %get3A_599 = arith.constant 20 : index
    %get3A_600 = vector.load %arg3[%get3A_598, %get3A_599] : memref<1x32xf32, #tpu.memory_space<vmem>>, vector<1x1xf32>
    %get3A_601 = vector.extract %get3A_600[0, 0] : f32 from vector<1x1xf32>
    %mul3A_602 = vector.broadcast %get3A_601 : f32 to vector<784x128xf32>
    %mul3A_603 = arith.mulf %mul3A, %mul3A_602 : vector<784x128xf32>
    %get3A_604 = arith.constant 0 : index
    %get3A_605 = arith.constant 20 : index
    %get3A_606 = vector.load %arg4[%get3A_604, %get3A_605] : memref<1x32xf32, #tpu.memory_space<vmem>>, vector<1x1xf32>
    %get3A_607 = vector.extract %get3A_606[0, 0] : f32 from vector<1x1xf32>
    %add3A_608 = vector.broadcast %get3A_607 : f32 to vector<784x128xf32>
    %add3A_609 = arith.addf %mul3A_603, %add3A_608 : vector<784x128xf32>
    %max3A_610 = arith.constant 0.000000e+00 : f32
    %max3A_611 = vector.broadcast %max3A_610 : f32 to vector<784x128xf32>
    %max3A_612 = arith.maximumf %add3A_609, %max3A_611 : vector<784x128xf32>
    %get3A_613 = arith.constant 20 : index
    %get3A_614 = arith.constant 0 : index
    %get3A_615 = vector.load %arg5[%get3A_613, %get3A_614] : memref<32x2xf32, #tpu.memory_space<vmem>>, vector<1x1xf32>
    %get3A_616 = vector.extract %get3A_615[0, 0] : f32 from vector<1x1xf32>
    %mul3A_617 = vector.broadcast %get3A_616 : f32 to vector<784x128xf32>
    %mul3A_618 = arith.mulf %max3A_612, %mul3A_617 : vector<784x128xf32>
    %add3A_619 = arith.addf %add3A_590, %mul3A_618 : vector<784x128xf32>
    %get3A_620 = arith.constant 20 : index
    %get3A_621 = arith.constant 1 : index
    %get3A_622 = vector.load %arg5[%get3A_620, %get3A_621] : memref<32x2xf32, #tpu.memory_space<vmem>>, vector<1x1xf32>
    %get3A_623 = vector.extract %get3A_622[0, 0] : f32 from vector<1x1xf32>
    %mul3A_624 = vector.broadcast %get3A_623 : f32 to vector<784x128xf32>
    %mul3A_625 = arith.mulf %max3A_612, %mul3A_624 : vector<784x128xf32>
    %add3A_626 = arith.addf %add3A_597, %mul3A_625 : vector<784x128xf32>
    %get3A_627 = arith.constant 0 : index
    %get3A_628 = arith.constant 21 : index
    %get3A_629 = vector.load %arg3[%get3A_627, %get3A_628] : memref<1x32xf32, #tpu.memory_space<vmem>>, vector<1x1xf32>
    %get3A_630 = vector.extract %get3A_629[0, 0] : f32 from vector<1x1xf32>
    %mul3A_631 = vector.broadcast %get3A_630 : f32 to vector<784x128xf32>
    %mul3A_632 = arith.mulf %mul3A, %mul3A_631 : vector<784x128xf32>
    %get3A_633 = arith.constant 0 : index
    %get3A_634 = arith.constant 21 : index
    %get3A_635 = vector.load %arg4[%get3A_633, %get3A_634] : memref<1x32xf32, #tpu.memory_space<vmem>>, vector<1x1xf32>
    %get3A_636 = vector.extract %get3A_635[0, 0] : f32 from vector<1x1xf32>
    %add3A_637 = vector.broadcast %get3A_636 : f32 to vector<784x128xf32>
    %add3A_638 = arith.addf %mul3A_632, %add3A_637 : vector<784x128xf32>
    %max3A_639 = arith.constant 0.000000e+00 : f32
    %max3A_640 = vector.broadcast %max3A_639 : f32 to vector<784x128xf32>
    %max3A_641 = arith.maximumf %add3A_638, %max3A_640 : vector<784x128xf32>
    %get3A_642 = arith.constant 21 : index
    %get3A_643 = arith.constant 0 : index
    %get3A_644 = vector.load %arg5[%get3A_642, %get3A_643] : memref<32x2xf32, #tpu.memory_space<vmem>>, vector<1x1xf32>
    %get3A_645 = vector.extract %get3A_644[0, 0] : f32 from vector<1x1xf32>
    %mul3A_646 = vector.broadcast %get3A_645 : f32 to vector<784x128xf32>
    %mul3A_647 = arith.mulf %max3A_641, %mul3A_646 : vector<784x128xf32>
    %add3A_648 = arith.addf %add3A_619, %mul3A_647 : vector<784x128xf32>
    %get3A_649 = arith.constant 21 : index
    %get3A_650 = arith.constant 1 : index
    %get3A_651 = vector.load %arg5[%get3A_649, %get3A_650] : memref<32x2xf32, #tpu.memory_space<vmem>>, vector<1x1xf32>
    %get3A_652 = vector.extract %get3A_651[0, 0] : f32 from vector<1x1xf32>
    %mul3A_653 = vector.broadcast %get3A_652 : f32 to vector<784x128xf32>
    %mul3A_654 = arith.mulf %max3A_641, %mul3A_653 : vector<784x128xf32>
    %add3A_655 = arith.addf %add3A_626, %mul3A_654 : vector<784x128xf32>
    %get3A_656 = arith.constant 0 : index
    %get3A_657 = arith.constant 22 : index
    %get3A_658 = vector.load %arg3[%get3A_656, %get3A_657] : memref<1x32xf32, #tpu.memory_space<vmem>>, vector<1x1xf32>
    %get3A_659 = vector.extract %get3A_658[0, 0] : f32 from vector<1x1xf32>
    %mul3A_660 = vector.broadcast %get3A_659 : f32 to vector<784x128xf32>
    %mul3A_661 = arith.mulf %mul3A, %mul3A_660 : vector<784x128xf32>
    %get3A_662 = arith.constant 0 : index
    %get3A_663 = arith.constant 22 : index
    %get3A_664 = vector.load %arg4[%get3A_662, %get3A_663] : memref<1x32xf32, #tpu.memory_space<vmem>>, vector<1x1xf32>
    %get3A_665 = vector.extract %get3A_664[0, 0] : f32 from vector<1x1xf32>
    %add3A_666 = vector.broadcast %get3A_665 : f32 to vector<784x128xf32>
    %add3A_667 = arith.addf %mul3A_661, %add3A_666 : vector<784x128xf32>
    %max3A_668 = arith.constant 0.000000e+00 : f32
    %max3A_669 = vector.broadcast %max3A_668 : f32 to vector<784x128xf32>
    %max3A_670 = arith.maximumf %add3A_667, %max3A_669 : vector<784x128xf32>
    %get3A_671 = arith.constant 22 : index
    %get3A_672 = arith.constant 0 : index
    %get3A_673 = vector.load %arg5[%get3A_671, %get3A_672] : memref<32x2xf32, #tpu.memory_space<vmem>>, vector<1x1xf32>
    %get3A_674 = vector.extract %get3A_673[0, 0] : f32 from vector<1x1xf32>
    %mul3A_675 = vector.broadcast %get3A_674 : f32 to vector<784x128xf32>
    %mul3A_676 = arith.mulf %max3A_670, %mul3A_675 : vector<784x128xf32>
    %add3A_677 = arith.addf %add3A_648, %mul3A_676 : vector<784x128xf32>
    %get3A_678 = arith.constant 22 : index
    %get3A_679 = arith.constant 1 : index
    %get3A_680 = vector.load %arg5[%get3A_678, %get3A_679] : memref<32x2xf32, #tpu.memory_space<vmem>>, vector<1x1xf32>
    %get3A_681 = vector.extract %get3A_680[0, 0] : f32 from vector<1x1xf32>
    %mul3A_682 = vector.broadcast %get3A_681 : f32 to vector<784x128xf32>
    %mul3A_683 = arith.mulf %max3A_670, %mul3A_682 : vector<784x128xf32>
    %add3A_684 = arith.addf %add3A_655, %mul3A_683 : vector<784x128xf32>
    %get3A_685 = arith.constant 0 : index
    %get3A_686 = arith.constant 23 : index
    %get3A_687 = vector.load %arg3[%get3A_685, %get3A_686] : memref<1x32xf32, #tpu.memory_space<vmem>>, vector<1x1xf32>
    %get3A_688 = vector.extract %get3A_687[0, 0] : f32 from vector<1x1xf32>
    %mul3A_689 = vector.broadcast %get3A_688 : f32 to vector<784x128xf32>
    %mul3A_690 = arith.mulf %mul3A, %mul3A_689 : vector<784x128xf32>
    %get3A_691 = arith.constant 0 : index
    %get3A_692 = arith.constant 23 : index
    %get3A_693 = vector.load %arg4[%get3A_691, %get3A_692] : memref<1x32xf32, #tpu.memory_space<vmem>>, vector<1x1xf32>
    %get3A_694 = vector.extract %get3A_693[0, 0] : f32 from vector<1x1xf32>
    %add3A_695 = vector.broadcast %get3A_694 : f32 to vector<784x128xf32>
    %add3A_696 = arith.addf %mul3A_690, %add3A_695 : vector<784x128xf32>
    %max3A_697 = arith.constant 0.000000e+00 : f32
    %max3A_698 = vector.broadcast %max3A_697 : f32 to vector<784x128xf32>
    %max3A_699 = arith.maximumf %add3A_696, %max3A_698 : vector<784x128xf32>
    %get3A_700 = arith.constant 23 : index
    %get3A_701 = arith.constant 0 : index
    %get3A_702 = vector.load %arg5[%get3A_700, %get3A_701] : memref<32x2xf32, #tpu.memory_space<vmem>>, vector<1x1xf32>
    %get3A_703 = vector.extract %get3A_702[0, 0] : f32 from vector<1x1xf32>
    %mul3A_704 = vector.broadcast %get3A_703 : f32 to vector<784x128xf32>
    %mul3A_705 = arith.mulf %max3A_699, %mul3A_704 : vector<784x128xf32>
    %add3A_706 = arith.addf %add3A_677, %mul3A_705 : vector<784x128xf32>
    %get3A_707 = arith.constant 23 : index
    %get3A_708 = arith.constant 1 : index
    %get3A_709 = vector.load %arg5[%get3A_707, %get3A_708] : memref<32x2xf32, #tpu.memory_space<vmem>>, vector<1x1xf32>
    %get3A_710 = vector.extract %get3A_709[0, 0] : f32 from vector<1x1xf32>
    %mul3A_711 = vector.broadcast %get3A_710 : f32 to vector<784x128xf32>
    %mul3A_712 = arith.mulf %max3A_699, %mul3A_711 : vector<784x128xf32>
    %add3A_713 = arith.addf %add3A_684, %mul3A_712 : vector<784x128xf32>
    %get3A_714 = arith.constant 0 : index
    %get3A_715 = arith.constant 24 : index
    %get3A_716 = vector.load %arg3[%get3A_714, %get3A_715] : memref<1x32xf32, #tpu.memory_space<vmem>>, vector<1x1xf32>
    %get3A_717 = vector.extract %get3A_716[0, 0] : f32 from vector<1x1xf32>
    %mul3A_718 = vector.broadcast %get3A_717 : f32 to vector<784x128xf32>
    %mul3A_719 = arith.mulf %mul3A, %mul3A_718 : vector<784x128xf32>
    %get3A_720 = arith.constant 0 : index
    %get3A_721 = arith.constant 24 : index
    %get3A_722 = vector.load %arg4[%get3A_720, %get3A_721] : memref<1x32xf32, #tpu.memory_space<vmem>>, vector<1x1xf32>
    %get3A_723 = vector.extract %get3A_722[0, 0] : f32 from vector<1x1xf32>
    %add3A_724 = vector.broadcast %get3A_723 : f32 to vector<784x128xf32>
    %add3A_725 = arith.addf %mul3A_719, %add3A_724 : vector<784x128xf32>
    %max3A_726 = arith.constant 0.000000e+00 : f32
    %max3A_727 = vector.broadcast %max3A_726 : f32 to vector<784x128xf32>
    %max3A_728 = arith.maximumf %add3A_725, %max3A_727 : vector<784x128xf32>
    %get3A_729 = arith.constant 24 : index
    %get3A_730 = arith.constant 0 : index
    %get3A_731 = vector.load %arg5[%get3A_729, %get3A_730] : memref<32x2xf32, #tpu.memory_space<vmem>>, vector<1x1xf32>
    %get3A_732 = vector.extract %get3A_731[0, 0] : f32 from vector<1x1xf32>
    %mul3A_733 = vector.broadcast %get3A_732 : f32 to vector<784x128xf32>
    %mul3A_734 = arith.mulf %max3A_728, %mul3A_733 : vector<784x128xf32>
    %add3A_735 = arith.addf %add3A_706, %mul3A_734 : vector<784x128xf32>
    %get3A_736 = arith.constant 24 : index
    %get3A_737 = arith.constant 1 : index
    %get3A_738 = vector.load %arg5[%get3A_736, %get3A_737] : memref<32x2xf32, #tpu.memory_space<vmem>>, vector<1x1xf32>
    %get3A_739 = vector.extract %get3A_738[0, 0] : f32 from vector<1x1xf32>
    %mul3A_740 = vector.broadcast %get3A_739 : f32 to vector<784x128xf32>
    %mul3A_741 = arith.mulf %max3A_728, %mul3A_740 : vector<784x128xf32>
    %add3A_742 = arith.addf %add3A_713, %mul3A_741 : vector<784x128xf32>
    %get3A_743 = arith.constant 0 : index
    %get3A_744 = arith.constant 25 : index
    %get3A_745 = vector.load %arg3[%get3A_743, %get3A_744] : memref<1x32xf32, #tpu.memory_space<vmem>>, vector<1x1xf32>
    %get3A_746 = vector.extract %get3A_745[0, 0] : f32 from vector<1x1xf32>
    %mul3A_747 = vector.broadcast %get3A_746 : f32 to vector<784x128xf32>
    %mul3A_748 = arith.mulf %mul3A, %mul3A_747 : vector<784x128xf32>
    %get3A_749 = arith.constant 0 : index
    %get3A_750 = arith.constant 25 : index
    %get3A_751 = vector.load %arg4[%get3A_749, %get3A_750] : memref<1x32xf32, #tpu.memory_space<vmem>>, vector<1x1xf32>
    %get3A_752 = vector.extract %get3A_751[0, 0] : f32 from vector<1x1xf32>
    %add3A_753 = vector.broadcast %get3A_752 : f32 to vector<784x128xf32>
    %add3A_754 = arith.addf %mul3A_748, %add3A_753 : vector<784x128xf32>
    %max3A_755 = arith.constant 0.000000e+00 : f32
    %max3A_756 = vector.broadcast %max3A_755 : f32 to vector<784x128xf32>
    %max3A_757 = arith.maximumf %add3A_754, %max3A_756 : vector<784x128xf32>
    %get3A_758 = arith.constant 25 : index
    %get3A_759 = arith.constant 0 : index
    %get3A_760 = vector.load %arg5[%get3A_758, %get3A_759] : memref<32x2xf32, #tpu.memory_space<vmem>>, vector<1x1xf32>
    %get3A_761 = vector.extract %get3A_760[0, 0] : f32 from vector<1x1xf32>
    %mul3A_762 = vector.broadcast %get3A_761 : f32 to vector<784x128xf32>
    %mul3A_763 = arith.mulf %max3A_757, %mul3A_762 : vector<784x128xf32>
    %add3A_764 = arith.addf %add3A_735, %mul3A_763 : vector<784x128xf32>
    %get3A_765 = arith.constant 25 : index
    %get3A_766 = arith.constant 1 : index
    %get3A_767 = vector.load %arg5[%get3A_765, %get3A_766] : memref<32x2xf32, #tpu.memory_space<vmem>>, vector<1x1xf32>
    %get3A_768 = vector.extract %get3A_767[0, 0] : f32 from vector<1x1xf32>
    %mul3A_769 = vector.broadcast %get3A_768 : f32 to vector<784x128xf32>
    %mul3A_770 = arith.mulf %max3A_757, %mul3A_769 : vector<784x128xf32>
    %add3A_771 = arith.addf %add3A_742, %mul3A_770 : vector<784x128xf32>
    %get3A_772 = arith.constant 0 : index
    %get3A_773 = arith.constant 26 : index
    %get3A_774 = vector.load %arg3[%get3A_772, %get3A_773] : memref<1x32xf32, #tpu.memory_space<vmem>>, vector<1x1xf32>
    %get3A_775 = vector.extract %get3A_774[0, 0] : f32 from vector<1x1xf32>
    %mul3A_776 = vector.broadcast %get3A_775 : f32 to vector<784x128xf32>
    %mul3A_777 = arith.mulf %mul3A, %mul3A_776 : vector<784x128xf32>
    %get3A_778 = arith.constant 0 : index
    %get3A_779 = arith.constant 26 : index
    %get3A_780 = vector.load %arg4[%get3A_778, %get3A_779] : memref<1x32xf32, #tpu.memory_space<vmem>>, vector<1x1xf32>
    %get3A_781 = vector.extract %get3A_780[0, 0] : f32 from vector<1x1xf32>
    %add3A_782 = vector.broadcast %get3A_781 : f32 to vector<784x128xf32>
    %add3A_783 = arith.addf %mul3A_777, %add3A_782 : vector<784x128xf32>
    %max3A_784 = arith.constant 0.000000e+00 : f32
    %max3A_785 = vector.broadcast %max3A_784 : f32 to vector<784x128xf32>
    %max3A_786 = arith.maximumf %add3A_783, %max3A_785 : vector<784x128xf32>
    %get3A_787 = arith.constant 26 : index
    %get3A_788 = arith.constant 0 : index
    %get3A_789 = vector.load %arg5[%get3A_787, %get3A_788] : memref<32x2xf32, #tpu.memory_space<vmem>>, vector<1x1xf32>
    %get3A_790 = vector.extract %get3A_789[0, 0] : f32 from vector<1x1xf32>
    %mul3A_791 = vector.broadcast %get3A_790 : f32 to vector<784x128xf32>
    %mul3A_792 = arith.mulf %max3A_786, %mul3A_791 : vector<784x128xf32>
    %add3A_793 = arith.addf %add3A_764, %mul3A_792 : vector<784x128xf32>
    %get3A_794 = arith.constant 26 : index
    %get3A_795 = arith.constant 1 : index
    %get3A_796 = vector.load %arg5[%get3A_794, %get3A_795] : memref<32x2xf32, #tpu.memory_space<vmem>>, vector<1x1xf32>
    %get3A_797 = vector.extract %get3A_796[0, 0] : f32 from vector<1x1xf32>
    %mul3A_798 = vector.broadcast %get3A_797 : f32 to vector<784x128xf32>
    %mul3A_799 = arith.mulf %max3A_786, %mul3A_798 : vector<784x128xf32>
    %add3A_800 = arith.addf %add3A_771, %mul3A_799 : vector<784x128xf32>
    %get3A_801 = arith.constant 0 : index
    %get3A_802 = arith.constant 27 : index
    %get3A_803 = vector.load %arg3[%get3A_801, %get3A_802] : memref<1x32xf32, #tpu.memory_space<vmem>>, vector<1x1xf32>
    %get3A_804 = vector.extract %get3A_803[0, 0] : f32 from vector<1x1xf32>
    %mul3A_805 = vector.broadcast %get3A_804 : f32 to vector<784x128xf32>
    %mul3A_806 = arith.mulf %mul3A, %mul3A_805 : vector<784x128xf32>
    %get3A_807 = arith.constant 0 : index
    %get3A_808 = arith.constant 27 : index
    %get3A_809 = vector.load %arg4[%get3A_807, %get3A_808] : memref<1x32xf32, #tpu.memory_space<vmem>>, vector<1x1xf32>
    %get3A_810 = vector.extract %get3A_809[0, 0] : f32 from vector<1x1xf32>
    %add3A_811 = vector.broadcast %get3A_810 : f32 to vector<784x128xf32>
    %add3A_812 = arith.addf %mul3A_806, %add3A_811 : vector<784x128xf32>
    %max3A_813 = arith.constant 0.000000e+00 : f32
    %max3A_814 = vector.broadcast %max3A_813 : f32 to vector<784x128xf32>
    %max3A_815 = arith.maximumf %add3A_812, %max3A_814 : vector<784x128xf32>
    %get3A_816 = arith.constant 27 : index
    %get3A_817 = arith.constant 0 : index
    %get3A_818 = vector.load %arg5[%get3A_816, %get3A_817] : memref<32x2xf32, #tpu.memory_space<vmem>>, vector<1x1xf32>
    %get3A_819 = vector.extract %get3A_818[0, 0] : f32 from vector<1x1xf32>
    %mul3A_820 = vector.broadcast %get3A_819 : f32 to vector<784x128xf32>
    %mul3A_821 = arith.mulf %max3A_815, %mul3A_820 : vector<784x128xf32>
    %add3A_822 = arith.addf %add3A_793, %mul3A_821 : vector<784x128xf32>
    %get3A_823 = arith.constant 27 : index
    %get3A_824 = arith.constant 1 : index
    %get3A_825 = vector.load %arg5[%get3A_823, %get3A_824] : memref<32x2xf32, #tpu.memory_space<vmem>>, vector<1x1xf32>
    %get3A_826 = vector.extract %get3A_825[0, 0] : f32 from vector<1x1xf32>
    %mul3A_827 = vector.broadcast %get3A_826 : f32 to vector<784x128xf32>
    %mul3A_828 = arith.mulf %max3A_815, %mul3A_827 : vector<784x128xf32>
    %add3A_829 = arith.addf %add3A_800, %mul3A_828 : vector<784x128xf32>
    %get3A_830 = arith.constant 0 : index
    %get3A_831 = arith.constant 28 : index
    %get3A_832 = vector.load %arg3[%get3A_830, %get3A_831] : memref<1x32xf32, #tpu.memory_space<vmem>>, vector<1x1xf32>
    %get3A_833 = vector.extract %get3A_832[0, 0] : f32 from vector<1x1xf32>
    %mul3A_834 = vector.broadcast %get3A_833 : f32 to vector<784x128xf32>
    %mul3A_835 = arith.mulf %mul3A, %mul3A_834 : vector<784x128xf32>
    %get3A_836 = arith.constant 0 : index
    %get3A_837 = arith.constant 28 : index
    %get3A_838 = vector.load %arg4[%get3A_836, %get3A_837] : memref<1x32xf32, #tpu.memory_space<vmem>>, vector<1x1xf32>
    %get3A_839 = vector.extract %get3A_838[0, 0] : f32 from vector<1x1xf32>
    %add3A_840 = vector.broadcast %get3A_839 : f32 to vector<784x128xf32>
    %add3A_841 = arith.addf %mul3A_835, %add3A_840 : vector<784x128xf32>
    %max3A_842 = arith.constant 0.000000e+00 : f32
    %max3A_843 = vector.broadcast %max3A_842 : f32 to vector<784x128xf32>
    %max3A_844 = arith.maximumf %add3A_841, %max3A_843 : vector<784x128xf32>
    %get3A_845 = arith.constant 28 : index
    %get3A_846 = arith.constant 0 : index
    %get3A_847 = vector.load %arg5[%get3A_845, %get3A_846] : memref<32x2xf32, #tpu.memory_space<vmem>>, vector<1x1xf32>
    %get3A_848 = vector.extract %get3A_847[0, 0] : f32 from vector<1x1xf32>
    %mul3A_849 = vector.broadcast %get3A_848 : f32 to vector<784x128xf32>
    %mul3A_850 = arith.mulf %max3A_844, %mul3A_849 : vector<784x128xf32>
    %add3A_851 = arith.addf %add3A_822, %mul3A_850 : vector<784x128xf32>
    %get3A_852 = arith.constant 28 : index
    %get3A_853 = arith.constant 1 : index
    %get3A_854 = vector.load %arg5[%get3A_852, %get3A_853] : memref<32x2xf32, #tpu.memory_space<vmem>>, vector<1x1xf32>
    %get3A_855 = vector.extract %get3A_854[0, 0] : f32 from vector<1x1xf32>
    %mul3A_856 = vector.broadcast %get3A_855 : f32 to vector<784x128xf32>
    %mul3A_857 = arith.mulf %max3A_844, %mul3A_856 : vector<784x128xf32>
    %add3A_858 = arith.addf %add3A_829, %mul3A_857 : vector<784x128xf32>
    %get3A_859 = arith.constant 0 : index
    %get3A_860 = arith.constant 29 : index
    %get3A_861 = vector.load %arg3[%get3A_859, %get3A_860] : memref<1x32xf32, #tpu.memory_space<vmem>>, vector<1x1xf32>
    %get3A_862 = vector.extract %get3A_861[0, 0] : f32 from vector<1x1xf32>
    %mul3A_863 = vector.broadcast %get3A_862 : f32 to vector<784x128xf32>
    %mul3A_864 = arith.mulf %mul3A, %mul3A_863 : vector<784x128xf32>
    %get3A_865 = arith.constant 0 : index
    %get3A_866 = arith.constant 29 : index
    %get3A_867 = vector.load %arg4[%get3A_865, %get3A_866] : memref<1x32xf32, #tpu.memory_space<vmem>>, vector<1x1xf32>
    %get3A_868 = vector.extract %get3A_867[0, 0] : f32 from vector<1x1xf32>
    %add3A_869 = vector.broadcast %get3A_868 : f32 to vector<784x128xf32>
    %add3A_870 = arith.addf %mul3A_864, %add3A_869 : vector<784x128xf32>
    %max3A_871 = arith.constant 0.000000e+00 : f32
    %max3A_872 = vector.broadcast %max3A_871 : f32 to vector<784x128xf32>
    %max3A_873 = arith.maximumf %add3A_870, %max3A_872 : vector<784x128xf32>
    %get3A_874 = arith.constant 29 : index
    %get3A_875 = arith.constant 0 : index
    %get3A_876 = vector.load %arg5[%get3A_874, %get3A_875] : memref<32x2xf32, #tpu.memory_space<vmem>>, vector<1x1xf32>
    %get3A_877 = vector.extract %get3A_876[0, 0] : f32 from vector<1x1xf32>
    %mul3A_878 = vector.broadcast %get3A_877 : f32 to vector<784x128xf32>
    %mul3A_879 = arith.mulf %max3A_873, %mul3A_878 : vector<784x128xf32>
    %add3A_880 = arith.addf %add3A_851, %mul3A_879 : vector<784x128xf32>
    %get3A_881 = arith.constant 29 : index
    %get3A_882 = arith.constant 1 : index
    %get3A_883 = vector.load %arg5[%get3A_881, %get3A_882] : memref<32x2xf32, #tpu.memory_space<vmem>>, vector<1x1xf32>
    %get3A_884 = vector.extract %get3A_883[0, 0] : f32 from vector<1x1xf32>
    %mul3A_885 = vector.broadcast %get3A_884 : f32 to vector<784x128xf32>
    %mul3A_886 = arith.mulf %max3A_873, %mul3A_885 : vector<784x128xf32>
    %add3A_887 = arith.addf %add3A_858, %mul3A_886 : vector<784x128xf32>
    %get3A_888 = arith.constant 0 : index
    %get3A_889 = arith.constant 30 : index
    %get3A_890 = vector.load %arg3[%get3A_888, %get3A_889] : memref<1x32xf32, #tpu.memory_space<vmem>>, vector<1x1xf32>
    %get3A_891 = vector.extract %get3A_890[0, 0] : f32 from vector<1x1xf32>
    %mul3A_892 = vector.broadcast %get3A_891 : f32 to vector<784x128xf32>
    %mul3A_893 = arith.mulf %mul3A, %mul3A_892 : vector<784x128xf32>
    %get3A_894 = arith.constant 0 : index
    %get3A_895 = arith.constant 30 : index
    %get3A_896 = vector.load %arg4[%get3A_894, %get3A_895] : memref<1x32xf32, #tpu.memory_space<vmem>>, vector<1x1xf32>
    %get3A_897 = vector.extract %get3A_896[0, 0] : f32 from vector<1x1xf32>
    %add3A_898 = vector.broadcast %get3A_897 : f32 to vector<784x128xf32>
    %add3A_899 = arith.addf %mul3A_893, %add3A_898 : vector<784x128xf32>
    %max3A_900 = arith.constant 0.000000e+00 : f32
    %max3A_901 = vector.broadcast %max3A_900 : f32 to vector<784x128xf32>
    %max3A_902 = arith.maximumf %add3A_899, %max3A_901 : vector<784x128xf32>
    %get3A_903 = arith.constant 30 : index
    %get3A_904 = arith.constant 0 : index
    %get3A_905 = vector.load %arg5[%get3A_903, %get3A_904] : memref<32x2xf32, #tpu.memory_space<vmem>>, vector<1x1xf32>
    %get3A_906 = vector.extract %get3A_905[0, 0] : f32 from vector<1x1xf32>
    %mul3A_907 = vector.broadcast %get3A_906 : f32 to vector<784x128xf32>
    %mul3A_908 = arith.mulf %max3A_902, %mul3A_907 : vector<784x128xf32>
    %add3A_909 = arith.addf %add3A_880, %mul3A_908 : vector<784x128xf32>
    %get3A_910 = arith.constant 30 : index
    %get3A_911 = arith.constant 1 : index
    %get3A_912 = vector.load %arg5[%get3A_910, %get3A_911] : memref<32x2xf32, #tpu.memory_space<vmem>>, vector<1x1xf32>
    %get3A_913 = vector.extract %get3A_912[0, 0] : f32 from vector<1x1xf32>
    %mul3A_914 = vector.broadcast %get3A_913 : f32 to vector<784x128xf32>
    %mul3A_915 = arith.mulf %max3A_902, %mul3A_914 : vector<784x128xf32>
    %add3A_916 = arith.addf %add3A_887, %mul3A_915 : vector<784x128xf32>
    %get3A_917 = arith.constant 0 : index
    %get3A_918 = arith.constant 31 : index
    %get3A_919 = vector.load %arg3[%get3A_917, %get3A_918] : memref<1x32xf32, #tpu.memory_space<vmem>>, vector<1x1xf32>
    %get3A_920 = vector.extract %get3A_919[0, 0] : f32 from vector<1x1xf32>
    %mul3A_921 = vector.broadcast %get3A_920 : f32 to vector<784x128xf32>
    %mul3A_922 = arith.mulf %mul3A, %mul3A_921 : vector<784x128xf32>
    %get3A_923 = arith.constant 0 : index
    %get3A_924 = arith.constant 31 : index
    %get3A_925 = vector.load %arg4[%get3A_923, %get3A_924] : memref<1x32xf32, #tpu.memory_space<vmem>>, vector<1x1xf32>
    %get3A_926 = vector.extract %get3A_925[0, 0] : f32 from vector<1x1xf32>
    %add3A_927 = vector.broadcast %get3A_926 : f32 to vector<784x128xf32>
    %add3A_928 = arith.addf %mul3A_922, %add3A_927 : vector<784x128xf32>
    %max3A_929 = arith.constant 0.000000e+00 : f32
    %max3A_930 = vector.broadcast %max3A_929 : f32 to vector<784x128xf32>
    %max3A_931 = arith.maximumf %add3A_928, %max3A_930 : vector<784x128xf32>
    %get3A_932 = arith.constant 31 : index
    %get3A_933 = arith.constant 0 : index
    %get3A_934 = vector.load %arg5[%get3A_932, %get3A_933] : memref<32x2xf32, #tpu.memory_space<vmem>>, vector<1x1xf32>
    %get3A_935 = vector.extract %get3A_934[0, 0] : f32 from vector<1x1xf32>
    %mul3A_936 = vector.broadcast %get3A_935 : f32 to vector<784x128xf32>
    %mul3A_937 = arith.mulf %max3A_931, %mul3A_936 : vector<784x128xf32>
    %add3A_938 = arith.addf %add3A_909, %mul3A_937 : vector<784x128xf32>
    %get3A_939 = arith.constant 31 : index
    %get3A_940 = arith.constant 1 : index
    %get3A_941 = vector.load %arg5[%get3A_939, %get3A_940] : memref<32x2xf32, #tpu.memory_space<vmem>>, vector<1x1xf32>
    %get3A_942 = vector.extract %get3A_941[0, 0] : f32 from vector<1x1xf32>
    %mul3A_943 = vector.broadcast %get3A_942 : f32 to vector<784x128xf32>
    %mul3A_944 = arith.mulf %max3A_931, %mul3A_943 : vector<784x128xf32>
    %add3A_945 = arith.addf %add3A_916, %mul3A_944 : vector<784x128xf32>
    %mul3A_946 = arith.mulf %get3A_1, %add3A_938 : vector<784x128xf32>
    %swap3A = arith.constant 0 : index
    %swap3A_947 = arith.constant 0 : index
    %swap3A_948 = vector.load %arg7[%swap3A, %swap3A_947] : memref<784x128xf32, #tpu.memory_space<vmem>>, vector<784x128xf32>
    tpu.vector_store %arg7[%swap3A, %swap3A_947], %mul3A_946 {strides = array<i32>} : memref<784x128xf32, #tpu.memory_space<vmem>>, vector<784x128xf32>,
    %mul3A_949 = arith.mulf %get3A_1, %add3A_945 : vector<784x128xf32>
    %swap3A_950 = arith.constant 0 : index
    %swap3A_951 = arith.constant 0 : index
    %swap3A_952 = vector.load %arg8[%swap3A_950, %swap3A_951] : memref<784x128xf32, #tpu.memory_space<vmem>>, vector<784x128xf32>
    tpu.vector_store %arg8[%swap3A_950, %swap3A_951], %mul3A_949 {strides = array<i32>} : memref<784x128xf32, #tpu.memory_space<vmem>>, vector<784x128xf32>,
    return
  }
}

module attributes {stable_mosaic.version = 14 : i64} {
  func.func @_tc3_body(%arg0: memref<2x2x784x128xf32, #tpu.memory_space<vmem>>, %arg1: memref<784x128xf32, #tpu.memory_space<vmem>>, %arg2: memref<784x128xf32, #tpu.memory_space<vmem>>, %arg3: memref<784x128xf32, #tpu.memory_space<vmem>>, %arg4: memref<1x2xf32, #tpu.memory_space<vmem>>, %arg5: memref<784x128xf32, #tpu.memory_space<vmem>>, %arg6: memref<784x128xf32, #tpu.memory_space<vmem>>) attributes {dimension_semantics = [], scalar_prefetch = 0 : i64, scratch_operands = 0 : i64, tpu.core_type = #tpu.core_type<tc>} {
    %get3A = arith.constant 0 : index
    %get3A_0 = arith.constant 0 : index
    %get3A_1 = vector.load %arg3[%get3A, %get3A_0] : memref<784x128xf32, #tpu.memory_space<vmem>>, vector<784x128xf32>
    %get3A_2 = arith.constant 0 : index
    %get3A_3 = arith.constant 0 : index
    %get3A_4 = arith.constant 0 : index
    %get3A_5 = arith.constant 0 : index
    %get3A_6 = vector.load %arg0[%get3A_2, %get3A_3, %get3A_4, %get3A_5] : memref<2x2x784x128xf32, #tpu.memory_space<vmem>>, vector<1x1x784x128xf32>
    %get3A_7 = vector.shape_cast %get3A_6 : vector<1x1x784x128xf32> to vector<784x128xf32>
    %get3A_8 = arith.constant 1 : index
    %get3A_9 = arith.constant 0 : index
    %get3A_10 = arith.constant 0 : index
    %get3A_11 = arith.constant 0 : index
    %get3A_12 = vector.load %arg0[%get3A_8, %get3A_9, %get3A_10, %get3A_11] : memref<2x2x784x128xf32, #tpu.memory_space<vmem>>, vector<1x1x784x128xf32>
    %get3A_13 = vector.shape_cast %get3A_12 : vector<1x1x784x128xf32> to vector<784x128xf32>
    %add3A = arith.addf %get3A_7, %get3A_13 : vector<784x128xf32>
    %get3A_14 = arith.constant 0 : index
    %get3A_15 = arith.constant 0 : index
    %get3A_16 = vector.load %arg1[%get3A_14, %get3A_15] : memref<784x128xf32, #tpu.memory_space<vmem>>, vector<784x128xf32>
    %add3A_17 = arith.addf %add3A, %get3A_16 : vector<784x128xf32>
    %mul3A = arith.mulf %get3A_1, %add3A_17 : vector<784x128xf32>
    %get3A_18 = arith.constant 0 : index
    %get3A_19 = arith.constant 0 : index
    %get3A_20 = vector.load %arg4[%get3A_18, %get3A_19] : memref<1x2xf32, #tpu.memory_space<vmem>>, vector<1x1xf32>
    %get3A_21 = vector.extract %get3A_20[0, 0] : f32 from vector<1x1xf32>
    %add3A_22 = vector.broadcast %get3A_21 : f32 to vector<784x128xf32>
    %add3A_23 = arith.addf %mul3A, %add3A_22 : vector<784x128xf32>
    %get3A_24 = arith.constant 0 : index
    %get3A_25 = arith.constant 1 : index
    %get3A_26 = arith.constant 0 : index
    %get3A_27 = arith.constant 0 : index
    %get3A_28 = vector.load %arg0[%get3A_24, %get3A_25, %get3A_26, %get3A_27] : memref<2x2x784x128xf32, #tpu.memory_space<vmem>>, vector<1x1x784x128xf32>
    %get3A_29 = vector.shape_cast %get3A_28 : vector<1x1x784x128xf32> to vector<784x128xf32>
    %get3A_30 = arith.constant 1 : index
    %get3A_31 = arith.constant 1 : index
    %get3A_32 = arith.constant 0 : index
    %get3A_33 = arith.constant 0 : index
    %get3A_34 = vector.load %arg0[%get3A_30, %get3A_31, %get3A_32, %get3A_33] : memref<2x2x784x128xf32, #tpu.memory_space<vmem>>, vector<1x1x784x128xf32>
    %get3A_35 = vector.shape_cast %get3A_34 : vector<1x1x784x128xf32> to vector<784x128xf32>
    %add3A_36 = arith.addf %get3A_29, %get3A_35 : vector<784x128xf32>
    %get3A_37 = arith.constant 0 : index
    %get3A_38 = arith.constant 0 : index
    %get3A_39 = vector.load %arg2[%get3A_37, %get3A_38] : memref<784x128xf32, #tpu.memory_space<vmem>>, vector<784x128xf32>
    %add3A_40 = arith.addf %add3A_36, %get3A_39 : vector<784x128xf32>
    %mul3A_41 = arith.mulf %get3A_1, %add3A_40 : vector<784x128xf32>
    %get3A_42 = arith.constant 0 : index
    %get3A_43 = arith.constant 1 : index
    %get3A_44 = vector.load %arg4[%get3A_42, %get3A_43] : memref<1x2xf32, #tpu.memory_space<vmem>>, vector<1x1xf32>
    %get3A_45 = vector.extract %get3A_44[0, 0] : f32 from vector<1x1xf32>
    %add3A_46 = vector.broadcast %get3A_45 : f32 to vector<784x128xf32>
    %add3A_47 = arith.addf %mul3A_41, %add3A_46 : vector<784x128xf32>
    %max3A = arith.maximumf %add3A_23, %add3A_47 : vector<784x128xf32>
    %sub3A = arith.subf %add3A_23, %max3A : vector<784x128xf32>
    %exp3A = math.exp %sub3A : vector<784x128xf32>
    %sub3A_48 = arith.subf %add3A_47, %max3A : vector<784x128xf32>
    %exp3A_49 = math.exp %sub3A_48 : vector<784x128xf32>
    %add3A_50 = arith.addf %exp3A, %exp3A_49 : vector<784x128xf32>
    %log3A = math.log %add3A_50 : vector<784x128xf32>
    %add3A_51 = arith.addf %max3A, %log3A : vector<784x128xf32>
    %sub3A_52 = arith.subf %add3A_23, %add3A_51 : vector<784x128xf32>
    %swap3A = arith.constant 0 : index
    %swap3A_53 = arith.constant 0 : index
    %swap3A_54 = vector.load %arg5[%swap3A, %swap3A_53] : memref<784x128xf32, #tpu.memory_space<vmem>>, vector<784x128xf32>
    tpu.vector_store %arg5[%swap3A, %swap3A_53], %sub3A_52 {strides = array<i32>} : memref<784x128xf32, #tpu.memory_space<vmem>>, vector<784x128xf32>,
    %sub3A_55 = arith.subf %add3A_47, %add3A_51 : vector<784x128xf32>
    %swap3A_56 = arith.constant 0 : index
    %swap3A_57 = arith.constant 0 : index
    %swap3A_58 = vector.load %arg6[%swap3A_56, %swap3A_57] : memref<784x128xf32, #tpu.memory_space<vmem>>, vector<784x128xf32>
    tpu.vector_store %arg6[%swap3A_56, %swap3A_57], %sub3A_55 {strides = array<i32>} : memref<784x128xf32, #tpu.memory_space<vmem>>, vector<784x128xf32>,
    return
  }
}

</mosaic_0001>

<sc_bundles>
// kernel: kernel.11.cloned.1.call-start
scs
__scs_entry_jumppad:
0x0: {  	(pc) =	sbr.rel $0x88, $3  }
0x1: {  	(tag) =	ssettag $0x0;
	lr =	simm.s32 $0x1  }
0x2: {  	[smem:$0x3F9B] =	sst lr;
	_ =	strace $0xD0000000  }
0x3: {  	_ = 	snop  }
0x4: {  	_ = 	snop  }
0x5: {  	_ = 	snop  }
0x6: {  	_ = 	snop  }
0x7: {  	_ = 	snop  }
__scs_overlays_trampoline_lowered:
0x8: {  	[smem:$0x3FAA] =	sst s0  }
0x9: {  	[smem:$0x3FAB] =	sst s1  }
0xa: {  	[smem:$0x3FAC] =	sst s2  }
0xb: {  	[smem:$0x3FAD] =	sst s3  }
0xc: {  	[smem:$0x3FAE] =	sst s4  }
0xd: {  	[smem:$0x3FAF] =	sst s5  }
0xe: {  	[smem:$0x3FB0] =	sst s6  }
0xf: {  	[smem:$0x3FB1] =	sst s7  }
0x10: {  	[smem:$0x3FB2] =	sst s8  }
0x11: {  	[smem:$0x3FB3] =	sst s9;
	s0 =	simm.s32 @!p0 $0x0  }
0x12: {  	s1 =	sld [smem:$0x3F99];
	s0 =	simm.s32 @p0 $0x1  }
0x13: {  	[smem:$0x3FB4] =	sst s0;
	s0 =	simm.s32 @!p1 $0x0  }
0x14: {  	s2 =	sld [smem:$0x3F98];
	s0 =	simm.s32 @p1 $0x1  }
0x15: {  	[smem:$0x3FB5] =	sst s0;
	s0 =	simm.s32 @!p2 $0x0  }
0x16: {  	s3 =	sld [smem:$0x3FDB];
	s0 =	simm.s32 @p2 $0x1  }
0x17: {  	s4 =	simm.s32 $0x1BF5;
	[smem:$0x3FB7] =	sst s0  }
0x18: {  	s0 =	sld [smem:$0x3F9A];
	_ =	swait.ge [sflag:s4], $0x0  }
0x19: {  	s7 =	sld [smem:$0x3F9B]  }
0x1a: {  	s8 =	sadd.s32 $0xFFFFE003, lr  }
0x1b: {  	s9 =	sadd.s32 $0xFFFFFEF7, lr;
	s5 =	simm.s32 $0xFFFFFFFF;
	p2 =	slt.u32 s8, $0xFFFFF086  }
0x1c: {  	p1 =	slt.u32 s9, $0xF7A;
	s5 =	simm.s32 @!p2 $0x0  }
0x1d: {  	s5 =	simm.s32 @p1 $0x1;
	p0 =	seq.s32 s7, s2  }
0x1e: {  	s7 =	smul.u32 @!p0 $0xF7A, s2;
	p2 =	seq.s32 @!p0 s5, $0x0  }
0x1f: {  	s9 =	smul.u32 $0xF7A, s1;
	s8 =	simm.s32 @!p0 $0x1BF5;
	p2 =	por !p2, p0  }
0x20: {  	[sflag:s8] =	ssyncset.s32 @!p0 $0xFFFFF086;
	s6 =	sadd.s32 @!p0 s3, s7;
	s7 =	simm.s32 @!p0 $0x108  }
0x21: {  	s3 =	sadd.s32 s3, s9;
	s6 =	sadd.s32 @!p0 $0x88, s6;
	s7 =	simm.s32 @p2 $0x1082  }
0x22: {  	[simem:s7], [sflag:s8] =	dma.local @!p0 [hbm:s6], $0xF7A  }
0x23: {  	s9 =	sor.u32 $0xD0000000, s2;
	s6 =	simm.s32 $0x108;
	_ =	swait.ge @!p0 [sflag:s8], $0x0  }
0x24: {  	s3 =	sadd.s32 $0x88, s3;
	s6 =	simm.s32 @!p1 $0x1082;
	[sflag:s4] =	ssyncset.s32 $0xFFFFF086  }
0x25: {  	[simem:s6], [sflag:s4] =	dma.local [hbm:s3], $0xF7A  }
0x26: {  	[smem:$0x3F9B] =	sst s1;
	(tag) =	ssettag s2;
	_ =	strace s9  }
0x27: {  	s1 =	sld [smem:$0x3FAB]  }
0x28: {  	s2 =	sld [smem:$0x3FAC]  }
0x29: {  	s4 =	sld [smem:$0x3FAE]  }
0x2a: {  	p0 =	seq.s32 s5, $0x0;
	s5 =	sld [smem:$0x3FAF]  }
0x2b: {  	s6 =	sld [smem:$0x3FB0]  }
0x2c: {  	s7 =	sld [smem:$0x3FB1]  }
0x2d: {  	s3 =	simm.s32 $0x108;
	s8 =	sld [smem:$0x3FB2]  }
0x2e: {  	s3 =	simm.s32 @!p0 $0x1082;
	s9 =	sld [smem:$0x3FB3]  }
0x2f: {  	lr =	sadd.s32 s0, s3;
	s0 =	sld [smem:$0x3FAA]  }
0x30: {  	s3 =	sld [smem:$0x3FAD]  }
0x31: {  	[smem:$0x3FB6] =	sst s10  }
0x32: {  	s10 =	sld [smem:$0x3FB4];
	_ =	sdelay $0x3  }
0x33: {  	p0 =	seq.s32 s10, $0x1;
	s10 =	sld [smem:$0x3FB6];
	_ =	sdelay $0x3  }
0x34: {  	[smem:$0x3FB6] =	sst s10  }
0x35: {  	s10 =	sld [smem:$0x3FB5];
	_ =	sdelay $0x3  }
0x36: {  	p1 =	seq.s32 s10, $0x1;
	s10 =	sld [smem:$0x3FB6];
	_ =	sdelay $0x3  }
0x37: {  	[smem:$0x3FB6] =	sst s10  }
0x38: {  	s10 =	sld [smem:$0x3FB7]  }
0x39: {  	_ = 	snop;
	(pc) =	sbr.ind lr, $3  }
0x3a: {  	_ = 	snop  }
0x3b: {  	_ = 	snop  }
0x3c: {  	p2 =	seq.s32 s10, $0x1;
	s10 =	sld [smem:$0x3FB6]  }
0x3d: {  	_ =	shalt  }
0x3e: {  	_ =	shalt  }
0x3f: {  	_ =	shalt  }
0x40: {  	_ =	shalt  }
0x41: {  	_ =	shalt  }
0x42: {  	_ =	shalt  }
0x43: {  	_ =	shalt  }
0x44: {  	_ =	shalt  }
0x45: {  	_ =	shalt  }
0x46: {  	_ =	shalt  }
0x47: {  	_ =	shalt  }
0x48: {  	_ =	shalt  }
0x49: {  	_ =	shalt  }
0x4a: {  	_ =	shalt  }
0x4b: {  	_ =	shalt  }
0x4c: {  	_ =	shalt  }
0x4d: {  	_ =	shalt  }
0x4e: {  	_ =	shalt  }
0x4f: {  	_ =	shalt  }
0x50: {  	_ =	shalt  }
0x51: {  	_ =	shalt  }
0x52: {  	_ =	shalt  }
0x53: {  	_ =	shalt  }
0x54: {  	_ =	shalt  }
0x55: {  	_ =	shalt  }
0x56: {  	_ =	shalt  }
0x57: {  	_ =	shalt  }
0x58: {  	_ =	shalt  }
0x59: {  	_ =	shalt  }
0x5a: {  	_ =	shalt  }
0x5b: {  	_ =	shalt  }
0x5c: {  	_ =	shalt  }
0x5d: {  	_ =	shalt  }
0x5e: {  	_ =	shalt  }
0x5f: {  	_ =	shalt  }
0x60: {  	_ =	shalt  }
0x61: {  	_ =	shalt  }
0x62: {  	_ =	shalt  }
0x63: {  	_ =	shalt  }
0x64: {  	_ =	shalt  }
0x65: {  	_ =	shalt  }
0x66: {  	_ =	shalt  }
0x67: {  	_ =	shalt  }
0x68: {  	_ =	shalt  }
0x69: {  	_ =	shalt  }
0x6a: {  	_ =	shalt  }
0x6b: {  	_ =	shalt  }
0x6c: {  	_ =	shalt  }
0x6d: {  	_ =	shalt  }
0x6e: {  	_ =	shalt  }
0x6f: {  	_ =	shalt  }
0x70: {  	_ =	shalt  }
0x71: {  	_ =	shalt  }
0x72: {  	_ =	shalt  }
0x73: {  	_ =	shalt  }
0x74: {  	_ =	shalt  }
0x75: {  	_ =	shalt  }
0x76: {  	_ =	shalt  }
0x77: {  	_ =	shalt  }
0x78: {  	_ =	shalt  }
0x79: {  	_ =	shalt  }
0x7a: {  	_ =	shalt  }
0x7b: {  	_ =	shalt  }
0x7c: {  	_ =	shalt  }
0x7d: {  	_ =	shalt  }
0x7e: {  	_ =	shalt  }
0x7f: {  	_ =	shalt  }
0x80: {  	_ =	shalt  }
0x81: {  	_ =	shalt  }
0x82: {  	_ =	shalt  }
0x83: {  	_ =	shalt  }
0x84: {  	_ =	shalt  }
0x85: {  	_ =	shalt  }
0x86: {  	_ =	shalt  }
0x87: {  	_ =	shalt  }
.Lfunc_end0:
.L_simem_size_0:
called_computation.1_lowered:
.L_overlay_start_0:
0x88: {  	s2 =	sld [smem:$0x3FD9]  }
0x89: {  	s3 =	sld [smem:$0x3FFE];
	_ =	sdelay $0x1  }
0x8a: {  	s1 =	srdreg.scid  }
0x8b: {  	s0 =	sand.u32 $0x1, s1  }
0x8c: {  	s17 =	sshll.u32 s0, $0xA;
	s2 =	sadd.s32 s3, s2  }
0x8d: {  	s2 =	sadd.s32 s2, s17  }
0x8e: {  	[smem:$0x3FC2] =	sst s2  }
0x8f: {  	_ = 	snop  }
0x90: {  	s2 =	sld [smem:$0x3FD0];
	(tm) =	ssettm $0x1  }
0x91: {  	s18 =	sld [smem:$0x3FFB];
	_ =	sdelay $0x3  }
0x92: {  	_ =	strace s18  }
0x93: {  	s3 =	sld [smem:$0x3FFC];
	_ =	sdelay $0x3  }
0x94: {  	_ =	strace s3  }
0x95: {  	s3 =	sld [smem:$0x3FFD];
	_ =	sdelay $0x3  }
0x96: {  	_ =	strace s3  }
0x97: {  	_ =	strace $0x8FFFFFFF  }
0x98: {  	s19 =	sld [smem:$0x3FDB];
	_ =	sdelay $0x1  }
0x99: {  	s4 =	simm.s32 $_scs_section_size  }
0x9a: {  	s5 =	simm.s32 $_size__tile_overlayer_lowered;
	s6 =	simm.s32 $_tile_overlayer_lowered  }
0x9b: {  	s22 =	simm.s32 $0x1BFF;
	s21 =	sshll.u32 s6, $0x1;
	s3 =	sadd.s32 s4, s19  }
0x9c: {  	s7 =	simm.s32 $0x0;
	s20 =	sshll.u32 s5, $0x1;
	s5 =	sadd.s32 s21, s3  }
0x9d: {  	[timem:s7], [sflag:s22] =	dma.local [hbm:s5], s20  }
0x9e: {  	_ =	swait.ge [sflag:s22], s20  }
0x9f: {  	s4 =	ssub.s32 $0x0, s20;
	[sflag:s22] =	ssyncset.done $0x0  }
0xa0: {  	[sflag:s22] =	ssyncadd.s32 s4;
	_ =	sdelay $0x1  }
0xa1: {  	s23 =	simm.s32 $0x1B8B  }
0xa2: {  	_ =	swait.ge [sflag:s23], $0x1  }
0xa3: {  	[sflag:s23] =	ssyncset.done $0x0  }
0xa4: {  	s25 =	simm.s32 $0x1B8E;
	s24 =	sld [smem:$0x3FFE];
	[sflag:s23] =	ssyncadd.s32 $0xFFFFFFFF  }
0xa5: {  	s26 =	simm.s32 $execute0_lowered;
	[smem:$0x3FD2] =	sst s25  }
0xa6: {  	s5 =	sshll.u32 s26, $0x1;
	_ =	strace $0x80000049;
	[dreg:$0x1] =	wrdreg $0xFFFFFFFF  }
0xa7: {  	s28 =	simm.s32 $_size_execute0_lowered;
	s3 =	sadd.s32 s3, s5;
	[dreg:$0x0] =	wrdreg $0x0  }
0xa8: {  	s5 =	sshll.u32 s28, $0x1;
	[dreg:$0x2] =	wrdreg s3  }
0xa9: {  	[dreg:$0x3] =	wrdreg s5  }
0xaa: {  	[dreg:$0x4] =	wrdreg $0xC0  }
0xab: {  	_ =	task [dreg:s7], $0x5FFFF  }
0xac: {  	[dreg:$0x1] =	wrdreg $0xFFFFFFFF  }
0xad: {  	[dreg:$0x0] =	wrdreg $0x60  }
0xae: {  	[dreg:$0x2] =	wrdreg s24  }
0xaf: {  	[dreg:$0x3] =	wrdreg s2  }
0xb0: {  	[dreg:$0x4] =	wrdreg $0x1E7000  }
0xb1: {  	[dreg:$0x5] =	wrdreg $0x9  }
0xb2: {  	_ =	task.clear_ibuf [dreg:s7], $0x6FFFF;
	_ =	strace $0x90000049  }
0xb3: {  	s29 =	simm.s32 $0x9;
	_ =	strace $0x8000004B  }
0xb4: {  	_ =	swait.ge [sflag:s29], $0x1  }
0xb5: {  	[sflag:s29] =	ssyncadd.s32 $0xFFFFFFFF  }
0xb6: {  	_ =	strace $0x9000004B  }
0xb7: {  	_ =	sfence  }
0xb8: {  	s30 =	sld [smem:$0x0];
	_ =	sdelay $0x2  }
0xb9: {  	s31 =	sshll.u32 s1, $0xD;
	s1 =	sshrl.u32 s1, $0x2  }
0xba: {  	s3 =	sand.u32 $0x4000, s31;
	s1 =	sadd.s32 s1, s30  }
0xbb: {  	s0 =	sor.u32 s3, s0;
	s1 =	sshll.u32 s1, $0x11  }
0xbc: {  	s0 =	sor.u32 s1, s0  }
0xbd: {  	s0 =	sadd.s32 $0x8F2B, s0  }
0xbe: {  	[sflag:s0] =	ssyncadd.remote.s32 $0x1  }
0xbf: {  	_ =	sfence.sel $0xFFFF  }
0xc0: {  	[dreg:$0x0] =	wrdreg $0xFFFFFFFF;
	(pc) =	sbr.abs _section_cstart, $3  }
0xc1: {  	[dreg:$0x1] =	wrdreg $0xFFFFFFFF  }
0xc2: {  	_ =	task.clear_ibuf [dreg:s7], $0x2FFFF;
	_ =	strace $0x9FFFFFFF  }
0xc3: {  	(tm) =	ssettm $0x7FFFFFFF  }
tec
execute0_lowered:
.L_overlay_start_1:
0x0: {  	(tag) =	ssettag $0x1  }
0x1: {  	s0 =	rddreg [dreg:$0x0]  }
0x2: {  	s2 =	rddreg [dreg:$0x2]  }
0x3: {  	s1 =	simm.s32 $0x0;
	s19 =	srdreg.scid;
	s3 =	stileid.u32  }
0x4: {  	s13 =	simm.s32 $0x9;
	s29 =	simm.s32 $0x3000;
	s30 =	simm.s32 $0x7D0  }
0x5: {  	s31 =	simm.s32 $0x2;
	s10 =	simm.s32 $0x6;
	s11 =	simm.s32 $0x5800  }
0x6: {  	s18 =	simm.s32 $0x0;
	[smem:$0x7FF] =	sst s1;
	s1 =	sand.u32 $0x1, s19  }
0x7: {  	s4 =	sadd.s32 $0xC5C00, s0;
	s7 =	smul.u32 $0x61C0, s3;
	s5 =	sadd.s32 $0x2600, s0  }
0x8: {  	p0 =	sne.s32 s3, $0x0;
	s6 =	sshll.u32 s1, $0x4;
	s1 =	ssub.s32 $0x2, s1  }
0x9: {  	_ =	strace $0x8000004A;
	s8 =	sor.u32 s3, s6;
	s9 =	sshrl.u32 s1, $0x1  }
0xa: {  	s7 =	sshrl.u32 s7, $0x2;
	s0 =	sadd.s32 s6, s0;
	s3 =	simm.s32 $0x4800  }
0xb: {  	s8 =	smul.u32 $0x30D40, s8;
	s1 =	ssub.s32 s1, s9;
	s7 =	sadd.s32 s7, s2  }
0xc: {  	s0 =	sadd.s32 $0x189200, s0;
	s9 =	simm.s32 $0x4;
	[dreg:$0x4] =	wrdreg s7  }
0xd: {  	s20 =	sadd.s32 $0x7D0, s7;
	s21 =	sadd.s32 $0xFA0, s7;
	[dreg:$0xc] =	wrdreg s0  }
0xe: {  	s7 =	sadd.s32 $0x1770, s7;
	s28 =	smax.u32 s1, $0x1;
	[dreg:$0x5] =	wrdreg s20  }
0xf: {  	s0 =	simm.s32 $0x1800;
	s1 =	simm.s32 $0x3800;
	[dreg:$0x6] =	wrdreg s21  }
0x10: {  	s22 =	sshrl.u32 s8, $0x3;
	[dreg:$0x7] =	wrdreg s7;
	s14 =	sadd.s32 $0xFA0, s8  }
0x11: {  	s15 =	sadd.s32 $0x1770, s8;
	s16 =	sadd.s32 $0x1F40, s8;
	s17 =	sadd.s32 $0x2710, s8  }
0x12: {  	[dreg:$0xd] =	wrdreg s28;
	s20 =	simm.s32 $0x6000;
	s7 =	simm.s32 $0x5  }
0x13: {  	s8 =	simm.s32 $0x5000;
	s23 =	sadd.s32 s4, s22;
	s24 =	sadd.s32 $0xFA, s22  }
0x14: {  	s6 =	sadd.s32 s5, s22;
	s22 =	simm.s32 $0x4000;
	[dreg:$0x8] =	wrdreg s23  }
0x15: {  	[dreg:$0x9] =	wrdreg s6;
	s25 =	sadd.s32 s4, s24;
	s26 =	sadd.s32 s5, s24  }
0x16: {  	s23 =	simm.s32 $0x2000;
	s24 =	simm.s32 $0x3;
	[dreg:$0xa] =	wrdreg s25  }
0x17: {  	v0 =	vimm.f32 $0.0e+00;
	[dreg:$0xb] =	wrdreg s26;
	s25 =	simm.s32 $0x2800;
	s26 =	simm.s32 $0x1  }
.LBB2_1:
0x18: {  	s6 =	rddreg [dreg:$0x1];
	s12 =	simm.s32 $0x0  }
0x19: {  	[tilespmem:s20], [sflag:$0x9] =	stream.linear.gather [hbm4b:s6+s12], $0x18700, $0x38;
	[tilespmem:$0x1FF70] =	vst v63  }
0x1a: {  	_ =	swait.ge [sflag:s13], $0x18700  }
0x1b: {  	[sflag:s13] =	ssyncset.done $0x0  }
0x1c: {  	s6 =	simm.s32 $0x40;
	s12 =	simm.s32 $0x0;
	[sflag:s13] =	ssyncadd.s32 $0xFFFE7900  }
.LBB2_2:
0x1d: {  	p1 =	sne.s32 s6, $0x1F00;
	[tilespmem:s12+$0x4000] =	vst v0;
	s12 =	smov.u32 s6;
	s6 =	sadd.s32 $0x40, s6  }
.Ltmp0:
0x1e: {  	(pc) =	sbr.rel @p1 .LBB2_2-.Ltmp0, $2  }
0x1f: {  	_ =	sdelay $0x2  }
0x20: {  	s12 =	sshra.s32 s12, $0x2  }
0x21: {  	[dreg:$0xe] =	wrdreg s18  }
0x22: {  	[tilespmem:s12+$0x4000] =	vst v0;
	s6 =	rddreg [dreg:$0x4]  }
0x23: {  	[spmem:s6] =	stream.linear.scatter [tilespmem:s22], [sflag:$0x9], $0x7D0, $0x38;
	[tilespmem:$0x1FF70] =	vst v63  }
0x24: {  	_ =	swait.ge [sflag:s13], $0x7D0  }
0x25: {  	[sflag:s13] =	ssyncset.done $0x0  }
0x26: {  	s19 =	rddreg [dreg:$0x5];
	[sflag:s13] =	ssyncadd.s32 $0xFFFFF830  }
0x27: {  	[spmem:s19] =	stream.linear.scatter [tilespmem:s22], [sflag:$0x9], $0x7D0, $0x38;
	[tilespmem:$0x1FF70] =	vst v63  }
0x28: {  	_ =	swait.ge [sflag:s13], $0x7D0  }
0x29: {  	[sflag:s13] =	ssyncset.done $0x0  }
0x2a: {  	s21 =	rddreg [dreg:$0x6];
	[sflag:s13] =	ssyncadd.s32 $0xFFFFF830  }
0x2b: {  	[spmem:s21] =	stream.linear.scatter [tilespmem:s22], [sflag:$0x9], $0x7D0, $0x38;
	[tilespmem:$0x1FF70] =	vst v63  }
0x2c: {  	_ =	swait.ge [sflag:s13], $0x7D0  }
0x2d: {  	[sflag:s13] =	ssyncset.done $0x0  }
0x2e: {  	s28 =	rddreg [dreg:$0x7];
	[sflag:s13] =	ssyncadd.s32 $0xFFFFF830  }
0x2f: {  	[spmem:s28] =	stream.linear.scatter [tilespmem:s22], [sflag:$0x9], $0x100, $0x38;
	[tilespmem:$0x1FF70] =	vst v63  }
0x30: {  	_ =	swait.ge [sflag:s13], $0x100  }
0x31: {  	[sflag:s13] =	ssyncset.done $0x0  }
0x32: {  	[sflag:s13] =	ssyncadd.s32 $0xFFFFFF00  }
0x33: {  	[bflag:$0x0] =	sbarrier.arrive $0xFFFF  }
0x34: {  	s19 =	simm.s32 $0x0;
	s12 =	rddreg [dreg:$0x8]  }
0x35: {  	[tilespmem:s19], [sflag:$0x1] =	stream.linear.gather [hbm4b:s12+s19], $0x7D0, $0x38;
	[tilespmem:$0x1FF70] =	vst v63  }
0x36: {  	s13 =	rddreg [dreg:$0x9]  }
0x37: {  	[tilespmem:s23], [sflag:$0x1] =	stream.linear.gather [hbm4b:s13+s19], $0x7D0, $0x38;
	[tilespmem:$0x1FF70] =	vst v63  }
0x38: {  	s21 =	simm.s32 $0x800;
	s18 =	rddreg [dreg:$0xa]  }
0x39: {  	[tilespmem:s21], [sflag:$0x2] =	stream.linear.gather [hbm4b:s18+s19], $0x7D0, $0x38;
	[tilespmem:$0x1FF70] =	vst v63  }
0x3a: {  	s6 =	simm.s32 $0x0;
	s28 =	rddreg [dreg:$0xb]  }
0x3b: {  	[tilespmem:s25], [sflag:$0x2] =	stream.linear.gather [hbm4b:s28+s19], $0x7D0, $0x38;
	[tilespmem:$0x1FF70] =	vst v63  }
.LBB2_4:
0x3c: {  	_ =	swait.ge [sflag:s26], $0x7D0  }
0x3d: {  	[sflag:s26] =	ssyncset.done $0x0  }
0x3e: {  	[sflag:s26] =	ssyncadd.s32 $0xFFFFF830  }
0x3f: {  	_ =	swait.ge [sflag:s26], $0x7D0  }
0x40: {  	p1 =	seq.s32 s6, $0x0;
	s12 =	smul.u32 $0x1F40, s6;
	[sflag:s26] =	ssyncset.done $0x0  }
0x41: {  	s13 =	simm.s32 @!p1 $0x7;
	[sflag:s26] =	ssyncadd.s32 $0xFFFFF830  }
0x42: {  	s18 =	sadd.s32 s12, s14;
	_ =	swait.ge @!p1 [sflag:s13], $0x7D0  }
0x43: {  	s18 =	sshrl.u32 s18, $0x3;
	[sflag:s13] =	ssyncset.done @!p1 $0x0  }
0x44: {  	s21 =	simm.s32 $0x1000;
	s28 =	sadd.s32 s4, s18;
	[sflag:s13] =	ssyncadd.s32 @!p1 $0xFFFFF830  }
0x45: {  	[tilespmem:s21], [sflag:$0x3] =	stream.linear.gather [hbm4b:s28+s19], $0x7D0, $0x38;
	[tilespmem:$0x1FF70] =	vst v63  }
0x46: {  	s28 =	sadd.s32 s5, s18;
	s18 =	simm.s32 $0x0  }
0x47: {  	[tilespmem:s29], [sflag:$0x3] =	stream.linear.gather [hbm4b:s28+s19], $0x7D0, $0x38;
	[tilespmem:$0x1FF70] =	vst v63  }
0x48: {  	v3 =	vld [tilespmem:s18+$0x40]  }
0x49: {  	v4 =	vld [tilespmem:s18+$0x30]  }
0x4a: {  	v5 =	vld [tilespmem:s18+$0x20]  }
0x4b: {  	v6 =	vld [tilespmem:s18+$0x10]  }
0x4c: {  	v7 =	vld [tilespmem:s18+$0x0]  }
0x4d: {  	s13 =	simm.s32 $0x50  }
0x4e: {  	v1 =	vld [tilespmem:s13+$0x30]  }
0x4f: {  	v2 =	vld [tilespmem:s13+$0x40]  }
0x50: {  	v9 =	vld.idx.msk [tilespmem:v3+s20+$0x0], $0xffff  }
0x51: {  	v10 =	vld.idx.msk [tilespmem:v4+s20+$0x0], $0xffff  }
0x52: {  	v8 =	vld.idx.msk [tilespmem:v5+s20+$0x0], $0xffff  }
0x53: {  	v6 =	vld.idx.msk [tilespmem:v6+s20+$0x0], $0xffff  }
0x54: {  	v7 =	vld.idx.msk [tilespmem:v7+s20+$0x0], $0xffff  }
0x55: {  	v3 =	vld [tilespmem:s13+$0x20]  }
0x56: {  	v4 =	vld [tilespmem:s13+$0x10];
	[tilespmem:s18+$0x4040] =	vst v9  }
0x57: {  	s21 =	simm.s32 $0x280;
	v5 =	vld [tilespmem:s13+$0x0];
	[tilespmem:s18+$0x4030] =	vst v10  }
.LBB2_5:
0x58: {  	s28 =	sshra.s32 s21, $0x2;
	p2 =	sne.s32 s21, $0x1E00;
	s21 =	sadd.s32 $0x140, s21;
	[tilespmem:s18+$0x4020] =	vst v8  }
0x59: {  	v9 =	vld [tilespmem:s28+$0x30];
	[tilespmem:s18+$0x4010] =	vst v6  }
0x5a: {  	v10 =	vld [tilespmem:s28+$0x40];
	[tilespmem:s18+$0x4000] =	vst v7;
	s18 =	smov.u32 s13;
	s13 =	smov.u32 s28  }
0x5b: {  	v11 =	vld.idx.msk [tilespmem:v2+s20+$0x0], $0xffff  }
0x5c: {  	v12 =	vld.idx.msk [tilespmem:v1+s20+$0x0], $0xffff  }
0x5d: {  	v8 =	vld.idx.msk [tilespmem:v3+s20+$0x0], $0xffff  }
.Ltmp1:
0x5e: {  	v6 =	vld.idx.msk [tilespmem:v4+s20+$0x0], $0xffff;
	v1 =	vmov v9;
	(pc) =	sbr.rel @p2 .LBB2_5-.Ltmp1, $4  }
0x5f: {  	v7 =	vld.idx.msk [tilespmem:v5+s20+$0x0], $0xffff;
	v2 =	vmov v10  }
0x60: {  	v3 =	vld [tilespmem:s13+$0x20]  }
0x61: {  	v4 =	vld [tilespmem:s13+$0x10];
	[tilespmem:s18+$0x4040] =	vst v11  }
0x62: {  	v5 =	vld [tilespmem:s13+$0x0];
	[tilespmem:s18+$0x4030] =	vst v12  }
0x63: {  	_ = 	snop  }
0x64: {  	[tilespmem:s18+$0x4020] =	vst v8  }
0x65: {  	[tilespmem:s18+$0x4010] =	vst v6  }
0x66: {  	[tilespmem:s18+$0x4000] =	vst v7  }
0x67: {  	v2 =	vld.idx.msk [tilespmem:v2+s20+$0x0], $0xffff  }
0x68: {  	v1 =	vld.idx.msk [tilespmem:v1+s20+$0x0], $0xffff  }
0x69: {  	v3 =	vld.idx.msk [tilespmem:v3+s20+$0x0], $0xffff  }
0x6a: {  	v4 =	vld.idx.msk [tilespmem:v4+s20+$0x0], $0xffff  }
0x6b: {  	v5 =	vld.idx.msk [tilespmem:v5+s20+$0x0], $0xffff  }
0x6c: {  	[tilespmem:s13+$0x4040] =	vst v2  }
0x6d: {  	[tilespmem:s13+$0x4030] =	vst v1  }
0x6e: {  	[tilespmem:s13+$0x4020] =	vst v3  }
0x6f: {  	[tilespmem:s13+$0x4010] =	vst v4  }
0x70: {  	[tilespmem:s13+$0x4000] =	vst v5  }
0x71: {  	[spmem:s2] =	stream.indirect.scatter.add.f32 [tilespmem:s22], [sflag:$0x5], $0x1, s23, s30, $0xb8;
	[tilespmem:$0x1FF70] =	vst v63  }
0x72: {  	_ =	swait.ge [sflag:s31], $0x7D0  }
0x73: {  	[sflag:s31] =	ssyncset.done $0x0  }
0x74: {  	[sflag:s31] =	ssyncadd.s32 $0xFFFFF830  }
0x75: {  	_ =	swait.ge [sflag:s31], $0x7D0  }
0x76: {  	[sflag:s31] =	ssyncset.done $0x0  }
0x77: {  	s13 =	simm.s32 @!p1 $0x8;
	[sflag:s31] =	ssyncadd.s32 $0xFFFFF830  }
0x78: {  	s21 =	sadd.s32 s12, s15;
	_ =	swait.ge @!p1 [sflag:s13], $0x7D0  }
0x79: {  	s18 =	sshrl.u32 s21, $0x3;
	[sflag:s13] =	ssyncset.done @!p1 $0x0  }
0x7a: {  	s21 =	simm.s32 $0x0;
	s28 =	sadd.s32 s4, s18;
	[sflag:s13] =	ssyncadd.s32 @!p1 $0xFFFFF830  }
0x7b: {  	[tilespmem:s0], [sflag:$0x4] =	stream.linear.gather [hbm4b:s28+s21], $0x7D0, $0x38;
	[tilespmem:$0x1FF70] =	vst v63  }
0x7c: {  	s28 =	sadd.s32 s5, s18;
	s18 =	simm.s32 $0x0  }
0x7d: {  	[tilespmem:s1], [sflag:$0x4] =	stream.linear.gather [hbm4b:s28+s21], $0x7D0, $0x38;
	[tilespmem:$0x1FF70] =	vst v63  }
0x7e: {  	v3 =	vld [tilespmem:s18+$0x840]  }
0x7f: {  	v4 =	vld [tilespmem:s18+$0x830]  }
0x80: {  	v5 =	vld [tilespmem:s18+$0x820]  }
0x81: {  	v6 =	vld [tilespmem:s18+$0x810]  }
0x82: {  	v7 =	vld [tilespmem:s18+$0x800]  }
0x83: {  	s13 =	simm.s32 $0x50  }
0x84: {  	v1 =	vld [tilespmem:s13+$0x830]  }
0x85: {  	v2 =	vld [tilespmem:s13+$0x840]  }
0x86: {  	v9 =	vld.idx.msk [tilespmem:v3+s20+$0x0], $0xffff  }
0x87: {  	v10 =	vld.idx.msk [tilespmem:v4+s20+$0x0], $0xffff  }
0x88: {  	v8 =	vld.idx.msk [tilespmem:v5+s20+$0x0], $0xffff  }
0x89: {  	v6 =	vld.idx.msk [tilespmem:v6+s20+$0x0], $0xffff  }
0x8a: {  	v7 =	vld.idx.msk [tilespmem:v7+s20+$0x0], $0xffff  }
0x8b: {  	v3 =	vld [tilespmem:s13+$0x820]  }
0x8c: {  	v4 =	vld [tilespmem:s13+$0x810];
	[tilespmem:s18+$0x4840] =	vst v9  }
0x8d: {  	s21 =	simm.s32 $0x280;
	v5 =	vld [tilespmem:s13+$0x800];
	[tilespmem:s18+$0x4830] =	vst v10  }
.LBB2_7:
0x8e: {  	s28 =	sshra.s32 s21, $0x2;
	p1 =	sne.s32 s21, $0x1E00;
	s21 =	sadd.s32 $0x140, s21;
	[tilespmem:s18+$0x4820] =	vst v8  }
0x8f: {  	v9 =	vld [tilespmem:s28+$0x830];
	[tilespmem:s18+$0x4810] =	vst v6  }
0x90: {  	v10 =	vld [tilespmem:s28+$0x840];
	[tilespmem:s18+$0x4800] =	vst v7;
	s18 =	smov.u32 s13;
	s13 =	smov.u32 s28  }
0x91: {  	v11 =	vld.idx.msk [tilespmem:v2+s20+$0x0], $0xffff  }
0x92: {  	v12 =	vld.idx.msk [tilespmem:v1+s20+$0x0], $0xffff  }
0x93: {  	v8 =	vld.idx.msk [tilespmem:v3+s20+$0x0], $0xffff  }
.Ltmp2:
0x94: {  	v6 =	vld.idx.msk [tilespmem:v4+s20+$0x0], $0xffff;
	v1 =	vmov v9;
	(pc) =	sbr.rel @p1 .LBB2_7-.Ltmp2, $4  }
0x95: {  	v7 =	vld.idx.msk [tilespmem:v5+s20+$0x0], $0xffff;
	v2 =	vmov v10  }
0x96: {  	v3 =	vld [tilespmem:s13+$0x820]  }
0x97: {  	v4 =	vld [tilespmem:s13+$0x810];
	[tilespmem:s18+$0x4840] =	vst v11  }
0x98: {  	v5 =	vld [tilespmem:s13+$0x800];
	[tilespmem:s18+$0x4830] =	vst v12  }
0x99: {  	_ = 	snop  }
0x9a: {  	[tilespmem:s18+$0x4820] =	vst v8  }
0x9b: {  	[tilespmem:s18+$0x4810] =	vst v6  }
0x9c: {  	[tilespmem:s18+$0x4800] =	vst v7  }
0x9d: {  	v2 =	vld.idx.msk [tilespmem:v2+s20+$0x0], $0xffff  }
0x9e: {  	v1 =	vld.idx.msk [tilespmem:v1+s20+$0x0], $0xffff  }
0x9f: {  	v3 =	vld.idx.msk [tilespmem:v3+s20+$0x0], $0xffff  }
0xa0: {  	v4 =	vld.idx.msk [tilespmem:v4+s20+$0x0], $0xffff  }
0xa1: {  	v5 =	vld.idx.msk [tilespmem:v5+s20+$0x0], $0xffff  }
0xa2: {  	[tilespmem:s13+$0x4840] =	vst v2  }
0xa3: {  	[tilespmem:s13+$0x4830] =	vst v1  }
0xa4: {  	[tilespmem:s13+$0x4820] =	vst v3  }
0xa5: {  	[tilespmem:s13+$0x4810] =	vst v4  }
0xa6: {  	[tilespmem:s13+$0x4800] =	vst v5  }
0xa7: {  	[spmem:s2] =	stream.indirect.scatter.add.f32 [tilespmem:s3], [sflag:$0x6], $0x1, s25, s30, $0xb8;
	[tilespmem:$0x1FF70] =	vst v63  }
0xa8: {  	_ =	swait.ge [sflag:s24], $0x7D0  }
0xa9: {  	[sflag:s24] =	ssyncset.done $0x0  }
0xaa: {  	[sflag:s24] =	ssyncadd.s32 $0xFFFFF830  }
0xab: {  	_ =	swait.ge [sflag:s24], $0x7D0  }
0xac: {  	[sflag:s24] =	ssyncset.done $0x0  }
0xad: {  	p1 =	seq.s32 s6, $0x18;
	[sflag:s24] =	ssyncadd.s32 $0xFFFFF830  }
0xae: {  	s13 =	sadd.s32 @!p1 s12, s16;
	_ =	swait.ge [sflag:s7], $0x7D0  }
0xaf: {  	s13 =	sshrl.u32 @!p1 s13, $0x3;
	[sflag:s7] =	ssyncset.done $0x0  }
0xb0: {  	s21 =	simm.s32 @!p1 $0x0;
	s18 =	sadd.s32 @!p1 s4, s13;
	[sflag:s7] =	ssyncadd.s32 $0xFFFFF830  }
0xb1: {  	[tilespmem:s21], [sflag:$0x1] =	stream.linear.gather @!p1 [hbm4b:s18+s21], $0x7D0, $0x38;
	[tilespmem:$0x1FF70] =	vst v63  }
0xb2: {  	s13 =	sadd.s32 @!p1 s5, s13;
	s18 =	simm.s32 @!p1 $0x2000  }
0xb3: {  	[tilespmem:s18], [sflag:$0x1] =	stream.linear.gather @!p1 [hbm4b:s13+s21], $0x7D0, $0x38;
	[tilespmem:$0x1FF70] =	vst v63  }
0xb4: {  	s18 =	simm.s32 $0x0  }
0xb5: {  	v3 =	vld [tilespmem:s18+$0x1040]  }
0xb6: {  	v4 =	vld [tilespmem:s18+$0x1030]  }
0xb7: {  	v5 =	vld [tilespmem:s18+$0x1020]  }
0xb8: {  	v6 =	vld [tilespmem:s18+$0x1010]  }
0xb9: {  	v7 =	vld [tilespmem:s18+$0x1000]  }
0xba: {  	s13 =	simm.s32 $0x50  }
0xbb: {  	v1 =	vld [tilespmem:s13+$0x1030]  }
0xbc: {  	v2 =	vld [tilespmem:s13+$0x1040]  }
0xbd: {  	v9 =	vld.idx.msk [tilespmem:v3+s20+$0x0], $0xffff  }
0xbe: {  	v10 =	vld.idx.msk [tilespmem:v4+s20+$0x0], $0xffff  }
0xbf: {  	v8 =	vld.idx.msk [tilespmem:v5+s20+$0x0], $0xffff  }
0xc0: {  	v6 =	vld.idx.msk [tilespmem:v6+s20+$0x0], $0xffff  }
0xc1: {  	v7 =	vld.idx.msk [tilespmem:v7+s20+$0x0], $0xffff  }
0xc2: {  	v3 =	vld [tilespmem:s13+$0x1020]  }
0xc3: {  	v4 =	vld [tilespmem:s13+$0x1010];
	[tilespmem:s18+$0x5040] =	vst v9  }
0xc4: {  	s21 =	simm.s32 $0x280;
	v5 =	vld [tilespmem:s13+$0x1000];
	[tilespmem:s18+$0x5030] =	vst v10  }
.LBB2_9:
0xc5: {  	s28 =	sshra.s32 s21, $0x2;
	p2 =	sne.s32 s21, $0x1E00;
	s21 =	sadd.s32 $0x140, s21;
	[tilespmem:s18+$0x5020] =	vst v8  }
0xc6: {  	v9 =	vld [tilespmem:s28+$0x1030];
	[tilespmem:s18+$0x5010] =	vst v6  }
0xc7: {  	v10 =	vld [tilespmem:s28+$0x1040];
	[tilespmem:s18+$0x5000] =	vst v7;
	s18 =	smov.u32 s13;
	s13 =	smov.u32 s28  }
0xc8: {  	v11 =	vld.idx.msk [tilespmem:v2+s20+$0x0], $0xffff  }
0xc9: {  	v12 =	vld.idx.msk [tilespmem:v1+s20+$0x0], $0xffff  }
0xca: {  	v8 =	vld.idx.msk [tilespmem:v3+s20+$0x0], $0xffff  }
.Ltmp3:
0xcb: {  	v6 =	vld.idx.msk [tilespmem:v4+s20+$0x0], $0xffff;
	v1 =	vmov v9;
	(pc) =	sbr.rel @p2 .LBB2_9-.Ltmp3, $4  }
0xcc: {  	v7 =	vld.idx.msk [tilespmem:v5+s20+$0x0], $0xffff;
	v2 =	vmov v10  }
0xcd: {  	v3 =	vld [tilespmem:s13+$0x1020]  }
0xce: {  	v4 =	vld [tilespmem:s13+$0x1010];
	[tilespmem:s18+$0x5040] =	vst v11  }
0xcf: {  	v5 =	vld [tilespmem:s13+$0x1000];
	[tilespmem:s18+$0x5030] =	vst v12  }
0xd0: {  	_ = 	snop  }
0xd1: {  	[tilespmem:s18+$0x5020] =	vst v8  }
0xd2: {  	[tilespmem:s18+$0x5010] =	vst v6  }
0xd3: {  	[tilespmem:s18+$0x5000] =	vst v7  }
0xd4: {  	v2 =	vld.idx.msk [tilespmem:v2+s20+$0x0], $0xffff  }
0xd5: {  	v1 =	vld.idx.msk [tilespmem:v1+s20+$0x0], $0xffff  }
0xd6: {  	v3 =	vld.idx.msk [tilespmem:v3+s20+$0x0], $0xffff  }
0xd7: {  	v4 =	vld.idx.msk [tilespmem:v4+s20+$0x0], $0xffff  }
0xd8: {  	v5 =	vld.idx.msk [tilespmem:v5+s20+$0x0], $0xffff  }
0xd9: {  	[tilespmem:s13+$0x5040] =	vst v2  }
0xda: {  	[tilespmem:s13+$0x5030] =	vst v1  }
0xdb: {  	[tilespmem:s13+$0x5020] =	vst v3  }
0xdc: {  	[tilespmem:s13+$0x5010] =	vst v4  }
0xdd: {  	[tilespmem:s13+$0x5000] =	vst v5  }
0xde: {  	[spmem:s2] =	stream.indirect.scatter.add.f32 [tilespmem:s8], [sflag:$0x7], $0x1, s29, s30, $0xb8;
	[tilespmem:$0x1FF70] =	vst v63  }
0xdf: {  	_ =	swait.ge [sflag:s9], $0x7D0  }
0xe0: {  	[sflag:s9] =	ssyncset.done $0x0  }
0xe1: {  	[sflag:s9] =	ssyncadd.s32 $0xFFFFF830  }
0xe2: {  	_ =	swait.ge [sflag:s9], $0x7D0  }
0xe3: {  	[sflag:s9] =	ssyncset.done $0x0  }
0xe4: {  	[sflag:s9] =	ssyncadd.s32 $0xFFFFF830  }
0xe5: {  	s12 =	sadd.s32 @!p1 s12, s17;
	_ =	swait.ge [sflag:s10], $0x7D0  }
0xe6: {  	s21 =	simm.s32 @!p1 $0x800;
	s12 =	sshrl.u32 @!p1 s12, $0x3;
	[sflag:s10] =	ssyncset.done $0x0  }
0xe7: {  	s18 =	simm.s32 @!p1 $0x0;
	s13 =	sadd.s32 @!p1 s4, s12;
	[sflag:s10] =	ssyncadd.s32 $0xFFFFF830  }
0xe8: {  	[tilespmem:s21], [sflag:$0x2] =	stream.linear.gather @!p1 [hbm4b:s13+s18], $0x7D0, $0x38;
	[tilespmem:$0x1FF70] =	vst v63  }
0xe9: {  	s12 =	sadd.s32 @!p1 s5, s12;
	s13 =	simm.s32 @!p1 $0x2800  }
0xea: {  	[tilespmem:s13], [sflag:$0x2] =	stream.linear.gather @!p1 [hbm4b:s12+s18], $0x7D0, $0x38;
	[tilespmem:$0x1FF70] =	vst v63  }
0xeb: {  	s13 =	simm.s32 $0x0  }
0xec: {  	v3 =	vld [tilespmem:s13+$0x1840]  }
0xed: {  	v4 =	vld [tilespmem:s13+$0x1830]  }
0xee: {  	v5 =	vld [tilespmem:s13+$0x1820]  }
0xef: {  	v6 =	vld [tilespmem:s13+$0x1810]  }
0xf0: {  	v7 =	vld [tilespmem:s13+$0x1800]  }
0xf1: {  	s12 =	simm.s32 $0x50  }
0xf2: {  	v1 =	vld [tilespmem:s12+$0x1830]  }
0xf3: {  	v2 =	vld [tilespmem:s12+$0x1840]  }
0xf4: {  	v9 =	vld.idx.msk [tilespmem:v3+s20+$0x0], $0xffff  }
0xf5: {  	v10 =	vld.idx.msk [tilespmem:v4+s20+$0x0], $0xffff  }
0xf6: {  	v8 =	vld.idx.msk [tilespmem:v5+s20+$0x0], $0xffff  }
0xf7: {  	v6 =	vld.idx.msk [tilespmem:v6+s20+$0x0], $0xffff  }
0xf8: {  	v7 =	vld.idx.msk [tilespmem:v7+s20+$0x0], $0xffff  }
0xf9: {  	v3 =	vld [tilespmem:s12+$0x1820]  }
0xfa: {  	v4 =	vld [tilespmem:s12+$0x1810];
	[tilespmem:s13+$0x5840] =	vst v9  }
0xfb: {  	s18 =	simm.s32 $0x280;
	v5 =	vld [tilespmem:s12+$0x1800];
	[tilespmem:s13+$0x5830] =	vst v10  }
.LBB2_11:
0xfc: {  	s21 =	sshra.s32 s18, $0x2;
	p1 =	sne.s32 s18, $0x1E00;
	s18 =	sadd.s32 $0x140, s18;
	[tilespmem:s13+$0x5820] =	vst v8  }
0xfd: {  	v9 =	vld [tilespmem:s21+$0x1830];
	[tilespmem:s13+$0x5810] =	vst v6  }
0xfe: {  	v10 =	vld [tilespmem:s21+$0x1840];
	[tilespmem:s13+$0x5800] =	vst v7;
	s13 =	smov.u32 s12;
	s12 =	smov.u32 s21  }
0xff: {  	v11 =	vld.idx.msk [tilespmem:v2+s20+$0x0], $0xffff  }
0x100: {  	v12 =	vld.idx.msk [tilespmem:v1+s20+$0x0], $0xffff  }
0x101: {  	v8 =	vld.idx.msk [tilespmem:v3+s20+$0x0], $0xffff  }
.Ltmp4:
0x102: {  	v6 =	vld.idx.msk [tilespmem:v4+s20+$0x0], $0xffff;
	v1 =	vmov v9;
	(pc) =	sbr.rel @p1 .LBB2_11-.Ltmp4, $4  }
0x103: {  	v7 =	vld.idx.msk [tilespmem:v5+s20+$0x0], $0xffff;
	v2 =	vmov v10  }
0x104: {  	v3 =	vld [tilespmem:s12+$0x1820]  }
0x105: {  	v4 =	vld [tilespmem:s12+$0x1810];
	[tilespmem:s13+$0x5840] =	vst v11  }
0x106: {  	v5 =	vld [tilespmem:s12+$0x1800];
	[tilespmem:s13+$0x5830] =	vst v12  }
0x107: {  	_ = 	snop  }
0x108: {  	[tilespmem:s13+$0x5820] =	vst v8  }
0x109: {  	[tilespmem:s13+$0x5810] =	vst v6  }
0x10a: {  	[tilespmem:s13+$0x5800] =	vst v7  }
0x10b: {  	v2 =	vld.idx.msk [tilespmem:v2+s20+$0x0], $0xffff  }
0x10c: {  	v1 =	vld.idx.msk [tilespmem:v1+s20+$0x0], $0xffff  }
0x10d: {  	v3 =	vld.idx.msk [tilespmem:v3+s20+$0x0], $0xffff  }
0x10e: {  	v4 =	vld.idx.msk [tilespmem:v4+s20+$0x0], $0xffff  }
0x10f: {  	s6 =	sadd.s32 $0x1, s6;
	v5 =	vld.idx.msk [tilespmem:v5+s20+$0x0], $0xffff  }
0x110: {  	p1 =	sne.s32 s6, $0x19;
	[tilespmem:s12+$0x5840] =	vst v2  }
.Ltmp5:
0x111: {  	[tilespmem:s12+$0x5830] =	vst v1;
	(pc) =	sbr.rel @p1 .LBB2_4-.Ltmp5, $4  }
0x112: {  	[tilespmem:s12+$0x5820] =	vst v3  }
0x113: {  	[tilespmem:s12+$0x5810] =	vst v4  }
0x114: {  	[tilespmem:s12+$0x5800] =	vst v5  }
0x115: {  	[spmem:s2] =	stream.indirect.scatter.add.f32 [tilespmem:s11], [sflag:$0x8], $0x1, s1, s30, $0xb8;
	[tilespmem:$0x1FF70] =	vst v63  }
0x116: {  	s6 =	simm.s32 $0x7  }
0x117: {  	_ =	swait.ge [sflag:s6], $0x7D0  }
0x118: {  	[sflag:s6] =	ssyncset.done $0x0  }
0x119: {  	s19 =	simm.s32 $0x8;
	[sflag:s6] =	ssyncadd.s32 $0xFFFFF830  }
0x11a: {  	_ =	swait.ge [sflag:s19], $0x7D0  }
0x11b: {  	[sflag:s19] =	ssyncset.done $0x0  }
0x11c: {  	s12 =	simm.s32 @!p0 $0x1;
	[sflag:s19] =	ssyncadd.s32 $0xFFFFF830  }
0x11d: {  	s13 =	simm.s32 @!p0 $0x20;
	s18 =	simm.s32 @!p0 $0x10;
	[bflag:$0x0] =	sbarrier.arrive $0xFFFF  }
0x11e: {  	s6 =	sshrl.u32 @!p0 s2, $0x3;
	s19 =	simm.s32 @!p0 $0x1C09;
	s21 =	rddreg [dreg:$0xc]  }
0x11f: {  	[hbm:s21@s13], [sflag:s19] =	dma.strided @!p0 [spmem:s6@s18], $0x30E0, s12, $0x10   }
0x120: {  	s6 =	simm.s32 @!p0 $0x9  }
0x121: {  	_ =	swait.ge @!p0 [sflag:s6], $0x30E0  }
0x122: {  	s21 =	rddreg [dreg:$0xe]  }
0x123: {  	s28 =	rddreg [dreg:$0xd];
	s18 =	sadd.s32 $0x1, s21  }
0x124: {  	p1 =	sne.s32 s18, s28  }
.Ltmp6:
0x125: {  	_ = 	snop;
	(pc) =	sbr.rel @p1 .LBB2_1-.Ltmp6, $3  }
0x126: {  	_ =	sdelay $0x1  }
0x127: {  	[sflag:s6] =	ssyncset.done @!p0 $0x0  }
0x128: {  	s13 =	simm.s32 $0x9;
	[sflag:s6] =	ssyncadd.s32 @!p0 $0xFFFFCF20  }
0x129: {  	_ =	sfence.sel $0x180000  }
0x12a: {  	[bflag:$0x0] =	sbarrier.arrive $0xFFFF  }
0x12b: {  	_ =	strace $0x9000004A  }
0x12c: {  	[bflag:$0x2] =	sbarrier.arrive $0xFFFF  }
0x12d: {  	s0 =	rddreg [dreg:$0x3]  }
0x12e: {  	s0 =	sadd.s32 @!p0 $0x100000, s0  }
0x12f: {  	[sflag:s0] =	ssyncadd.tile.s32 @!p0 $0x1;
	_ =	shalt  }
.Lfunc_end2:
_tile_overlayer_lowered:
.L_overlay_start_2:
0x130: {  	(tag) =	ssettag $0x2  }
0x131: {  	s0 =	rddreg [dreg:$0x0];
	s2 =	stileid.u32  }
0x132: {  	s1 =	rddreg [dreg:$0x1];
	p0 =	sne.s32 s2, $0x0  }
0x133: {  	s3 =	rddreg [dreg:$0x2];
	[bflag:$0x3] =	sbarrier.arrive $0xFFFF;
	s2 =	simm.s32 @!p0 $0x1C09  }
0x134: {  	[timem:s3], [sflag:s2] =	dma.local @!p0 [hbm:s0], s1  }
0x135: {  	s0 =	simm.s32 @!p0 $0x9  }
0x136: {  	_ =	swait.ge @!p0 [sflag:s0], s1  }
0x137: {  	s1 =	ssub.s32 @!p0 $0x0, s1;
	[sflag:s0] =	ssyncset.done @!p0 $0x0  }
0x138: {  	[sflag:s0] =	ssyncadd.s32 @!p0 s1  }
0x139: {  	[bflag:$0x3] =	sbarrier.arrive $0xFFFF  }
0x13a: {  	_ =	shalt  }

// kernel: kernel.14.cloned.1.call-start
scs
__scs_entry_jumppad:
0x0: {  	(pc) =	sbr.rel $0x88, $3  }
0x1: {  	(tag) =	ssettag $0x0;
	lr =	simm.s32 $0x1  }
0x2: {  	[smem:$0x3F9B] =	sst lr;
	_ =	strace $0xD0000000  }
0x3: {  	_ = 	snop  }
0x4: {  	_ = 	snop  }
0x5: {  	_ = 	snop  }
0x6: {  	_ = 	snop  }
0x7: {  	_ = 	snop  }
__scs_overlays_trampoline_lowered:
0x8: {  	[smem:$0x3FAA] =	sst s0  }
0x9: {  	[smem:$0x3FAB] =	sst s1  }
0xa: {  	[smem:$0x3FAC] =	sst s2  }
0xb: {  	[smem:$0x3FAD] =	sst s3  }
0xc: {  	[smem:$0x3FAE] =	sst s4  }
0xd: {  	[smem:$0x3FAF] =	sst s5  }
0xe: {  	[smem:$0x3FB0] =	sst s6  }
0xf: {  	[smem:$0x3FB1] =	sst s7  }
0x10: {  	[smem:$0x3FB2] =	sst s8  }
0x11: {  	[smem:$0x3FB3] =	sst s9;
	s0 =	simm.s32 @!p0 $0x0  }
0x12: {  	s1 =	sld [smem:$0x3F99];
	s0 =	simm.s32 @p0 $0x1  }
0x13: {  	[smem:$0x3FB4] =	sst s0;
	s0 =	simm.s32 @!p1 $0x0  }
0x14: {  	s2 =	sld [smem:$0x3F98];
	s0 =	simm.s32 @p1 $0x1  }
0x15: {  	[smem:$0x3FB5] =	sst s0;
	s0 =	simm.s32 @!p2 $0x0  }
0x16: {  	s3 =	sld [smem:$0x3FDB];
	s0 =	simm.s32 @p2 $0x1  }
0x17: {  	s4 =	simm.s32 $0x1BF5;
	[smem:$0x3FB7] =	sst s0  }
0x18: {  	s0 =	sld [smem:$0x3F9A];
	_ =	swait.ge [sflag:s4], $0x0  }
0x19: {  	s7 =	sld [smem:$0x3F9B]  }
0x1a: {  	s8 =	sadd.s32 $0xFFFFE003, lr  }
0x1b: {  	s9 =	sadd.s32 $0xFFFFFEF7, lr;
	s5 =	simm.s32 $0xFFFFFFFF;
	p2 =	slt.u32 s8, $0xFFFFF086  }
0x1c: {  	p1 =	slt.u32 s9, $0xF7A;
	s5 =	simm.s32 @!p2 $0x0  }
0x1d: {  	s5 =	simm.s32 @p1 $0x1;
	p0 =	seq.s32 s7, s2  }
0x1e: {  	s7 =	smul.u32 @!p0 $0xF7A, s2;
	p2 =	seq.s32 @!p0 s5, $0x0  }
0x1f: {  	s9 =	smul.u32 $0xF7A, s1;
	s8 =	simm.s32 @!p0 $0x1BF5;
	p2 =	por !p2, p0  }
0x20: {  	[sflag:s8] =	ssyncset.s32 @!p0 $0xFFFFF086;
	s6 =	sadd.s32 @!p0 s3, s7;
	s7 =	simm.s32 @!p0 $0x108  }
0x21: {  	s3 =	sadd.s32 s3, s9;
	s6 =	sadd.s32 @!p0 $0x88, s6;
	s7 =	simm.s32 @p2 $0x1082  }
0x22: {  	[simem:s7], [sflag:s8] =	dma.local @!p0 [hbm:s6], $0xF7A  }
0x23: {  	s9 =	sor.u32 $0xD0000000, s2;
	s6 =	simm.s32 $0x108;
	_ =	swait.ge @!p0 [sflag:s8], $0x0  }
0x24: {  	s3 =	sadd.s32 $0x88, s3;
	s6 =	simm.s32 @!p1 $0x1082;
	[sflag:s4] =	ssyncset.s32 $0xFFFFF086  }
0x25: {  	[simem:s6], [sflag:s4] =	dma.local [hbm:s3], $0xF7A  }
0x26: {  	[smem:$0x3F9B] =	sst s1;
	(tag) =	ssettag s2;
	_ =	strace s9  }
0x27: {  	s1 =	sld [smem:$0x3FAB]  }
0x28: {  	s2 =	sld [smem:$0x3FAC]  }
0x29: {  	s4 =	sld [smem:$0x3FAE]  }
0x2a: {  	p0 =	seq.s32 s5, $0x0;
	s5 =	sld [smem:$0x3FAF]  }
0x2b: {  	s6 =	sld [smem:$0x3FB0]  }
0x2c: {  	s7 =	sld [smem:$0x3FB1]  }
0x2d: {  	s3 =	simm.s32 $0x108;
	s8 =	sld [smem:$0x3FB2]  }
0x2e: {  	s3 =	simm.s32 @!p0 $0x1082;
	s9 =	sld [smem:$0x3FB3]  }
0x2f: {  	lr =	sadd.s32 s0, s3;
	s0 =	sld [smem:$0x3FAA]  }
0x30: {  	s3 =	sld [smem:$0x3FAD]  }
0x31: {  	[smem:$0x3FB6] =	sst s10  }
0x32: {  	s10 =	sld [smem:$0x3FB4];
	_ =	sdelay $0x3  }
0x33: {  	p0 =	seq.s32 s10, $0x1;
	s10 =	sld [smem:$0x3FB6];
	_ =	sdelay $0x3  }
0x34: {  	[smem:$0x3FB6] =	sst s10  }
0x35: {  	s10 =	sld [smem:$0x3FB5];
	_ =	sdelay $0x3  }
0x36: {  	p1 =	seq.s32 s10, $0x1;
	s10 =	sld [smem:$0x3FB6];
	_ =	sdelay $0x3  }
0x37: {  	[smem:$0x3FB6] =	sst s10  }
0x38: {  	s10 =	sld [smem:$0x3FB7]  }
0x39: {  	_ = 	snop;
	(pc) =	sbr.ind lr, $3  }
0x3a: {  	_ = 	snop  }
0x3b: {  	_ = 	snop  }
0x3c: {  	p2 =	seq.s32 s10, $0x1;
	s10 =	sld [smem:$0x3FB6]  }
0x3d: {  	_ =	shalt  }
0x3e: {  	_ =	shalt  }
0x3f: {  	_ =	shalt  }
0x40: {  	_ =	shalt  }
0x41: {  	_ =	shalt  }
0x42: {  	_ =	shalt  }
0x43: {  	_ =	shalt  }
0x44: {  	_ =	shalt  }
0x45: {  	_ =	shalt  }
0x46: {  	_ =	shalt  }
0x47: {  	_ =	shalt  }
0x48: {  	_ =	shalt  }
0x49: {  	_ =	shalt  }
0x4a: {  	_ =	shalt  }
0x4b: {  	_ =	shalt  }
0x4c: {  	_ =	shalt  }
0x4d: {  	_ =	shalt  }
0x4e: {  	_ =	shalt  }
0x4f: {  	_ =	shalt  }
0x50: {  	_ =	shalt  }
0x51: {  	_ =	shalt  }
0x52: {  	_ =	shalt  }
0x53: {  	_ =	shalt  }
0x54: {  	_ =	shalt  }
0x55: {  	_ =	shalt  }
0x56: {  	_ =	shalt  }
0x57: {  	_ =	shalt  }
0x58: {  	_ =	shalt  }
0x59: {  	_ =	shalt  }
0x5a: {  	_ =	shalt  }
0x5b: {  	_ =	shalt  }
0x5c: {  	_ =	shalt  }
0x5d: {  	_ =	shalt  }
0x5e: {  	_ =	shalt  }
0x5f: {  	_ =	shalt  }
0x60: {  	_ =	shalt  }
0x61: {  	_ =	shalt  }
0x62: {  	_ =	shalt  }
0x63: {  	_ =	shalt  }
0x64: {  	_ =	shalt  }
0x65: {  	_ =	shalt  }
0x66: {  	_ =	shalt  }
0x67: {  	_ =	shalt  }
0x68: {  	_ =	shalt  }
0x69: {  	_ =	shalt  }
0x6a: {  	_ =	shalt  }
0x6b: {  	_ =	shalt  }
0x6c: {  	_ =	shalt  }
0x6d: {  	_ =	shalt  }
0x6e: {  	_ =	shalt  }
0x6f: {  	_ =	shalt  }
0x70: {  	_ =	shalt  }
0x71: {  	_ =	shalt  }
0x72: {  	_ =	shalt  }
0x73: {  	_ =	shalt  }
0x74: {  	_ =	shalt  }
0x75: {  	_ =	shalt  }
0x76: {  	_ =	shalt  }
0x77: {  	_ =	shalt  }
0x78: {  	_ =	shalt  }
0x79: {  	_ =	shalt  }
0x7a: {  	_ =	shalt  }
0x7b: {  	_ =	shalt  }
0x7c: {  	_ =	shalt  }
0x7d: {  	_ =	shalt  }
0x7e: {  	_ =	shalt  }
0x7f: {  	_ =	shalt  }
0x80: {  	_ =	shalt  }
0x81: {  	_ =	shalt  }
0x82: {  	_ =	shalt  }
0x83: {  	_ =	shalt  }
0x84: {  	_ =	shalt  }
0x85: {  	_ =	shalt  }
0x86: {  	_ =	shalt  }
0x87: {  	_ =	shalt  }
.Lfunc_end0:
.L_simem_size_0:
called_computation.2_lowered:
.L_overlay_start_0:
0x88: {  	s2 =	sld [smem:$0x3FD9]  }
0x89: {  	s3 =	sld [smem:$0x3FFE];
	_ =	sdelay $0x1  }
0x8a: {  	s1 =	srdreg.scid  }
0x8b: {  	s0 =	sand.u32 $0x1, s1  }
0x8c: {  	s17 =	sshll.u32 s0, $0xA;
	s2 =	sadd.s32 s3, s2  }
0x8d: {  	s2 =	sadd.s32 s2, s17  }
0x8e: {  	[smem:$0x3FC2] =	sst s2  }
0x8f: {  	_ = 	snop  }
0x90: {  	s2 =	sld [smem:$0x3FD0];
	(tm) =	ssettm $0x1  }
0x91: {  	s18 =	sld [smem:$0x3FFB];
	_ =	sdelay $0x3  }
0x92: {  	_ =	strace s18  }
0x93: {  	s3 =	sld [smem:$0x3FFC];
	_ =	sdelay $0x3  }
0x94: {  	_ =	strace s3  }
0x95: {  	s3 =	sld [smem:$0x3FFD];
	_ =	sdelay $0x3  }
0x96: {  	_ =	strace s3  }
0x97: {  	_ =	strace $0x8FFFFFFF  }
0x98: {  	s19 =	sld [smem:$0x3FDB];
	_ =	sdelay $0x1  }
0x99: {  	s4 =	simm.s32 $_scs_section_size  }
0x9a: {  	s5 =	simm.s32 $_size__tile_overlayer_lowered;
	s6 =	simm.s32 $_tile_overlayer_lowered  }
0x9b: {  	s22 =	simm.s32 $0x1BFF;
	s21 =	sshll.u32 s6, $0x1;
	s3 =	sadd.s32 s4, s19  }
0x9c: {  	s7 =	simm.s32 $0x0;
	s20 =	sshll.u32 s5, $0x1;
	s5 =	sadd.s32 s21, s3  }
0x9d: {  	[timem:s7], [sflag:s22] =	dma.local [hbm:s5], s20  }
0x9e: {  	_ =	swait.ge [sflag:s22], s20  }
0x9f: {  	s4 =	ssub.s32 $0x0, s20;
	[sflag:s22] =	ssyncset.done $0x0  }
0xa0: {  	[sflag:s22] =	ssyncadd.s32 s4;
	_ =	sdelay $0x1  }
0xa1: {  	s23 =	simm.s32 $0x1B8B  }
0xa2: {  	_ =	swait.ge [sflag:s23], $0x1  }
0xa3: {  	[sflag:s23] =	ssyncset.done $0x0  }
0xa4: {  	s25 =	simm.s32 $0x1B8E;
	s24 =	sld [smem:$0x3FFE];
	[sflag:s23] =	ssyncadd.s32 $0xFFFFFFFF  }
0xa5: {  	s26 =	simm.s32 $execute0_lowered;
	[smem:$0x3FD2] =	sst s25  }
0xa6: {  	s5 =	sshll.u32 s26, $0x1;
	_ =	strace $0x8000004C;
	[dreg:$0x1] =	wrdreg $0xFFFFFFFF  }
0xa7: {  	s28 =	simm.s32 $_size_execute0_lowered;
	s3 =	sadd.s32 s3, s5;
	[dreg:$0x0] =	wrdreg $0x0  }
0xa8: {  	s5 =	sshll.u32 s28, $0x1;
	[dreg:$0x2] =	wrdreg s3  }
0xa9: {  	[dreg:$0x3] =	wrdreg s5  }
0xaa: {  	[dreg:$0x4] =	wrdreg $0xC0  }
0xab: {  	_ =	task [dreg:s7], $0x5FFFF  }
0xac: {  	[dreg:$0x1] =	wrdreg $0xFFFFFFFF  }
0xad: {  	[dreg:$0x0] =	wrdreg $0x60  }
0xae: {  	[dreg:$0x2] =	wrdreg s24  }
0xaf: {  	[dreg:$0x3] =	wrdreg s2  }
0xb0: {  	[dreg:$0x4] =	wrdreg $0x1E7000  }
0xb1: {  	[dreg:$0x5] =	wrdreg $0x9  }
0xb2: {  	_ =	task.clear_ibuf [dreg:s7], $0x6FFFF;
	_ =	strace $0x9000004C  }
0xb3: {  	s29 =	simm.s32 $0x9;
	_ =	strace $0x8000004E  }
0xb4: {  	_ =	swait.ge [sflag:s29], $0x1  }
0xb5: {  	[sflag:s29] =	ssyncadd.s32 $0xFFFFFFFF  }
0xb6: {  	_ =	strace $0x9000004E  }
0xb7: {  	_ =	sfence  }
0xb8: {  	s30 =	sld [smem:$0x0];
	_ =	sdelay $0x2  }
0xb9: {  	s31 =	sshll.u32 s1, $0xD;
	s1 =	sshrl.u32 s1, $0x2  }
0xba: {  	s3 =	sand.u32 $0x4000, s31;
	s1 =	sadd.s32 s1, s30  }
0xbb: {  	s0 =	sor.u32 s3, s0;
	s1 =	sshll.u32 s1, $0x11  }
0xbc: {  	s0 =	sor.u32 s1, s0  }
0xbd: {  	s0 =	sadd.s32 $0x8F2B, s0  }
0xbe: {  	[sflag:s0] =	ssyncadd.remote.s32 $0x1  }
0xbf: {  	_ =	sfence.sel $0xFFFF  }
0xc0: {  	[dreg:$0x0] =	wrdreg $0xFFFFFFFF;
	(pc) =	sbr.abs _section_cstart, $3  }
0xc1: {  	[dreg:$0x1] =	wrdreg $0xFFFFFFFF  }
0xc2: {  	_ =	task.clear_ibuf [dreg:s7], $0x2FFFF;
	_ =	strace $0x9FFFFFFF  }
0xc3: {  	(tm) =	ssettm $0x7FFFFFFF  }
tec
execute0_lowered:
.L_overlay_start_1:
0x0: {  	(tag) =	ssettag $0x1  }
0x1: {  	s0 =	rddreg [dreg:$0x0]  }
0x2: {  	s2 =	rddreg [dreg:$0x2];
	s1 =	simm.s32 $0x0;
	s18 =	srdreg.scid  }
0x3: {  	s3 =	stileid.u32;
	s12 =	simm.s32 $0x9;
	s28 =	simm.s32 $0x2800  }
0x4: {  	s29 =	simm.s32 $0x1;
	s31 =	simm.s32 $0x3000;
	s10 =	simm.s32 $0x5800  }
0x5: {  	s11 =	simm.s32 $0x0;
	[smem:$0x7FF] =	sst s1;
	s4 =	sadd.s32 $0xC5C00, s0  }
0x6: {  	s5 =	sadd.s32 $0x2600, s0;
	s1 =	sand.u32 $0x1, s18;
	s6 =	smul.u32 $0x61C0, s3  }
0x7: {  	s7 =	sadd.s32 $0x189200, s0;
	p0 =	sne.s32 s3, $0x0;
	_ =	strace $0x8000004D  }
0x8: {  	[dreg:$0x4] =	wrdreg s7;
	s19 =	smul.u32 $0x6200, s1;
	s8 =	sshll.u32 s1, $0x4  }
0x9: {  	s1 =	ssub.s32 $0x2, s1;
	s8 =	sor.u32 s3, s8;
	s6 =	sshrl.u32 s6, $0x2  }
0xa: {  	s9 =	sshrl.u32 s1, $0x1;
	s3 =	simm.s32 $0x1800;
	s8 =	smul.u32 $0x30D40, s8  }
0xb: {  	s6 =	sadd.s32 s6, s2;
	s0 =	sadd.s32 s19, s0;
	s1 =	ssub.s32 s1, s9  }
0xc: {  	s19 =	simm.s32 $0x3;
	s20 =	sadd.s32 $0x7D0, s6;
	[dreg:$0x5] =	wrdreg s6  }
0xd: {  	s9 =	simm.s32 $0x6;
	s21 =	sadd.s32 $0xFA0, s6;
	[dreg:$0x6] =	wrdreg s20  }
0xe: {  	s6 =	sadd.s32 $0x1770, s6;
	s26 =	sadd.s32 $0x18C400, s0;
	[dreg:$0x7] =	wrdreg s21  }
0xf: {  	s0 =	sadd.s32 $0x18C410, s0;
	s30 =	smax.u32 s1, $0x1;
	[dreg:$0x8] =	wrdreg s6  }
0x10: {  	s1 =	simm.s32 $0x2;
	s22 =	sshrl.u32 s8, $0x3;
	[dreg:$0xd] =	wrdreg s26  }
0x11: {  	s15 =	sadd.s32 $0xFA0, s8;
	s16 =	sadd.s32 $0x1770, s8;
	[dreg:$0xe] =	wrdreg s0  }
0x12: {  	s17 =	sadd.s32 $0x1F40, s8;
	s18 =	sadd.s32 $0x2710, s8;
	[dreg:$0xf] =	wrdreg s30  }
0x13: {  	s0 =	simm.s32 $0x7D0;
	s26 =	simm.s32 $0x4800;
	s20 =	simm.s32 $0x5  }
0x14: {  	s21 =	simm.s32 $0x5000;
	s8 =	simm.s32 $0x4;
	s23 =	sadd.s32 s4, s22  }
0x15: {  	s24 =	sadd.s32 s5, s22;
	s6 =	sadd.s32 $0xFA, s22;
	[dreg:$0x9] =	wrdreg s23  }
0x16: {  	s22 =	simm.s32 $0x6000;
	[dreg:$0xa] =	wrdreg s24;
	s25 =	sadd.s32 s4, s6  }
0x17: {  	s6 =	sadd.s32 s5, s6;
	s24 =	simm.s32 $0x4000;
	[dreg:$0xb] =	wrdreg s25  }
0x18: {  	v0 =	vimm.f32 $0.0e+00;
	[dreg:$0xc] =	wrdreg s6;
	s25 =	simm.s32 $0x2000;
	s6 =	simm.s32 $0x3800  }
.LBB2_1:
0x19: {  	[dreg:$0x10] =	wrdreg s11  }
0x1a: {  	s7 =	rddreg [dreg:$0x1];
	s30 =	simm.s32 $0x0  }
0x1b: {  	[tilespmem:s22], [sflag:$0x9] =	stream.linear.gather [hbm4b:s7+s30], $0x18700, $0x38;
	[tilespmem:$0x1FF70] =	vst v63  }
0x1c: {  	_ =	swait.ge [sflag:s12], $0x18700  }
0x1d: {  	[sflag:s12] =	ssyncset.done $0x0  }
0x1e: {  	s11 =	simm.s32 $0x0;
	s7 =	simm.s32 $0x40;
	[sflag:s12] =	ssyncadd.s32 $0xFFFE7900  }
.LBB2_2:
0x1f: {  	p1 =	sne.s32 s7, $0x1F00;
	[tilespmem:s11+$0x4000] =	vst v0;
	s11 =	smov.u32 s7;
	s7 =	sadd.s32 $0x40, s7  }
.Ltmp0:
0x20: {  	(pc) =	sbr.rel @p1 .LBB2_2-.Ltmp0, $2  }
0x21: {  	_ =	sdelay $0x2  }
0x22: {  	s11 =	sshra.s32 s11, $0x2  }
0x23: {  	[tilespmem:s11+$0x4000] =	vst v0;
	s7 =	rddreg [dreg:$0x5]  }
0x24: {  	[spmem:s7] =	stream.linear.scatter [tilespmem:s24], [sflag:$0x9], $0x7D0, $0x38;
	[tilespmem:$0x1FF70] =	vst v63  }
0x25: {  	_ =	swait.ge [sflag:s12], $0x7D0  }
0x26: {  	[sflag:s12] =	ssyncset.done $0x0  }
0x27: {  	s14 =	rddreg [dreg:$0x6];
	[sflag:s12] =	ssyncadd.s32 $0xFFFFF830  }
0x28: {  	[spmem:s14] =	stream.linear.scatter [tilespmem:s24], [sflag:$0x9], $0x7D0, $0x38;
	[tilespmem:$0x1FF70] =	vst v63  }
0x29: {  	_ =	swait.ge [sflag:s12], $0x7D0  }
0x2a: {  	[sflag:s12] =	ssyncset.done $0x0  }
0x2b: {  	s23 =	rddreg [dreg:$0x7];
	[sflag:s12] =	ssyncadd.s32 $0xFFFFF830  }
0x2c: {  	[spmem:s23] =	stream.linear.scatter [tilespmem:s24], [sflag:$0x9], $0x7D0, $0x38;
	[tilespmem:$0x1FF70] =	vst v63  }
0x2d: {  	_ =	swait.ge [sflag:s12], $0x7D0  }
0x2e: {  	[sflag:s12] =	ssyncset.done $0x0  }
0x2f: {  	s30 =	rddreg [dreg:$0x8];
	[sflag:s12] =	ssyncadd.s32 $0xFFFFF830  }
0x30: {  	[spmem:s30] =	stream.linear.scatter [tilespmem:s24], [sflag:$0x9], $0x100, $0x38;
	[tilespmem:$0x1FF70] =	vst v63  }
0x31: {  	_ =	swait.ge [sflag:s12], $0x100  }
0x32: {  	[sflag:s12] =	ssyncset.done $0x0  }
0x33: {  	[sflag:s12] =	ssyncadd.s32 $0xFFFFFF00  }
0x34: {  	[bflag:$0x0] =	sbarrier.arrive $0xFFFF  }
0x35: {  	s14 =	simm.s32 $0x0;
	s11 =	rddreg [dreg:$0x9]  }
0x36: {  	[tilespmem:s14], [sflag:$0x1] =	stream.linear.gather [hbm4b:s11+s14], $0x7D0, $0x38;
	[tilespmem:$0x1FF70] =	vst v63  }
0x37: {  	s12 =	rddreg [dreg:$0xa]  }
0x38: {  	[tilespmem:s25], [sflag:$0x1] =	stream.linear.gather [hbm4b:s12+s14], $0x7D0, $0x38;
	[tilespmem:$0x1FF70] =	vst v63  }
0x39: {  	s23 =	simm.s32 $0x800;
	s13 =	rddreg [dreg:$0xb]  }
0x3a: {  	[tilespmem:s23], [sflag:$0x2] =	stream.linear.gather [hbm4b:s13+s14], $0x7D0, $0x38;
	[tilespmem:$0x1FF70] =	vst v63  }
0x3b: {  	s7 =	simm.s32 $0x0;
	s30 =	rddreg [dreg:$0xc]  }
0x3c: {  	[tilespmem:s28], [sflag:$0x2] =	stream.linear.gather [hbm4b:s30+s14], $0x7D0, $0x38;
	[tilespmem:$0x1FF70] =	vst v63  }
.LBB2_4:
0x3d: {  	_ =	swait.ge [sflag:s29], $0x7D0  }
0x3e: {  	[sflag:s29] =	ssyncset.done $0x0  }
0x3f: {  	[sflag:s29] =	ssyncadd.s32 $0xFFFFF830  }
0x40: {  	_ =	swait.ge [sflag:s29], $0x7D0  }
0x41: {  	p1 =	seq.s32 s7, $0x0;
	s11 =	smul.u32 $0x1F40, s7;
	[sflag:s29] =	ssyncset.done $0x0  }
0x42: {  	s12 =	simm.s32 @!p1 $0x7;
	[sflag:s29] =	ssyncadd.s32 $0xFFFFF830  }
0x43: {  	s13 =	sadd.s32 s11, s15;
	_ =	swait.ge @!p1 [sflag:s12], $0x7D0  }
0x44: {  	s13 =	sshrl.u32 s13, $0x3;
	[sflag:s12] =	ssyncset.done @!p1 $0x0  }
0x45: {  	s23 =	simm.s32 $0x1000;
	s30 =	sadd.s32 s4, s13;
	[sflag:s12] =	ssyncadd.s32 @!p1 $0xFFFFF830  }
0x46: {  	[tilespmem:s23], [sflag:$0x3] =	stream.linear.gather [hbm4b:s30+s14], $0x7D0, $0x38;
	[tilespmem:$0x1FF70] =	vst v63  }
0x47: {  	s30 =	sadd.s32 s5, s13;
	s13 =	simm.s32 $0x0  }
0x48: {  	[tilespmem:s31], [sflag:$0x3] =	stream.linear.gather [hbm4b:s30+s14], $0x7D0, $0x38;
	[tilespmem:$0x1FF70] =	vst v63  }
0x49: {  	v3 =	vld [tilespmem:s13+$0x40]  }
0x4a: {  	v4 =	vld [tilespmem:s13+$0x30]  }
0x4b: {  	v5 =	vld [tilespmem:s13+$0x20]  }
0x4c: {  	v6 =	vld [tilespmem:s13+$0x10]  }
0x4d: {  	v7 =	vld [tilespmem:s13+$0x0]  }
0x4e: {  	s12 =	simm.s32 $0x50  }
0x4f: {  	v1 =	vld [tilespmem:s12+$0x30]  }
0x50: {  	v2 =	vld [tilespmem:s12+$0x40]  }
0x51: {  	v9 =	vld.idx.msk [tilespmem:v3+s22+$0x0], $0xffff  }
0x52: {  	v10 =	vld.idx.msk [tilespmem:v4+s22+$0x0], $0xffff  }
0x53: {  	v8 =	vld.idx.msk [tilespmem:v5+s22+$0x0], $0xffff  }
0x54: {  	v6 =	vld.idx.msk [tilespmem:v6+s22+$0x0], $0xffff  }
0x55: {  	v7 =	vld.idx.msk [tilespmem:v7+s22+$0x0], $0xffff  }
0x56: {  	v3 =	vld [tilespmem:s12+$0x20]  }
0x57: {  	v4 =	vld [tilespmem:s12+$0x10];
	[tilespmem:s13+$0x4040] =	vst v9  }
0x58: {  	s23 =	simm.s32 $0x280;
	v5 =	vld [tilespmem:s12+$0x0];
	[tilespmem:s13+$0x4030] =	vst v10  }
.LBB2_5:
0x59: {  	s30 =	sshra.s32 s23, $0x2;
	p2 =	sne.s32 s23, $0x1E00;
	s23 =	sadd.s32 $0x140, s23;
	[tilespmem:s13+$0x4020] =	vst v8  }
0x5a: {  	v9 =	vld [tilespmem:s30+$0x30];
	[tilespmem:s13+$0x4010] =	vst v6  }
0x5b: {  	v10 =	vld [tilespmem:s30+$0x40];
	[tilespmem:s13+$0x4000] =	vst v7;
	s13 =	smov.u32 s12;
	s12 =	smov.u32 s30  }
0x5c: {  	v11 =	vld.idx.msk [tilespmem:v2+s22+$0x0], $0xffff  }
0x5d: {  	v12 =	vld.idx.msk [tilespmem:v1+s22+$0x0], $0xffff  }
0x5e: {  	v8 =	vld.idx.msk [tilespmem:v3+s22+$0x0], $0xffff  }
.Ltmp1:
0x5f: {  	v6 =	vld.idx.msk [tilespmem:v4+s22+$0x0], $0xffff;
	v1 =	vmov v9;
	(pc) =	sbr.rel @p2 .LBB2_5-.Ltmp1, $4  }
0x60: {  	v7 =	vld.idx.msk [tilespmem:v5+s22+$0x0], $0xffff;
	v2 =	vmov v10  }
0x61: {  	v3 =	vld [tilespmem:s12+$0x20]  }
0x62: {  	v4 =	vld [tilespmem:s12+$0x10];
	[tilespmem:s13+$0x4040] =	vst v11  }
0x63: {  	v5 =	vld [tilespmem:s12+$0x0];
	[tilespmem:s13+$0x4030] =	vst v12  }
0x64: {  	_ = 	snop  }
0x65: {  	[tilespmem:s13+$0x4020] =	vst v8  }
0x66: {  	[tilespmem:s13+$0x4010] =	vst v6  }
0x67: {  	[tilespmem:s13+$0x4000] =	vst v7  }
0x68: {  	v2 =	vld.idx.msk [tilespmem:v2+s22+$0x0], $0xffff  }
0x69: {  	v1 =	vld.idx.msk [tilespmem:v1+s22+$0x0], $0xffff  }
0x6a: {  	v3 =	vld.idx.msk [tilespmem:v3+s22+$0x0], $0xffff  }
0x6b: {  	v4 =	vld.idx.msk [tilespmem:v4+s22+$0x0], $0xffff  }
0x6c: {  	v5 =	vld.idx.msk [tilespmem:v5+s22+$0x0], $0xffff  }
0x6d: {  	[tilespmem:s12+$0x4040] =	vst v2  }
0x6e: {  	[tilespmem:s12+$0x4030] =	vst v1  }
0x6f: {  	[tilespmem:s12+$0x4020] =	vst v3  }
0x70: {  	[tilespmem:s12+$0x4010] =	vst v4  }
0x71: {  	[tilespmem:s12+$0x4000] =	vst v5  }
0x72: {  	[spmem:s2] =	stream.indirect.scatter.add.f32 [tilespmem:s24], [sflag:$0x5], $0x1, s25, s0, $0xb8;
	[tilespmem:$0x1FF70] =	vst v63  }
0x73: {  	_ =	swait.ge [sflag:s1], $0x7D0  }
0x74: {  	[sflag:s1] =	ssyncset.done $0x0  }
0x75: {  	[sflag:s1] =	ssyncadd.s32 $0xFFFFF830  }
0x76: {  	_ =	swait.ge [sflag:s1], $0x7D0  }
0x77: {  	[sflag:s1] =	ssyncset.done $0x0  }
0x78: {  	s12 =	simm.s32 @!p1 $0x8;
	[sflag:s1] =	ssyncadd.s32 $0xFFFFF830  }
0x79: {  	s23 =	sadd.s32 s11, s16;
	_ =	swait.ge @!p1 [sflag:s12], $0x7D0  }
0x7a: {  	s13 =	sshrl.u32 s23, $0x3;
	[sflag:s12] =	ssyncset.done @!p1 $0x0  }
0x7b: {  	s23 =	simm.s32 $0x0;
	s30 =	sadd.s32 s4, s13;
	[sflag:s12] =	ssyncadd.s32 @!p1 $0xFFFFF830  }
0x7c: {  	[tilespmem:s3], [sflag:$0x4] =	stream.linear.gather [hbm4b:s30+s23], $0x7D0, $0x38;
	[tilespmem:$0x1FF70] =	vst v63  }
0x7d: {  	s30 =	sadd.s32 s5, s13;
	s13 =	simm.s32 $0x0  }
0x7e: {  	[tilespmem:s6], [sflag:$0x4] =	stream.linear.gather [hbm4b:s30+s23], $0x7D0, $0x38;
	[tilespmem:$0x1FF70] =	vst v63  }
0x7f: {  	v3 =	vld [tilespmem:s13+$0x840]  }
0x80: {  	v4 =	vld [tilespmem:s13+$0x830]  }
0x81: {  	v5 =	vld [tilespmem:s13+$0x820]  }
0x82: {  	v6 =	vld [tilespmem:s13+$0x810]  }
0x83: {  	v7 =	vld [tilespmem:s13+$0x800]  }
0x84: {  	s12 =	simm.s32 $0x50  }
0x85: {  	v1 =	vld [tilespmem:s12+$0x830]  }
0x86: {  	v2 =	vld [tilespmem:s12+$0x840]  }
0x87: {  	v9 =	vld.idx.msk [tilespmem:v3+s22+$0x0], $0xffff  }
0x88: {  	v10 =	vld.idx.msk [tilespmem:v4+s22+$0x0], $0xffff  }
0x89: {  	v8 =	vld.idx.msk [tilespmem:v5+s22+$0x0], $0xffff  }
0x8a: {  	v6 =	vld.idx.msk [tilespmem:v6+s22+$0x0], $0xffff  }
0x8b: {  	v7 =	vld.idx.msk [tilespmem:v7+s22+$0x0], $0xffff  }
0x8c: {  	v3 =	vld [tilespmem:s12+$0x820]  }
0x8d: {  	v4 =	vld [tilespmem:s12+$0x810];
	[tilespmem:s13+$0x4840] =	vst v9  }
0x8e: {  	s23 =	simm.s32 $0x280;
	v5 =	vld [tilespmem:s12+$0x800];
	[tilespmem:s13+$0x4830] =	vst v10  }
.LBB2_7:
0x8f: {  	s30 =	sshra.s32 s23, $0x2;
	p1 =	sne.s32 s23, $0x1E00;
	s23 =	sadd.s32 $0x140, s23;
	[tilespmem:s13+$0x4820] =	vst v8  }
0x90: {  	v9 =	vld [tilespmem:s30+$0x830];
	[tilespmem:s13+$0x4810] =	vst v6  }
0x91: {  	v10 =	vld [tilespmem:s30+$0x840];
	[tilespmem:s13+$0x4800] =	vst v7;
	s13 =	smov.u32 s12;
	s12 =	smov.u32 s30  }
0x92: {  	v11 =	vld.idx.msk [tilespmem:v2+s22+$0x0], $0xffff  }
0x93: {  	v12 =	vld.idx.msk [tilespmem:v1+s22+$0x0], $0xffff  }
0x94: {  	v8 =	vld.idx.msk [tilespmem:v3+s22+$0x0], $0xffff  }
.Ltmp2:
0x95: {  	v6 =	vld.idx.msk [tilespmem:v4+s22+$0x0], $0xffff;
	v1 =	vmov v9;
	(pc) =	sbr.rel @p1 .LBB2_7-.Ltmp2, $4  }
0x96: {  	v7 =	vld.idx.msk [tilespmem:v5+s22+$0x0], $0xffff;
	v2 =	vmov v10  }
0x97: {  	v3 =	vld [tilespmem:s12+$0x820]  }
0x98: {  	v4 =	vld [tilespmem:s12+$0x810];
	[tilespmem:s13+$0x4840] =	vst v11  }
0x99: {  	v5 =	vld [tilespmem:s12+$0x800];
	[tilespmem:s13+$0x4830] =	vst v12  }
0x9a: {  	_ = 	snop  }
0x9b: {  	[tilespmem:s13+$0x4820] =	vst v8  }
0x9c: {  	[tilespmem:s13+$0x4810] =	vst v6  }
0x9d: {  	[tilespmem:s13+$0x4800] =	vst v7  }
0x9e: {  	v2 =	vld.idx.msk [tilespmem:v2+s22+$0x0], $0xffff  }
0x9f: {  	v1 =	vld.idx.msk [tilespmem:v1+s22+$0x0], $0xffff  }
0xa0: {  	v3 =	vld.idx.msk [tilespmem:v3+s22+$0x0], $0xffff  }
0xa1: {  	v4 =	vld.idx.msk [tilespmem:v4+s22+$0x0], $0xffff  }
0xa2: {  	v5 =	vld.idx.msk [tilespmem:v5+s22+$0x0], $0xffff  }
0xa3: {  	[tilespmem:s12+$0x4840] =	vst v2  }
0xa4: {  	[tilespmem:s12+$0x4830] =	vst v1  }
0xa5: {  	[tilespmem:s12+$0x4820] =	vst v3  }
0xa6: {  	[tilespmem:s12+$0x4810] =	vst v4  }
0xa7: {  	[tilespmem:s12+$0x4800] =	vst v5  }
0xa8: {  	[spmem:s2] =	stream.indirect.scatter.add.f32 [tilespmem:s26], [sflag:$0x6], $0x1, s28, s0, $0xb8;
	[tilespmem:$0x1FF70] =	vst v63  }
0xa9: {  	_ =	swait.ge [sflag:s19], $0x7D0  }
0xaa: {  	[sflag:s19] =	ssyncset.done $0x0  }
0xab: {  	[sflag:s19] =	ssyncadd.s32 $0xFFFFF830  }
0xac: {  	_ =	swait.ge [sflag:s19], $0x7D0  }
0xad: {  	[sflag:s19] =	ssyncset.done $0x0  }
0xae: {  	p1 =	seq.s32 s7, $0x18;
	[sflag:s19] =	ssyncadd.s32 $0xFFFFF830  }
0xaf: {  	s12 =	sadd.s32 @!p1 s11, s17;
	_ =	swait.ge [sflag:s20], $0x7D0  }
0xb0: {  	s12 =	sshrl.u32 @!p1 s12, $0x3;
	[sflag:s20] =	ssyncset.done $0x0  }
0xb1: {  	s23 =	simm.s32 @!p1 $0x0;
	s13 =	sadd.s32 @!p1 s4, s12;
	[sflag:s20] =	ssyncadd.s32 $0xFFFFF830  }
0xb2: {  	[tilespmem:s23], [sflag:$0x1] =	stream.linear.gather @!p1 [hbm4b:s13+s23], $0x7D0, $0x38;
	[tilespmem:$0x1FF70] =	vst v63  }
0xb3: {  	s12 =	sadd.s32 @!p1 s5, s12;
	s13 =	simm.s32 @!p1 $0x2000  }
0xb4: {  	[tilespmem:s13], [sflag:$0x1] =	stream.linear.gather @!p1 [hbm4b:s12+s23], $0x7D0, $0x38;
	[tilespmem:$0x1FF70] =	vst v63  }
0xb5: {  	s13 =	simm.s32 $0x0  }
0xb6: {  	v3 =	vld [tilespmem:s13+$0x1040]  }
0xb7: {  	v4 =	vld [tilespmem:s13+$0x1030]  }
0xb8: {  	v5 =	vld [tilespmem:s13+$0x1020]  }
0xb9: {  	v6 =	vld [tilespmem:s13+$0x1010]  }
0xba: {  	v7 =	vld [tilespmem:s13+$0x1000]  }
0xbb: {  	s12 =	simm.s32 $0x50  }
0xbc: {  	v1 =	vld [tilespmem:s12+$0x1030]  }
0xbd: {  	v2 =	vld [tilespmem:s12+$0x1040]  }
0xbe: {  	v9 =	vld.idx.msk [tilespmem:v3+s22+$0x0], $0xffff  }
0xbf: {  	v10 =	vld.idx.msk [tilespmem:v4+s22+$0x0], $0xffff  }
0xc0: {  	v8 =	vld.idx.msk [tilespmem:v5+s22+$0x0], $0xffff  }
0xc1: {  	v6 =	vld.idx.msk [tilespmem:v6+s22+$0x0], $0xffff  }
0xc2: {  	v7 =	vld.idx.msk [tilespmem:v7+s22+$0x0], $0xffff  }
0xc3: {  	v3 =	vld [tilespmem:s12+$0x1020]  }
0xc4: {  	v4 =	vld [tilespmem:s12+$0x1010];
	[tilespmem:s13+$0x5040] =	vst v9  }
0xc5: {  	s23 =	simm.s32 $0x280;
	v5 =	vld [tilespmem:s12+$0x1000];
	[tilespmem:s13+$0x5030] =	vst v10  }
.LBB2_9:
0xc6: {  	s30 =	sshra.s32 s23, $0x2;
	p2 =	sne.s32 s23, $0x1E00;
	s23 =	sadd.s32 $0x140, s23;
	[tilespmem:s13+$0x5020] =	vst v8  }
0xc7: {  	v9 =	vld [tilespmem:s30+$0x1030];
	[tilespmem:s13+$0x5010] =	vst v6  }
0xc8: {  	v10 =	vld [tilespmem:s30+$0x1040];
	[tilespmem:s13+$0x5000] =	vst v7;
	s13 =	smov.u32 s12;
	s12 =	smov.u32 s30  }
0xc9: {  	v11 =	vld.idx.msk [tilespmem:v2+s22+$0x0], $0xffff  }
0xca: {  	v12 =	vld.idx.msk [tilespmem:v1+s22+$0x0], $0xffff  }
0xcb: {  	v8 =	vld.idx.msk [tilespmem:v3+s22+$0x0], $0xffff  }
.Ltmp3:
0xcc: {  	v6 =	vld.idx.msk [tilespmem:v4+s22+$0x0], $0xffff;
	v1 =	vmov v9;
	(pc) =	sbr.rel @p2 .LBB2_9-.Ltmp3, $4  }
0xcd: {  	v7 =	vld.idx.msk [tilespmem:v5+s22+$0x0], $0xffff;
	v2 =	vmov v10  }
0xce: {  	v3 =	vld [tilespmem:s12+$0x1020]  }
0xcf: {  	v4 =	vld [tilespmem:s12+$0x1010];
	[tilespmem:s13+$0x5040] =	vst v11  }
0xd0: {  	v5 =	vld [tilespmem:s12+$0x1000];
	[tilespmem:s13+$0x5030] =	vst v12  }
0xd1: {  	_ = 	snop  }
0xd2: {  	[tilespmem:s13+$0x5020] =	vst v8  }
0xd3: {  	[tilespmem:s13+$0x5010] =	vst v6  }
0xd4: {  	[tilespmem:s13+$0x5000] =	vst v7  }
0xd5: {  	v2 =	vld.idx.msk [tilespmem:v2+s22+$0x0], $0xffff  }
0xd6: {  	v1 =	vld.idx.msk [tilespmem:v1+s22+$0x0], $0xffff  }
0xd7: {  	v3 =	vld.idx.msk [tilespmem:v3+s22+$0x0], $0xffff  }
0xd8: {  	v4 =	vld.idx.msk [tilespmem:v4+s22+$0x0], $0xffff  }
0xd9: {  	v5 =	vld.idx.msk [tilespmem:v5+s22+$0x0], $0xffff  }
0xda: {  	[tilespmem:s12+$0x5040] =	vst v2  }
0xdb: {  	[tilespmem:s12+$0x5030] =	vst v1  }
0xdc: {  	[tilespmem:s12+$0x5020] =	vst v3  }
0xdd: {  	[tilespmem:s12+$0x5010] =	vst v4  }
0xde: {  	[tilespmem:s12+$0x5000] =	vst v5  }
0xdf: {  	[spmem:s2] =	stream.indirect.scatter.add.f32 [tilespmem:s21], [sflag:$0x7], $0x1, s31, s0, $0xb8;
	[tilespmem:$0x1FF70] =	vst v63  }
0xe0: {  	_ =	swait.ge [sflag:s8], $0x7D0  }
0xe1: {  	[sflag:s8] =	ssyncset.done $0x0  }
0xe2: {  	[sflag:s8] =	ssyncadd.s32 $0xFFFFF830  }
0xe3: {  	_ =	swait.ge [sflag:s8], $0x7D0  }
0xe4: {  	[sflag:s8] =	ssyncset.done $0x0  }
0xe5: {  	[sflag:s8] =	ssyncadd.s32 $0xFFFFF830  }
0xe6: {  	s11 =	sadd.s32 @!p1 s11, s18;
	_ =	swait.ge [sflag:s9], $0x7D0  }
0xe7: {  	s23 =	simm.s32 @!p1 $0x800;
	s11 =	sshrl.u32 @!p1 s11, $0x3;
	[sflag:s9] =	ssyncset.done $0x0  }
0xe8: {  	s13 =	simm.s32 @!p1 $0x0;
	s12 =	sadd.s32 @!p1 s4, s11;
	[sflag:s9] =	ssyncadd.s32 $0xFFFFF830  }
0xe9: {  	[tilespmem:s23], [sflag:$0x2] =	stream.linear.gather @!p1 [hbm4b:s12+s13], $0x7D0, $0x38;
	[tilespmem:$0x1FF70] =	vst v63  }
0xea: {  	s11 =	sadd.s32 @!p1 s5, s11;
	s12 =	simm.s32 @!p1 $0x2800  }
0xeb: {  	[tilespmem:s12], [sflag:$0x2] =	stream.linear.gather @!p1 [hbm4b:s11+s13], $0x7D0, $0x38;
	[tilespmem:$0x1FF70] =	vst v63  }
0xec: {  	s12 =	simm.s32 $0x0  }
0xed: {  	v3 =	vld [tilespmem:s12+$0x1840]  }
0xee: {  	v4 =	vld [tilespmem:s12+$0x1830]  }
0xef: {  	v5 =	vld [tilespmem:s12+$0x1820]  }
0xf0: {  	v6 =	vld [tilespmem:s12+$0x1810]  }
0xf1: {  	v7 =	vld [tilespmem:s12+$0x1800]  }
0xf2: {  	s11 =	simm.s32 $0x50  }
0xf3: {  	v1 =	vld [tilespmem:s11+$0x1830]  }
0xf4: {  	v2 =	vld [tilespmem:s11+$0x1840]  }
0xf5: {  	v9 =	vld.idx.msk [tilespmem:v3+s22+$0x0], $0xffff  }
0xf6: {  	v10 =	vld.idx.msk [tilespmem:v4+s22+$0x0], $0xffff  }
0xf7: {  	v8 =	vld.idx.msk [tilespmem:v5+s22+$0x0], $0xffff  }
0xf8: {  	v6 =	vld.idx.msk [tilespmem:v6+s22+$0x0], $0xffff  }
0xf9: {  	v7 =	vld.idx.msk [tilespmem:v7+s22+$0x0], $0xffff  }
0xfa: {  	v3 =	vld [tilespmem:s11+$0x1820]  }
0xfb: {  	v4 =	vld [tilespmem:s11+$0x1810];
	[tilespmem:s12+$0x5840] =	vst v9  }
0xfc: {  	s13 =	simm.s32 $0x280;
	v5 =	vld [tilespmem:s11+$0x1800];
	[tilespmem:s12+$0x5830] =	vst v10  }
.LBB2_11:
0xfd: {  	s23 =	sshra.s32 s13, $0x2;
	p1 =	sne.s32 s13, $0x1E00;
	s13 =	sadd.s32 $0x140, s13;
	[tilespmem:s12+$0x5820] =	vst v8  }
0xfe: {  	v9 =	vld [tilespmem:s23+$0x1830];
	[tilespmem:s12+$0x5810] =	vst v6  }
0xff: {  	v10 =	vld [tilespmem:s23+$0x1840];
	[tilespmem:s12+$0x5800] =	vst v7;
	s12 =	smov.u32 s11;
	s11 =	smov.u32 s23  }
0x100: {  	v11 =	vld.idx.msk [tilespmem:v2+s22+$0x0], $0xffff  }
0x101: {  	v12 =	vld.idx.msk [tilespmem:v1+s22+$0x0], $0xffff  }
0x102: {  	v8 =	vld.idx.msk [tilespmem:v3+s22+$0x0], $0xffff  }
.Ltmp4:
0x103: {  	v6 =	vld.idx.msk [tilespmem:v4+s22+$0x0], $0xffff;
	v1 =	vmov v9;
	(pc) =	sbr.rel @p1 .LBB2_11-.Ltmp4, $4  }
0x104: {  	v7 =	vld.idx.msk [tilespmem:v5+s22+$0x0], $0xffff;
	v2 =	vmov v10  }
0x105: {  	v3 =	vld [tilespmem:s11+$0x1820]  }
0x106: {  	v4 =	vld [tilespmem:s11+$0x1810];
	[tilespmem:s12+$0x5840] =	vst v11  }
0x107: {  	v5 =	vld [tilespmem:s11+$0x1800];
	[tilespmem:s12+$0x5830] =	vst v12  }
0x108: {  	_ = 	snop  }
0x109: {  	[tilespmem:s12+$0x5820] =	vst v8  }
0x10a: {  	[tilespmem:s12+$0x5810] =	vst v6  }
0x10b: {  	[tilespmem:s12+$0x5800] =	vst v7  }
0x10c: {  	v2 =	vld.idx.msk [tilespmem:v2+s22+$0x0], $0xffff  }
0x10d: {  	v1 =	vld.idx.msk [tilespmem:v1+s22+$0x0], $0xffff  }
0x10e: {  	v3 =	vld.idx.msk [tilespmem:v3+s22+$0x0], $0xffff  }
0x10f: {  	v4 =	vld.idx.msk [tilespmem:v4+s22+$0x0], $0xffff  }
0x110: {  	s7 =	sadd.s32 $0x1, s7;
	v5 =	vld.idx.msk [tilespmem:v5+s22+$0x0], $0xffff  }
0x111: {  	p1 =	sne.s32 s7, $0x19;
	[tilespmem:s11+$0x5840] =	vst v2  }
.Ltmp5:
0x112: {  	[tilespmem:s11+$0x5830] =	vst v1;
	(pc) =	sbr.rel @p1 .LBB2_4-.Ltmp5, $4  }
0x113: {  	[tilespmem:s11+$0x5820] =	vst v3  }
0x114: {  	[tilespmem:s11+$0x5810] =	vst v4  }
0x115: {  	[tilespmem:s11+$0x5800] =	vst v5  }
0x116: {  	[spmem:s2] =	stream.indirect.scatter.add.f32 [tilespmem:s10], [sflag:$0x8], $0x1, s6, s0, $0xb8;
	[tilespmem:$0x1FF70] =	vst v63  }
0x117: {  	s7 =	simm.s32 $0x7  }
0x118: {  	_ =	swait.ge [sflag:s7], $0x7D0  }
0x119: {  	[sflag:s7] =	ssyncset.done $0x0  }
0x11a: {  	s14 =	simm.s32 $0x8;
	[sflag:s7] =	ssyncadd.s32 $0xFFFFF830  }
0x11b: {  	_ =	swait.ge [sflag:s14], $0x7D0  }
0x11c: {  	[sflag:s14] =	ssyncset.done $0x0  }
0x11d: {  	[sflag:s14] =	ssyncadd.s32 $0xFFFFF830  }
0x11e: {  	s23 =	sshrl.u32 @!p0 s2, $0x3;
	[bflag:$0x0] =	sbarrier.arrive $0xFFFF  }
0x11f: {  	s11 =	simm.s32 @!p0 $0x20;
	s12 =	simm.s32 @!p0 $0x10;
	s14 =	rddreg [dreg:$0xd]  }
0x120: {  	s13 =	simm.s32 @!p0 $0x1C09;
	s7 =	simm.s32 @!p0 $0x1;
	[dreg:$0x11] =	wrdreg s23  }
0x121: {  	[hbm:s14@s11], [sflag:s13] =	dma.strided @!p0 [spmem:s23@s12], $0x30E0, s7, $0x10   }
0x122: {  	s7 =	simm.s32 @!p0 $0x9  }
0x123: {  	_ =	swait.ge @!p0 [sflag:s7], $0x30E0  }
0x124: {  	[sflag:s7] =	ssyncset.done @!p0 $0x0  }
0x125: {  	[sflag:s7] =	ssyncadd.s32 @!p0 $0xFFFFCF20  }
0x126: {  	[bflag:$0x0] =	sbarrier.arrive $0xFFFF  }
0x127: {  	s23 =	simm.s32 $0x0;
	s12 =	simm.s32 $0x9;
	s30 =	rddreg [dreg:$0x4]  }
0x128: {  	[tilespmem:s22], [sflag:$0x9] =	stream.linear.gather [hbm4b:s30+s23], $0x18700, $0x38;
	[tilespmem:$0x1FF70] =	vst v63  }
0x129: {  	_ =	swait.ge [sflag:s12], $0x18700  }
0x12a: {  	[sflag:s12] =	ssyncset.done $0x0  }
0x12b: {  	s11 =	simm.s32 $0x0;
	s7 =	simm.s32 $0x40;
	[sflag:s12] =	ssyncadd.s32 $0xFFFE7900  }
.LBB2_14:
0x12c: {  	p1 =	sne.s32 s7, $0x1F00;
	[tilespmem:s11+$0x4000] =	vst v0;
	s11 =	smov.u32 s7;
	s7 =	sadd.s32 $0x40, s7  }
.Ltmp6:
0x12d: {  	(pc) =	sbr.rel @p1 .LBB2_14-.Ltmp6, $2  }
0x12e: {  	_ =	sdelay $0x2  }
0x12f: {  	s11 =	sshra.s32 s11, $0x2  }
0x130: {  	[tilespmem:s11+$0x4000] =	vst v0;
	s7 =	rddreg [dreg:$0x5]  }
0x131: {  	[spmem:s7] =	stream.linear.scatter [tilespmem:s24], [sflag:$0x9], $0x7D0, $0x38;
	[tilespmem:$0x1FF70] =	vst v63  }
0x132: {  	_ =	swait.ge [sflag:s12], $0x7D0  }
0x133: {  	[sflag:s12] =	ssyncset.done $0x0  }
0x134: {  	s23 =	rddreg [dreg:$0x6];
	[sflag:s12] =	ssyncadd.s32 $0xFFFFF830  }
0x135: {  	[spmem:s23] =	stream.linear.scatter [tilespmem:s24], [sflag:$0x9], $0x7D0, $0x38;
	[tilespmem:$0x1FF70] =	vst v63  }
0x136: {  	_ =	swait.ge [sflag:s12], $0x7D0  }
0x137: {  	[sflag:s12] =	ssyncset.done $0x0  }
0x138: {  	s30 =	rddreg [dreg:$0x7];
	[sflag:s12] =	ssyncadd.s32 $0xFFFFF830  }
0x139: {  	[spmem:s30] =	stream.linear.scatter [tilespmem:s24], [sflag:$0x9], $0x7D0, $0x38;
	[tilespmem:$0x1FF70] =	vst v63  }
0x13a: {  	_ =	swait.ge [sflag:s12], $0x7D0  }
0x13b: {  	[sflag:s12] =	ssyncset.done $0x0  }
0x13c: {  	s11 =	rddreg [dreg:$0x8];
	[sflag:s12] =	ssyncadd.s32 $0xFFFFF830  }
0x13d: {  	[spmem:s11] =	stream.linear.scatter [tilespmem:s24], [sflag:$0x9], $0x100, $0x38;
	[tilespmem:$0x1FF70] =	vst v63  }
0x13e: {  	_ =	swait.ge [sflag:s12], $0x100  }
0x13f: {  	[sflag:s12] =	ssyncset.done $0x0  }
0x140: {  	[sflag:s12] =	ssyncadd.s32 $0xFFFFFF00  }
0x141: {  	[bflag:$0x0] =	sbarrier.arrive $0xFFFF  }
0x142: {  	s7 =	simm.s32 $0x0;
	s12 =	rddreg [dreg:$0x9]  }
0x143: {  	[tilespmem:s7], [sflag:$0x1] =	stream.linear.gather [hbm4b:s12+s7], $0x7D0, $0x38;
	[tilespmem:$0x1FF70] =	vst v63  }
0x144: {  	s13 =	rddreg [dreg:$0xa]  }
0x145: {  	[tilespmem:s25], [sflag:$0x1] =	stream.linear.gather [hbm4b:s13+s7], $0x7D0, $0x38;
	[tilespmem:$0x1FF70] =	vst v63  }
0x146: {  	s23 =	simm.s32 $0x800;
	s14 =	rddreg [dreg:$0xb]  }
0x147: {  	[tilespmem:s23], [sflag:$0x2] =	stream.linear.gather [hbm4b:s14+s7], $0x7D0, $0x38;
	[tilespmem:$0x1FF70] =	vst v63  }
0x148: {  	s11 =	simm.s32 $0x0;
	s30 =	rddreg [dreg:$0xc]  }
0x149: {  	[tilespmem:s28], [sflag:$0x2] =	stream.linear.gather [hbm4b:s30+s7], $0x7D0, $0x38;
	[tilespmem:$0x1FF70] =	vst v63  }
.LBB2_16:
0x14a: {  	_ =	swait.ge [sflag:s29], $0x7D0  }
0x14b: {  	[sflag:s29] =	ssyncset.done $0x0  }
0x14c: {  	[sflag:s29] =	ssyncadd.s32 $0xFFFFF830  }
0x14d: {  	_ =	swait.ge [sflag:s29], $0x7D0  }
0x14e: {  	p1 =	seq.s32 s11, $0x0;
	s12 =	smul.u32 $0x1F40, s11;
	[sflag:s29] =	ssyncset.done $0x0  }
0x14f: {  	s13 =	simm.s32 @!p1 $0x7;
	[sflag:s29] =	ssyncadd.s32 $0xFFFFF830  }
0x150: {  	s14 =	sadd.s32 s12, s15;
	_ =	swait.ge @!p1 [sflag:s13], $0x7D0  }
0x151: {  	s14 =	sshrl.u32 s14, $0x3;
	[sflag:s13] =	ssyncset.done @!p1 $0x0  }
0x152: {  	s23 =	simm.s32 $0x1000;
	s30 =	sadd.s32 s4, s14;
	[sflag:s13] =	ssyncadd.s32 @!p1 $0xFFFFF830  }
0x153: {  	[tilespmem:s23], [sflag:$0x3] =	stream.linear.gather [hbm4b:s30+s7], $0x7D0, $0x38;
	[tilespmem:$0x1FF70] =	vst v63  }
0x154: {  	s13 =	simm.s32 $0x0;
	s30 =	sadd.s32 s5, s14  }
0x155: {  	[tilespmem:s31], [sflag:$0x3] =	stream.linear.gather [hbm4b:s30+s7], $0x7D0, $0x38;
	[tilespmem:$0x1FF70] =	vst v63  }
0x156: {  	v3 =	vld [tilespmem:s13+$0x40]  }
0x157: {  	v4 =	vld [tilespmem:s13+$0x30]  }
0x158: {  	v5 =	vld [tilespmem:s13+$0x20]  }
0x159: {  	v6 =	vld [tilespmem:s13+$0x10]  }
0x15a: {  	v7 =	vld [tilespmem:s13+$0x0]  }
0x15b: {  	s14 =	simm.s32 $0x50  }
0x15c: {  	v1 =	vld [tilespmem:s14+$0x30]  }
0x15d: {  	v2 =	vld [tilespmem:s14+$0x40]  }
0x15e: {  	v9 =	vld.idx.msk [tilespmem:v3+s22+$0x0], $0xffff  }
0x15f: {  	v10 =	vld.idx.msk [tilespmem:v4+s22+$0x0], $0xffff  }
0x160: {  	v8 =	vld.idx.msk [tilespmem:v5+s22+$0x0], $0xffff  }
0x161: {  	v6 =	vld.idx.msk [tilespmem:v6+s22+$0x0], $0xffff  }
0x162: {  	v7 =	vld.idx.msk [tilespmem:v7+s22+$0x0], $0xffff  }
0x163: {  	v3 =	vld [tilespmem:s14+$0x20]  }
0x164: {  	v4 =	vld [tilespmem:s14+$0x10];
	[tilespmem:s13+$0x4040] =	vst v9  }
0x165: {  	s23 =	simm.s32 $0x280;
	v5 =	vld [tilespmem:s14+$0x0];
	[tilespmem:s13+$0x4030] =	vst v10  }
.LBB2_17:
0x166: {  	s30 =	sshra.s32 s23, $0x2;
	p2 =	sne.s32 s23, $0x1E00;
	s23 =	sadd.s32 $0x140, s23;
	[tilespmem:s13+$0x4020] =	vst v8  }
0x167: {  	v9 =	vld [tilespmem:s30+$0x30];
	[tilespmem:s13+$0x4010] =	vst v6  }
0x168: {  	v10 =	vld [tilespmem:s30+$0x40];
	[tilespmem:s13+$0x4000] =	vst v7;
	s13 =	smov.u32 s14;
	s14 =	smov.u32 s30  }
0x169: {  	v11 =	vld.idx.msk [tilespmem:v2+s22+$0x0], $0xffff  }
0x16a: {  	v12 =	vld.idx.msk [tilespmem:v1+s22+$0x0], $0xffff  }
0x16b: {  	v8 =	vld.idx.msk [tilespmem:v3+s22+$0x0], $0xffff  }
.Ltmp7:
0x16c: {  	v6 =	vld.idx.msk [tilespmem:v4+s22+$0x0], $0xffff;
	v1 =	vmov v9;
	(pc) =	sbr.rel @p2 .LBB2_17-.Ltmp7, $4  }
0x16d: {  	v7 =	vld.idx.msk [tilespmem:v5+s22+$0x0], $0xffff;
	v2 =	vmov v10  }
0x16e: {  	v3 =	vld [tilespmem:s14+$0x20]  }
0x16f: {  	v4 =	vld [tilespmem:s14+$0x10];
	[tilespmem:s13+$0x4040] =	vst v11  }
0x170: {  	v5 =	vld [tilespmem:s14+$0x0];
	[tilespmem:s13+$0x4030] =	vst v12  }
0x171: {  	_ = 	snop  }
0x172: {  	[tilespmem:s13+$0x4020] =	vst v8  }
0x173: {  	[tilespmem:s13+$0x4010] =	vst v6  }
0x174: {  	[tilespmem:s13+$0x4000] =	vst v7  }
0x175: {  	v2 =	vld.idx.msk [tilespmem:v2+s22+$0x0], $0xffff  }
0x176: {  	v1 =	vld.idx.msk [tilespmem:v1+s22+$0x0], $0xffff  }
0x177: {  	v3 =	vld.idx.msk [tilespmem:v3+s22+$0x0], $0xffff  }
0x178: {  	v4 =	vld.idx.msk [tilespmem:v4+s22+$0x0], $0xffff  }
0x179: {  	v5 =	vld.idx.msk [tilespmem:v5+s22+$0x0], $0xffff  }
0x17a: {  	[tilespmem:s14+$0x4040] =	vst v2  }
0x17b: {  	[tilespmem:s14+$0x4030] =	vst v1  }
0x17c: {  	[tilespmem:s14+$0x4020] =	vst v3  }
0x17d: {  	[tilespmem:s14+$0x4010] =	vst v4  }
0x17e: {  	[tilespmem:s14+$0x4000] =	vst v5  }
0x17f: {  	[spmem:s2] =	stream.indirect.scatter.add.f32 [tilespmem:s24], [sflag:$0x5], $0x1, s25, s0, $0xb8;
	[tilespmem:$0x1FF70] =	vst v63  }
0x180: {  	_ =	swait.ge [sflag:s1], $0x7D0  }
0x181: {  	[sflag:s1] =	ssyncset.done $0x0  }
0x182: {  	[sflag:s1] =	ssyncadd.s32 $0xFFFFF830  }
0x183: {  	_ =	swait.ge [sflag:s1], $0x7D0  }
0x184: {  	[sflag:s1] =	ssyncset.done $0x0  }
0x185: {  	s13 =	simm.s32 @!p1 $0x8;
	[sflag:s1] =	ssyncadd.s32 $0xFFFFF830  }
0x186: {  	s23 =	sadd.s32 s12, s16;
	_ =	swait.ge @!p1 [sflag:s13], $0x7D0  }
0x187: {  	s14 =	sshrl.u32 s23, $0x3;
	[sflag:s13] =	ssyncset.done @!p1 $0x0  }
0x188: {  	s23 =	simm.s32 $0x0;
	s30 =	sadd.s32 s4, s14;
	[sflag:s13] =	ssyncadd.s32 @!p1 $0xFFFFF830  }
0x189: {  	[tilespmem:s3], [sflag:$0x4] =	stream.linear.gather [hbm4b:s30+s23], $0x7D0, $0x38;
	[tilespmem:$0x1FF70] =	vst v63  }
0x18a: {  	s13 =	simm.s32 $0x0;
	s30 =	sadd.s32 s5, s14  }
0x18b: {  	[tilespmem:s6], [sflag:$0x4] =	stream.linear.gather [hbm4b:s30+s23], $0x7D0, $0x38;
	[tilespmem:$0x1FF70] =	vst v63  }
0x18c: {  	v3 =	vld [tilespmem:s13+$0x840]  }
0x18d: {  	v4 =	vld [tilespmem:s13+$0x830]  }
0x18e: {  	v5 =	vld [tilespmem:s13+$0x820]  }
0x18f: {  	v6 =	vld [tilespmem:s13+$0x810]  }
0x190: {  	v7 =	vld [tilespmem:s13+$0x800]  }
0x191: {  	s14 =	simm.s32 $0x50  }
0x192: {  	v1 =	vld [tilespmem:s14+$0x830]  }
0x193: {  	v2 =	vld [tilespmem:s14+$0x840]  }
0x194: {  	v9 =	vld.idx.msk [tilespmem:v3+s22+$0x0], $0xffff  }
0x195: {  	v10 =	vld.idx.msk [tilespmem:v4+s22+$0x0], $0xffff  }
0x196: {  	v8 =	vld.idx.msk [tilespmem:v5+s22+$0x0], $0xffff  }
0x197: {  	v6 =	vld.idx.msk [tilespmem:v6+s22+$0x0], $0xffff  }
0x198: {  	v7 =	vld.idx.msk [tilespmem:v7+s22+$0x0], $0xffff  }
0x199: {  	v3 =	vld [tilespmem:s14+$0x820]  }
0x19a: {  	v4 =	vld [tilespmem:s14+$0x810];
	[tilespmem:s13+$0x4840] =	vst v9  }
0x19b: {  	s23 =	simm.s32 $0x280;
	v5 =	vld [tilespmem:s14+$0x800];
	[tilespmem:s13+$0x4830] =	vst v10  }
.LBB2_19:
0x19c: {  	s30 =	sshra.s32 s23, $0x2;
	p1 =	sne.s32 s23, $0x1E00;
	s23 =	sadd.s32 $0x140, s23;
	[tilespmem:s13+$0x4820] =	vst v8  }
0x19d: {  	v9 =	vld [tilespmem:s30+$0x830];
	[tilespmem:s13+$0x4810] =	vst v6  }
0x19e: {  	v10 =	vld [tilespmem:s30+$0x840];
	[tilespmem:s13+$0x4800] =	vst v7;
	s13 =	smov.u32 s14;
	s14 =	smov.u32 s30  }
0x19f: {  	v11 =	vld.idx.msk [tilespmem:v2+s22+$0x0], $0xffff  }
0x1a0: {  	v12 =	vld.idx.msk [tilespmem:v1+s22+$0x0], $0xffff  }
0x1a1: {  	v8 =	vld.idx.msk [tilespmem:v3+s22+$0x0], $0xffff  }
.Ltmp8:
0x1a2: {  	v6 =	vld.idx.msk [tilespmem:v4+s22+$0x0], $0xffff;
	v1 =	vmov v9;
	(pc) =	sbr.rel @p1 .LBB2_19-.Ltmp8, $4  }
0x1a3: {  	v7 =	vld.idx.msk [tilespmem:v5+s22+$0x0], $0xffff;
	v2 =	vmov v10  }
0x1a4: {  	v3 =	vld [tilespmem:s14+$0x820]  }
0x1a5: {  	v4 =	vld [tilespmem:s14+$0x810];
	[tilespmem:s13+$0x4840] =	vst v11  }
0x1a6: {  	v5 =	vld [tilespmem:s14+$0x800];
	[tilespmem:s13+$0x4830] =	vst v12  }
0x1a7: {  	_ = 	snop  }
0x1a8: {  	[tilespmem:s13+$0x4820] =	vst v8  }
0x1a9: {  	[tilespmem:s13+$0x4810] =	vst v6  }
0x1aa: {  	[tilespmem:s13+$0x4800] =	vst v7  }
0x1ab: {  	v2 =	vld.idx.msk [tilespmem:v2+s22+$0x0], $0xffff  }
0x1ac: {  	v1 =	vld.idx.msk [tilespmem:v1+s22+$0x0], $0xffff  }
0x1ad: {  	v3 =	vld.idx.msk [tilespmem:v3+s22+$0x0], $0xffff  }
0x1ae: {  	v4 =	vld.idx.msk [tilespmem:v4+s22+$0x0], $0xffff  }
0x1af: {  	v5 =	vld.idx.msk [tilespmem:v5+s22+$0x0], $0xffff  }
0x1b0: {  	[tilespmem:s14+$0x4840] =	vst v2  }
0x1b1: {  	[tilespmem:s14+$0x4830] =	vst v1  }
0x1b2: {  	[tilespmem:s14+$0x4820] =	vst v3  }
0x1b3: {  	[tilespmem:s14+$0x4810] =	vst v4  }
0x1b4: {  	[tilespmem:s14+$0x4800] =	vst v5  }
0x1b5: {  	[spmem:s2] =	stream.indirect.scatter.add.f32 [tilespmem:s26], [sflag:$0x6], $0x1, s28, s0, $0xb8;
	[tilespmem:$0x1FF70] =	vst v63  }
0x1b6: {  	_ =	swait.ge [sflag:s19], $0x7D0  }
0x1b7: {  	[sflag:s19] =	ssyncset.done $0x0  }
0x1b8: {  	[sflag:s19] =	ssyncadd.s32 $0xFFFFF830  }
0x1b9: {  	_ =	swait.ge [sflag:s19], $0x7D0  }
0x1ba: {  	[sflag:s19] =	ssyncset.done $0x0  }
0x1bb: {  	p1 =	seq.s32 s11, $0x18;
	[sflag:s19] =	ssyncadd.s32 $0xFFFFF830  }
0x1bc: {  	s13 =	sadd.s32 @!p1 s12, s17;
	_ =	swait.ge [sflag:s20], $0x7D0  }
0x1bd: {  	s13 =	sshrl.u32 @!p1 s13, $0x3;
	[sflag:s20] =	ssyncset.done $0x0  }
0x1be: {  	s23 =	simm.s32 @!p1 $0x0;
	s14 =	sadd.s32 @!p1 s4, s13;
	[sflag:s20] =	ssyncadd.s32 $0xFFFFF830  }
0x1bf: {  	[tilespmem:s23], [sflag:$0x1] =	stream.linear.gather @!p1 [hbm4b:s14+s23], $0x7D0, $0x38;
	[tilespmem:$0x1FF70] =	vst v63  }
0x1c0: {  	s13 =	sadd.s32 @!p1 s5, s13;
	s14 =	simm.s32 @!p1 $0x2000  }
0x1c1: {  	[tilespmem:s14], [sflag:$0x1] =	stream.linear.gather @!p1 [hbm4b:s13+s23], $0x7D0, $0x38;
	[tilespmem:$0x1FF70] =	vst v63  }
0x1c2: {  	s13 =	simm.s32 $0x0  }
0x1c3: {  	v3 =	vld [tilespmem:s13+$0x1040]  }
0x1c4: {  	v4 =	vld [tilespmem:s13+$0x1030]  }
0x1c5: {  	v5 =	vld [tilespmem:s13+$0x1020]  }
0x1c6: {  	v6 =	vld [tilespmem:s13+$0x1010]  }
0x1c7: {  	v7 =	vld [tilespmem:s13+$0x1000]  }
0x1c8: {  	s14 =	simm.s32 $0x50  }
0x1c9: {  	v1 =	vld [tilespmem:s14+$0x1030]  }
0x1ca: {  	v2 =	vld [tilespmem:s14+$0x1040]  }
0x1cb: {  	v9 =	vld.idx.msk [tilespmem:v3+s22+$0x0], $0xffff  }
0x1cc: {  	v10 =	vld.idx.msk [tilespmem:v4+s22+$0x0], $0xffff  }
0x1cd: {  	v8 =	vld.idx.msk [tilespmem:v5+s22+$0x0], $0xffff  }
0x1ce: {  	v6 =	vld.idx.msk [tilespmem:v6+s22+$0x0], $0xffff  }
0x1cf: {  	v7 =	vld.idx.msk [tilespmem:v7+s22+$0x0], $0xffff  }
0x1d0: {  	v3 =	vld [tilespmem:s14+$0x1020]  }
0x1d1: {  	v4 =	vld [tilespmem:s14+$0x1010];
	[tilespmem:s13+$0x5040] =	vst v9  }
0x1d2: {  	s23 =	simm.s32 $0x280;
	v5 =	vld [tilespmem:s14+$0x1000];
	[tilespmem:s13+$0x5030] =	vst v10  }
.LBB2_21:
0x1d3: {  	s30 =	sshra.s32 s23, $0x2;
	p2 =	sne.s32 s23, $0x1E00;
	s23 =	sadd.s32 $0x140, s23;
	[tilespmem:s13+$0x5020] =	vst v8  }
0x1d4: {  	v9 =	vld [tilespmem:s30+$0x1030];
	[tilespmem:s13+$0x5010] =	vst v6  }
0x1d5: {  	v10 =	vld [tilespmem:s30+$0x1040];
	[tilespmem:s13+$0x5000] =	vst v7;
	s13 =	smov.u32 s14;
	s14 =	smov.u32 s30  }
0x1d6: {  	v11 =	vld.idx.msk [tilespmem:v2+s22+$0x0], $0xffff  }
0x1d7: {  	v12 =	vld.idx.msk [tilespmem:v1+s22+$0x0], $0xffff  }
0x1d8: {  	v8 =	vld.idx.msk [tilespmem:v3+s22+$0x0], $0xffff  }
.Ltmp9:
0x1d9: {  	v6 =	vld.idx.msk [tilespmem:v4+s22+$0x0], $0xffff;
	v1 =	vmov v9;
	(pc) =	sbr.rel @p2 .LBB2_21-.Ltmp9, $4  }
0x1da: {  	v7 =	vld.idx.msk [tilespmem:v5+s22+$0x0], $0xffff;
	v2 =	vmov v10  }
0x1db: {  	v3 =	vld [tilespmem:s14+$0x1020]  }
0x1dc: {  	v4 =	vld [tilespmem:s14+$0x1010];
	[tilespmem:s13+$0x5040] =	vst v11  }
0x1dd: {  	v5 =	vld [tilespmem:s14+$0x1000];
	[tilespmem:s13+$0x5030] =	vst v12  }
0x1de: {  	_ = 	snop  }
0x1df: {  	[tilespmem:s13+$0x5020] =	vst v8  }
0x1e0: {  	[tilespmem:s13+$0x5010] =	vst v6  }
0x1e1: {  	[tilespmem:s13+$0x5000] =	vst v7  }
0x1e2: {  	v2 =	vld.idx.msk [tilespmem:v2+s22+$0x0], $0xffff  }
0x1e3: {  	v1 =	vld.idx.msk [tilespmem:v1+s22+$0x0], $0xffff  }
0x1e4: {  	v3 =	vld.idx.msk [tilespmem:v3+s22+$0x0], $0xffff  }
0x1e5: {  	v4 =	vld.idx.msk [tilespmem:v4+s22+$0x0], $0xffff  }
0x1e6: {  	v5 =	vld.idx.msk [tilespmem:v5+s22+$0x0], $0xffff  }
0x1e7: {  	[tilespmem:s14+$0x5040] =	vst v2  }
0x1e8: {  	[tilespmem:s14+$0x5030] =	vst v1  }
0x1e9: {  	[tilespmem:s14+$0x5020] =	vst v3  }
0x1ea: {  	[tilespmem:s14+$0x5010] =	vst v4  }
0x1eb: {  	[tilespmem:s14+$0x5000] =	vst v5  }
0x1ec: {  	[spmem:s2] =	stream.indirect.scatter.add.f32 [tilespmem:s21], [sflag:$0x7], $0x1, s31, s0, $0xb8;
	[tilespmem:$0x1FF70] =	vst v63  }
0x1ed: {  	_ =	swait.ge [sflag:s8], $0x7D0  }
0x1ee: {  	[sflag:s8] =	ssyncset.done $0x0  }
0x1ef: {  	[sflag:s8] =	ssyncadd.s32 $0xFFFFF830  }
0x1f0: {  	_ =	swait.ge [sflag:s8], $0x7D0  }
0x1f1: {  	[sflag:s8] =	ssyncset.done $0x0  }
0x1f2: {  	[sflag:s8] =	ssyncadd.s32 $0xFFFFF830  }
0x1f3: {  	s12 =	sadd.s32 @!p1 s12, s18;
	_ =	swait.ge [sflag:s9], $0x7D0  }
0x1f4: {  	s23 =	simm.s32 @!p1 $0x800;
	s12 =	sshrl.u32 @!p1 s12, $0x3;
	[sflag:s9] =	ssyncset.done $0x0  }
0x1f5: {  	s13 =	sadd.s32 @!p1 s4, s12;
	s14 =	simm.s32 @!p1 $0x0;
	[sflag:s9] =	ssyncadd.s32 $0xFFFFF830  }
0x1f6: {  	[tilespmem:s23], [sflag:$0x2] =	stream.linear.gather @!p1 [hbm4b:s13+s14], $0x7D0, $0x38;
	[tilespmem:$0x1FF70] =	vst v63  }
0x1f7: {  	s12 =	sadd.s32 @!p1 s5, s12;
	s13 =	simm.s32 @!p1 $0x2800  }
0x1f8: {  	[tilespmem:s13], [sflag:$0x2] =	stream.linear.gather @!p1 [hbm4b:s12+s14], $0x7D0, $0x38;
	[tilespmem:$0x1FF70] =	vst v63  }
0x1f9: {  	s13 =	simm.s32 $0x0  }
0x1fa: {  	v3 =	vld [tilespmem:s13+$0x1840]  }
0x1fb: {  	v4 =	vld [tilespmem:s13+$0x1830]  }
0x1fc: {  	v5 =	vld [tilespmem:s13+$0x1820]  }
0x1fd: {  	v6 =	vld [tilespmem:s13+$0x1810]  }
0x1fe: {  	v7 =	vld [tilespmem:s13+$0x1800]  }
0x1ff: {  	s12 =	simm.s32 $0x50  }
0x200: {  	v1 =	vld [tilespmem:s12+$0x1830]  }
0x201: {  	v2 =	vld [tilespmem:s12+$0x1840]  }
0x202: {  	v9 =	vld.idx.msk [tilespmem:v3+s22+$0x0], $0xffff  }
0x203: {  	v10 =	vld.idx.msk [tilespmem:v4+s22+$0x0], $0xffff  }
0x204: {  	v8 =	vld.idx.msk [tilespmem:v5+s22+$0x0], $0xffff  }
0x205: {  	v6 =	vld.idx.msk [tilespmem:v6+s22+$0x0], $0xffff  }
0x206: {  	v7 =	vld.idx.msk [tilespmem:v7+s22+$0x0], $0xffff  }
0x207: {  	v3 =	vld [tilespmem:s12+$0x1820]  }
0x208: {  	v4 =	vld [tilespmem:s12+$0x1810];
	[tilespmem:s13+$0x5840] =	vst v9  }
0x209: {  	s14 =	simm.s32 $0x280;
	v5 =	vld [tilespmem:s12+$0x1800];
	[tilespmem:s13+$0x5830] =	vst v10  }
.LBB2_23:
0x20a: {  	s23 =	sshra.s32 s14, $0x2;
	p1 =	sne.s32 s14, $0x1E00;
	s14 =	sadd.s32 $0x140, s14;
	[tilespmem:s13+$0x5820] =	vst v8  }
0x20b: {  	v9 =	vld [tilespmem:s23+$0x1830];
	[tilespmem:s13+$0x5810] =	vst v6  }
0x20c: {  	v10 =	vld [tilespmem:s23+$0x1840];
	[tilespmem:s13+$0x5800] =	vst v7;
	s13 =	smov.u32 s12;
	s12 =	smov.u32 s23  }
0x20d: {  	v11 =	vld.idx.msk [tilespmem:v2+s22+$0x0], $0xffff  }
0x20e: {  	v12 =	vld.idx.msk [tilespmem:v1+s22+$0x0], $0xffff  }
0x20f: {  	v8 =	vld.idx.msk [tilespmem:v3+s22+$0x0], $0xffff  }
.Ltmp10:
0x210: {  	v6 =	vld.idx.msk [tilespmem:v4+s22+$0x0], $0xffff;
	v1 =	vmov v9;
	(pc) =	sbr.rel @p1 .LBB2_23-.Ltmp10, $4  }
0x211: {  	v7 =	vld.idx.msk [tilespmem:v5+s22+$0x0], $0xffff;
	v2 =	vmov v10  }
0x212: {  	v3 =	vld [tilespmem:s12+$0x1820]  }
0x213: {  	v4 =	vld [tilespmem:s12+$0x1810];
	[tilespmem:s13+$0x5840] =	vst v11  }
0x214: {  	v5 =	vld [tilespmem:s12+$0x1800];
	[tilespmem:s13+$0x5830] =	vst v12  }
0x215: {  	_ = 	snop  }
0x216: {  	[tilespmem:s13+$0x5820] =	vst v8  }
0x217: {  	[tilespmem:s13+$0x5810] =	vst v6  }
0x218: {  	[tilespmem:s13+$0x5800] =	vst v7  }
0x219: {  	v2 =	vld.idx.msk [tilespmem:v2+s22+$0x0], $0xffff  }
0x21a: {  	v1 =	vld.idx.msk [tilespmem:v1+s22+$0x0], $0xffff  }
0x21b: {  	v3 =	vld.idx.msk [tilespmem:v3+s22+$0x0], $0xffff  }
0x21c: {  	v4 =	vld.idx.msk [tilespmem:v4+s22+$0x0], $0xffff  }
0x21d: {  	s11 =	sadd.s32 $0x1, s11;
	v5 =	vld.idx.msk [tilespmem:v5+s22+$0x0], $0xffff  }
0x21e: {  	p1 =	sne.s32 s11, $0x19;
	[tilespmem:s12+$0x5840] =	vst v2  }
.Ltmp11:
0x21f: {  	[tilespmem:s12+$0x5830] =	vst v1;
	(pc) =	sbr.rel @p1 .LBB2_16-.Ltmp11, $4  }
0x220: {  	[tilespmem:s12+$0x5820] =	vst v3  }
0x221: {  	[tilespmem:s12+$0x5810] =	vst v4  }
0x222: {  	[tilespmem:s12+$0x5800] =	vst v5  }
0x223: {  	[spmem:s2] =	stream.indirect.scatter.add.f32 [tilespmem:s10], [sflag:$0x8], $0x1, s6, s0, $0xb8;
	[tilespmem:$0x1FF70] =	vst v63  }
0x224: {  	s7 =	simm.s32 $0x7  }
0x225: {  	_ =	swait.ge [sflag:s7], $0x7D0  }
0x226: {  	[sflag:s7] =	ssyncset.done $0x0  }
0x227: {  	s14 =	simm.s32 $0x8;
	[sflag:s7] =	ssyncadd.s32 $0xFFFFF830  }
0x228: {  	_ =	swait.ge [sflag:s14], $0x7D0  }
0x229: {  	[sflag:s14] =	ssyncset.done $0x0  }
0x22a: {  	[sflag:s14] =	ssyncadd.s32 $0xFFFFF830  }
0x22b: {  	[bflag:$0x0] =	sbarrier.arrive $0xFFFF  }
0x22c: {  	s11 =	simm.s32 @!p0 $0x20;
	s12 =	simm.s32 @!p0 $0x10;
	s14 =	rddreg [dreg:$0xe]  }
0x22d: {  	s13 =	simm.s32 @!p0 $0x1C09;
	s7 =	simm.s32 @!p0 $0x1;
	s23 =	rddreg [dreg:$0x11]  }
0x22e: {  	[hbm:s14@s11], [sflag:s13] =	dma.strided @!p0 [spmem:s23@s12], $0x30E0, s7, $0x10   }
0x22f: {  	s7 =	simm.s32 @!p0 $0x9  }
0x230: {  	_ =	swait.ge @!p0 [sflag:s7], $0x30E0  }
0x231: {  	s23 =	rddreg [dreg:$0x10]  }
0x232: {  	s30 =	rddreg [dreg:$0xf];
	s11 =	sadd.s32 $0x1, s23  }
0x233: {  	p1 =	sne.s32 s11, s30  }
.Ltmp12:
0x234: {  	_ = 	snop;
	(pc) =	sbr.rel @p1 .LBB2_1-.Ltmp12, $4  }
0x235: {  	[sflag:s7] =	ssyncset.done @!p0 $0x0  }
0x236: {  	[sflag:s7] =	ssyncadd.s32 @!p0 $0xFFFFCF20  }
0x237: {  	[bflag:$0x0] =	sbarrier.arrive $0xFFFF  }
0x238: {  	s12 =	simm.s32 $0x9  }
0x239: {  	_ =	sfence.sel $0x180000  }
0x23a: {  	[bflag:$0x0] =	sbarrier.arrive $0xFFFF  }
0x23b: {  	_ =	strace $0x9000004D  }
0x23c: {  	[bflag:$0x2] =	sbarrier.arrive $0xFFFF  }
0x23d: {  	s0 =	rddreg [dreg:$0x3]  }
0x23e: {  	s0 =	sadd.s32 @!p0 $0x100000, s0  }
0x23f: {  	[sflag:s0] =	ssyncadd.tile.s32 @!p0 $0x1;
	_ =	shalt  }
.Lfunc_end2:
_tile_overlayer_lowered:
.L_overlay_start_2:
0x240: {  	(tag) =	ssettag $0x2  }
0x241: {  	s0 =	rddreg [dreg:$0x0];
	s2 =	stileid.u32  }
0x242: {  	s1 =	rddreg [dreg:$0x1];
	p0 =	sne.s32 s2, $0x0  }
0x243: {  	s3 =	rddreg [dreg:$0x2];
	[bflag:$0x3] =	sbarrier.arrive $0xFFFF;
	s2 =	simm.s32 @!p0 $0x1C09  }
0x244: {  	[timem:s3], [sflag:s2] =	dma.local @!p0 [hbm:s0], s1  }
0x245: {  	s0 =	simm.s32 @!p0 $0x9  }
0x246: {  	_ =	swait.ge @!p0 [sflag:s0], s1  }
0x247: {  	s1 =	ssub.s32 @!p0 $0x0, s1;
	[sflag:s0] =	ssyncset.done @!p0 $0x0  }
0x248: {  	[sflag:s0] =	ssyncadd.s32 @!p0 s1  }
0x249: {  	[bflag:$0x3] =	sbarrier.arrive $0xFFFF  }
0x24a: {  	_ =	shalt  }

// kernel: kernel.8.cloned.1.call-start
scs
__scs_entry_jumppad:
0x0: {  	(pc) =	sbr.rel $0x88, $3  }
0x1: {  	(tag) =	ssettag $0x0;
	lr =	simm.s32 $0x1  }
0x2: {  	[smem:$0x3F9B] =	sst lr;
	_ =	strace $0xD0000000  }
0x3: {  	_ = 	snop  }
0x4: {  	_ = 	snop  }
0x5: {  	_ = 	snop  }
0x6: {  	_ = 	snop  }
0x7: {  	_ = 	snop  }
__scs_overlays_trampoline_lowered:
0x8: {  	[smem:$0x3FAA] =	sst s0  }
0x9: {  	[smem:$0x3FAB] =	sst s1  }
0xa: {  	[smem:$0x3FAC] =	sst s2  }
0xb: {  	[smem:$0x3FAD] =	sst s3  }
0xc: {  	[smem:$0x3FAE] =	sst s4  }
0xd: {  	[smem:$0x3FAF] =	sst s5  }
0xe: {  	[smem:$0x3FB0] =	sst s6  }
0xf: {  	[smem:$0x3FB1] =	sst s7  }
0x10: {  	[smem:$0x3FB2] =	sst s8  }
0x11: {  	[smem:$0x3FB3] =	sst s9;
	s0 =	simm.s32 @!p0 $0x0  }
0x12: {  	s1 =	sld [smem:$0x3F99];
	s0 =	simm.s32 @p0 $0x1  }
0x13: {  	[smem:$0x3FB4] =	sst s0;
	s0 =	simm.s32 @!p1 $0x0  }
0x14: {  	s2 =	sld [smem:$0x3F98];
	s0 =	simm.s32 @p1 $0x1  }
0x15: {  	[smem:$0x3FB5] =	sst s0;
	s0 =	simm.s32 @!p2 $0x0  }
0x16: {  	s3 =	sld [smem:$0x3FDB];
	s0 =	simm.s32 @p2 $0x1  }
0x17: {  	s4 =	simm.s32 $0x1BF5;
	[smem:$0x3FB7] =	sst s0  }
0x18: {  	s0 =	sld [smem:$0x3F9A];
	_ =	swait.ge [sflag:s4], $0x0  }
0x19: {  	s7 =	sld [smem:$0x3F9B]  }
0x1a: {  	s8 =	sadd.s32 $0xFFFFE003, lr  }
0x1b: {  	s9 =	sadd.s32 $0xFFFFFEF7, lr;
	s5 =	simm.s32 $0xFFFFFFFF;
	p2 =	slt.u32 s8, $0xFFFFF086  }
0x1c: {  	p1 =	slt.u32 s9, $0xF7A;
	s5 =	simm.s32 @!p2 $0x0  }
0x1d: {  	s5 =	simm.s32 @p1 $0x1;
	p0 =	seq.s32 s7, s2  }
0x1e: {  	s7 =	smul.u32 @!p0 $0xF7A, s2;
	p2 =	seq.s32 @!p0 s5, $0x0  }
0x1f: {  	s9 =	smul.u32 $0xF7A, s1;
	s8 =	simm.s32 @!p0 $0x1BF5;
	p2 =	por !p2, p0  }
0x20: {  	[sflag:s8] =	ssyncset.s32 @!p0 $0xFFFFF086;
	s6 =	sadd.s32 @!p0 s3, s7;
	s7 =	simm.s32 @!p0 $0x108  }
0x21: {  	s3 =	sadd.s32 s3, s9;
	s6 =	sadd.s32 @!p0 $0x88, s6;
	s7 =	simm.s32 @p2 $0x1082  }
0x22: {  	[simem:s7], [sflag:s8] =	dma.local @!p0 [hbm:s6], $0xF7A  }
0x23: {  	s9 =	sor.u32 $0xD0000000, s2;
	s6 =	simm.s32 $0x108;
	_ =	swait.ge @!p0 [sflag:s8], $0x0  }
0x24: {  	s3 =	sadd.s32 $0x88, s3;
	s6 =	simm.s32 @!p1 $0x1082;
	[sflag:s4] =	ssyncset.s32 $0xFFFFF086  }
0x25: {  	[simem:s6], [sflag:s4] =	dma.local [hbm:s3], $0xF7A  }
0x26: {  	[smem:$0x3F9B] =	sst s1;
	(tag) =	ssettag s2;
	_ =	strace s9  }
0x27: {  	s1 =	sld [smem:$0x3FAB]  }
0x28: {  	s2 =	sld [smem:$0x3FAC]  }
0x29: {  	s4 =	sld [smem:$0x3FAE]  }
0x2a: {  	p0 =	seq.s32 s5, $0x0;
	s5 =	sld [smem:$0x3FAF]  }
0x2b: {  	s6 =	sld [smem:$0x3FB0]  }
0x2c: {  	s7 =	sld [smem:$0x3FB1]  }
0x2d: {  	s3 =	simm.s32 $0x108;
	s8 =	sld [smem:$0x3FB2]  }
0x2e: {  	s3 =	simm.s32 @!p0 $0x1082;
	s9 =	sld [smem:$0x3FB3]  }
0x2f: {  	lr =	sadd.s32 s0, s3;
	s0 =	sld [smem:$0x3FAA]  }
0x30: {  	s3 =	sld [smem:$0x3FAD]  }
0x31: {  	[smem:$0x3FB6] =	sst s10  }
0x32: {  	s10 =	sld [smem:$0x3FB4];
	_ =	sdelay $0x3  }
0x33: {  	p0 =	seq.s32 s10, $0x1;
	s10 =	sld [smem:$0x3FB6];
	_ =	sdelay $0x3  }
0x34: {  	[smem:$0x3FB6] =	sst s10  }
0x35: {  	s10 =	sld [smem:$0x3FB5];
	_ =	sdelay $0x3  }
0x36: {  	p1 =	seq.s32 s10, $0x1;
	s10 =	sld [smem:$0x3FB6];
	_ =	sdelay $0x3  }
0x37: {  	[smem:$0x3FB6] =	sst s10  }
0x38: {  	s10 =	sld [smem:$0x3FB7]  }
0x39: {  	_ = 	snop;
	(pc) =	sbr.ind lr, $3  }
0x3a: {  	_ = 	snop  }
0x3b: {  	_ = 	snop  }
0x3c: {  	p2 =	seq.s32 s10, $0x1;
	s10 =	sld [smem:$0x3FB6]  }
0x3d: {  	_ =	shalt  }
0x3e: {  	_ =	shalt  }
0x3f: {  	_ =	shalt  }
0x40: {  	_ =	shalt  }
0x41: {  	_ =	shalt  }
0x42: {  	_ =	shalt  }
0x43: {  	_ =	shalt  }
0x44: {  	_ =	shalt  }
0x45: {  	_ =	shalt  }
0x46: {  	_ =	shalt  }
0x47: {  	_ =	shalt  }
0x48: {  	_ =	shalt  }
0x49: {  	_ =	shalt  }
0x4a: {  	_ =	shalt  }
0x4b: {  	_ =	shalt  }
0x4c: {  	_ =	shalt  }
0x4d: {  	_ =	shalt  }
0x4e: {  	_ =	shalt  }
0x4f: {  	_ =	shalt  }
0x50: {  	_ =	shalt  }
0x51: {  	_ =	shalt  }
0x52: {  	_ =	shalt  }
0x53: {  	_ =	shalt  }
0x54: {  	_ =	shalt  }
0x55: {  	_ =	shalt  }
0x56: {  	_ =	shalt  }
0x57: {  	_ =	shalt  }
0x58: {  	_ =	shalt  }
0x59: {  	_ =	shalt  }
0x5a: {  	_ =	shalt  }
0x5b: {  	_ =	shalt  }
0x5c: {  	_ =	shalt  }
0x5d: {  	_ =	shalt  }
0x5e: {  	_ =	shalt  }
0x5f: {  	_ =	shalt  }
0x60: {  	_ =	shalt  }
0x61: {  	_ =	shalt  }
0x62: {  	_ =	shalt  }
0x63: {  	_ =	shalt  }
0x64: {  	_ =	shalt  }
0x65: {  	_ =	shalt  }
0x66: {  	_ =	shalt  }
0x67: {  	_ =	shalt  }
0x68: {  	_ =	shalt  }
0x69: {  	_ =	shalt  }
0x6a: {  	_ =	shalt  }
0x6b: {  	_ =	shalt  }
0x6c: {  	_ =	shalt  }
0x6d: {  	_ =	shalt  }
0x6e: {  	_ =	shalt  }
0x6f: {  	_ =	shalt  }
0x70: {  	_ =	shalt  }
0x71: {  	_ =	shalt  }
0x72: {  	_ =	shalt  }
0x73: {  	_ =	shalt  }
0x74: {  	_ =	shalt  }
0x75: {  	_ =	shalt  }
0x76: {  	_ =	shalt  }
0x77: {  	_ =	shalt  }
0x78: {  	_ =	shalt  }
0x79: {  	_ =	shalt  }
0x7a: {  	_ =	shalt  }
0x7b: {  	_ =	shalt  }
0x7c: {  	_ =	shalt  }
0x7d: {  	_ =	shalt  }
0x7e: {  	_ =	shalt  }
0x7f: {  	_ =	shalt  }
0x80: {  	_ =	shalt  }
0x81: {  	_ =	shalt  }
0x82: {  	_ =	shalt  }
0x83: {  	_ =	shalt  }
0x84: {  	_ =	shalt  }
0x85: {  	_ =	shalt  }
0x86: {  	_ =	shalt  }
0x87: {  	_ =	shalt  }
.Lfunc_end0:
.L_simem_size_0:
called_computation_lowered:
.L_overlay_start_0:
0x88: {  	s2 =	sld [smem:$0x3FD9]  }
0x89: {  	s3 =	sld [smem:$0x3FFE];
	_ =	sdelay $0x1  }
0x8a: {  	s1 =	srdreg.scid  }
0x8b: {  	s0 =	sand.u32 $0x1, s1  }
0x8c: {  	s16 =	sshll.u32 s0, $0xA;
	s2 =	sadd.s32 s3, s2  }
0x8d: {  	s2 =	sadd.s32 s2, s16  }
0x8e: {  	[smem:$0x3FC2] =	sst s2  }
0x8f: {  	_ = 	snop  }
0x90: {  	(tm) =	ssettm $0x1  }
0x91: {  	s17 =	sld [smem:$0x3FFB];
	_ =	sdelay $0x3  }
0x92: {  	_ =	strace s17  }
0x93: {  	s2 =	sld [smem:$0x3FFC];
	_ =	sdelay $0x3  }
0x94: {  	_ =	strace s2  }
0x95: {  	s2 =	sld [smem:$0x3FFD];
	_ =	sdelay $0x3  }
0x96: {  	_ =	strace s2  }
0x97: {  	_ =	strace $0x8FFFFFFF  }
0x98: {  	s18 =	sld [smem:$0x3FDB];
	_ =	sdelay $0x1  }
0x99: {  	s19 =	simm.s32 $_scs_section_size  }
0x9a: {  	s4 =	simm.s32 $_size__tile_overlayer_lowered;
	s5 =	simm.s32 $_tile_overlayer_lowered  }
0x9b: {  	s22 =	simm.s32 $0x1BFF;
	s21 =	sshll.u32 s5, $0x1;
	s2 =	sadd.s32 s19, s18  }
0x9c: {  	s6 =	simm.s32 $0x0;
	s20 =	sshll.u32 s4, $0x1;
	s4 =	sadd.s32 s21, s2  }
0x9d: {  	[timem:s6], [sflag:s22] =	dma.local [hbm:s4], s20  }
0x9e: {  	_ =	swait.ge [sflag:s22], s20  }
0x9f: {  	s3 =	ssub.s32 $0x0, s20;
	[sflag:s22] =	ssyncset.done $0x0  }
0xa0: {  	[sflag:s22] =	ssyncadd.s32 s3;
	_ =	sdelay $0x1  }
0xa1: {  	s23 =	simm.s32 $0x1B8B  }
0xa2: {  	_ =	swait.ge [sflag:s23], $0x1  }
0xa3: {  	[sflag:s23] =	ssyncset.done $0x0  }
0xa4: {  	s25 =	simm.s32 $0x1B8E;
	s24 =	sld [smem:$0x3FFE];
	[sflag:s23] =	ssyncadd.s32 $0xFFFFFFFF  }
0xa5: {  	s26 =	simm.s32 $execute0_lowered;
	[smem:$0x3FD2] =	sst s25  }
0xa6: {  	s4 =	sshll.u32 s26, $0x1;
	_ =	strace $0x80000046;
	[dreg:$0x1] =	wrdreg $0xFFFFFFFF  }
0xa7: {  	s28 =	simm.s32 $_size_execute0_lowered;
	s2 =	sadd.s32 s2, s4;
	[dreg:$0x0] =	wrdreg $0x0  }
0xa8: {  	s4 =	sshll.u32 s28, $0x1;
	[dreg:$0x2] =	wrdreg s2  }
0xa9: {  	[dreg:$0x3] =	wrdreg s4  }
0xaa: {  	[dreg:$0x4] =	wrdreg $0xC0  }
0xab: {  	_ =	task [dreg:s6], $0x5FFFF  }
0xac: {  	[dreg:$0x1] =	wrdreg $0xFFFFFFFF  }
0xad: {  	[dreg:$0x0] =	wrdreg $0x60  }
0xae: {  	[dreg:$0x2] =	wrdreg s24  }
0xaf: {  	[dreg:$0x3] =	wrdreg $0x30800  }
0xb0: {  	[dreg:$0x4] =	wrdreg $0x9  }
0xb1: {  	_ =	task.clear_ibuf [dreg:s6], $0x5FFFF;
	_ =	strace $0x90000046  }
0xb2: {  	s29 =	simm.s32 $0x9;
	_ =	strace $0x80000048  }
0xb3: {  	_ =	swait.ge [sflag:s29], $0x1  }
0xb4: {  	[sflag:s29] =	ssyncadd.s32 $0xFFFFFFFF  }
0xb5: {  	_ =	strace $0x90000048  }
0xb6: {  	_ =	sfence  }
0xb7: {  	s30 =	sld [smem:$0x0];
	_ =	sdelay $0x2  }
0xb8: {  	s31 =	sshll.u32 s1, $0xD;
	s1 =	sshrl.u32 s1, $0x2  }
0xb9: {  	s3 =	sand.u32 $0x4000, s31;
	s1 =	sadd.s32 s1, s30  }
0xba: {  	s0 =	sor.u32 s3, s0;
	s1 =	sshll.u32 s1, $0x11  }
0xbb: {  	s0 =	sor.u32 s1, s0  }
0xbc: {  	s0 =	sadd.s32 $0x8F2B, s0  }
0xbd: {  	[sflag:s0] =	ssyncadd.remote.s32 $0x1  }
0xbe: {  	_ =	sfence.sel $0xFFFF  }
0xbf: {  	[dreg:$0x0] =	wrdreg $0xFFFFFFFF;
	(pc) =	sbr.abs _section_cstart, $3  }
0xc0: {  	[dreg:$0x1] =	wrdreg $0xFFFFFFFF  }
0xc1: {  	_ =	task.clear_ibuf [dreg:s6], $0x2FFFF;
	_ =	strace $0x9FFFFFFF  }
0xc2: {  	(tm) =	ssettm $0x7FFFFFFF  }
0xc3: {  	_ =	shalt  }
tec
execute0_lowered:
.L_overlay_start_1:
0x0: {  	(tag) =	ssettag $0x1  }
0x1: {  	s4 =	rddreg [dreg:$0x0]  }
0x2: {  	s1 =	rddreg [dreg:$0x1]  }
0x3: {  	s0 =	rddreg [dreg:$0x2];
	s2 =	simm.s32 $0x0;
	s3 =	srdreg.scid  }
0x4: {  	s18 =	stileid.u32;
	s13 =	simm.s32 $0x7D0;
	s14 =	simm.s32 $0x1000  }
0x5: {  	s15 =	simm.s32 $0x800;
	s16 =	simm.s32 $0x1;
	s17 =	simm.s32 $0x2  }
0x6: {  	[smem:$0x7FF] =	sst s2;
	s5 =	sand.u32 $0x1, s3;
	s7 =	smul.u32 $0x6200, s18  }
0x7: {  	s3 =	sadd.s32 $0x2600, s4;
	s28 =	smul.u32 $0x30D40, s18;
	p0 =	sne.s32 s18, $0x0  }
0x8: {  	_ =	strace $0x80000047;
	s6 =	sshll.u32 s5, $0x4;
	s9 =	smul.u32 $0x30D400, s5  }
0x9: {  	s25 =	ssub.s32 $0x2, s5;
	s8 =	sadd.s32 s6, s4;
	s26 =	sor.u32 s18, s6  }
0xa: {  	s10 =	sshrl.u32 s25, $0x1;
	s7 =	sshrl.u32 s7, $0x2;
	s18 =	simm.s32 $0x0  }
0xb: {  	s11 =	smul.u32 $0x30D40, s26;
	s10 =	ssub.s32 s25, s10;
	s12 =	sadd.s32 s28, s9  }
0xc: {  	s4 =	sadd.s32 s7, s1;
	s5 =	sadd.s32 $0x189200, s8;
	s30 =	sadd.s32 $0x1770, s12  }
0xd: {  	s6 =	smax.u32 s10, $0x1;
	s10 =	sadd.s32 $0xFA0, s12;
	s29 =	sshrl.u32 s11, $0x3  }
0xe: {  	s12 =	simm.s32 $0x3;
	s31 =	sshrl.u32 s30, $0x3;
	s7 =	sadd.s32 s3, s29  }
0xf: {  	v0 =	vimm.f32 $0.0e+00;
	v1 =	vimm.f32 $1.000000000e+00;
	s11 =	simm.s32 $0x1800;
	s9 =	sadd.s32 s31, s3;
	s8 =	sadd.s32 $0xFA, s7  }
.LBB2_1:
0x10: {  	s19 =	simm.s32 $0x0  }
.LBB2_2:
0x11: {  	p1 =	sne.s32 s19, $0x61C0  }
.Ltmp0:
0x12: {  	_ = 	snop;
	(pc) =	sbr.rel @p1 .LBB2_2-.Ltmp0, $3  }
0x13: {  	_ =	sdelay $0x1  }
0x14: {  	s20 =	sshra.s32 s19, $0x2  }
0x15: {  	s19 =	sadd.s32 $0x40, s19;
	[tilespmem:s20+$0x1800] =	vst v0  }
0x16: {  	s19 =	simm.s32 $0x40;
	s20 =	simm.s32 $0x0  }
.LBB2_4:
0x17: {  	p1 =	sne.s32 s19, $0x1F00;
	[tilespmem:s20+$0x1000] =	vst v1;
	s20 =	smov.u32 s19;
	s19 =	sadd.s32 $0x40, s19  }
.Ltmp1:
0x18: {  	(pc) =	sbr.rel @p1 .LBB2_4-.Ltmp1, $2  }
0x19: {  	_ =	sdelay $0x2  }
0x1a: {  	s20 =	sshra.s32 s20, $0x2  }
0x1b: {  	[tilespmem:s20+$0x1000] =	vst v1  }
0x1c: {  	[spmem:s4] =	stream.linear.scatter [tilespmem:s11], [sflag:$0x3], $0x1880, $0x38;
	[tilespmem:$0x4900] =	vst v63  }
0x1d: {  	_ =	swait.ge [sflag:s12], $0x1880  }
0x1e: {  	[sflag:s12] =	ssyncset.done $0x0  }
0x1f: {  	[sflag:s12] =	ssyncadd.s32 $0xFFFFE780  }
0x20: {  	s19 =	simm.s32 $0x0;
	[bflag:$0x0] =	sbarrier.arrive $0xFFFF  }
0x21: {  	[tilespmem:s19], [sflag:$0x3] =	stream.linear.gather [hbm4b:s7+s19], $0x7D0, $0x38;
	[tilespmem:$0x4900] =	vst v63  }
0x22: {  	_ =	swait.ge [sflag:s12], $0x7D0  }
0x23: {  	[sflag:s12] =	ssyncset.done $0x0  }
0x24: {  	[sflag:s12] =	ssyncadd.s32 $0xFFFFF830  }
0x25: {  	[spmem:s1] =	stream.indirect.scatter.add.f32 [tilespmem:s14], [sflag:$0x1], $0x1, s19, s13, $0xb8;
	[tilespmem:$0x4900] =	vst v63  }
0x26: {  	_ = 	snop  }
0x27: {  	[tilespmem:s15], [sflag:$0x3] =	stream.linear.gather [hbm4b:s8+s19], $0x7D0, $0x38;
	[tilespmem:$0x4900] =	vst v63  }
0x28: {  	_ =	swait.ge [sflag:s12], $0x7D0  }
0x29: {  	[sflag:s12] =	ssyncset.done $0x0  }
0x2a: {  	[sflag:s12] =	ssyncadd.s32 $0xFFFFF830  }
0x2b: {  	[spmem:s1] =	stream.indirect.scatter.add.f32 [tilespmem:s14], [sflag:$0x2], $0x1, s15, s13, $0xb8;
	[tilespmem:$0x4900] =	vst v63  }
0x2c: {  	_ =	swait.ge [sflag:s16], $0x7D0  }
0x2d: {  	s30 =	sshrl.u32 s10, $0x3;
	[sflag:s16] =	ssyncset.done $0x0  }
0x2e: {  	s19 =	sadd.s32 s3, s30;
	[sflag:s16] =	ssyncadd.s32 $0xFFFFF830  }
0x2f: {  	[tilespmem:s2], [sflag:$0x3] =	stream.linear.gather [hbm4b:s19+s2], $0x7D0, $0x38;
	[tilespmem:$0x4900] =	vst v63  }
0x30: {  	_ =	swait.ge [sflag:s12], $0x7D0  }
0x31: {  	[sflag:s12] =	ssyncset.done $0x0  }
0x32: {  	[sflag:s12] =	ssyncadd.s32 $0xFFFFF830  }
0x33: {  	[spmem:s1] =	stream.indirect.scatter.add.f32 [tilespmem:s14], [sflag:$0x1], $0x1, s2, s13, $0xb8;
	[tilespmem:$0x4900] =	vst v63  }
0x34: {  	_ =	swait.ge [sflag:s17], $0x7D0  }
0x35: {  	[sflag:s17] =	ssyncset.done $0x0  }
0x36: {  	s31 =	sadd.s32 $0x0, s9;
	[sflag:s17] =	ssyncadd.s32 $0xFFFFF830  }
0x37: {  	[tilespmem:s15], [sflag:$0x3] =	stream.linear.gather [hbm4b:s31+s2], $0x7D0, $0x38;
	[tilespmem:$0x4900] =	vst v63  }
0x38: {  	_ =	swait.ge [sflag:s12], $0x7D0  }
0x39: {  	[sflag:s12] =	ssyncset.done $0x0  }
0x3a: {  	s20 =	sadd.s32 $0xFA0, s10;
	s19 =	simm.s32 $0x1F4;
	[sflag:s12] =	ssyncadd.s32 $0xFFFFF830  }
.LBB2_6:
0x3b: {  	[spmem:s1] =	stream.indirect.scatter.add.f32 [tilespmem:s14], [sflag:$0x2], $0x1, s15, s13, $0xb8;
	[tilespmem:$0x4900] =	vst v63  }
0x3c: {  	s21 =	smov.u32 s19  }
0x3d: {  	p1 =	sne.s32 s19, $0x5DC0;
	s19 =	sadd.s32 $0x1F4, s19;
	_ =	swait.ge [sflag:s16], $0x7D0  }
0x3e: {  	s22 =	sshrl.u32 s20, $0x3;
	[sflag:s16] =	ssyncset.done $0x0  }
0x3f: {  	s22 =	sadd.s32 s3, s22;
	[sflag:s16] =	ssyncadd.s32 $0xFFFFF830  }
0x40: {  	[tilespmem:s2], [sflag:$0x3] =	stream.linear.gather [hbm4b:s22+s2], $0x7D0, $0x38;
	[tilespmem:$0x4900] =	vst v63  }
0x41: {  	_ =	swait.ge [sflag:s12], $0x7D0  }
0x42: {  	[sflag:s12] =	ssyncset.done $0x0  }
0x43: {  	[sflag:s12] =	ssyncadd.s32 $0xFFFFF830  }
0x44: {  	[spmem:s1] =	stream.indirect.scatter.add.f32 [tilespmem:s14], [sflag:$0x1], $0x1, s2, s13, $0xb8;
	[tilespmem:$0x4900] =	vst v63  }
0x45: {  	_ =	swait.ge [sflag:s17], $0x7D0  }
0x46: {  	[sflag:s17] =	ssyncset.done $0x0  }
.Ltmp2:
0x47: {  	s21 =	sadd.s32 s21, s9;
	[sflag:s17] =	ssyncadd.s32 $0xFFFFF830;
	(pc) =	sbr.rel @p1 .LBB2_6-.Ltmp2, $4  }
0x48: {  	[tilespmem:s15], [sflag:$0x3] =	stream.linear.gather [hbm4b:s21+s2], $0x7D0, $0x38;
	[tilespmem:$0x4900] =	vst v63  }
0x49: {  	_ =	swait.ge [sflag:s12], $0x7D0  }
0x4a: {  	[sflag:s12] =	ssyncset.done $0x0  }
0x4b: {  	s20 =	sadd.s32 $0xFA0, s20;
	[sflag:s12] =	ssyncadd.s32 $0xFFFFF830  }
0x4c: {  	[spmem:s1] =	stream.indirect.scatter.add.f32 [tilespmem:s14], [sflag:$0x2], $0x1, s15, s13, $0xb8;
	[tilespmem:$0x4900] =	vst v63  }
0x4d: {  	_ =	swait.ge [sflag:s16], $0x7D0  }
0x4e: {  	[sflag:s16] =	ssyncset.done $0x0  }
0x4f: {  	[sflag:s16] =	ssyncadd.s32 $0xFFFFF830  }
0x50: {  	s19 =	sshrl.u32 @!p0 s1, $0x3;
	_ =	swait.ge [sflag:s17], $0x7D0  }
0x51: {  	s20 =	simm.s32 @!p0 $0x1;
	s21 =	simm.s32 @!p0 $0x20;
	[sflag:s17] =	ssyncset.done $0x0  }
0x52: {  	s22 =	simm.s32 @!p0 $0x10;
	s18 =	sadd.s32 $0x1, s18;
	[sflag:s17] =	ssyncadd.s32 $0xFFFFF830  }
0x53: {  	s23 =	simm.s32 @!p0 $0x1C03;
	p1 =	sne.s32 s18, s6;
	[bflag:$0x0] =	sbarrier.arrive $0xFFFF  }
0x54: {  	[hbm:s5@s21], [sflag:s23] =	dma.strided @!p0 [spmem:s19@s22], $0x3100, s20, $0x10   }
.Ltmp3:
0x55: {  	_ = 	snop;
	(pc) =	sbr.rel @p1 .LBB2_1-.Ltmp3, $4  }
0x56: {  	s19 =	simm.s32 @!p0 $0x3  }
0x57: {  	_ =	swait.ge @!p0 [sflag:s19], $0x3100  }
0x58: {  	[sflag:s19] =	ssyncset.done @!p0 $0x0  }
0x59: {  	[sflag:s19] =	ssyncadd.s32 @!p0 $0xFFFFCF00  }
0x5a: {  	_ =	sfence.sel $0x180000  }
0x5b: {  	[bflag:$0x0] =	sbarrier.arrive $0xFFFF  }
0x5c: {  	_ =	strace $0x90000047  }
0x5d: {  	s0 =	sadd.s32 @!p0 $0x100000, s0;
	[bflag:$0x2] =	sbarrier.arrive $0xFFFF  }
0x5e: {  	[sflag:s0] =	ssyncadd.tile.s32 @!p0 $0x1;
	_ =	shalt  }
.Lfunc_end2:
_tile_overlayer_lowered:
.L_overlay_start_2:
0x5f: {  	(tag) =	ssettag $0x2  }
0x60: {  	s0 =	rddreg [dreg:$0x0];
	s2 =	stileid.u32  }
0x61: {  	s1 =	rddreg [dreg:$0x1];
	p0 =	sne.s32 s2, $0x0  }
0x62: {  	s3 =	rddreg [dreg:$0x2];
	[bflag:$0x3] =	sbarrier.arrive $0xFFFF;
	s2 =	simm.s32 @!p0 $0x1C03  }
0x63: {  	[timem:s3], [sflag:s2] =	dma.local @!p0 [hbm:s0], s1  }
0x64: {  	s0 =	simm.s32 @!p0 $0x3  }
0x65: {  	_ =	swait.ge @!p0 [sflag:s0], s1  }
0x66: {  	s1 =	ssub.s32 @!p0 $0x0, s1;
	[sflag:s0] =	ssyncset.done @!p0 $0x0  }
0x67: {  	[sflag:s0] =	ssyncadd.s32 @!p0 s1  }
0x68: {  	[bflag:$0x3] =	sbarrier.arrive $0xFFFF  }
0x69: {  	_ =	shalt  }

</sc_bundles>
